<compile_context>
chip_gen: v7x
topology: tpu7x:2x2x1
jax: 0.10.2.dev20260603
libtpu: 0.0.44.dev20260713+nightly
codegen_flags: <defaults>
</compile_context>

<pallas_src>
import functools

import jax
import jax.numpy as jnp
from jax import lax
from jax.experimental import pallas as pl
from jax.experimental.pallas import tpu as pltpu
from jax.experimental.pallas import tpu_sc as plsc

T = 12
N = 10000
E = 160000
H = 256
HALF = 128
SAMPLE_NUM = 4
TIMESPAN = 3

NC = 2
NS = 16
NQ = 2
NP = NQ // NC
QW = H // NQ
K = 88
NBLK = 114
NBUF = 3
AH = 2
EPT = NBLK * K
EPAD = NS * EPT
AGG_ROWS = 10008
CP_A = 632
CP_LAST = N - (NS - 1) * CP_A
ZLAST = AGG_ROWS - (NS - 1) * CP_A



def _sc_agg_body(with_deg, *refs):
    if with_deg:
        (y_hbm, srcp, dstp, ones_w, zeros_w, out_hbm, deg_hbm, *rest) = refs
    else:
        (y_hbm, srcp, dstp, zeros_w, out_hbm, *rest) = refs
    agg_s, idxall, didx = rest[0], rest[1], rest[2]
    stage = rest[3:3 + NBUF]
    sems = rest[3 + NBUF:]
    sem_g = sems[0:NBUF]
    sem_s = sems[NBUF:2 * NBUF]
    sem_i = sems[2 * NBUF:3 * NBUF]

    c = lax.axis_index("c")
    s = lax.axis_index("s")

    pltpu.sync_copy(srcp.at[s], idxall)

    def add_delta(d):
        def rowfn(jr, _):
            r = idxall.at[jr]
            for u in range(K // 16):
                sl = pl.ds(u * 16, 16)
                r[sl] = r[sl] + d
            return _
        lax.fori_loop(0, NBLK, rowfn, None)

    add_delta(c * (T * N) - N)

    def tile_range(fn_a, fn_last):
        @pl.when(s < NS - 1)
        def _():
            fn_a(pl.multiple_of(s * CP_A, 8))

        @pl.when(s == NS - 1)
        def _():
            fn_last((NS - 1) * CP_A)

    def zero_rows():
        def z(off, sz):
            nchunks = sz // K
            for jz in range(nchunks):
                pltpu.sync_copy(zeros_w, agg_s.at[pl.ds(off + jz * K, K)])
            tail = sz - nchunks * K
            if tail:
                pltpu.sync_copy(zeros_w.at[pl.ds(0, tail)],
                                agg_s.at[pl.ds(off + nchunks * K, tail)])
        tile_range(lambda off: z(off, CP_A), lambda off: z(off, ZLAST))

    def copy_out(make_dst):
        tile_range(
            lambda off: pltpu.sync_copy(agg_s.at[pl.ds(off, CP_A)],
                                        make_dst(off, CP_A)),
            lambda off: pltpu.sync_copy(agg_s.at[pl.ds(off, CP_LAST)],
                                        make_dst(off, CP_LAST)))

    def didx_load(m, b):
        return pltpu.async_copy(dstp.at[s, m], didx.at[b], sem_i[b])

    def gather(m, b):
        return pltpu.async_copy(y_hbm.at[idxall.at[m]], stage[b], sem_g[b])

    def scatter(b):
        return pltpu.async_copy(stage[b], agg_s.at[didx.at[b]], sem_s[b],
                                add=True)

    def wait_scatter(b):
        pltpu.make_async_copy(stage[b], agg_s.at[didx.at[b]], sem_s[b]).wait()

    if with_deg:
        zero_rows()
        pltpu.sync_copy(ones_w, stage[0])
        for b in range(AH):
            didx_load(b, b)
        plsc.subcore_barrier()

        def deg_grp(jj, _):
            for b in range(NBUF):
                m = jj * NBUF + b
                pltpu.make_async_copy(dstp.at[s, m], didx.at[b],
                                      sem_i[b]).wait()
                pltpu.async_copy(stage[0], agg_s.at[didx.at[b]], sem_s[b],
                                 add=True)
                bf = (b + AH) % NBUF

                @pl.when(m >= NBUF - AH)
                def _():
                    pltpu.make_async_copy(stage[0], agg_s.at[didx.at[bf]],
                                          sem_s[bf]).wait()

                @pl.when(m + AH < NBLK)
                def _():
                    didx_load(m + AH, bf)
            return _
        lax.fori_loop(0, NBLK // NBUF, deg_grp, None)
        for m in range(NBLK - (NBUF - AH), NBLK):
            pltpu.make_async_copy(stage[0], agg_s.at[didx.at[m % NBUF]],
                                  sem_s[m % NBUF]).wait()
        plsc.subcore_barrier()

        @pl.when(c == 0)
        def _():
            copy_out(lambda off, sz: deg_hbm.at[pl.ds(off, sz)])
        plsc.subcore_barrier()

    def body_ph(ph, _):
        p = ph // T
        t = ph - p * T
        add_delta(jnp.where(ph == T, (T + 1) * N, N))
        for b in range(AH):
            didx_load(b, b)
            gather(b, b)
        zero_rows()
        plsc.subcore_barrier()

        def grp(jj, _):
            for b in range(NBUF):
                m = jj * NBUF + b
                pltpu.make_async_copy(y_hbm.at[idxall.at[m]], stage[b],
                                      sem_g[b]).wait()
                pltpu.make_async_copy(dstp.at[s, m], didx.at[b],
                                      sem_i[b]).wait()
                scatter(b)
                bf = (b + AH) % NBUF

                @pl.when(m >= NBUF - AH)
                def _():
                    wait_scatter(bf)

                @pl.when(m + AH < NBLK)
                def _():
                    didx_load(m + AH, bf)
                    gather(m + AH, bf)
            return _
        lax.fori_loop(0, NBLK // NBUF, grp, None)
        for m in range(NBLK - (NBUF - AH), NBLK):
            wait_scatter(m % NBUF)
        plsc.subcore_barrier()

        copy_out(lambda off, sz: out_hbm.at[NC * p + c, t, pl.ds(off, sz)])
        plsc.subcore_barrier()
        return _
    lax.fori_loop(0, NP * T, body_ph, None)


def _make_sc_agg(with_deg):
    mesh = plsc.VectorSubcoreMesh(core_axis_name="c", subcore_axis_name="s")
    out_type = [jax.ShapeDtypeStruct((NQ, T, N, QW), jnp.float32)]
    if with_deg:
        out_type.append(jax.ShapeDtypeStruct((N, QW), jnp.float32))
    scratch = [
        pltpu.VMEM_SHARED((AGG_ROWS, QW), jnp.float32),
        pltpu.VMEM((NBLK, K), jnp.int32),
        pltpu.VMEM((NBUF, K), jnp.int32),
    ] + [pltpu.VMEM((K, QW), jnp.float32) for _ in range(NBUF)] \
      + [pltpu.SemaphoreType.DMA] * (3 * NBUF)
    return pl.kernel(
        functools.partial(_sc_agg_body, with_deg),
        mesh=mesh,
        out_type=tuple(out_type) if len(out_type) > 1 else out_type[0],
        scratch_types=scratch,
    )



BN = 2000
NI = N // BN


def _dotT(a, w):
    return lax.dot_general(a, w, (((1,), (1,)), ((), ())),
                           preferred_element_type=jnp.float32)


def _tc_proj_body(x_ref, w_ref, out_ref):
    y = _dotT(x_ref[0], w_ref[...])
    for q in range(NQ):
        out_ref[q, 0] = y[:, q * QW:(q + 1) * QW]


def _tc_proj(x, w):
    return pl.pallas_call(
        _tc_proj_body,
        grid=(T, NI),
        in_specs=[
            pl.BlockSpec((1, BN, H), lambda t, i: (t, i, 0)),
            pl.BlockSpec((H, H), lambda t, i: (0, 0)),
        ],
        out_specs=pl.BlockSpec((NQ, 1, BN, QW), lambda t, i: (0, t, i, 0)),
        out_shape=jax.ShapeDtypeStruct((NQ, T, N, QW), jnp.float32),
    )(x, w)


def _tc_mid_body(*refs):
    a_refs = refs[:NQ]
    (deg_ref, x_ref, wr0_ref, wl1_ref, wr1_ref, b0_ref, pa_ref,
     y1_ref, r1_ref) = refs[NQ:]
    rdeg = 1.0 / jnp.maximum(deg_ref[:, 0:1], 1.0)
    mean = jnp.concatenate([a[0, 0] for a in a_refs], axis=-1) * rdeg
    h1 = mean + _dotT(x_ref[0], wr0_ref[...]) + b0_ref[...]
    h1 = jnp.where(h1 > 0, h1, pa_ref[...] * h1)
    y1 = _dotT(h1, wl1_ref[...])
    for q in range(NQ):
        y1_ref[q, 0] = y1[:, q * QW:(q + 1) * QW]
    r1_ref[0] = _dotT(h1, wr1_ref[...])


def _q_spec(q):
    return pl.BlockSpec((1, 1, BN, QW), lambda t, i, q=q: (q, t, i, 0))


def _tc_mid(agg0, deg, x, Wr0, Wl1, Wr1, b0, prelu_a):
    return pl.pallas_call(
        _tc_mid_body,
        grid=(T, NI),
        in_specs=[_q_spec(q) for q in range(NQ)] + [
            pl.BlockSpec((BN, QW), lambda t, i: (i, 0)),
            pl.BlockSpec((1, BN, H), lambda t, i: (t, i, 0)),
            pl.BlockSpec((H, H), lambda t, i: (0, 0)),
            pl.BlockSpec((H, H), lambda t, i: (0, 0)),
            pl.BlockSpec((H, H), lambda t, i: (0, 0)),
            pl.BlockSpec((1, H), lambda t, i: (0, 0)),
            pl.BlockSpec((1, H), lambda t, i: (0, 0)),
        ],
        out_specs=[
            pl.BlockSpec((NQ, 1, BN, QW), lambda t, i: (0, t, i, 0)),
            pl.BlockSpec((1, BN, H), lambda t, i: (t, i, 0)),
        ],
        out_shape=[
            jax.ShapeDtypeStruct((NQ, T, N, QW), jnp.float32),
            jax.ShapeDtypeStruct((T, N, H), jnp.float32),
        ],
    )(*([agg0] * NQ), deg, x, Wr0, Wl1, Wr1, b0, prelu_a)


def _tc_pool_body(*refs):
    a_refs = refs[:NQ]
    deg_ref, r1_ref, b1_ref, out_ref = refs[NQ:]
    i = pl.program_id(1)
    rdeg = 1.0 / jnp.maximum(deg_ref[:, 0:1], 1.0)
    h2 = (jnp.concatenate([a[0, 0] for a in a_refs], axis=-1) * rdeg
          + r1_ref[0] + b1_ref[...])
    m = jnp.max(h2, axis=0, keepdims=True)[None]

    @pl.when(i == 0)
    def _():
        out_ref[...] = m

    @pl.when(i > 0)
    def _():
        out_ref[...] = jnp.maximum(out_ref[...], m)


def _tc_pool(agg1, deg, r1, b1):
    return pl.pallas_call(
        _tc_pool_body,
        grid=(T, NI),
        in_specs=[_q_spec(q) for q in range(NQ)] + [
            pl.BlockSpec((BN, QW), lambda t, i: (i, 0)),
            pl.BlockSpec((1, BN, H), lambda t, i: (t, i, 0)),
            pl.BlockSpec((1, H), lambda t, i: (0, 0)),
        ],
        out_specs=pl.BlockSpec((1, 1, H), lambda t, i: (t, 0, 0)),
        out_shape=jax.ShapeDtypeStruct((T, 1, H), jnp.float32),
    )(*([agg1] * NQ), deg, r1, b1)


def _tc_head_body(emb_ref, wih_ref, whh_ref, bih_ref, bhh_ref,
                  nce_ref, acc_ref, z_ref):
    def step(tt, h):
        x_t = emb_ref[pl.ds(tt, 1), :]
        gi = _dotT(x_t, wih_ref[...]) + bih_ref[...]
        gh = _dotT(h, whh_ref[...]) + bhh_ref[...]
        r = jax.nn.sigmoid(gi[:, :H] + gh[:, :H])
        zg = jax.nn.sigmoid(gi[:, H:2 * H] + gh[:, H:2 * H])
        n = jnp.tanh(gi[:, 2 * H:] + r * gh[:, 2 * H:])
        h2 = (1.0 - zg) * n + zg * h
        z_ref[pl.ds(tt, 1), :] = h2
        return h2
    lax.fori_loop(0, T, step, jnp.zeros((1, H), jnp.float32))

    neg_dist = T // 6
    end = T - SAMPLE_NUM - neg_dist - TIMESPAN + 2
    start = T // 8 if T // 8 < end else 0
    cnt = end - start

    nce = jnp.zeros((1, 1), jnp.float32)
    correct = jnp.zeros((1, 1), jnp.float32)
    for t_sample in range(start, end):
        c_t = z_ref[pl.ds(t_sample, 1), :]
        cnorm = jnp.sqrt(jnp.sum(c_t * c_t))
        for i in range(1, TIMESPAN + 1):
            idxs = [t_sample + i] + [t_sample + i + neg_dist + n - 1
                                     for n in range(1, SAMPLE_NUM)]
            samples = jnp.concatenate(
                [emb_ref[pl.ds(ix, 1), :] for ix in idxs], axis=0)
            dots = _dotT(samples, c_t)
            norms = jnp.sqrt(jnp.sum(samples * samples, axis=1, keepdims=True))
            total = dots / jnp.maximum(norms * cnorm, 1e-8)
            mx = jnp.max(total)
            lse = jnp.log(jnp.sum(jnp.exp(total - mx)))
            nce = nce + (total[0:1, :] - mx - lse)
            others = jnp.max(total[1:, :])
            correct = correct + jnp.where(total[0:1, :] >= others, 1.0, 0.0)
    nce_ref[...] = nce / (-1.0 * cnt * TIMESPAN)
    acc_ref[...] = correct / (cnt * TIMESPAN)


def _tc_head(emb, W_ih, W_hh, b_ih, b_hh):
    return pl.pallas_call(
        _tc_head_body,
        in_specs=[
            pl.BlockSpec((T, H), lambda: (0, 0)),
            pl.BlockSpec((3 * H, H), lambda: (0, 0)),
            pl.BlockSpec((3 * H, H), lambda: (0, 0)),
            pl.BlockSpec((1, 3 * H), lambda: (0, 0)),
            pl.BlockSpec((1, 3 * H), lambda: (0, 0)),
        ],
        out_specs=[
            pl.BlockSpec((1, 1), lambda: (0, 0)),
            pl.BlockSpec((1, 1), lambda: (0, 0)),
        ],
        out_shape=[
            jax.ShapeDtypeStruct((1, 1), jnp.float32),
            jax.ShapeDtypeStruct((1, 1), jnp.float32),
        ],
        scratch_shapes=[pltpu.VMEM((T, H), jnp.float32)],
    )(emb, W_ih, W_hh, b_ih, b_hh)



def kernel(x, edge_index, Wl0, Wr0, b0, Wl1, Wr1, b1, prelu_a,
           W_ih, W_hh, b_ih, b_hh):
    src = edge_index[0]
    dst = edge_index[1]
    pad = EPAD - E
    srcp = jnp.concatenate([src, jnp.zeros((pad,), jnp.int32)]).reshape(NS, NBLK, K)
    dstp = jnp.concatenate([dst, jnp.full((pad,), N, jnp.int32)]).reshape(NS, NBLK, K)

    ones_w = jnp.ones((K, QW), jnp.float32)
    zeros_w = jnp.zeros((K, QW), jnp.float32)

    b0r = b0.reshape(1, H)
    b1r = b1.reshape(1, H)
    par = prelu_a.reshape(1, H)
    bihr = b_ih.reshape(1, 3 * H)
    bhhr = b_hh.reshape(1, 3 * H)

    y0 = _tc_proj(x, Wl0)
    agg0, deg = _make_sc_agg(True)(
        y0.reshape(NQ * T * N, QW), srcp, dstp, ones_w, zeros_w)
    y1, r1 = _tc_mid(agg0, deg, x, Wr0, Wl1, Wr1, b0r, par)
    agg1 = _make_sc_agg(False)(y1.reshape(NQ * T * N, QW), srcp, dstp,
                               zeros_w)
    emb = _tc_pool(agg1, deg, r1, b1r).reshape(T, H)
    nce, acc = _tc_head(emb, W_ih, W_hh, bihr, bhhr)
    return (nce.reshape(()), acc.reshape(()))

# --- scband reference (transcript-rebuilt; emitter-appended) ---
"""Pipeline reference for scband-enc-80736795230859 (READ-ONLY COPY).

The authoritative reference and input builder live on the scoring server;
editing this copy changes nothing except your own understanding.
"""

import jax, jax.numpy as jnp
import numpy as np

T = 12
N = 10000
E = 160000
D_IN = 256
H = 256
SAMPLE_NUM = 4
TIMESPAN = 3


def setup_inputs(seed: int = 0) -> dict:
    key = jax.random.key(seed)
    ks = jax.random.split(key, 16)
    x = jax.random.normal(ks[0], (T, N, D_IN), dtype=jnp.float32)
    edge_index = jax.random.randint(ks[1], (2, E), 0, N, dtype=jnp.int32)
    s = 0.05
    Wl0 = jax.random.normal(ks[2], (H, D_IN), dtype=jnp.float32) * s
    Wr0 = jax.random.normal(ks[3], (H, D_IN), dtype=jnp.float32) * s
    b0 = jnp.zeros((H,), dtype=jnp.float32)
    Wl1 = jax.random.normal(ks[4], (H, H), dtype=jnp.float32) * s
    Wr1 = jax.random.normal(ks[5], (H, H), dtype=jnp.float32) * s
    b1 = jnp.zeros((H,), dtype=jnp.float32)
    prelu_a = jnp.full((H,), 0.25, dtype=jnp.float32)
    W_ih = jax.random.normal(ks[6], (3 * H, H), dtype=jnp.float32) * s
    W_hh = jax.random.normal(ks[7], (3 * H, H), dtype=jnp.float32) * s
    b_ih = jnp.zeros((3 * H,), dtype=jnp.float32)
    b_hh = jnp.zeros((3 * H,), dtype=jnp.float32)
    return {"x": x, "edge_index": edge_index, "Wl0": Wl0, "Wr0": Wr0, "b0": b0,
            "Wl1": Wl1, "Wr1": Wr1, "b1": b1, "prelu_a": prelu_a,
            "W_ih": W_ih, "W_hh": W_hh, "b_ih": b_ih, "b_hh": b_hh}


def _sage(h, src, dst, Wl, Wr, b):
    # PyG SAGEConv with mean aggregation: lin_l(mean_j x_j) + lin_r(x_i)
    agg = jax.ops.segment_sum(h[src], dst, num_segments=N)
    deg = jax.ops.segment_sum(jnp.ones((E,), dtype=h.dtype), dst, num_segments=N)
    mean = agg / jnp.maximum(deg, 1.0)[:, None]
    return mean @ Wl.T + b + h @ Wr.T


def _gru(data, W_ih, W_hh, b_ih, b_hh):
    # data: [B, T, H] batch_first GRU, h0 = zeros
    B = data.shape[0]
    def step(h, x_t):
        gi = x_t @ W_ih.T + b_ih
        gh = h @ W_hh.T + b_hh
        i_r, i_z, i_n = jnp.split(gi, 3, axis=-1)
        h_r, h_z, h_n = jnp.split(gh, 3, axis=-1)
        r = jax.nn.sigmoid(i_r + h_r)
        zg = jax.nn.sigmoid(i_z + h_z)
        n = jnp.tanh(i_n + r * h_n)
        h_new = (1.0 - zg) * n + zg * h
        return h_new, h_new
    h0 = jnp.zeros((B, W_hh.shape[1]), dtype=data.dtype)
    _, zs = jax.lax.scan(step, h0, jnp.transpose(data, (1, 0, 2)))
    return jnp.transpose(zs, (1, 0, 2))


def _cos(samples, c_t):
    # torch F.cosine_similarity(samples, c_t, dim=-1), eps=1e-8
    dots = samples @ c_t
    denom = jnp.maximum(jnp.linalg.norm(samples, axis=-1) * jnp.linalg.norm(c_t), 1e-8)
    return dots / denom


def reference(x, edge_index, Wl0, Wr0, b0, Wl1, Wr1, b1, prelu_a, W_ih, W_hh, b_ih, b_hh):
    src = edge_index[0]
    dst = edge_index[1]
    # GConv over each temporal snapshot (batch vector is all-zeros -> single graph)
    embeds = []
    for t in range(T):
        h = x[t]
        h = _sage(h, src, dst, Wl0, Wr0, b0)
        h = jnp.where(h > 0, h, prelu_a * h)  # PReLU (dropout skipped: eval mode)
        h = _sage(h, src, dst, Wl1, Wr1, b1)
        embeds.append(jnp.max(h, axis=0))  # global_max_pool with batch==0
    data = jnp.stack(embeds)[None, :, :]  # [1, T, H]
    # CPC
    z = _gru(data, W_ih, W_hh, b_ih, b_hh)  # [1, T, H]
    seq_len = data.shape[1]
    neg_dist = int(seq_len / 6)
    end = seq_len - SAMPLE_NUM - neg_dist - TIMESPAN + 2
    start = int(seq_len / 8) if int(seq_len / 8) < end else 0
    cnt = 0
    nce = jnp.zeros((), dtype=jnp.float32)
    correct = jnp.zeros((), dtype=jnp.int32)
    for t_sample in range(start, end):
        cnt += 1
        c_t = z[0, t_sample]
        for i in range(1, TIMESPAN + 1):
            rows = [data[0, t_sample + i]]
            for n_sample in range(1, SAMPLE_NUM):
                rows.append(data[0, t_sample + i + neg_dist + n_sample - 1])
            samples = jnp.stack(rows)  # [SAMPLE_NUM, H]
            total = _cos(samples, c_t)
            nce = nce + jax.nn.log_softmax(total, axis=0)[0]
            correct = correct + (jnp.argmax(total, axis=0) == 0).astype(jnp.int32)
    nce = nce / (-1.0 * cnt * TIMESPAN)
    acc = correct.astype(jnp.float32) / (cnt * TIMESPAN)
    return (nce, acc)

if __name__ == "__main__":
    import jax
    _d = setup_inputs()
    print(jax.jit(kernel)(*tuple(_d.values())))

</pallas_src>

<mosaic_0001>
#map = affine_map<(d0, d1) -> (0, 0)>
#map1 = affine_map<(d0, d1) -> (0, 0, 0)>
#map2 = affine_map<(d0, d1) -> (0, 0, 0, 0)>
module attributes {stable_mosaic.version = 14 : i64} {
  func.func @_sc_agg_body(%arg0: i32, %arg1: i32, %arg2: memref<240000x128xf32, #tpu.memory_space<hbm>>, %arg3: memref<16x114x88xi32, #tpu.memory_space<hbm>>, %arg4: memref<16x114x88xi32, #tpu.memory_space<hbm>>, %arg5: memref<88x128xf32, #tpu.memory_space<hbm>>, %arg6: memref<2x12x10000x128xf32, #tpu.memory_space<hbm>>, %arg7: memref<10008x128xf32, #tpu.memory_space<vmem_shared>>, %arg8: memref<114x88xi32, #tpu.memory_space<vmem>>, %arg9: memref<3x88xi32, #tpu.memory_space<vmem>>, %arg10: memref<88x128xf32, #tpu.memory_space<vmem>>, %arg11: memref<88x128xf32, #tpu.memory_space<vmem>>, %arg12: memref<88x128xf32, #tpu.memory_space<vmem>>, %arg13: memref<!tpu.dma_semaphore, #tpu.memory_space<semaphore_mem>>, %arg14: memref<!tpu.dma_semaphore, #tpu.memory_space<semaphore_mem>>, %arg15: memref<!tpu.dma_semaphore, #tpu.memory_space<semaphore_mem>>, %arg16: memref<!tpu.dma_semaphore, #tpu.memory_space<semaphore_mem>>, %arg17: memref<!tpu.dma_semaphore, #tpu.memory_space<semaphore_mem>>, %arg18: memref<!tpu.dma_semaphore, #tpu.memory_space<semaphore_mem>>, %arg19: memref<!tpu.dma_semaphore, #tpu.memory_space<semaphore_mem>>, %arg20: memref<!tpu.dma_semaphore, #tpu.memory_space<semaphore_mem>>, %arg21: memref<!tpu.dma_semaphore, #tpu.memory_space<semaphore_mem>>) attributes {dimension_semantics = [#tpu.dimension_semantics<core_parallel>, #tpu.dimension_semantics<subcore_parallel>], iteration_bounds = array<i64: 2, 16>, scalar_prefetch = 0 : i64, scratch_operands = 15 : i64, tpu.core_type = #tpu.core_type<sc_vector_subcore>, window_params = [{transform_indices = #map}, {transform_indices = #map1}, {transform_indices = #map1}, {transform_indices = #map}, {transform_indices = #map2}]} {
    "tpu.region"() ({
      %run_scoped3A = tpu.sem_alloc : memref<!tpu.dma_semaphore, #tpu.memory_space<semaphore_mem>>
      %dma_start3A = arith.constant 0 : i32
      %dma_start3A_11 = arith.constant 0 : i32
      %dma_start3A_12 = tpu.memref_slice %arg3[%arg1, %dma_start3A, %dma_start3A_11] : memref<16x114x88xi32, #tpu.memory_space<hbm>> -> memref<1x114x88xi32, #tpu.memory_space<hbm>>
      %dma_start3A_13 = tpu.memref_squeeze %dma_start3A_12 : memref<1x114x88xi32, #tpu.memory_space<hbm>> -> memref<114x88xi32, #tpu.memory_space<hbm>>
      %dma_start3A_14 = arith.constant 0 : i32
      %dma_start3A_15 = arith.constant 0 : i32
      %dma_start3A_16 = tpu.memref_slice %arg3[%arg1, %dma_start3A_14, %dma_start3A_15] : memref<16x114x88xi32, #tpu.memory_space<hbm>> -> memref<1x114x88xi32, #tpu.memory_space<hbm>>
      %dma_start3A_17 = tpu.memref_squeeze %dma_start3A_16 : memref<1x114x88xi32, #tpu.memory_space<hbm>> -> memref<114x88xi32, #tpu.memory_space<hbm>>
      tpu.enqueue_dma source(%dma_start3A_17 : memref<114x88xi32, #tpu.memory_space<hbm>>) target(%arg8 : memref<114x88xi32, #tpu.memory_space<vmem>>) target_semaphore(%run_scoped3A : memref<!tpu.dma_semaphore, #tpu.memory_space<semaphore_mem>>)
      %dma_wait3A = arith.constant 0 : i32
      %dma_wait3A_18 = arith.constant 0 : i32
      %dma_wait3A_19 = tpu.memref_slice %arg3[%arg1, %dma_wait3A, %dma_wait3A_18] : memref<16x114x88xi32, #tpu.memory_space<hbm>> -> memref<1x114x88xi32, #tpu.memory_space<hbm>>
      %dma_wait3A_20 = tpu.memref_squeeze %dma_wait3A_19 : memref<1x114x88xi32, #tpu.memory_space<hbm>> -> memref<114x88xi32, #tpu.memory_space<hbm>>
      %dma_wait3A_21 = arith.constant 0 : i32
      %dma_wait3A_22 = arith.constant 0 : i32
      %dma_wait3A_23 = tpu.memref_slice %arg3[%arg1, %dma_wait3A_21, %dma_wait3A_22] : memref<16x114x88xi32, #tpu.memory_space<hbm>> -> memref<1x114x88xi32, #tpu.memory_space<hbm>>
      %dma_wait3A_24 = tpu.memref_squeeze %dma_wait3A_23 : memref<1x114x88xi32, #tpu.memory_space<hbm>> -> memref<114x88xi32, #tpu.memory_space<hbm>>
      tpu.wait_dma2 semaphore(%run_scoped3A : memref<!tpu.dma_semaphore, #tpu.memory_space<semaphore_mem>>) src(%dma_wait3A_24 : memref<114x88xi32, #tpu.memory_space<hbm>>) dst(%arg8 : memref<114x88xi32, #tpu.memory_space<vmem>>)
      tpu.yield
    }) : () -> ()
    %mul3A = arith.constant 120000 : i32
    %mul3A_0 = arith.muli %arg0, %mul3A : i32
    %sub3A = arith.constant 10000 : i32
    %sub3A_1 = arith.subi %mul3A_0, %sub3A : i32
    %scan3A = arith.constant 0 : i32
    %scan3A_2 = arith.constant 114 : i32
    %scan3A_3 = arith.addi %scan3A, %scan3A_2 : i32
    %scan3A_4 = arith.constant 1 : i32
    scf.for %scan3A_11 = %scan3A to %scan3A_3 step %scan3A_4  : i32 {
      %get3A = arith.constant 0 : i32
      %get3A_12 = tpu.memref_slice %arg8[%scan3A_11, %get3A] : memref<114x88xi32, #tpu.memory_space<vmem>> -> memref<1x88xi32, #tpu.memory_space<vmem>>
      %get3A_13 = tpu.memref_squeeze %get3A_12 : memref<1x88xi32, #tpu.memory_space<vmem>> -> memref<88xi32, #tpu.memory_space<vmem>>
      %get3A_14 = arith.constant 0 : index
      %get3A_15 = tpu.vector_load %get3A_13[%get3A_14] {strides = array<i32>} : memref<88xi32, #tpu.memory_space<vmem>>, vector<16xi32>,
      %get3A_16 = vector.shape_cast %get3A_15 : vector<16xi32> to vector<16xi32>
      %add3A = vector.broadcast %sub3A_1 : i32 to vector<16xi32>
      %add3A_17 = arith.addi %get3A_16, %add3A : vector<16xi32>
      %swap3A = arith.constant 0 : i32
      %swap3A_18 = tpu.memref_slice %arg8[%scan3A_11, %swap3A] : memref<114x88xi32, #tpu.memory_space<vmem>> -> memref<1x88xi32, #tpu.memory_space<vmem>>
      %swap3A_19 = tpu.memref_squeeze %swap3A_18 : memref<1x88xi32, #tpu.memory_space<vmem>> -> memref<88xi32, #tpu.memory_space<vmem>>
      %swap3A_20 = arith.constant 0 : index
      %swap3A_21 = tpu.vector_load %swap3A_19[%swap3A_20] {strides = array<i32>} : memref<88xi32, #tpu.memory_space<vmem>>, vector<16xi32>,
      %swap3A_22 = vector.shape_cast %swap3A_21 : vector<16xi32> to vector<16xi32>
      %swap3A_23 = vector.shape_cast %add3A_17 : vector<16xi32> to vector<16xi32>
      tpu.vector_store %swap3A_19[%swap3A_20], %swap3A_23 {strides = array<i32>} : memref<88xi32, #tpu.memory_space<vmem>>, vector<16xi32>,
      %get3A_24 = arith.constant 0 : i32
      %get3A_25 = tpu.memref_slice %arg8[%scan3A_11, %get3A_24] : memref<114x88xi32, #tpu.memory_space<vmem>> -> memref<1x88xi32, #tpu.memory_space<vmem>>
      %get3A_26 = tpu.memref_squeeze %get3A_25 : memref<1x88xi32, #tpu.memory_space<vmem>> -> memref<88xi32, #tpu.memory_space<vmem>>
      %get3A_27 = arith.constant 16 : index
      %get3A_28 = tpu.vector_load %get3A_26[%get3A_27] {strides = array<i32>} : memref<88xi32, #tpu.memory_space<vmem>>, vector<16xi32>,
      %get3A_29 = vector.shape_cast %get3A_28 : vector<16xi32> to vector<16xi32>
      %add3A_30 = vector.broadcast %sub3A_1 : i32 to vector<16xi32>
      %add3A_31 = arith.addi %get3A_29, %add3A_30 : vector<16xi32>
      %swap3A_32 = arith.constant 0 : i32
      %swap3A_33 = tpu.memref_slice %arg8[%scan3A_11, %swap3A_32] : memref<114x88xi32, #tpu.memory_space<vmem>> -> memref<1x88xi32, #tpu.memory_space<vmem>>
      %swap3A_34 = tpu.memref_squeeze %swap3A_33 : memref<1x88xi32, #tpu.memory_space<vmem>> -> memref<88xi32, #tpu.memory_space<vmem>>
      %swap3A_35 = arith.constant 16 : index
      %swap3A_36 = tpu.vector_load %swap3A_34[%swap3A_35] {strides = array<i32>} : memref<88xi32, #tpu.memory_space<vmem>>, vector<16xi32>,
      %swap3A_37 = vector.shape_cast %swap3A_36 : vector<16xi32> to vector<16xi32>
      %swap3A_38 = vector.shape_cast %add3A_31 : vector<16xi32> to vector<16xi32>
      tpu.vector_store %swap3A_34[%swap3A_35], %swap3A_38 {strides = array<i32>} : memref<88xi32, #tpu.memory_space<vmem>>, vector<16xi32>,
      %get3A_39 = arith.constant 0 : i32
      %get3A_40 = tpu.memref_slice %arg8[%scan3A_11, %get3A_39] : memref<114x88xi32, #tpu.memory_space<vmem>> -> memref<1x88xi32, #tpu.memory_space<vmem>>
      %get3A_41 = tpu.memref_squeeze %get3A_40 : memref<1x88xi32, #tpu.memory_space<vmem>> -> memref<88xi32, #tpu.memory_space<vmem>>
      %get3A_42 = arith.constant 32 : index
      %get3A_43 = tpu.vector_load %get3A_41[%get3A_42] {strides = array<i32>} : memref<88xi32, #tpu.memory_space<vmem>>, vector<16xi32>,
      %get3A_44 = vector.shape_cast %get3A_43 : vector<16xi32> to vector<16xi32>
      %add3A_45 = vector.broadcast %sub3A_1 : i32 to vector<16xi32>
      %add3A_46 = arith.addi %get3A_44, %add3A_45 : vector<16xi32>
      %swap3A_47 = arith.constant 0 : i32
      %swap3A_48 = tpu.memref_slice %arg8[%scan3A_11, %swap3A_47] : memref<114x88xi32, #tpu.memory_space<vmem>> -> memref<1x88xi32, #tpu.memory_space<vmem>>
      %swap3A_49 = tpu.memref_squeeze %swap3A_48 : memref<1x88xi32, #tpu.memory_space<vmem>> -> memref<88xi32, #tpu.memory_space<vmem>>
      %swap3A_50 = arith.constant 32 : index
      %swap3A_51 = tpu.vector_load %swap3A_49[%swap3A_50] {strides = array<i32>} : memref<88xi32, #tpu.memory_space<vmem>>, vector<16xi32>,
      %swap3A_52 = vector.shape_cast %swap3A_51 : vector<16xi32> to vector<16xi32>
      %swap3A_53 = vector.shape_cast %add3A_46 : vector<16xi32> to vector<16xi32>
      tpu.vector_store %swap3A_49[%swap3A_50], %swap3A_53 {strides = array<i32>} : memref<88xi32, #tpu.memory_space<vmem>>, vector<16xi32>,
      %get3A_54 = arith.constant 0 : i32
      %get3A_55 = tpu.memref_slice %arg8[%scan3A_11, %get3A_54] : memref<114x88xi32, #tpu.memory_space<vmem>> -> memref<1x88xi32, #tpu.memory_space<vmem>>
      %get3A_56 = tpu.memref_squeeze %get3A_55 : memref<1x88xi32, #tpu.memory_space<vmem>> -> memref<88xi32, #tpu.memory_space<vmem>>
      %get3A_57 = arith.constant 48 : index
      %get3A_58 = tpu.vector_load %get3A_56[%get3A_57] {strides = array<i32>} : memref<88xi32, #tpu.memory_space<vmem>>, vector<16xi32>,
      %get3A_59 = vector.shape_cast %get3A_58 : vector<16xi32> to vector<16xi32>
      %add3A_60 = vector.broadcast %sub3A_1 : i32 to vector<16xi32>
      %add3A_61 = arith.addi %get3A_59, %add3A_60 : vector<16xi32>
      %swap3A_62 = arith.constant 0 : i32
      %swap3A_63 = tpu.memref_slice %arg8[%scan3A_11, %swap3A_62] : memref<114x88xi32, #tpu.memory_space<vmem>> -> memref<1x88xi32, #tpu.memory_space<vmem>>
      %swap3A_64 = tpu.memref_squeeze %swap3A_63 : memref<1x88xi32, #tpu.memory_space<vmem>> -> memref<88xi32, #tpu.memory_space<vmem>>
      %swap3A_65 = arith.constant 48 : index
      %swap3A_66 = tpu.vector_load %swap3A_64[%swap3A_65] {strides = array<i32>} : memref<88xi32, #tpu.memory_space<vmem>>, vector<16xi32>,
      %swap3A_67 = vector.shape_cast %swap3A_66 : vector<16xi32> to vector<16xi32>
      %swap3A_68 = vector.shape_cast %add3A_61 : vector<16xi32> to vector<16xi32>
      tpu.vector_store %swap3A_64[%swap3A_65], %swap3A_68 {strides = array<i32>} : memref<88xi32, #tpu.memory_space<vmem>>, vector<16xi32>,
      %get3A_69 = arith.constant 0 : i32
      %get3A_70 = tpu.memref_slice %arg8[%scan3A_11, %get3A_69] : memref<114x88xi32, #tpu.memory_space<vmem>> -> memref<1x88xi32, #tpu.memory_space<vmem>>
      %get3A_71 = tpu.memref_squeeze %get3A_70 : memref<1x88xi32, #tpu.memory_space<vmem>> -> memref<88xi32, #tpu.memory_space<vmem>>
      %get3A_72 = arith.constant 64 : index
      %get3A_73 = tpu.vector_load %get3A_71[%get3A_72] {strides = array<i32>} : memref<88xi32, #tpu.memory_space<vmem>>, vector<16xi32>,
      %get3A_74 = vector.shape_cast %get3A_73 : vector<16xi32> to vector<16xi32>
      %add3A_75 = vector.broadcast %sub3A_1 : i32 to vector<16xi32>
      %add3A_76 = arith.addi %get3A_74, %add3A_75 : vector<16xi32>
      %swap3A_77 = arith.constant 0 : i32
      %swap3A_78 = tpu.memref_slice %arg8[%scan3A_11, %swap3A_77] : memref<114x88xi32, #tpu.memory_space<vmem>> -> memref<1x88xi32, #tpu.memory_space<vmem>>
      %swap3A_79 = tpu.memref_squeeze %swap3A_78 : memref<1x88xi32, #tpu.memory_space<vmem>> -> memref<88xi32, #tpu.memory_space<vmem>>
      %swap3A_80 = arith.constant 64 : index
      %swap3A_81 = tpu.vector_load %swap3A_79[%swap3A_80] {strides = array<i32>} : memref<88xi32, #tpu.memory_space<vmem>>, vector<16xi32>,
      %swap3A_82 = vector.shape_cast %swap3A_81 : vector<16xi32> to vector<16xi32>
      %swap3A_83 = vector.shape_cast %add3A_76 : vector<16xi32> to vector<16xi32>
      tpu.vector_store %swap3A_79[%swap3A_80], %swap3A_83 {strides = array<i32>} : memref<88xi32, #tpu.memory_space<vmem>>, vector<16xi32>,
    }
    %scan3A_5 = arith.constant 114 : i32
    %scan3A_6 = arith.constant 0 : i32
    %scan3A_7 = arith.constant 12 : i32
    %scan3A_8 = arith.addi %scan3A_6, %scan3A_7 : i32
    %scan3A_9 = arith.constant 1 : i32
    scf.for %scan3A_11 = %scan3A_6 to %scan3A_8 step %scan3A_9  : i32 {
      %jit3A = arith.constant 12 : i32
      %div3A = arith.divsi %scan3A_11, %jit3A : i32
      %sign3A = arith.constant 0 : i32
      %sign3A_12 = arith.cmpi sgt, %scan3A_11, %sign3A : i32
      %sign3A_13 = arith.extui %sign3A_12 : i1 to i32
      %sign3A_14 = arith.constant 0 : i32
      %sign3A_15 = arith.cmpi slt, %scan3A_11, %sign3A_14 : i32
      %sign3A_16 = arith.extui %sign3A_15 : i1 to i32
      %sign3A_17 = arith.subi %sign3A_13, %sign3A_16 : i32
      %sign3A_18 = arith.constant 0 : i32
      %sign3A_19 = arith.cmpi sgt, %jit3A, %sign3A_18 : i32
      %sign3A_20 = arith.extui %sign3A_19 : i1 to i32
      %sign3A_21 = arith.constant 0 : i32
      %sign3A_22 = arith.cmpi slt, %jit3A, %sign3A_21 : i32
      %sign3A_23 = arith.extui %sign3A_22 : i1 to i32
      %sign3A_24 = arith.subi %sign3A_20, %sign3A_23 : i32
      %ne3A = arith.cmpi ne, %sign3A_17, %sign3A_24 : i32
      %rem3A = arith.remsi %scan3A_11, %jit3A : i32
      %ne3A_25 = arith.constant 0 : i32
      %ne3A_26 = arith.cmpi ne, %rem3A, %ne3A_25 : i32
      %and3A = arith.andi %ne3A, %ne3A_26 : i1
      %sub3A_27 = arith.constant 1 : i32
      %sub3A_28 = arith.subi %div3A, %sub3A_27 : i32
      %select_n3A = arith.select %and3A, %sub3A_28, %div3A : i32
      %mul3A_29 = arith.constant 12 : i32
      %mul3A_30 = arith.muli %select_n3A, %mul3A_29 : i32
      %sub3A_31 = arith.subi %scan3A_11, %mul3A_30 : i32
      %eq3A = arith.constant 12 : i32
      %eq3A_32 = arith.cmpi eq, %scan3A_11, %eq3A : i32
      %jit3A_33 = arith.constant 130000 : i32
      %jit3A_34 = arith.constant 10000 : i32
      %select_n3A_35 = arith.select %eq3A_32, %jit3A_33, %jit3A_34 : i32
      %scan3A_36 = arith.constant 0 : i32
      %scan3A_37 = arith.constant 114 : i32
      %scan3A_38 = arith.addi %scan3A_36, %scan3A_37 : i32
      %scan3A_39 = arith.constant 1 : i32
      scf.for %scan3A_112 = %scan3A_36 to %scan3A_38 step %scan3A_39  : i32 {
        %get3A = arith.constant 0 : i32
        %get3A_113 = tpu.memref_slice %arg8[%scan3A_112, %get3A] : memref<114x88xi32, #tpu.memory_space<vmem>> -> memref<1x88xi32, #tpu.memory_space<vmem>>
        %get3A_114 = tpu.memref_squeeze %get3A_113 : memref<1x88xi32, #tpu.memory_space<vmem>> -> memref<88xi32, #tpu.memory_space<vmem>>
        %get3A_115 = arith.constant 0 : index
        %get3A_116 = tpu.vector_load %get3A_114[%get3A_115] {strides = array<i32>} : memref<88xi32, #tpu.memory_space<vmem>>, vector<16xi32>,
        %get3A_117 = vector.shape_cast %get3A_116 : vector<16xi32> to vector<16xi32>
        %add3A = vector.broadcast %select_n3A_35 : i32 to vector<16xi32>
        %add3A_118 = arith.addi %get3A_117, %add3A : vector<16xi32>
        %swap3A = arith.constant 0 : i32
        %swap3A_119 = tpu.memref_slice %arg8[%scan3A_112, %swap3A] : memref<114x88xi32, #tpu.memory_space<vmem>> -> memref<1x88xi32, #tpu.memory_space<vmem>>
        %swap3A_120 = tpu.memref_squeeze %swap3A_119 : memref<1x88xi32, #tpu.memory_space<vmem>> -> memref<88xi32, #tpu.memory_space<vmem>>
        %swap3A_121 = arith.constant 0 : index
        %swap3A_122 = tpu.vector_load %swap3A_120[%swap3A_121] {strides = array<i32>} : memref<88xi32, #tpu.memory_space<vmem>>, vector<16xi32>,
        %swap3A_123 = vector.shape_cast %swap3A_122 : vector<16xi32> to vector<16xi32>
        %swap3A_124 = vector.shape_cast %add3A_118 : vector<16xi32> to vector<16xi32>
        tpu.vector_store %swap3A_120[%swap3A_121], %swap3A_124 {strides = array<i32>} : memref<88xi32, #tpu.memory_space<vmem>>, vector<16xi32>,
        %get3A_125 = arith.constant 0 : i32
        %get3A_126 = tpu.memref_slice %arg8[%scan3A_112, %get3A_125] : memref<114x88xi32, #tpu.memory_space<vmem>> -> memref<1x88xi32, #tpu.memory_space<vmem>>
        %get3A_127 = tpu.memref_squeeze %get3A_126 : memref<1x88xi32, #tpu.memory_space<vmem>> -> memref<88xi32, #tpu.memory_space<vmem>>
        %get3A_128 = arith.constant 16 : index
        %get3A_129 = tpu.vector_load %get3A_127[%get3A_128] {strides = array<i32>} : memref<88xi32, #tpu.memory_space<vmem>>, vector<16xi32>,
        %get3A_130 = vector.shape_cast %get3A_129 : vector<16xi32> to vector<16xi32>
        %add3A_131 = vector.broadcast %select_n3A_35 : i32 to vector<16xi32>
        %add3A_132 = arith.addi %get3A_130, %add3A_131 : vector<16xi32>
        %swap3A_133 = arith.constant 0 : i32
        %swap3A_134 = tpu.memref_slice %arg8[%scan3A_112, %swap3A_133] : memref<114x88xi32, #tpu.memory_space<vmem>> -> memref<1x88xi32, #tpu.memory_space<vmem>>
        %swap3A_135 = tpu.memref_squeeze %swap3A_134 : memref<1x88xi32, #tpu.memory_space<vmem>> -> memref<88xi32, #tpu.memory_space<vmem>>
        %swap3A_136 = arith.constant 16 : index
        %swap3A_137 = tpu.vector_load %swap3A_135[%swap3A_136] {strides = array<i32>} : memref<88xi32, #tpu.memory_space<vmem>>, vector<16xi32>,
        %swap3A_138 = vector.shape_cast %swap3A_137 : vector<16xi32> to vector<16xi32>
        %swap3A_139 = vector.shape_cast %add3A_132 : vector<16xi32> to vector<16xi32>
        tpu.vector_store %swap3A_135[%swap3A_136], %swap3A_139 {strides = array<i32>} : memref<88xi32, #tpu.memory_space<vmem>>, vector<16xi32>,
        %get3A_140 = arith.constant 0 : i32
        %get3A_141 = tpu.memref_slice %arg8[%scan3A_112, %get3A_140] : memref<114x88xi32, #tpu.memory_space<vmem>> -> memref<1x88xi32, #tpu.memory_space<vmem>>
        %get3A_142 = tpu.memref_squeeze %get3A_141 : memref<1x88xi32, #tpu.memory_space<vmem>> -> memref<88xi32, #tpu.memory_space<vmem>>
        %get3A_143 = arith.constant 32 : index
        %get3A_144 = tpu.vector_load %get3A_142[%get3A_143] {strides = array<i32>} : memref<88xi32, #tpu.memory_space<vmem>>, vector<16xi32>,
        %get3A_145 = vector.shape_cast %get3A_144 : vector<16xi32> to vector<16xi32>
        %add3A_146 = vector.broadcast %select_n3A_35 : i32 to vector<16xi32>
        %add3A_147 = arith.addi %get3A_145, %add3A_146 : vector<16xi32>
        %swap3A_148 = arith.constant 0 : i32
        %swap3A_149 = tpu.memref_slice %arg8[%scan3A_112, %swap3A_148] : memref<114x88xi32, #tpu.memory_space<vmem>> -> memref<1x88xi32, #tpu.memory_space<vmem>>
        %swap3A_150 = tpu.memref_squeeze %swap3A_149 : memref<1x88xi32, #tpu.memory_space<vmem>> -> memref<88xi32, #tpu.memory_space<vmem>>
        %swap3A_151 = arith.constant 32 : index
        %swap3A_152 = tpu.vector_load %swap3A_150[%swap3A_151] {strides = array<i32>} : memref<88xi32, #tpu.memory_space<vmem>>, vector<16xi32>,
        %swap3A_153 = vector.shape_cast %swap3A_152 : vector<16xi32> to vector<16xi32>
        %swap3A_154 = vector.shape_cast %add3A_147 : vector<16xi32> to vector<16xi32>
        tpu.vector_store %swap3A_150[%swap3A_151], %swap3A_154 {strides = array<i32>} : memref<88xi32, #tpu.memory_space<vmem>>, vector<16xi32>,
        %get3A_155 = arith.constant 0 : i32
        %get3A_156 = tpu.memref_slice %arg8[%scan3A_112, %get3A_155] : memref<114x88xi32, #tpu.memory_space<vmem>> -> memref<1x88xi32, #tpu.memory_space<vmem>>
        %get3A_157 = tpu.memref_squeeze %get3A_156 : memref<1x88xi32, #tpu.memory_space<vmem>> -> memref<88xi32, #tpu.memory_space<vmem>>
        %get3A_158 = arith.constant 48 : index
        %get3A_159 = tpu.vector_load %get3A_157[%get3A_158] {strides = array<i32>} : memref<88xi32, #tpu.memory_space<vmem>>, vector<16xi32>,
        %get3A_160 = vector.shape_cast %get3A_159 : vector<16xi32> to vector<16xi32>
        %add3A_161 = vector.broadcast %select_n3A_35 : i32 to vector<16xi32>
        %add3A_162 = arith.addi %get3A_160, %add3A_161 : vector<16xi32>
        %swap3A_163 = arith.constant 0 : i32
        %swap3A_164 = tpu.memref_slice %arg8[%scan3A_112, %swap3A_163] : memref<114x88xi32, #tpu.memory_space<vmem>> -> memref<1x88xi32, #tpu.memory_space<vmem>>
        %swap3A_165 = tpu.memref_squeeze %swap3A_164 : memref<1x88xi32, #tpu.memory_space<vmem>> -> memref<88xi32, #tpu.memory_space<vmem>>
        %swap3A_166 = arith.constant 48 : index
        %swap3A_167 = tpu.vector_load %swap3A_165[%swap3A_166] {strides = array<i32>} : memref<88xi32, #tpu.memory_space<vmem>>, vector<16xi32>,
        %swap3A_168 = vector.shape_cast %swap3A_167 : vector<16xi32> to vector<16xi32>
        %swap3A_169 = vector.shape_cast %add3A_162 : vector<16xi32> to vector<16xi32>
        tpu.vector_store %swap3A_165[%swap3A_166], %swap3A_169 {strides = array<i32>} : memref<88xi32, #tpu.memory_space<vmem>>, vector<16xi32>,
        %get3A_170 = arith.constant 0 : i32
        %get3A_171 = tpu.memref_slice %arg8[%scan3A_112, %get3A_170] : memref<114x88xi32, #tpu.memory_space<vmem>> -> memref<1x88xi32, #tpu.memory_space<vmem>>
        %get3A_172 = tpu.memref_squeeze %get3A_171 : memref<1x88xi32, #tpu.memory_space<vmem>> -> memref<88xi32, #tpu.memory_space<vmem>>
        %get3A_173 = arith.constant 64 : index
        %get3A_174 = tpu.vector_load %get3A_172[%get3A_173] {strides = array<i32>} : memref<88xi32, #tpu.memory_space<vmem>>, vector<16xi32>,
        %get3A_175 = vector.shape_cast %get3A_174 : vector<16xi32> to vector<16xi32>
        %add3A_176 = vector.broadcast %select_n3A_35 : i32 to vector<16xi32>
        %add3A_177 = arith.addi %get3A_175, %add3A_176 : vector<16xi32>
        %swap3A_178 = arith.constant 0 : i32
        %swap3A_179 = tpu.memref_slice %arg8[%scan3A_112, %swap3A_178] : memref<114x88xi32, #tpu.memory_space<vmem>> -> memref<1x88xi32, #tpu.memory_space<vmem>>
        %swap3A_180 = tpu.memref_squeeze %swap3A_179 : memref<1x88xi32, #tpu.memory_space<vmem>> -> memref<88xi32, #tpu.memory_space<vmem>>
        %swap3A_181 = arith.constant 64 : index
        %swap3A_182 = tpu.vector_load %swap3A_180[%swap3A_181] {strides = array<i32>} : memref<88xi32, #tpu.memory_space<vmem>>, vector<16xi32>,
        %swap3A_183 = vector.shape_cast %swap3A_182 : vector<16xi32> to vector<16xi32>
        %swap3A_184 = vector.shape_cast %add3A_177 : vector<16xi32> to vector<16xi32>
        tpu.vector_store %swap3A_180[%swap3A_181], %swap3A_184 {strides = array<i32>} : memref<88xi32, #tpu.memory_space<vmem>>, vector<16xi32>,
      }
      %scan3A_40 = arith.constant 114 : i32
      %dma_start3A = arith.constant 0 : i32
      %dma_start3A_41 = arith.constant 0 : i32
      %dma_start3A_42 = arith.constant 0 : i32
      %dma_start3A_43 = tpu.memref_slice %arg9[%dma_start3A_41, %dma_start3A_42] : memref<3x88xi32, #tpu.memory_space<vmem>> -> memref<1x88xi32, #tpu.memory_space<vmem>>
      %dma_start3A_44 = tpu.memref_squeeze %dma_start3A_43 : memref<1x88xi32, #tpu.memory_space<vmem>> -> memref<88xi32, #tpu.memory_space<vmem>>
      %dma_start3A_45 = arith.constant 0 : i32
      %dma_start3A_46 = tpu.memref_slice %arg4[%arg1, %dma_start3A, %dma_start3A_45] : memref<16x114x88xi32, #tpu.memory_space<hbm>> -> memref<1x1x88xi32, #tpu.memory_space<hbm>>
      %dma_start3A_47 = tpu.memref_squeeze %dma_start3A_46 : memref<1x1x88xi32, #tpu.memory_space<hbm>> -> memref<88xi32, #tpu.memory_space<hbm>>
      %dma_start3A_48 = arith.constant 0 : i32
      %dma_start3A_49 = tpu.memref_slice %arg9[%dma_start3A_41, %dma_start3A_48] : memref<3x88xi32, #tpu.memory_space<vmem>> -> memref<1x88xi32, #tpu.memory_space<vmem>>
      %dma_start3A_50 = tpu.memref_squeeze %dma_start3A_49 : memref<1x88xi32, #tpu.memory_space<vmem>> -> memref<88xi32, #tpu.memory_space<vmem>>
      %dma_start3A_51 = arith.constant 0 : i32
      %dma_start3A_52 = tpu.memref_slice %arg4[%arg1, %dma_start3A, %dma_start3A_51] : memref<16x114x88xi32, #tpu.memory_space<hbm>> -> memref<1x1x88xi32, #tpu.memory_space<hbm>>
      %dma_start3A_53 = tpu.memref_squeeze %dma_start3A_52 : memref<1x1x88xi32, #tpu.memory_space<hbm>> -> memref<88xi32, #tpu.memory_space<hbm>>
      tpu.enqueue_dma source(%dma_start3A_53 : memref<88xi32, #tpu.memory_space<hbm>>) target(%dma_start3A_50 : memref<88xi32, #tpu.memory_space<vmem>>) target_semaphore(%arg19 : memref<!tpu.dma_semaphore, #tpu.memory_space<semaphore_mem>>)
      %dma_start3A_54 = arith.constant 0 : i32
      %dma_start3A_55 = arith.constant 0 : i32
      %dma_start3A_56 = tpu.memref_slice %arg8[%dma_start3A_54, %dma_start3A_55] : memref<114x88xi32, #tpu.memory_space<vmem>> -> memref<1x88xi32, #tpu.memory_space<vmem>>
      %dma_start3A_57 = tpu.memref_squeeze %dma_start3A_56 : memref<1x88xi32, #tpu.memory_space<vmem>> -> memref<88xi32, #tpu.memory_space<vmem>>
      %dma_start3A_58 = arith.constant 0 : i32
      %dma_start3A_59 = arith.constant 0 : i32
      %dma_start3A_60 = tpu.memref_slice %arg2[%dma_start3A_58, %dma_start3A_59] : memref<240000x128xf32, #tpu.memory_space<hbm>> -> memref<240000x128xf32, #tpu.memory_space<hbm>>
      tpu.enqueue_indirect_dma source(%dma_start3A_60 : memref<240000x128xf32, #tpu.memory_space<hbm>>) target(%arg10 : memref<88x128xf32, #tpu.memory_space<vmem>>) offsets(%dma_start3A_57 : memref<88xi32, #tpu.memory_space<vmem>>) semaphore(%arg13 : memref<!tpu.dma_semaphore, #tpu.memory_space<semaphore_mem>>)
      %dma_start3A_61 = arith.constant 1 : i32
      %dma_start3A_62 = arith.constant 1 : i32
      %dma_start3A_63 = arith.constant 0 : i32
      %dma_start3A_64 = tpu.memref_slice %arg9[%dma_start3A_62, %dma_start3A_63] : memref<3x88xi32, #tpu.memory_space<vmem>> -> memref<1x88xi32, #tpu.memory_space<vmem>>
      %dma_start3A_65 = tpu.memref_squeeze %dma_start3A_64 : memref<1x88xi32, #tpu.memory_space<vmem>> -> memref<88xi32, #tpu.memory_space<vmem>>
      %dma_start3A_66 = arith.constant 0 : i32
      %dma_start3A_67 = tpu.memref_slice %arg4[%arg1, %dma_start3A_61, %dma_start3A_66] : memref<16x114x88xi32, #tpu.memory_space<hbm>> -> memref<1x1x88xi32, #tpu.memory_space<hbm>>
      %dma_start3A_68 = tpu.memref_squeeze %dma_start3A_67 : memref<1x1x88xi32, #tpu.memory_space<hbm>> -> memref<88xi32, #tpu.memory_space<hbm>>
      %dma_start3A_69 = arith.constant 0 : i32
      %dma_start3A_70 = tpu.memref_slice %arg9[%dma_start3A_62, %dma_start3A_69] : memref<3x88xi32, #tpu.memory_space<vmem>> -> memref<1x88xi32, #tpu.memory_space<vmem>>
      %dma_start3A_71 = tpu.memref_squeeze %dma_start3A_70 : memref<1x88xi32, #tpu.memory_space<vmem>> -> memref<88xi32, #tpu.memory_space<vmem>>
      %dma_start3A_72 = arith.constant 0 : i32
      %dma_start3A_73 = tpu.memref_slice %arg4[%arg1, %dma_start3A_61, %dma_start3A_72] : memref<16x114x88xi32, #tpu.memory_space<hbm>> -> memref<1x1x88xi32, #tpu.memory_space<hbm>>
      %dma_start3A_74 = tpu.memref_squeeze %dma_start3A_73 : memref<1x1x88xi32, #tpu.memory_space<hbm>> -> memref<88xi32, #tpu.memory_space<hbm>>
      tpu.enqueue_dma source(%dma_start3A_74 : memref<88xi32, #tpu.memory_space<hbm>>) target(%dma_start3A_71 : memref<88xi32, #tpu.memory_space<vmem>>) target_semaphore(%arg20 : memref<!tpu.dma_semaphore, #tpu.memory_space<semaphore_mem>>)
      %dma_start3A_75 = arith.constant 1 : i32
      %dma_start3A_76 = arith.constant 0 : i32
      %dma_start3A_77 = tpu.memref_slice %arg8[%dma_start3A_75, %dma_start3A_76] : memref<114x88xi32, #tpu.memory_space<vmem>> -> memref<1x88xi32, #tpu.memory_space<vmem>>
      %dma_start3A_78 = tpu.memref_squeeze %dma_start3A_77 : memref<1x88xi32, #tpu.memory_space<vmem>> -> memref<88xi32, #tpu.memory_space<vmem>>
      %dma_start3A_79 = arith.constant 0 : i32
      %dma_start3A_80 = arith.constant 0 : i32
      %dma_start3A_81 = tpu.memref_slice %arg2[%dma_start3A_79, %dma_start3A_80] : memref<240000x128xf32, #tpu.memory_space<hbm>> -> memref<240000x128xf32, #tpu.memory_space<hbm>>
      tpu.enqueue_indirect_dma source(%dma_start3A_81 : memref<240000x128xf32, #tpu.memory_space<hbm>>) target(%arg11 : memref<88x128xf32, #tpu.memory_space<vmem>>) offsets(%dma_start3A_78 : memref<88xi32, #tpu.memory_space<vmem>>) semaphore(%arg14 : memref<!tpu.dma_semaphore, #tpu.memory_space<semaphore_mem>>)
      %lt3A = arith.constant 15 : i32
      %lt3A_82 = arith.cmpi slt, %arg1, %lt3A : i32
      %convert_element_type3A = arith.extui %lt3A_82 : i1 to i32
      %cond3A = arith.constant 0 : i32
      %cond3A_83 = arith.cmpi ne, %convert_element_type3A, %cond3A : i32
      scf.if %cond3A_83 {
        %mul3A_112 = arith.constant 632 : i32
        %mul3A_113 = arith.muli %arg1, %mul3A_112 : i32
        %multiple_of3A = tpu.assume_multiple %mul3A_113, 8 : i32
        %add3A = arith.constant 0 : i32
        %add3A_114 = arith.addi %multiple_of3A, %add3A : i32
        "tpu.region"() ({
          %run_scoped3A = tpu.sem_alloc : memref<!tpu.dma_semaphore, #tpu.memory_space<semaphore_mem>>
          %dma_start3A_129 = arith.constant 0 : i32
          %dma_start3A_130 = tpu.memref_slice %arg7[%add3A_114, %dma_start3A_129] : memref<10008x128xf32, #tpu.memory_space<vmem_shared>> -> memref<88x128xf32, #tpu.memory_space<vmem_shared>>
          tpu.enqueue_dma source(%arg5 : memref<88x128xf32, #tpu.memory_space<hbm>>) target(%dma_start3A_130 : memref<88x128xf32, #tpu.memory_space<vmem_shared>>) target_semaphore(%run_scoped3A : memref<!tpu.dma_semaphore, #tpu.memory_space<semaphore_mem>>)
          %dma_wait3A_131 = arith.constant 0 : i32
          %dma_wait3A_132 = tpu.memref_slice %arg7[%add3A_114, %dma_wait3A_131] : memref<10008x128xf32, #tpu.memory_space<vmem_shared>> -> memref<88x128xf32, #tpu.memory_space<vmem_shared>>
          tpu.wait_dma2 semaphore(%run_scoped3A : memref<!tpu.dma_semaphore, #tpu.memory_space<semaphore_mem>>) src(%arg5 : memref<88x128xf32, #tpu.memory_space<hbm>>) dst(%dma_wait3A_132 : memref<88x128xf32, #tpu.memory_space<vmem_shared>>)
          tpu.yield
        }) : () -> ()
        %add3A_115 = arith.constant 88 : i32
        %add3A_116 = arith.addi %multiple_of3A, %add3A_115 : i32
        "tpu.region"() ({
          %run_scoped3A = tpu.sem_alloc : memref<!tpu.dma_semaphore, #tpu.memory_space<semaphore_mem>>
          %dma_start3A_129 = arith.constant 0 : i32
          %dma_start3A_130 = tpu.memref_slice %arg7[%add3A_116, %dma_start3A_129] : memref<10008x128xf32, #tpu.memory_space<vmem_shared>> -> memref<88x128xf32, #tpu.memory_space<vmem_shared>>
          tpu.enqueue_dma source(%arg5 : memref<88x128xf32, #tpu.memory_space<hbm>>) target(%dma_start3A_130 : memref<88x128xf32, #tpu.memory_space<vmem_shared>>) target_semaphore(%run_scoped3A : memref<!tpu.dma_semaphore, #tpu.memory_space<semaphore_mem>>)
          %dma_wait3A_131 = arith.constant 0 : i32
          %dma_wait3A_132 = tpu.memref_slice %arg7[%add3A_116, %dma_wait3A_131] : memref<10008x128xf32, #tpu.memory_space<vmem_shared>> -> memref<88x128xf32, #tpu.memory_space<vmem_shared>>
          tpu.wait_dma2 semaphore(%run_scoped3A : memref<!tpu.dma_semaphore, #tpu.memory_space<semaphore_mem>>) src(%arg5 : memref<88x128xf32, #tpu.memory_space<hbm>>) dst(%dma_wait3A_132 : memref<88x128xf32, #tpu.memory_space<vmem_shared>>)
          tpu.yield
        }) : () -> ()
        %add3A_117 = arith.constant 176 : i32
        %add3A_118 = arith.addi %multiple_of3A, %add3A_117 : i32
        "tpu.region"() ({
          %run_scoped3A = tpu.sem_alloc : memref<!tpu.dma_semaphore, #tpu.memory_space<semaphore_mem>>
          %dma_start3A_129 = arith.constant 0 : i32
          %dma_start3A_130 = tpu.memref_slice %arg7[%add3A_118, %dma_start3A_129] : memref<10008x128xf32, #tpu.memory_space<vmem_shared>> -> memref<88x128xf32, #tpu.memory_space<vmem_shared>>
          tpu.enqueue_dma source(%arg5 : memref<88x128xf32, #tpu.memory_space<hbm>>) target(%dma_start3A_130 : memref<88x128xf32, #tpu.memory_space<vmem_shared>>) target_semaphore(%run_scoped3A : memref<!tpu.dma_semaphore, #tpu.memory_space<semaphore_mem>>)
          %dma_wait3A_131 = arith.constant 0 : i32
          %dma_wait3A_132 = tpu.memref_slice %arg7[%add3A_118, %dma_wait3A_131] : memref<10008x128xf32, #tpu.memory_space<vmem_shared>> -> memref<88x128xf32, #tpu.memory_space<vmem_shared>>
          tpu.wait_dma2 semaphore(%run_scoped3A : memref<!tpu.dma_semaphore, #tpu.memory_space<semaphore_mem>>) src(%arg5 : memref<88x128xf32, #tpu.memory_space<hbm>>) dst(%dma_wait3A_132 : memref<88x128xf32, #tpu.memory_space<vmem_shared>>)
          tpu.yield
        }) : () -> ()
        %add3A_119 = arith.constant 264 : i32
        %add3A_120 = arith.addi %multiple_of3A, %add3A_119 : i32
        "tpu.region"() ({
          %run_scoped3A = tpu.sem_alloc : memref<!tpu.dma_semaphore, #tpu.memory_space<semaphore_mem>>
          %dma_start3A_129 = arith.constant 0 : i32
          %dma_start3A_130 = tpu.memref_slice %arg7[%add3A_120, %dma_start3A_129] : memref<10008x128xf32, #tpu.memory_space<vmem_shared>> -> memref<88x128xf32, #tpu.memory_space<vmem_shared>>
          tpu.enqueue_dma source(%arg5 : memref<88x128xf32, #tpu.memory_space<hbm>>) target(%dma_start3A_130 : memref<88x128xf32, #tpu.memory_space<vmem_shared>>) target_semaphore(%run_scoped3A : memref<!tpu.dma_semaphore, #tpu.memory_space<semaphore_mem>>)
          %dma_wait3A_131 = arith.constant 0 : i32
          %dma_wait3A_132 = tpu.memref_slice %arg7[%add3A_120, %dma_wait3A_131] : memref<10008x128xf32, #tpu.memory_space<vmem_shared>> -> memref<88x128xf32, #tpu.memory_space<vmem_shared>>
          tpu.wait_dma2 semaphore(%run_scoped3A : memref<!tpu.dma_semaphore, #tpu.memory_space<semaphore_mem>>) src(%arg5 : memref<88x128xf32, #tpu.memory_space<hbm>>) dst(%dma_wait3A_132 : memref<88x128xf32, #tpu.memory_space<vmem_shared>>)
          tpu.yield
        }) : () -> ()
        %add3A_121 = arith.constant 352 : i32
        %add3A_122 = arith.addi %multiple_of3A, %add3A_121 : i32
        "tpu.region"() ({
          %run_scoped3A = tpu.sem_alloc : memref<!tpu.dma_semaphore, #tpu.memory_space<semaphore_mem>>
          %dma_start3A_129 = arith.constant 0 : i32
          %dma_start3A_130 = tpu.memref_slice %arg7[%add3A_122, %dma_start3A_129] : memref<10008x128xf32, #tpu.memory_space<vmem_shared>> -> memref<88x128xf32, #tpu.memory_space<vmem_shared>>
          tpu.enqueue_dma source(%arg5 : memref<88x128xf32, #tpu.memory_space<hbm>>) target(%dma_start3A_130 : memref<88x128xf32, #tpu.memory_space<vmem_shared>>) target_semaphore(%run_scoped3A : memref<!tpu.dma_semaphore, #tpu.memory_space<semaphore_mem>>)
          %dma_wait3A_131 = arith.constant 0 : i32
          %dma_wait3A_132 = tpu.memref_slice %arg7[%add3A_122, %dma_wait3A_131] : memref<10008x128xf32, #tpu.memory_space<vmem_shared>> -> memref<88x128xf32, #tpu.memory_space<vmem_shared>>
          tpu.wait_dma2 semaphore(%run_scoped3A : memref<!tpu.dma_semaphore, #tpu.memory_space<semaphore_mem>>) src(%arg5 : memref<88x128xf32, #tpu.memory_space<hbm>>) dst(%dma_wait3A_132 : memref<88x128xf32, #tpu.memory_space<vmem_shared>>)
          tpu.yield
        }) : () -> ()
        %add3A_123 = arith.constant 440 : i32
        %add3A_124 = arith.addi %multiple_of3A, %add3A_123 : i32
        "tpu.region"() ({
          %run_scoped3A = tpu.sem_alloc : memref<!tpu.dma_semaphore, #tpu.memory_space<semaphore_mem>>
          %dma_start3A_129 = arith.constant 0 : i32
          %dma_start3A_130 = tpu.memref_slice %arg7[%add3A_124, %dma_start3A_129] : memref<10008x128xf32, #tpu.memory_space<vmem_shared>> -> memref<88x128xf32, #tpu.memory_space<vmem_shared>>
          tpu.enqueue_dma source(%arg5 : memref<88x128xf32, #tpu.memory_space<hbm>>) target(%dma_start3A_130 : memref<88x128xf32, #tpu.memory_space<vmem_shared>>) target_semaphore(%run_scoped3A : memref<!tpu.dma_semaphore, #tpu.memory_space<semaphore_mem>>)
          %dma_wait3A_131 = arith.constant 0 : i32
          %dma_wait3A_132 = tpu.memref_slice %arg7[%add3A_124, %dma_wait3A_131] : memref<10008x128xf32, #tpu.memory_space<vmem_shared>> -> memref<88x128xf32, #tpu.memory_space<vmem_shared>>
          tpu.wait_dma2 semaphore(%run_scoped3A : memref<!tpu.dma_semaphore, #tpu.memory_space<semaphore_mem>>) src(%arg5 : memref<88x128xf32, #tpu.memory_space<hbm>>) dst(%dma_wait3A_132 : memref<88x128xf32, #tpu.memory_space<vmem_shared>>)
          tpu.yield
        }) : () -> ()
        %add3A_125 = arith.constant 528 : i32
        %add3A_126 = arith.addi %multiple_of3A, %add3A_125 : i32
        "tpu.region"() ({
          %run_scoped3A = tpu.sem_alloc : memref<!tpu.dma_semaphore, #tpu.memory_space<semaphore_mem>>
          %dma_start3A_129 = arith.constant 0 : i32
          %dma_start3A_130 = tpu.memref_slice %arg7[%add3A_126, %dma_start3A_129] : memref<10008x128xf32, #tpu.memory_space<vmem_shared>> -> memref<88x128xf32, #tpu.memory_space<vmem_shared>>
          tpu.enqueue_dma source(%arg5 : memref<88x128xf32, #tpu.memory_space<hbm>>) target(%dma_start3A_130 : memref<88x128xf32, #tpu.memory_space<vmem_shared>>) target_semaphore(%run_scoped3A : memref<!tpu.dma_semaphore, #tpu.memory_space<semaphore_mem>>)
          %dma_wait3A_131 = arith.constant 0 : i32
          %dma_wait3A_132 = tpu.memref_slice %arg7[%add3A_126, %dma_wait3A_131] : memref<10008x128xf32, #tpu.memory_space<vmem_shared>> -> memref<88x128xf32, #tpu.memory_space<vmem_shared>>
          tpu.wait_dma2 semaphore(%run_scoped3A : memref<!tpu.dma_semaphore, #tpu.memory_space<semaphore_mem>>) src(%arg5 : memref<88x128xf32, #tpu.memory_space<hbm>>) dst(%dma_wait3A_132 : memref<88x128xf32, #tpu.memory_space<vmem_shared>>)
          tpu.yield
        }) : () -> ()
        %add3A_127 = arith.constant 616 : i32
        %add3A_128 = arith.addi %multiple_of3A, %add3A_127 : i32
        "tpu.region"() ({
          %run_scoped3A = tpu.sem_alloc : memref<!tpu.dma_semaphore, #tpu.memory_space<semaphore_mem>>
          %dma_start3A_129 = arith.constant 0 : i32
          %dma_start3A_130 = tpu.memref_slice %arg7[%add3A_128, %dma_start3A_129] : memref<10008x128xf32, #tpu.memory_space<vmem_shared>> -> memref<16x128xf32, #tpu.memory_space<vmem_shared>>
          %dma_start3A_131 = arith.constant 0 : i32
          %dma_start3A_132 = arith.constant 0 : i32
          %dma_start3A_133 = tpu.memref_slice %arg5[%dma_start3A_131, %dma_start3A_132] : memref<88x128xf32, #tpu.memory_space<hbm>> -> memref<16x128xf32, #tpu.memory_space<hbm>>
          tpu.enqueue_dma source(%dma_start3A_133 : memref<16x128xf32, #tpu.memory_space<hbm>>) target(%dma_start3A_130 : memref<16x128xf32, #tpu.memory_space<vmem_shared>>) target_semaphore(%run_scoped3A : memref<!tpu.dma_semaphore, #tpu.memory_space<semaphore_mem>>)
          %dma_wait3A_134 = arith.constant 0 : i32
          %dma_wait3A_135 = tpu.memref_slice %arg7[%add3A_128, %dma_wait3A_134] : memref<10008x128xf32, #tpu.memory_space<vmem_shared>> -> memref<16x128xf32, #tpu.memory_space<vmem_shared>>
          %dma_wait3A_136 = arith.constant 0 : i32
          %dma_wait3A_137 = arith.constant 0 : i32
          %dma_wait3A_138 = tpu.memref_slice %arg5[%dma_wait3A_136, %dma_wait3A_137] : memref<88x128xf32, #tpu.memory_space<hbm>> -> memref<16x128xf32, #tpu.memory_space<hbm>>
          tpu.wait_dma2 semaphore(%run_scoped3A : memref<!tpu.dma_semaphore, #tpu.memory_space<semaphore_mem>>) src(%dma_wait3A_138 : memref<16x128xf32, #tpu.memory_space<hbm>>) dst(%dma_wait3A_135 : memref<16x128xf32, #tpu.memory_space<vmem_shared>>)
          tpu.yield
        }) : () -> ()
      } else {
      }
      %eq3A_84 = arith.constant 15 : i32
      %eq3A_85 = arith.cmpi eq, %arg1, %eq3A_84 : i32
      %convert_element_type3A_86 = arith.extui %eq3A_85 : i1 to i32
      %cond3A_87 = arith.constant 0 : i32
      %cond3A_88 = arith.cmpi ne, %convert_element_type3A_86, %cond3A_87 : i32
      scf.if %cond3A_88 {
        "tpu.region"() ({
          %run_scoped3A = tpu.sem_alloc : memref<!tpu.dma_semaphore, #tpu.memory_space<semaphore_mem>>
          %dma_start3A_112 = arith.constant 9480 : i32
          %dma_start3A_113 = arith.constant 0 : i32
          %dma_start3A_114 = tpu.memref_slice %arg7[%dma_start3A_112, %dma_start3A_113] : memref<10008x128xf32, #tpu.memory_space<vmem_shared>> -> memref<88x128xf32, #tpu.memory_space<vmem_shared>>
          tpu.enqueue_dma source(%arg5 : memref<88x128xf32, #tpu.memory_space<hbm>>) target(%dma_start3A_114 : memref<88x128xf32, #tpu.memory_space<vmem_shared>>) target_semaphore(%run_scoped3A : memref<!tpu.dma_semaphore, #tpu.memory_space<semaphore_mem>>)
          %dma_wait3A_115 = arith.constant 9480 : i32
          %dma_wait3A_116 = arith.constant 0 : i32
          %dma_wait3A_117 = tpu.memref_slice %arg7[%dma_wait3A_115, %dma_wait3A_116] : memref<10008x128xf32, #tpu.memory_space<vmem_shared>> -> memref<88x128xf32, #tpu.memory_space<vmem_shared>>
          tpu.wait_dma2 semaphore(%run_scoped3A : memref<!tpu.dma_semaphore, #tpu.memory_space<semaphore_mem>>) src(%arg5 : memref<88x128xf32, #tpu.memory_space<hbm>>) dst(%dma_wait3A_117 : memref<88x128xf32, #tpu.memory_space<vmem_shared>>)
          tpu.yield
        }) : () -> ()
        "tpu.region"() ({
          %run_scoped3A = tpu.sem_alloc : memref<!tpu.dma_semaphore, #tpu.memory_space<semaphore_mem>>
          %dma_start3A_112 = arith.constant 9568 : i32
          %dma_start3A_113 = arith.constant 0 : i32
          %dma_start3A_114 = tpu.memref_slice %arg7[%dma_start3A_112, %dma_start3A_113] : memref<10008x128xf32, #tpu.memory_space<vmem_shared>> -> memref<88x128xf32, #tpu.memory_space<vmem_shared>>
          tpu.enqueue_dma source(%arg5 : memref<88x128xf32, #tpu.memory_space<hbm>>) target(%dma_start3A_114 : memref<88x128xf32, #tpu.memory_space<vmem_shared>>) target_semaphore(%run_scoped3A : memref<!tpu.dma_semaphore, #tpu.memory_space<semaphore_mem>>)
          %dma_wait3A_115 = arith.constant 9568 : i32
          %dma_wait3A_116 = arith.constant 0 : i32
          %dma_wait3A_117 = tpu.memref_slice %arg7[%dma_wait3A_115, %dma_wait3A_116] : memref<10008x128xf32, #tpu.memory_space<vmem_shared>> -> memref<88x128xf32, #tpu.memory_space<vmem_shared>>
          tpu.wait_dma2 semaphore(%run_scoped3A : memref<!tpu.dma_semaphore, #tpu.memory_space<semaphore_mem>>) src(%arg5 : memref<88x128xf32, #tpu.memory_space<hbm>>) dst(%dma_wait3A_117 : memref<88x128xf32, #tpu.memory_space<vmem_shared>>)
          tpu.yield
        }) : () -> ()
        "tpu.region"() ({
          %run_scoped3A = tpu.sem_alloc : memref<!tpu.dma_semaphore, #tpu.memory_space<semaphore_mem>>
          %dma_start3A_112 = arith.constant 9656 : i32
          %dma_start3A_113 = arith.constant 0 : i32
          %dma_start3A_114 = tpu.memref_slice %arg7[%dma_start3A_112, %dma_start3A_113] : memref<10008x128xf32, #tpu.memory_space<vmem_shared>> -> memref<88x128xf32, #tpu.memory_space<vmem_shared>>
          tpu.enqueue_dma source(%arg5 : memref<88x128xf32, #tpu.memory_space<hbm>>) target(%dma_start3A_114 : memref<88x128xf32, #tpu.memory_space<vmem_shared>>) target_semaphore(%run_scoped3A : memref<!tpu.dma_semaphore, #tpu.memory_space<semaphore_mem>>)
          %dma_wait3A_115 = arith.constant 9656 : i32
          %dma_wait3A_116 = arith.constant 0 : i32
          %dma_wait3A_117 = tpu.memref_slice %arg7[%dma_wait3A_115, %dma_wait3A_116] : memref<10008x128xf32, #tpu.memory_space<vmem_shared>> -> memref<88x128xf32, #tpu.memory_space<vmem_shared>>
          tpu.wait_dma2 semaphore(%run_scoped3A : memref<!tpu.dma_semaphore, #tpu.memory_space<semaphore_mem>>) src(%arg5 : memref<88x128xf32, #tpu.memory_space<hbm>>) dst(%dma_wait3A_117 : memref<88x128xf32, #tpu.memory_space<vmem_shared>>)
          tpu.yield
        }) : () -> ()
        "tpu.region"() ({
          %run_scoped3A = tpu.sem_alloc : memref<!tpu.dma_semaphore, #tpu.memory_space<semaphore_mem>>
          %dma_start3A_112 = arith.constant 9744 : i32
          %dma_start3A_113 = arith.constant 0 : i32
          %dma_start3A_114 = tpu.memref_slice %arg7[%dma_start3A_112, %dma_start3A_113] : memref<10008x128xf32, #tpu.memory_space<vmem_shared>> -> memref<88x128xf32, #tpu.memory_space<vmem_shared>>
          tpu.enqueue_dma source(%arg5 : memref<88x128xf32, #tpu.memory_space<hbm>>) target(%dma_start3A_114 : memref<88x128xf32, #tpu.memory_space<vmem_shared>>) target_semaphore(%run_scoped3A : memref<!tpu.dma_semaphore, #tpu.memory_space<semaphore_mem>>)
          %dma_wait3A_115 = arith.constant 9744 : i32
          %dma_wait3A_116 = arith.constant 0 : i32
          %dma_wait3A_117 = tpu.memref_slice %arg7[%dma_wait3A_115, %dma_wait3A_116] : memref<10008x128xf32, #tpu.memory_space<vmem_shared>> -> memref<88x128xf32, #tpu.memory_space<vmem_shared>>
          tpu.wait_dma2 semaphore(%run_scoped3A : memref<!tpu.dma_semaphore, #tpu.memory_space<semaphore_mem>>) src(%arg5 : memref<88x128xf32, #tpu.memory_space<hbm>>) dst(%dma_wait3A_117 : memref<88x128xf32, #tpu.memory_space<vmem_shared>>)
          tpu.yield
        }) : () -> ()
        "tpu.region"() ({
          %run_scoped3A = tpu.sem_alloc : memref<!tpu.dma_semaphore, #tpu.memory_space<semaphore_mem>>
          %dma_start3A_112 = arith.constant 9832 : i32
          %dma_start3A_113 = arith.constant 0 : i32
          %dma_start3A_114 = tpu.memref_slice %arg7[%dma_start3A_112, %dma_start3A_113] : memref<10008x128xf32, #tpu.memory_space<vmem_shared>> -> memref<88x128xf32, #tpu.memory_space<vmem_shared>>
          tpu.enqueue_dma source(%arg5 : memref<88x128xf32, #tpu.memory_space<hbm>>) target(%dma_start3A_114 : memref<88x128xf32, #tpu.memory_space<vmem_shared>>) target_semaphore(%run_scoped3A : memref<!tpu.dma_semaphore, #tpu.memory_space<semaphore_mem>>)
          %dma_wait3A_115 = arith.constant 9832 : i32
          %dma_wait3A_116 = arith.constant 0 : i32
          %dma_wait3A_117 = tpu.memref_slice %arg7[%dma_wait3A_115, %dma_wait3A_116] : memref<10008x128xf32, #tpu.memory_space<vmem_shared>> -> memref<88x128xf32, #tpu.memory_space<vmem_shared>>
          tpu.wait_dma2 semaphore(%run_scoped3A : memref<!tpu.dma_semaphore, #tpu.memory_space<semaphore_mem>>) src(%arg5 : memref<88x128xf32, #tpu.memory_space<hbm>>) dst(%dma_wait3A_117 : memref<88x128xf32, #tpu.memory_space<vmem_shared>>)
          tpu.yield
        }) : () -> ()
        "tpu.region"() ({
          %run_scoped3A = tpu.sem_alloc : memref<!tpu.dma_semaphore, #tpu.memory_space<semaphore_mem>>
          %dma_start3A_112 = arith.constant 9920 : i32
          %dma_start3A_113 = arith.constant 0 : i32
          %dma_start3A_114 = tpu.memref_slice %arg7[%dma_start3A_112, %dma_start3A_113] : memref<10008x128xf32, #tpu.memory_space<vmem_shared>> -> memref<88x128xf32, #tpu.memory_space<vmem_shared>>
          tpu.enqueue_dma source(%arg5 : memref<88x128xf32, #tpu.memory_space<hbm>>) target(%dma_start3A_114 : memref<88x128xf32, #tpu.memory_space<vmem_shared>>) target_semaphore(%run_scoped3A : memref<!tpu.dma_semaphore, #tpu.memory_space<semaphore_mem>>)
          %dma_wait3A_115 = arith.constant 9920 : i32
          %dma_wait3A_116 = arith.constant 0 : i32
          %dma_wait3A_117 = tpu.memref_slice %arg7[%dma_wait3A_115, %dma_wait3A_116] : memref<10008x128xf32, #tpu.memory_space<vmem_shared>> -> memref<88x128xf32, #tpu.memory_space<vmem_shared>>
          tpu.wait_dma2 semaphore(%run_scoped3A : memref<!tpu.dma_semaphore, #tpu.memory_space<semaphore_mem>>) src(%arg5 : memref<88x128xf32, #tpu.memory_space<hbm>>) dst(%dma_wait3A_117 : memref<88x128xf32, #tpu.memory_space<vmem_shared>>)
          tpu.yield
        }) : () -> ()
      } else {
      }
      %barrier3A = arith.constant 0 : index
      tpu.barrier barrier_id(%barrier3A)
      %scan3A_89 = arith.constant 0 : i32
      %scan3A_90 = arith.constant 38 : i32
      %scan3A_91 = arith.addi %scan3A_89, %scan3A_90 : i32
      %scan3A_92 = arith.constant 1 : i32
      scf.for %scan3A_112 = %scan3A_89 to %scan3A_91 step %scan3A_92  : i32 {
        %mul3A_113 = arith.constant 3 : i32
        %mul3A_114 = arith.muli %scan3A_112, %mul3A_113 : i32
        %add3A = arith.constant 0 : i32
        %add3A_115 = arith.addi %mul3A_114, %add3A : i32
        %dma_wait3A_116 = arith.constant 0 : i32
        %dma_wait3A_117 = tpu.memref_slice %arg8[%add3A_115, %dma_wait3A_116] : memref<114x88xi32, #tpu.memory_space<vmem>> -> memref<1x88xi32, #tpu.memory_space<vmem>>
        %dma_wait3A_118 = tpu.memref_squeeze %dma_wait3A_117 : memref<1x88xi32, #tpu.memory_space<vmem>> -> memref<88xi32, #tpu.memory_space<vmem>>
        %dma_wait3A_119 = arith.constant 0 : i32
        %dma_wait3A_120 = arith.constant 0 : i32
        %dma_wait3A_121 = tpu.memref_slice %arg2[%dma_wait3A_119, %dma_wait3A_120] : memref<240000x128xf32, #tpu.memory_space<hbm>> -> memref<240000x128xf32, #tpu.memory_space<hbm>>
        tpu.wait_indirect_dma semaphore(%arg13 : memref<!tpu.dma_semaphore, #tpu.memory_space<semaphore_mem>>) src(%dma_wait3A_121 : memref<240000x128xf32, #tpu.memory_space<hbm>>) dst(%arg10 : memref<88x128xf32, #tpu.memory_space<vmem>>)
        %dma_wait3A_122 = arith.constant 0 : i32
        %dma_wait3A_123 = arith.constant 0 : i32
        %dma_wait3A_124 = tpu.memref_slice %arg9[%dma_wait3A_122, %dma_wait3A_123] : memref<3x88xi32, #tpu.memory_space<vmem>> -> memref<1x88xi32, #tpu.memory_space<vmem>>
        %dma_wait3A_125 = tpu.memref_squeeze %dma_wait3A_124 : memref<1x88xi32, #tpu.memory_space<vmem>> -> memref<88xi32, #tpu.memory_space<vmem>>
        %dma_wait3A_126 = arith.constant 0 : i32
        %dma_wait3A_127 = tpu.memref_slice %arg4[%arg1, %add3A_115, %dma_wait3A_126] : memref<16x114x88xi32, #tpu.memory_space<hbm>> -> memref<1x1x88xi32, #tpu.memory_space<hbm>>
        %dma_wait3A_128 = tpu.memref_squeeze %dma_wait3A_127 : memref<1x1x88xi32, #tpu.memory_space<hbm>> -> memref<88xi32, #tpu.memory_space<hbm>>
        %dma_wait3A_129 = arith.constant 0 : i32
        %dma_wait3A_130 = tpu.memref_slice %arg9[%dma_wait3A_122, %dma_wait3A_129] : memref<3x88xi32, #tpu.memory_space<vmem>> -> memref<1x88xi32, #tpu.memory_space<vmem>>
        %dma_wait3A_131 = tpu.memref_squeeze %dma_wait3A_130 : memref<1x88xi32, #tpu.memory_space<vmem>> -> memref<88xi32, #tpu.memory_space<vmem>>
        %dma_wait3A_132 = arith.constant 0 : i32
        %dma_wait3A_133 = tpu.memref_slice %arg4[%arg1, %add3A_115, %dma_wait3A_132] : memref<16x114x88xi32, #tpu.memory_space<hbm>> -> memref<1x1x88xi32, #tpu.memory_space<hbm>>
        %dma_wait3A_134 = tpu.memref_squeeze %dma_wait3A_133 : memref<1x1x88xi32, #tpu.memory_space<hbm>> -> memref<88xi32, #tpu.memory_space<hbm>>
        tpu.wait_dma2 semaphore(%arg19 : memref<!tpu.dma_semaphore, #tpu.memory_space<semaphore_mem>>) src(%dma_wait3A_134 : memref<88xi32, #tpu.memory_space<hbm>>) dst(%dma_wait3A_131 : memref<88xi32, #tpu.memory_space<vmem>>)
        %dma_start3A_135 = arith.constant 0 : i32
        %dma_start3A_136 = arith.constant 0 : i32
        %dma_start3A_137 = tpu.memref_slice %arg9[%dma_start3A_135, %dma_start3A_136] : memref<3x88xi32, #tpu.memory_space<vmem>> -> memref<1x88xi32, #tpu.memory_space<vmem>>
        %dma_start3A_138 = tpu.memref_squeeze %dma_start3A_137 : memref<1x88xi32, #tpu.memory_space<vmem>> -> memref<88xi32, #tpu.memory_space<vmem>>
        %dma_start3A_139 = arith.constant 0 : i32
        %dma_start3A_140 = arith.constant 0 : i32
        %dma_start3A_141 = tpu.memref_slice %arg7[%dma_start3A_139, %dma_start3A_140] : memref<10008x128xf32, #tpu.memory_space<vmem_shared>> -> memref<10008x128xf32, #tpu.memory_space<vmem_shared>>
        tpu.enqueue_indirect_dma source(%arg10 : memref<88x128xf32, #tpu.memory_space<vmem>>) target(%dma_start3A_141 : memref<10008x128xf32, #tpu.memory_space<vmem_shared>>) offsets(%dma_start3A_138 : memref<88xi32, #tpu.memory_space<vmem>>) semaphore(%arg16 : memref<!tpu.dma_semaphore, #tpu.memory_space<semaphore_mem>>) {add = true}
        %ge3A = arith.constant 1 : i32
        %ge3A_142 = arith.cmpi sge, %add3A_115, %ge3A : i32
        %convert_element_type3A_143 = arith.extui %ge3A_142 : i1 to i32
        %cond3A_144 = arith.constant 0 : i32
        %cond3A_145 = arith.cmpi ne, %convert_element_type3A_143, %cond3A_144 : i32
        scf.if %cond3A_145 {
          %dma_wait3A_237 = arith.constant 2 : i32
          %dma_wait3A_238 = arith.constant 0 : i32
          %dma_wait3A_239 = tpu.memref_slice %arg9[%dma_wait3A_237, %dma_wait3A_238] : memref<3x88xi32, #tpu.memory_space<vmem>> -> memref<1x88xi32, #tpu.memory_space<vmem>>
          %dma_wait3A_240 = tpu.memref_squeeze %dma_wait3A_239 : memref<1x88xi32, #tpu.memory_space<vmem>> -> memref<88xi32, #tpu.memory_space<vmem>>
          %dma_wait3A_241 = arith.constant 0 : i32
          %dma_wait3A_242 = arith.constant 0 : i32
          %dma_wait3A_243 = tpu.memref_slice %arg7[%dma_wait3A_241, %dma_wait3A_242] : memref<10008x128xf32, #tpu.memory_space<vmem_shared>> -> memref<10008x128xf32, #tpu.memory_space<vmem_shared>>
          tpu.wait_indirect_dma semaphore(%arg18 : memref<!tpu.dma_semaphore, #tpu.memory_space<semaphore_mem>>) src(%arg12 : memref<88x128xf32, #tpu.memory_space<vmem>>) dst(%dma_wait3A_243 : memref<10008x128xf32, #tpu.memory_space<vmem_shared>>)
        } else {
        }
        %add3A_146 = arith.constant 2 : i32
        %add3A_147 = arith.addi %add3A_115, %add3A_146 : i32
        %lt3A_148 = arith.constant 114 : i32
        %lt3A_149 = arith.cmpi slt, %add3A_147, %lt3A_148 : i32
        %convert_element_type3A_150 = arith.extui %lt3A_149 : i1 to i32
        %cond3A_151 = arith.constant 0 : i32
        %cond3A_152 = arith.cmpi ne, %convert_element_type3A_150, %cond3A_151 : i32
        scf.if %cond3A_152 {
          %add3A_237 = arith.constant 2 : i32
          %add3A_238 = arith.addi %add3A_115, %add3A_237 : i32
          %dma_start3A_239 = arith.constant 2 : i32
          %dma_start3A_240 = arith.constant 0 : i32
          %dma_start3A_241 = tpu.memref_slice %arg9[%dma_start3A_239, %dma_start3A_240] : memref<3x88xi32, #tpu.memory_space<vmem>> -> memref<1x88xi32, #tpu.memory_space<vmem>>
          %dma_start3A_242 = tpu.memref_squeeze %dma_start3A_241 : memref<1x88xi32, #tpu.memory_space<vmem>> -> memref<88xi32, #tpu.memory_space<vmem>>
          %dma_start3A_243 = arith.constant 0 : i32
          %dma_start3A_244 = tpu.memref_slice %arg4[%arg1, %add3A_238, %dma_start3A_243] : memref<16x114x88xi32, #tpu.memory_space<hbm>> -> memref<1x1x88xi32, #tpu.memory_space<hbm>>
          %dma_start3A_245 = tpu.memref_squeeze %dma_start3A_244 : memref<1x1x88xi32, #tpu.memory_space<hbm>> -> memref<88xi32, #tpu.memory_space<hbm>>
          %dma_start3A_246 = arith.constant 0 : i32
          %dma_start3A_247 = tpu.memref_slice %arg9[%dma_start3A_239, %dma_start3A_246] : memref<3x88xi32, #tpu.memory_space<vmem>> -> memref<1x88xi32, #tpu.memory_space<vmem>>
          %dma_start3A_248 = tpu.memref_squeeze %dma_start3A_247 : memref<1x88xi32, #tpu.memory_space<vmem>> -> memref<88xi32, #tpu.memory_space<vmem>>
          %dma_start3A_249 = arith.constant 0 : i32
          %dma_start3A_250 = tpu.memref_slice %arg4[%arg1, %add3A_238, %dma_start3A_249] : memref<16x114x88xi32, #tpu.memory_space<hbm>> -> memref<1x1x88xi32, #tpu.memory_space<hbm>>
          %dma_start3A_251 = tpu.memref_squeeze %dma_start3A_250 : memref<1x1x88xi32, #tpu.memory_space<hbm>> -> memref<88xi32, #tpu.memory_space<hbm>>
          tpu.enqueue_dma source(%dma_start3A_251 : memref<88xi32, #tpu.memory_space<hbm>>) target(%dma_start3A_248 : memref<88xi32, #tpu.memory_space<vmem>>) target_semaphore(%arg21 : memref<!tpu.dma_semaphore, #tpu.memory_space<semaphore_mem>>)
          %add3A_252 = arith.constant 2 : i32
          %add3A_253 = arith.addi %add3A_115, %add3A_252 : i32
          %dma_start3A_254 = arith.constant 0 : i32
          %dma_start3A_255 = tpu.memref_slice %arg8[%add3A_253, %dma_start3A_254] : memref<114x88xi32, #tpu.memory_space<vmem>> -> memref<1x88xi32, #tpu.memory_space<vmem>>
          %dma_start3A_256 = tpu.memref_squeeze %dma_start3A_255 : memref<1x88xi32, #tpu.memory_space<vmem>> -> memref<88xi32, #tpu.memory_space<vmem>>
          %dma_start3A_257 = arith.constant 0 : i32
          %dma_start3A_258 = arith.constant 0 : i32
          %dma_start3A_259 = tpu.memref_slice %arg2[%dma_start3A_257, %dma_start3A_258] : memref<240000x128xf32, #tpu.memory_space<hbm>> -> memref<240000x128xf32, #tpu.memory_space<hbm>>
          tpu.enqueue_indirect_dma source(%dma_start3A_259 : memref<240000x128xf32, #tpu.memory_space<hbm>>) target(%arg12 : memref<88x128xf32, #tpu.memory_space<vmem>>) offsets(%dma_start3A_256 : memref<88xi32, #tpu.memory_space<vmem>>) semaphore(%arg15 : memref<!tpu.dma_semaphore, #tpu.memory_space<semaphore_mem>>)
        } else {
        }
        %mul3A_153 = arith.constant 3 : i32
        %mul3A_154 = arith.muli %scan3A_112, %mul3A_153 : i32
        %add3A_155 = arith.constant 1 : i32
        %add3A_156 = arith.addi %mul3A_154, %add3A_155 : i32
        %dma_wait3A_157 = arith.constant 0 : i32
        %dma_wait3A_158 = tpu.memref_slice %arg8[%add3A_156, %dma_wait3A_157] : memref<114x88xi32, #tpu.memory_space<vmem>> -> memref<1x88xi32, #tpu.memory_space<vmem>>
        %dma_wait3A_159 = tpu.memref_squeeze %dma_wait3A_158 : memref<1x88xi32, #tpu.memory_space<vmem>> -> memref<88xi32, #tpu.memory_space<vmem>>
        %dma_wait3A_160 = arith.constant 0 : i32
        %dma_wait3A_161 = arith.constant 0 : i32
        %dma_wait3A_162 = tpu.memref_slice %arg2[%dma_wait3A_160, %dma_wait3A_161] : memref<240000x128xf32, #tpu.memory_space<hbm>> -> memref<240000x128xf32, #tpu.memory_space<hbm>>
        tpu.wait_indirect_dma semaphore(%arg14 : memref<!tpu.dma_semaphore, #tpu.memory_space<semaphore_mem>>) src(%dma_wait3A_162 : memref<240000x128xf32, #tpu.memory_space<hbm>>) dst(%arg11 : memref<88x128xf32, #tpu.memory_space<vmem>>)
        %dma_wait3A_163 = arith.constant 1 : i32
        %dma_wait3A_164 = arith.constant 0 : i32
        %dma_wait3A_165 = tpu.memref_slice %arg9[%dma_wait3A_163, %dma_wait3A_164] : memref<3x88xi32, #tpu.memory_space<vmem>> -> memref<1x88xi32, #tpu.memory_space<vmem>>
        %dma_wait3A_166 = tpu.memref_squeeze %dma_wait3A_165 : memref<1x88xi32, #tpu.memory_space<vmem>> -> memref<88xi32, #tpu.memory_space<vmem>>
        %dma_wait3A_167 = arith.constant 0 : i32
        %dma_wait3A_168 = tpu.memref_slice %arg4[%arg1, %add3A_156, %dma_wait3A_167] : memref<16x114x88xi32, #tpu.memory_space<hbm>> -> memref<1x1x88xi32, #tpu.memory_space<hbm>>
        %dma_wait3A_169 = tpu.memref_squeeze %dma_wait3A_168 : memref<1x1x88xi32, #tpu.memory_space<hbm>> -> memref<88xi32, #tpu.memory_space<hbm>>
        %dma_wait3A_170 = arith.constant 0 : i32
        %dma_wait3A_171 = tpu.memref_slice %arg9[%dma_wait3A_163, %dma_wait3A_170] : memref<3x88xi32, #tpu.memory_space<vmem>> -> memref<1x88xi32, #tpu.memory_space<vmem>>
        %dma_wait3A_172 = tpu.memref_squeeze %dma_wait3A_171 : memref<1x88xi32, #tpu.memory_space<vmem>> -> memref<88xi32, #tpu.memory_space<vmem>>
        %dma_wait3A_173 = arith.constant 0 : i32
        %dma_wait3A_174 = tpu.memref_slice %arg4[%arg1, %add3A_156, %dma_wait3A_173] : memref<16x114x88xi32, #tpu.memory_space<hbm>> -> memref<1x1x88xi32, #tpu.memory_space<hbm>>
        %dma_wait3A_175 = tpu.memref_squeeze %dma_wait3A_174 : memref<1x1x88xi32, #tpu.memory_space<hbm>> -> memref<88xi32, #tpu.memory_space<hbm>>
        tpu.wait_dma2 semaphore(%arg20 : memref<!tpu.dma_semaphore, #tpu.memory_space<semaphore_mem>>) src(%dma_wait3A_175 : memref<88xi32, #tpu.memory_space<hbm>>) dst(%dma_wait3A_172 : memref<88xi32, #tpu.memory_space<vmem>>)
        %dma_start3A_176 = arith.constant 1 : i32
        %dma_start3A_177 = arith.constant 0 : i32
        %dma_start3A_178 = tpu.memref_slice %arg9[%dma_start3A_176, %dma_start3A_177] : memref<3x88xi32, #tpu.memory_space<vmem>> -> memref<1x88xi32, #tpu.memory_space<vmem>>
        %dma_start3A_179 = tpu.memref_squeeze %dma_start3A_178 : memref<1x88xi32, #tpu.memory_space<vmem>> -> memref<88xi32, #tpu.memory_space<vmem>>
        %dma_start3A_180 = arith.constant 0 : i32
        %dma_start3A_181 = arith.constant 0 : i32
        %dma_start3A_182 = tpu.memref_slice %arg7[%dma_start3A_180, %dma_start3A_181] : memref<10008x128xf32, #tpu.memory_space<vmem_shared>> -> memref<10008x128xf32, #tpu.memory_space<vmem_shared>>
        tpu.enqueue_indirect_dma source(%arg11 : memref<88x128xf32, #tpu.memory_space<vmem>>) target(%dma_start3A_182 : memref<10008x128xf32, #tpu.memory_space<vmem_shared>>) offsets(%dma_start3A_179 : memref<88xi32, #tpu.memory_space<vmem>>) semaphore(%arg17 : memref<!tpu.dma_semaphore, #tpu.memory_space<semaphore_mem>>) {add = true}
        %ge3A_183 = arith.constant 1 : i32
        %ge3A_184 = arith.cmpi sge, %add3A_156, %ge3A_183 : i32
        %convert_element_type3A_185 = arith.extui %ge3A_184 : i1 to i32
        %cond3A_186 = arith.constant 0 : i32
        %cond3A_187 = arith.cmpi ne, %convert_element_type3A_185, %cond3A_186 : i32
        scf.if %cond3A_187 {
          %dma_wait3A_237 = arith.constant 0 : i32
          %dma_wait3A_238 = arith.constant 0 : i32
          %dma_wait3A_239 = tpu.memref_slice %arg9[%dma_wait3A_237, %dma_wait3A_238] : memref<3x88xi32, #tpu.memory_space<vmem>> -> memref<1x88xi32, #tpu.memory_space<vmem>>
          %dma_wait3A_240 = tpu.memref_squeeze %dma_wait3A_239 : memref<1x88xi32, #tpu.memory_space<vmem>> -> memref<88xi32, #tpu.memory_space<vmem>>
          %dma_wait3A_241 = arith.constant 0 : i32
          %dma_wait3A_242 = arith.constant 0 : i32
          %dma_wait3A_243 = tpu.memref_slice %arg7[%dma_wait3A_241, %dma_wait3A_242] : memref<10008x128xf32, #tpu.memory_space<vmem_shared>> -> memref<10008x128xf32, #tpu.memory_space<vmem_shared>>
          tpu.wait_indirect_dma semaphore(%arg16 : memref<!tpu.dma_semaphore, #tpu.memory_space<semaphore_mem>>) src(%arg10 : memref<88x128xf32, #tpu.memory_space<vmem>>) dst(%dma_wait3A_243 : memref<10008x128xf32, #tpu.memory_space<vmem_shared>>)
        } else {
        }
        %add3A_188 = arith.constant 2 : i32
        %add3A_189 = arith.addi %add3A_156, %add3A_188 : i32
        %lt3A_190 = arith.constant 114 : i32
        %lt3A_191 = arith.cmpi slt, %add3A_189, %lt3A_190 : i32
        %convert_element_type3A_192 = arith.extui %lt3A_191 : i1 to i32
        %cond3A_193 = arith.constant 0 : i32
        %cond3A_194 = arith.cmpi ne, %convert_element_type3A_192, %cond3A_193 : i32
        scf.if %cond3A_194 {
          %add3A_237 = arith.constant 2 : i32
          %add3A_238 = arith.addi %add3A_156, %add3A_237 : i32
          %dma_start3A_239 = arith.constant 0 : i32
          %dma_start3A_240 = arith.constant 0 : i32
          %dma_start3A_241 = tpu.memref_slice %arg9[%dma_start3A_239, %dma_start3A_240] : memref<3x88xi32, #tpu.memory_space<vmem>> -> memref<1x88xi32, #tpu.memory_space<vmem>>
          %dma_start3A_242 = tpu.memref_squeeze %dma_start3A_241 : memref<1x88xi32, #tpu.memory_space<vmem>> -> memref<88xi32, #tpu.memory_space<vmem>>
          %dma_start3A_243 = arith.constant 0 : i32
          %dma_start3A_244 = tpu.memref_slice %arg4[%arg1, %add3A_238, %dma_start3A_243] : memref<16x114x88xi32, #tpu.memory_space<hbm>> -> memref<1x1x88xi32, #tpu.memory_space<hbm>>
          %dma_start3A_245 = tpu.memref_squeeze %dma_start3A_244 : memref<1x1x88xi32, #tpu.memory_space<hbm>> -> memref<88xi32, #tpu.memory_space<hbm>>
          %dma_start3A_246 = arith.constant 0 : i32
          %dma_start3A_247 = tpu.memref_slice %arg9[%dma_start3A_239, %dma_start3A_246] : memref<3x88xi32, #tpu.memory_space<vmem>> -> memref<1x88xi32, #tpu.memory_space<vmem>>
          %dma_start3A_248 = tpu.memref_squeeze %dma_start3A_247 : memref<1x88xi32, #tpu.memory_space<vmem>> -> memref<88xi32, #tpu.memory_space<vmem>>
          %dma_start3A_249 = arith.constant 0 : i32
          %dma_start3A_250 = tpu.memref_slice %arg4[%arg1, %add3A_238, %dma_start3A_249] : memref<16x114x88xi32, #tpu.memory_space<hbm>> -> memref<1x1x88xi32, #tpu.memory_space<hbm>>
          %dma_start3A_251 = tpu.memref_squeeze %dma_start3A_250 : memref<1x1x88xi32, #tpu.memory_space<hbm>> -> memref<88xi32, #tpu.memory_space<hbm>>
          tpu.enqueue_dma source(%dma_start3A_251 : memref<88xi32, #tpu.memory_space<hbm>>) target(%dma_start3A_248 : memref<88xi32, #tpu.memory_space<vmem>>) target_semaphore(%arg19 : memref<!tpu.dma_semaphore, #tpu.memory_space<semaphore_mem>>)
          %add3A_252 = arith.constant 2 : i32
          %add3A_253 = arith.addi %add3A_156, %add3A_252 : i32
          %dma_start3A_254 = arith.constant 0 : i32
          %dma_start3A_255 = tpu.memref_slice %arg8[%add3A_253, %dma_start3A_254] : memref<114x88xi32, #tpu.memory_space<vmem>> -> memref<1x88xi32, #tpu.memory_space<vmem>>
          %dma_start3A_256 = tpu.memref_squeeze %dma_start3A_255 : memref<1x88xi32, #tpu.memory_space<vmem>> -> memref<88xi32, #tpu.memory_space<vmem>>
          %dma_start3A_257 = arith.constant 0 : i32
          %dma_start3A_258 = arith.constant 0 : i32
          %dma_start3A_259 = tpu.memref_slice %arg2[%dma_start3A_257, %dma_start3A_258] : memref<240000x128xf32, #tpu.memory_space<hbm>> -> memref<240000x128xf32, #tpu.memory_space<hbm>>
          tpu.enqueue_indirect_dma source(%dma_start3A_259 : memref<240000x128xf32, #tpu.memory_space<hbm>>) target(%arg10 : memref<88x128xf32, #tpu.memory_space<vmem>>) offsets(%dma_start3A_256 : memref<88xi32, #tpu.memory_space<vmem>>) semaphore(%arg13 : memref<!tpu.dma_semaphore, #tpu.memory_space<semaphore_mem>>)
        } else {
        }
        %mul3A_195 = arith.constant 3 : i32
        %mul3A_196 = arith.muli %scan3A_112, %mul3A_195 : i32
        %add3A_197 = arith.constant 2 : i32
        %add3A_198 = arith.addi %mul3A_196, %add3A_197 : i32
        %dma_wait3A_199 = arith.constant 0 : i32
        %dma_wait3A_200 = tpu.memref_slice %arg8[%add3A_198, %dma_wait3A_199] : memref<114x88xi32, #tpu.memory_space<vmem>> -> memref<1x88xi32, #tpu.memory_space<vmem>>
        %dma_wait3A_201 = tpu.memref_squeeze %dma_wait3A_200 : memref<1x88xi32, #tpu.memory_space<vmem>> -> memref<88xi32, #tpu.memory_space<vmem>>
        %dma_wait3A_202 = arith.constant 0 : i32
        %dma_wait3A_203 = arith.constant 0 : i32
        %dma_wait3A_204 = tpu.memref_slice %arg2[%dma_wait3A_202, %dma_wait3A_203] : memref<240000x128xf32, #tpu.memory_space<hbm>> -> memref<240000x128xf32, #tpu.memory_space<hbm>>
        tpu.wait_indirect_dma semaphore(%arg15 : memref<!tpu.dma_semaphore, #tpu.memory_space<semaphore_mem>>) src(%dma_wait3A_204 : memref<240000x128xf32, #tpu.memory_space<hbm>>) dst(%arg12 : memref<88x128xf32, #tpu.memory_space<vmem>>)
        %dma_wait3A_205 = arith.constant 2 : i32
        %dma_wait3A_206 = arith.constant 0 : i32
        %dma_wait3A_207 = tpu.memref_slice %arg9[%dma_wait3A_205, %dma_wait3A_206] : memref<3x88xi32, #tpu.memory_space<vmem>> -> memref<1x88xi32, #tpu.memory_space<vmem>>
        %dma_wait3A_208 = tpu.memref_squeeze %dma_wait3A_207 : memref<1x88xi32, #tpu.memory_space<vmem>> -> memref<88xi32, #tpu.memory_space<vmem>>
        %dma_wait3A_209 = arith.constant 0 : i32
        %dma_wait3A_210 = tpu.memref_slice %arg4[%arg1, %add3A_198, %dma_wait3A_209] : memref<16x114x88xi32, #tpu.memory_space<hbm>> -> memref<1x1x88xi32, #tpu.memory_space<hbm>>
        %dma_wait3A_211 = tpu.memref_squeeze %dma_wait3A_210 : memref<1x1x88xi32, #tpu.memory_space<hbm>> -> memref<88xi32, #tpu.memory_space<hbm>>
        %dma_wait3A_212 = arith.constant 0 : i32
        %dma_wait3A_213 = tpu.memref_slice %arg9[%dma_wait3A_205, %dma_wait3A_212] : memref<3x88xi32, #tpu.memory_space<vmem>> -> memref<1x88xi32, #tpu.memory_space<vmem>>
        %dma_wait3A_214 = tpu.memref_squeeze %dma_wait3A_213 : memref<1x88xi32, #tpu.memory_space<vmem>> -> memref<88xi32, #tpu.memory_space<vmem>>
        %dma_wait3A_215 = arith.constant 0 : i32
        %dma_wait3A_216 = tpu.memref_slice %arg4[%arg1, %add3A_198, %dma_wait3A_215] : memref<16x114x88xi32, #tpu.memory_space<hbm>> -> memref<1x1x88xi32, #tpu.memory_space<hbm>>
        %dma_wait3A_217 = tpu.memref_squeeze %dma_wait3A_216 : memref<1x1x88xi32, #tpu.memory_space<hbm>> -> memref<88xi32, #tpu.memory_space<hbm>>
        tpu.wait_dma2 semaphore(%arg21 : memref<!tpu.dma_semaphore, #tpu.memory_space<semaphore_mem>>) src(%dma_wait3A_217 : memref<88xi32, #tpu.memory_space<hbm>>) dst(%dma_wait3A_214 : memref<88xi32, #tpu.memory_space<vmem>>)
        %dma_start3A_218 = arith.constant 2 : i32
        %dma_start3A_219 = arith.constant 0 : i32
        %dma_start3A_220 = tpu.memref_slice %arg9[%dma_start3A_218, %dma_start3A_219] : memref<3x88xi32, #tpu.memory_space<vmem>> -> memref<1x88xi32, #tpu.memory_space<vmem>>
        %dma_start3A_221 = tpu.memref_squeeze %dma_start3A_220 : memref<1x88xi32, #tpu.memory_space<vmem>> -> memref<88xi32, #tpu.memory_space<vmem>>
        %dma_start3A_222 = arith.constant 0 : i32
        %dma_start3A_223 = arith.constant 0 : i32
        %dma_start3A_224 = tpu.memref_slice %arg7[%dma_start3A_222, %dma_start3A_223] : memref<10008x128xf32, #tpu.memory_space<vmem_shared>> -> memref<10008x128xf32, #tpu.memory_space<vmem_shared>>
        tpu.enqueue_indirect_dma source(%arg12 : memref<88x128xf32, #tpu.memory_space<vmem>>) target(%dma_start3A_224 : memref<10008x128xf32, #tpu.memory_space<vmem_shared>>) offsets(%dma_start3A_221 : memref<88xi32, #tpu.memory_space<vmem>>) semaphore(%arg18 : memref<!tpu.dma_semaphore, #tpu.memory_space<semaphore_mem>>) {add = true}
        %ge3A_225 = arith.constant 1 : i32
        %ge3A_226 = arith.cmpi sge, %add3A_198, %ge3A_225 : i32
        %convert_element_type3A_227 = arith.extui %ge3A_226 : i1 to i32
        %cond3A_228 = arith.constant 0 : i32
        %cond3A_229 = arith.cmpi ne, %convert_element_type3A_227, %cond3A_228 : i32
        scf.if %cond3A_229 {
          %dma_wait3A_237 = arith.constant 1 : i32
          %dma_wait3A_238 = arith.constant 0 : i32
          %dma_wait3A_239 = tpu.memref_slice %arg9[%dma_wait3A_237, %dma_wait3A_238] : memref<3x88xi32, #tpu.memory_space<vmem>> -> memref<1x88xi32, #tpu.memory_space<vmem>>
          %dma_wait3A_240 = tpu.memref_squeeze %dma_wait3A_239 : memref<1x88xi32, #tpu.memory_space<vmem>> -> memref<88xi32, #tpu.memory_space<vmem>>
          %dma_wait3A_241 = arith.constant 0 : i32
          %dma_wait3A_242 = arith.constant 0 : i32
          %dma_wait3A_243 = tpu.memref_slice %arg7[%dma_wait3A_241, %dma_wait3A_242] : memref<10008x128xf32, #tpu.memory_space<vmem_shared>> -> memref<10008x128xf32, #tpu.memory_space<vmem_shared>>
          tpu.wait_indirect_dma semaphore(%arg17 : memref<!tpu.dma_semaphore, #tpu.memory_space<semaphore_mem>>) src(%arg11 : memref<88x128xf32, #tpu.memory_space<vmem>>) dst(%dma_wait3A_243 : memref<10008x128xf32, #tpu.memory_space<vmem_shared>>)
        } else {
        }
        %add3A_230 = arith.constant 2 : i32
        %add3A_231 = arith.addi %add3A_198, %add3A_230 : i32
        %lt3A_232 = arith.constant 114 : i32
        %lt3A_233 = arith.cmpi slt, %add3A_231, %lt3A_232 : i32
        %convert_element_type3A_234 = arith.extui %lt3A_233 : i1 to i32
        %cond3A_235 = arith.constant 0 : i32
        %cond3A_236 = arith.cmpi ne, %convert_element_type3A_234, %cond3A_235 : i32
        scf.if %cond3A_236 {
          %add3A_237 = arith.constant 2 : i32
          %add3A_238 = arith.addi %add3A_198, %add3A_237 : i32
          %dma_start3A_239 = arith.constant 1 : i32
          %dma_start3A_240 = arith.constant 0 : i32
          %dma_start3A_241 = tpu.memref_slice %arg9[%dma_start3A_239, %dma_start3A_240] : memref<3x88xi32, #tpu.memory_space<vmem>> -> memref<1x88xi32, #tpu.memory_space<vmem>>
          %dma_start3A_242 = tpu.memref_squeeze %dma_start3A_241 : memref<1x88xi32, #tpu.memory_space<vmem>> -> memref<88xi32, #tpu.memory_space<vmem>>
          %dma_start3A_243 = arith.constant 0 : i32
          %dma_start3A_244 = tpu.memref_slice %arg4[%arg1, %add3A_238, %dma_start3A_243] : memref<16x114x88xi32, #tpu.memory_space<hbm>> -> memref<1x1x88xi32, #tpu.memory_space<hbm>>
          %dma_start3A_245 = tpu.memref_squeeze %dma_start3A_244 : memref<1x1x88xi32, #tpu.memory_space<hbm>> -> memref<88xi32, #tpu.memory_space<hbm>>
          %dma_start3A_246 = arith.constant 0 : i32
          %dma_start3A_247 = tpu.memref_slice %arg9[%dma_start3A_239, %dma_start3A_246] : memref<3x88xi32, #tpu.memory_space<vmem>> -> memref<1x88xi32, #tpu.memory_space<vmem>>
          %dma_start3A_248 = tpu.memref_squeeze %dma_start3A_247 : memref<1x88xi32, #tpu.memory_space<vmem>> -> memref<88xi32, #tpu.memory_space<vmem>>
          %dma_start3A_249 = arith.constant 0 : i32
          %dma_start3A_250 = tpu.memref_slice %arg4[%arg1, %add3A_238, %dma_start3A_249] : memref<16x114x88xi32, #tpu.memory_space<hbm>> -> memref<1x1x88xi32, #tpu.memory_space<hbm>>
          %dma_start3A_251 = tpu.memref_squeeze %dma_start3A_250 : memref<1x1x88xi32, #tpu.memory_space<hbm>> -> memref<88xi32, #tpu.memory_space<hbm>>
          tpu.enqueue_dma source(%dma_start3A_251 : memref<88xi32, #tpu.memory_space<hbm>>) target(%dma_start3A_248 : memref<88xi32, #tpu.memory_space<vmem>>) target_semaphore(%arg20 : memref<!tpu.dma_semaphore, #tpu.memory_space<semaphore_mem>>)
          %add3A_252 = arith.constant 2 : i32
          %add3A_253 = arith.addi %add3A_198, %add3A_252 : i32
          %dma_start3A_254 = arith.constant 0 : i32
          %dma_start3A_255 = tpu.memref_slice %arg8[%add3A_253, %dma_start3A_254] : memref<114x88xi32, #tpu.memory_space<vmem>> -> memref<1x88xi32, #tpu.memory_space<vmem>>
          %dma_start3A_256 = tpu.memref_squeeze %dma_start3A_255 : memref<1x88xi32, #tpu.memory_space<vmem>> -> memref<88xi32, #tpu.memory_space<vmem>>
          %dma_start3A_257 = arith.constant 0 : i32
          %dma_start3A_258 = arith.constant 0 : i32
          %dma_start3A_259 = tpu.memref_slice %arg2[%dma_start3A_257, %dma_start3A_258] : memref<240000x128xf32, #tpu.memory_space<hbm>> -> memref<240000x128xf32, #tpu.memory_space<hbm>>
          tpu.enqueue_indirect_dma source(%dma_start3A_259 : memref<240000x128xf32, #tpu.memory_space<hbm>>) target(%arg11 : memref<88x128xf32, #tpu.memory_space<vmem>>) offsets(%dma_start3A_256 : memref<88xi32, #tpu.memory_space<vmem>>) semaphore(%arg14 : memref<!tpu.dma_semaphore, #tpu.memory_space<semaphore_mem>>)
        } else {
        }
      }
      %scan3A_93 = arith.constant 38 : i32
      %dma_wait3A = arith.constant 2 : i32
      %dma_wait3A_94 = arith.constant 0 : i32
      %dma_wait3A_95 = tpu.memref_slice %arg9[%dma_wait3A, %dma_wait3A_94] : memref<3x88xi32, #tpu.memory_space<vmem>> -> memref<1x88xi32, #tpu.memory_space<vmem>>
      %dma_wait3A_96 = tpu.memref_squeeze %dma_wait3A_95 : memref<1x88xi32, #tpu.memory_space<vmem>> -> memref<88xi32, #tpu.memory_space<vmem>>
      %dma_wait3A_97 = arith.constant 0 : i32
      %dma_wait3A_98 = arith.constant 0 : i32
      %dma_wait3A_99 = tpu.memref_slice %arg7[%dma_wait3A_97, %dma_wait3A_98] : memref<10008x128xf32, #tpu.memory_space<vmem_shared>> -> memref<10008x128xf32, #tpu.memory_space<vmem_shared>>
      tpu.wait_indirect_dma semaphore(%arg18 : memref<!tpu.dma_semaphore, #tpu.memory_space<semaphore_mem>>) src(%arg12 : memref<88x128xf32, #tpu.memory_space<vmem>>) dst(%dma_wait3A_99 : memref<10008x128xf32, #tpu.memory_space<vmem_shared>>)
      %barrier3A_100 = arith.constant 0 : index
      tpu.barrier barrier_id(%barrier3A_100)
      %lt3A_101 = arith.constant 15 : i32
      %lt3A_102 = arith.cmpi slt, %arg1, %lt3A_101 : i32
      %convert_element_type3A_103 = arith.extui %lt3A_102 : i1 to i32
      %cond3A_104 = arith.constant 0 : i32
      %cond3A_105 = arith.cmpi ne, %convert_element_type3A_103, %cond3A_104 : i32
      scf.if %cond3A_105 {
        %mul3A_112 = arith.constant 632 : i32
        %mul3A_113 = arith.muli %arg1, %mul3A_112 : i32
        %multiple_of3A = tpu.assume_multiple %mul3A_113, 8 : i32
        %mul3A_114 = arith.constant 2 : i32
        %mul3A_115 = arith.muli %mul3A_114, %select_n3A : i32
        %add3A = arith.addi %mul3A_115, %arg0 : i32
        "tpu.region"() ({
          %run_scoped3A = tpu.sem_alloc : memref<!tpu.dma_semaphore, #tpu.memory_space<semaphore_mem>>
          %dma_start3A_116 = arith.constant 0 : i32
          %dma_start3A_117 = tpu.memref_slice %arg6[%add3A, %sub3A_31, %multiple_of3A, %dma_start3A_116] : memref<2x12x10000x128xf32, #tpu.memory_space<hbm>> -> memref<1x1x632x128xf32, #tpu.memory_space<hbm>>
          %dma_start3A_118 = tpu.memref_squeeze %dma_start3A_117 : memref<1x1x632x128xf32, #tpu.memory_space<hbm>> -> memref<632x128xf32, #tpu.memory_space<hbm>>
          %dma_start3A_119 = arith.constant 0 : i32
          %dma_start3A_120 = tpu.memref_slice %arg7[%multiple_of3A, %dma_start3A_119] : memref<10008x128xf32, #tpu.memory_space<vmem_shared>> -> memref<632x128xf32, #tpu.memory_space<vmem_shared>>
          tpu.enqueue_dma source(%dma_start3A_120 : memref<632x128xf32, #tpu.memory_space<vmem_shared>>) target(%dma_start3A_118 : memref<632x128xf32, #tpu.memory_space<hbm>>) target_semaphore(%run_scoped3A : memref<!tpu.dma_semaphore, #tpu.memory_space<semaphore_mem>>)
          %dma_wait3A_121 = arith.constant 0 : i32
          %dma_wait3A_122 = tpu.memref_slice %arg6[%add3A, %sub3A_31, %multiple_of3A, %dma_wait3A_121] : memref<2x12x10000x128xf32, #tpu.memory_space<hbm>> -> memref<1x1x632x128xf32, #tpu.memory_space<hbm>>
          %dma_wait3A_123 = tpu.memref_squeeze %dma_wait3A_122 : memref<1x1x632x128xf32, #tpu.memory_space<hbm>> -> memref<632x128xf32, #tpu.memory_space<hbm>>
          %dma_wait3A_124 = arith.constant 0 : i32
          %dma_wait3A_125 = tpu.memref_slice %arg7[%multiple_of3A, %dma_wait3A_124] : memref<10008x128xf32, #tpu.memory_space<vmem_shared>> -> memref<632x128xf32, #tpu.memory_space<vmem_shared>>
          tpu.wait_dma2 semaphore(%run_scoped3A : memref<!tpu.dma_semaphore, #tpu.memory_space<semaphore_mem>>) src(%dma_wait3A_125 : memref<632x128xf32, #tpu.memory_space<vmem_shared>>) dst(%dma_wait3A_123 : memref<632x128xf32, #tpu.memory_space<hbm>>)
          tpu.yield
        }) : () -> ()
      } else {
      }
      %eq3A_106 = arith.constant 15 : i32
      %eq3A_107 = arith.cmpi eq, %arg1, %eq3A_106 : i32
      %convert_element_type3A_108 = arith.extui %eq3A_107 : i1 to i32
      %cond3A_109 = arith.constant 0 : i32
      %cond3A_110 = arith.cmpi ne, %convert_element_type3A_108, %cond3A_109 : i32
      scf.if %cond3A_110 {
        %mul3A_112 = arith.constant 2 : i32
        %mul3A_113 = arith.muli %mul3A_112, %select_n3A : i32
        %add3A = arith.addi %mul3A_113, %arg0 : i32
        "tpu.region"() ({
          %run_scoped3A = tpu.sem_alloc : memref<!tpu.dma_semaphore, #tpu.memory_space<semaphore_mem>>
          %dma_start3A_114 = arith.constant 9480 : i32
          %dma_start3A_115 = arith.constant 0 : i32
          %dma_start3A_116 = tpu.memref_slice %arg6[%add3A, %sub3A_31, %dma_start3A_114, %dma_start3A_115] : memref<2x12x10000x128xf32, #tpu.memory_space<hbm>> -> memref<1x1x520x128xf32, #tpu.memory_space<hbm>>
          %dma_start3A_117 = tpu.memref_squeeze %dma_start3A_116 : memref<1x1x520x128xf32, #tpu.memory_space<hbm>> -> memref<520x128xf32, #tpu.memory_space<hbm>>
          %dma_start3A_118 = arith.constant 9480 : i32
          %dma_start3A_119 = arith.constant 0 : i32
          %dma_start3A_120 = tpu.memref_slice %arg7[%dma_start3A_118, %dma_start3A_119] : memref<10008x128xf32, #tpu.memory_space<vmem_shared>> -> memref<520x128xf32, #tpu.memory_space<vmem_shared>>
          tpu.enqueue_dma source(%dma_start3A_120 : memref<520x128xf32, #tpu.memory_space<vmem_shared>>) target(%dma_start3A_117 : memref<520x128xf32, #tpu.memory_space<hbm>>) target_semaphore(%run_scoped3A : memref<!tpu.dma_semaphore, #tpu.memory_space<semaphore_mem>>)
          %dma_wait3A_121 = arith.constant 9480 : i32
          %dma_wait3A_122 = arith.constant 0 : i32
          %dma_wait3A_123 = tpu.memref_slice %arg6[%add3A, %sub3A_31, %dma_wait3A_121, %dma_wait3A_122] : memref<2x12x10000x128xf32, #tpu.memory_space<hbm>> -> memref<1x1x520x128xf32, #tpu.memory_space<hbm>>
          %dma_wait3A_124 = tpu.memref_squeeze %dma_wait3A_123 : memref<1x1x520x128xf32, #tpu.memory_space<hbm>> -> memref<520x128xf32, #tpu.memory_space<hbm>>
          %dma_wait3A_125 = arith.constant 9480 : i32
          %dma_wait3A_126 = arith.constant 0 : i32
          %dma_wait3A_127 = tpu.memref_slice %arg7[%dma_wait3A_125, %dma_wait3A_126] : memref<10008x128xf32, #tpu.memory_space<vmem_shared>> -> memref<520x128xf32, #tpu.memory_space<vmem_shared>>
          tpu.wait_dma2 semaphore(%run_scoped3A : memref<!tpu.dma_semaphore, #tpu.memory_space<semaphore_mem>>) src(%dma_wait3A_127 : memref<520x128xf32, #tpu.memory_space<vmem_shared>>) dst(%dma_wait3A_124 : memref<520x128xf32, #tpu.memory_space<hbm>>)
          tpu.yield
        }) : () -> ()
      } else {
      }
      %barrier3A_111 = arith.constant 0 : index
      tpu.barrier barrier_id(%barrier3A_111)
    }
    %scan3A_10 = arith.constant 12 : i32
    return
  }
}

#map = affine_map<(d0, d1) -> (0, 0)>
#map1 = affine_map<(d0, d1) -> (0, 0, 0)>
#map2 = affine_map<(d0, d1) -> (0, 0, 0, 0)>
module attributes {stable_mosaic.version = 14 : i64} {
  func.func @_sc_agg_body(%arg0: i32, %arg1: i32, %arg2: memref<240000x128xf32, #tpu.memory_space<hbm>>, %arg3: memref<16x114x88xi32, #tpu.memory_space<hbm>>, %arg4: memref<16x114x88xi32, #tpu.memory_space<hbm>>, %arg5: memref<88x128xf32, #tpu.memory_space<hbm>>, %arg6: memref<88x128xf32, #tpu.memory_space<hbm>>, %arg7: memref<2x12x10000x128xf32, #tpu.memory_space<hbm>>, %arg8: memref<10000x128xf32, #tpu.memory_space<hbm>>, %arg9: memref<10008x128xf32, #tpu.memory_space<vmem_shared>>, %arg10: memref<114x88xi32, #tpu.memory_space<vmem>>, %arg11: memref<3x88xi32, #tpu.memory_space<vmem>>, %arg12: memref<88x128xf32, #tpu.memory_space<vmem>>, %arg13: memref<88x128xf32, #tpu.memory_space<vmem>>, %arg14: memref<88x128xf32, #tpu.memory_space<vmem>>, %arg15: memref<!tpu.dma_semaphore, #tpu.memory_space<semaphore_mem>>, %arg16: memref<!tpu.dma_semaphore, #tpu.memory_space<semaphore_mem>>, %arg17: memref<!tpu.dma_semaphore, #tpu.memory_space<semaphore_mem>>, %arg18: memref<!tpu.dma_semaphore, #tpu.memory_space<semaphore_mem>>, %arg19: memref<!tpu.dma_semaphore, #tpu.memory_space<semaphore_mem>>, %arg20: memref<!tpu.dma_semaphore, #tpu.memory_space<semaphore_mem>>, %arg21: memref<!tpu.dma_semaphore, #tpu.memory_space<semaphore_mem>>, %arg22: memref<!tpu.dma_semaphore, #tpu.memory_space<semaphore_mem>>, %arg23: memref<!tpu.dma_semaphore, #tpu.memory_space<semaphore_mem>>) attributes {dimension_semantics = [#tpu.dimension_semantics<core_parallel>, #tpu.dimension_semantics<subcore_parallel>], iteration_bounds = array<i64: 2, 16>, scalar_prefetch = 0 : i64, scratch_operands = 15 : i64, tpu.core_type = #tpu.core_type<sc_vector_subcore>, window_params = [{transform_indices = #map}, {transform_indices = #map1}, {transform_indices = #map1}, {transform_indices = #map}, {transform_indices = #map}, {transform_indices = #map2}, {transform_indices = #map}]} {
    "tpu.region"() ({
      %run_scoped3A = tpu.sem_alloc : memref<!tpu.dma_semaphore, #tpu.memory_space<semaphore_mem>>
      %dma_start3A_62 = arith.constant 0 : i32
      %dma_start3A_63 = arith.constant 0 : i32
      %dma_start3A_64 = tpu.memref_slice %arg3[%arg1, %dma_start3A_62, %dma_start3A_63] : memref<16x114x88xi32, #tpu.memory_space<hbm>> -> memref<1x114x88xi32, #tpu.memory_space<hbm>>
      %dma_start3A_65 = tpu.memref_squeeze %dma_start3A_64 : memref<1x114x88xi32, #tpu.memory_space<hbm>> -> memref<114x88xi32, #tpu.memory_space<hbm>>
      %dma_start3A_66 = arith.constant 0 : i32
      %dma_start3A_67 = arith.constant 0 : i32
      %dma_start3A_68 = tpu.memref_slice %arg3[%arg1, %dma_start3A_66, %dma_start3A_67] : memref<16x114x88xi32, #tpu.memory_space<hbm>> -> memref<1x114x88xi32, #tpu.memory_space<hbm>>
      %dma_start3A_69 = tpu.memref_squeeze %dma_start3A_68 : memref<1x114x88xi32, #tpu.memory_space<hbm>> -> memref<114x88xi32, #tpu.memory_space<hbm>>
      tpu.enqueue_dma source(%dma_start3A_69 : memref<114x88xi32, #tpu.memory_space<hbm>>) target(%arg10 : memref<114x88xi32, #tpu.memory_space<vmem>>) target_semaphore(%run_scoped3A : memref<!tpu.dma_semaphore, #tpu.memory_space<semaphore_mem>>)
      %dma_wait3A_70 = arith.constant 0 : i32
      %dma_wait3A_71 = arith.constant 0 : i32
      %dma_wait3A_72 = tpu.memref_slice %arg3[%arg1, %dma_wait3A_70, %dma_wait3A_71] : memref<16x114x88xi32, #tpu.memory_space<hbm>> -> memref<1x114x88xi32, #tpu.memory_space<hbm>>
      %dma_wait3A_73 = tpu.memref_squeeze %dma_wait3A_72 : memref<1x114x88xi32, #tpu.memory_space<hbm>> -> memref<114x88xi32, #tpu.memory_space<hbm>>
      %dma_wait3A_74 = arith.constant 0 : i32
      %dma_wait3A_75 = arith.constant 0 : i32
      %dma_wait3A_76 = tpu.memref_slice %arg3[%arg1, %dma_wait3A_74, %dma_wait3A_75] : memref<16x114x88xi32, #tpu.memory_space<hbm>> -> memref<1x114x88xi32, #tpu.memory_space<hbm>>
      %dma_wait3A_77 = tpu.memref_squeeze %dma_wait3A_76 : memref<1x114x88xi32, #tpu.memory_space<hbm>> -> memref<114x88xi32, #tpu.memory_space<hbm>>
      tpu.wait_dma2 semaphore(%run_scoped3A : memref<!tpu.dma_semaphore, #tpu.memory_space<semaphore_mem>>) src(%dma_wait3A_77 : memref<114x88xi32, #tpu.memory_space<hbm>>) dst(%arg10 : memref<114x88xi32, #tpu.memory_space<vmem>>)
      tpu.yield
    }) : () -> ()
    %mul3A = arith.constant 120000 : i32
    %mul3A_0 = arith.muli %arg0, %mul3A : i32
    %sub3A = arith.constant 10000 : i32
    %sub3A_1 = arith.subi %mul3A_0, %sub3A : i32
    %scan3A = arith.constant 0 : i32
    %scan3A_2 = arith.constant 114 : i32
    %scan3A_3 = arith.addi %scan3A, %scan3A_2 : i32
    %scan3A_4 = arith.constant 1 : i32
    scf.for %scan3A_62 = %scan3A to %scan3A_3 step %scan3A_4  : i32 {
      %get3A = arith.constant 0 : i32
      %get3A_63 = tpu.memref_slice %arg10[%scan3A_62, %get3A] : memref<114x88xi32, #tpu.memory_space<vmem>> -> memref<1x88xi32, #tpu.memory_space<vmem>>
      %get3A_64 = tpu.memref_squeeze %get3A_63 : memref<1x88xi32, #tpu.memory_space<vmem>> -> memref<88xi32, #tpu.memory_space<vmem>>
      %get3A_65 = arith.constant 0 : index
      %get3A_66 = tpu.vector_load %get3A_64[%get3A_65] {strides = array<i32>} : memref<88xi32, #tpu.memory_space<vmem>>, vector<16xi32>,
      %get3A_67 = vector.shape_cast %get3A_66 : vector<16xi32> to vector<16xi32>
      %add3A = vector.broadcast %sub3A_1 : i32 to vector<16xi32>
      %add3A_68 = arith.addi %get3A_67, %add3A : vector<16xi32>
      %swap3A = arith.constant 0 : i32
      %swap3A_69 = tpu.memref_slice %arg10[%scan3A_62, %swap3A] : memref<114x88xi32, #tpu.memory_space<vmem>> -> memref<1x88xi32, #tpu.memory_space<vmem>>
      %swap3A_70 = tpu.memref_squeeze %swap3A_69 : memref<1x88xi32, #tpu.memory_space<vmem>> -> memref<88xi32, #tpu.memory_space<vmem>>
      %swap3A_71 = arith.constant 0 : index
      %swap3A_72 = tpu.vector_load %swap3A_70[%swap3A_71] {strides = array<i32>} : memref<88xi32, #tpu.memory_space<vmem>>, vector<16xi32>,
      %swap3A_73 = vector.shape_cast %swap3A_72 : vector<16xi32> to vector<16xi32>
      %swap3A_74 = vector.shape_cast %add3A_68 : vector<16xi32> to vector<16xi32>
      tpu.vector_store %swap3A_70[%swap3A_71], %swap3A_74 {strides = array<i32>} : memref<88xi32, #tpu.memory_space<vmem>>, vector<16xi32>,
      %get3A_75 = arith.constant 0 : i32
      %get3A_76 = tpu.memref_slice %arg10[%scan3A_62, %get3A_75] : memref<114x88xi32, #tpu.memory_space<vmem>> -> memref<1x88xi32, #tpu.memory_space<vmem>>
      %get3A_77 = tpu.memref_squeeze %get3A_76 : memref<1x88xi32, #tpu.memory_space<vmem>> -> memref<88xi32, #tpu.memory_space<vmem>>
      %get3A_78 = arith.constant 16 : index
      %get3A_79 = tpu.vector_load %get3A_77[%get3A_78] {strides = array<i32>} : memref<88xi32, #tpu.memory_space<vmem>>, vector<16xi32>,
      %get3A_80 = vector.shape_cast %get3A_79 : vector<16xi32> to vector<16xi32>
      %add3A_81 = vector.broadcast %sub3A_1 : i32 to vector<16xi32>
      %add3A_82 = arith.addi %get3A_80, %add3A_81 : vector<16xi32>
      %swap3A_83 = arith.constant 0 : i32
      %swap3A_84 = tpu.memref_slice %arg10[%scan3A_62, %swap3A_83] : memref<114x88xi32, #tpu.memory_space<vmem>> -> memref<1x88xi32, #tpu.memory_space<vmem>>
      %swap3A_85 = tpu.memref_squeeze %swap3A_84 : memref<1x88xi32, #tpu.memory_space<vmem>> -> memref<88xi32, #tpu.memory_space<vmem>>
      %swap3A_86 = arith.constant 16 : index
      %swap3A_87 = tpu.vector_load %swap3A_85[%swap3A_86] {strides = array<i32>} : memref<88xi32, #tpu.memory_space<vmem>>, vector<16xi32>,
      %swap3A_88 = vector.shape_cast %swap3A_87 : vector<16xi32> to vector<16xi32>
      %swap3A_89 = vector.shape_cast %add3A_82 : vector<16xi32> to vector<16xi32>
      tpu.vector_store %swap3A_85[%swap3A_86], %swap3A_89 {strides = array<i32>} : memref<88xi32, #tpu.memory_space<vmem>>, vector<16xi32>,
      %get3A_90 = arith.constant 0 : i32
      %get3A_91 = tpu.memref_slice %arg10[%scan3A_62, %get3A_90] : memref<114x88xi32, #tpu.memory_space<vmem>> -> memref<1x88xi32, #tpu.memory_space<vmem>>
      %get3A_92 = tpu.memref_squeeze %get3A_91 : memref<1x88xi32, #tpu.memory_space<vmem>> -> memref<88xi32, #tpu.memory_space<vmem>>
      %get3A_93 = arith.constant 32 : index
      %get3A_94 = tpu.vector_load %get3A_92[%get3A_93] {strides = array<i32>} : memref<88xi32, #tpu.memory_space<vmem>>, vector<16xi32>,
      %get3A_95 = vector.shape_cast %get3A_94 : vector<16xi32> to vector<16xi32>
      %add3A_96 = vector.broadcast %sub3A_1 : i32 to vector<16xi32>
      %add3A_97 = arith.addi %get3A_95, %add3A_96 : vector<16xi32>
      %swap3A_98 = arith.constant 0 : i32
      %swap3A_99 = tpu.memref_slice %arg10[%scan3A_62, %swap3A_98] : memref<114x88xi32, #tpu.memory_space<vmem>> -> memref<1x88xi32, #tpu.memory_space<vmem>>
      %swap3A_100 = tpu.memref_squeeze %swap3A_99 : memref<1x88xi32, #tpu.memory_space<vmem>> -> memref<88xi32, #tpu.memory_space<vmem>>
      %swap3A_101 = arith.constant 32 : index
      %swap3A_102 = tpu.vector_load %swap3A_100[%swap3A_101] {strides = array<i32>} : memref<88xi32, #tpu.memory_space<vmem>>, vector<16xi32>,
      %swap3A_103 = vector.shape_cast %swap3A_102 : vector<16xi32> to vector<16xi32>
      %swap3A_104 = vector.shape_cast %add3A_97 : vector<16xi32> to vector<16xi32>
      tpu.vector_store %swap3A_100[%swap3A_101], %swap3A_104 {strides = array<i32>} : memref<88xi32, #tpu.memory_space<vmem>>, vector<16xi32>,
      %get3A_105 = arith.constant 0 : i32
      %get3A_106 = tpu.memref_slice %arg10[%scan3A_62, %get3A_105] : memref<114x88xi32, #tpu.memory_space<vmem>> -> memref<1x88xi32, #tpu.memory_space<vmem>>
      %get3A_107 = tpu.memref_squeeze %get3A_106 : memref<1x88xi32, #tpu.memory_space<vmem>> -> memref<88xi32, #tpu.memory_space<vmem>>
      %get3A_108 = arith.constant 48 : index
      %get3A_109 = tpu.vector_load %get3A_107[%get3A_108] {strides = array<i32>} : memref<88xi32, #tpu.memory_space<vmem>>, vector<16xi32>,
      %get3A_110 = vector.shape_cast %get3A_109 : vector<16xi32> to vector<16xi32>
      %add3A_111 = vector.broadcast %sub3A_1 : i32 to vector<16xi32>
      %add3A_112 = arith.addi %get3A_110, %add3A_111 : vector<16xi32>
      %swap3A_113 = arith.constant 0 : i32
      %swap3A_114 = tpu.memref_slice %arg10[%scan3A_62, %swap3A_113] : memref<114x88xi32, #tpu.memory_space<vmem>> -> memref<1x88xi32, #tpu.memory_space<vmem>>
      %swap3A_115 = tpu.memref_squeeze %swap3A_114 : memref<1x88xi32, #tpu.memory_space<vmem>> -> memref<88xi32, #tpu.memory_space<vmem>>
      %swap3A_116 = arith.constant 48 : index
      %swap3A_117 = tpu.vector_load %swap3A_115[%swap3A_116] {strides = array<i32>} : memref<88xi32, #tpu.memory_space<vmem>>, vector<16xi32>,
      %swap3A_118 = vector.shape_cast %swap3A_117 : vector<16xi32> to vector<16xi32>
      %swap3A_119 = vector.shape_cast %add3A_112 : vector<16xi32> to vector<16xi32>
      tpu.vector_store %swap3A_115[%swap3A_116], %swap3A_119 {strides = array<i32>} : memref<88xi32, #tpu.memory_space<vmem>>, vector<16xi32>,
      %get3A_120 = arith.constant 0 : i32
      %get3A_121 = tpu.memref_slice %arg10[%scan3A_62, %get3A_120] : memref<114x88xi32, #tpu.memory_space<vmem>> -> memref<1x88xi32, #tpu.memory_space<vmem>>
      %get3A_122 = tpu.memref_squeeze %get3A_121 : memref<1x88xi32, #tpu.memory_space<vmem>> -> memref<88xi32, #tpu.memory_space<vmem>>
      %get3A_123 = arith.constant 64 : index
      %get3A_124 = tpu.vector_load %get3A_122[%get3A_123] {strides = array<i32>} : memref<88xi32, #tpu.memory_space<vmem>>, vector<16xi32>,
      %get3A_125 = vector.shape_cast %get3A_124 : vector<16xi32> to vector<16xi32>
      %add3A_126 = vector.broadcast %sub3A_1 : i32 to vector<16xi32>
      %add3A_127 = arith.addi %get3A_125, %add3A_126 : vector<16xi32>
      %swap3A_128 = arith.constant 0 : i32
      %swap3A_129 = tpu.memref_slice %arg10[%scan3A_62, %swap3A_128] : memref<114x88xi32, #tpu.memory_space<vmem>> -> memref<1x88xi32, #tpu.memory_space<vmem>>
      %swap3A_130 = tpu.memref_squeeze %swap3A_129 : memref<1x88xi32, #tpu.memory_space<vmem>> -> memref<88xi32, #tpu.memory_space<vmem>>
      %swap3A_131 = arith.constant 64 : index
      %swap3A_132 = tpu.vector_load %swap3A_130[%swap3A_131] {strides = array<i32>} : memref<88xi32, #tpu.memory_space<vmem>>, vector<16xi32>,
      %swap3A_133 = vector.shape_cast %swap3A_132 : vector<16xi32> to vector<16xi32>
      %swap3A_134 = vector.shape_cast %add3A_127 : vector<16xi32> to vector<16xi32>
      tpu.vector_store %swap3A_130[%swap3A_131], %swap3A_134 {strides = array<i32>} : memref<88xi32, #tpu.memory_space<vmem>>, vector<16xi32>,
    }
    %scan3A_5 = arith.constant 114 : i32
    %lt3A = arith.constant 15 : i32
    %lt3A_6 = arith.cmpi slt, %arg1, %lt3A : i32
    %convert_element_type3A = arith.extui %lt3A_6 : i1 to i32
    %cond3A = arith.constant 0 : i32
    %cond3A_7 = arith.cmpi ne, %convert_element_type3A, %cond3A : i32
    scf.if %cond3A_7 {
      %mul3A_62 = arith.constant 632 : i32
      %mul3A_63 = arith.muli %arg1, %mul3A_62 : i32
      %multiple_of3A = tpu.assume_multiple %mul3A_63, 8 : i32
      %add3A = arith.constant 0 : i32
      %add3A_64 = arith.addi %multiple_of3A, %add3A : i32
      "tpu.region"() ({
        %run_scoped3A = tpu.sem_alloc : memref<!tpu.dma_semaphore, #tpu.memory_space<semaphore_mem>>
        %dma_start3A_79 = arith.constant 0 : i32
        %dma_start3A_80 = tpu.memref_slice %arg9[%add3A_64, %dma_start3A_79] : memref<10008x128xf32, #tpu.memory_space<vmem_shared>> -> memref<88x128xf32, #tpu.memory_space<vmem_shared>>
        tpu.enqueue_dma source(%arg6 : memref<88x128xf32, #tpu.memory_space<hbm>>) target(%dma_start3A_80 : memref<88x128xf32, #tpu.memory_space<vmem_shared>>) target_semaphore(%run_scoped3A : memref<!tpu.dma_semaphore, #tpu.memory_space<semaphore_mem>>)
        %dma_wait3A_81 = arith.constant 0 : i32
        %dma_wait3A_82 = tpu.memref_slice %arg9[%add3A_64, %dma_wait3A_81] : memref<10008x128xf32, #tpu.memory_space<vmem_shared>> -> memref<88x128xf32, #tpu.memory_space<vmem_shared>>
        tpu.wait_dma2 semaphore(%run_scoped3A : memref<!tpu.dma_semaphore, #tpu.memory_space<semaphore_mem>>) src(%arg6 : memref<88x128xf32, #tpu.memory_space<hbm>>) dst(%dma_wait3A_82 : memref<88x128xf32, #tpu.memory_space<vmem_shared>>)
        tpu.yield
      }) : () -> ()
      %add3A_65 = arith.constant 88 : i32
      %add3A_66 = arith.addi %multiple_of3A, %add3A_65 : i32
      "tpu.region"() ({
        %run_scoped3A = tpu.sem_alloc : memref<!tpu.dma_semaphore, #tpu.memory_space<semaphore_mem>>
        %dma_start3A_79 = arith.constant 0 : i32
        %dma_start3A_80 = tpu.memref_slice %arg9[%add3A_66, %dma_start3A_79] : memref<10008x128xf32, #tpu.memory_space<vmem_shared>> -> memref<88x128xf32, #tpu.memory_space<vmem_shared>>
        tpu.enqueue_dma source(%arg6 : memref<88x128xf32, #tpu.memory_space<hbm>>) target(%dma_start3A_80 : memref<88x128xf32, #tpu.memory_space<vmem_shared>>) target_semaphore(%run_scoped3A : memref<!tpu.dma_semaphore, #tpu.memory_space<semaphore_mem>>)
        %dma_wait3A_81 = arith.constant 0 : i32
        %dma_wait3A_82 = tpu.memref_slice %arg9[%add3A_66, %dma_wait3A_81] : memref<10008x128xf32, #tpu.memory_space<vmem_shared>> -> memref<88x128xf32, #tpu.memory_space<vmem_shared>>
        tpu.wait_dma2 semaphore(%run_scoped3A : memref<!tpu.dma_semaphore, #tpu.memory_space<semaphore_mem>>) src(%arg6 : memref<88x128xf32, #tpu.memory_space<hbm>>) dst(%dma_wait3A_82 : memref<88x128xf32, #tpu.memory_space<vmem_shared>>)
        tpu.yield
      }) : () -> ()
      %add3A_67 = arith.constant 176 : i32
      %add3A_68 = arith.addi %multiple_of3A, %add3A_67 : i32
      "tpu.region"() ({
        %run_scoped3A = tpu.sem_alloc : memref<!tpu.dma_semaphore, #tpu.memory_space<semaphore_mem>>
        %dma_start3A_79 = arith.constant 0 : i32
        %dma_start3A_80 = tpu.memref_slice %arg9[%add3A_68, %dma_start3A_79] : memref<10008x128xf32, #tpu.memory_space<vmem_shared>> -> memref<88x128xf32, #tpu.memory_space<vmem_shared>>
        tpu.enqueue_dma source(%arg6 : memref<88x128xf32, #tpu.memory_space<hbm>>) target(%dma_start3A_80 : memref<88x128xf32, #tpu.memory_space<vmem_shared>>) target_semaphore(%run_scoped3A : memref<!tpu.dma_semaphore, #tpu.memory_space<semaphore_mem>>)
        %dma_wait3A_81 = arith.constant 0 : i32
        %dma_wait3A_82 = tpu.memref_slice %arg9[%add3A_68, %dma_wait3A_81] : memref<10008x128xf32, #tpu.memory_space<vmem_shared>> -> memref<88x128xf32, #tpu.memory_space<vmem_shared>>
        tpu.wait_dma2 semaphore(%run_scoped3A : memref<!tpu.dma_semaphore, #tpu.memory_space<semaphore_mem>>) src(%arg6 : memref<88x128xf32, #tpu.memory_space<hbm>>) dst(%dma_wait3A_82 : memref<88x128xf32, #tpu.memory_space<vmem_shared>>)
        tpu.yield
      }) : () -> ()
      %add3A_69 = arith.constant 264 : i32
      %add3A_70 = arith.addi %multiple_of3A, %add3A_69 : i32
      "tpu.region"() ({
        %run_scoped3A = tpu.sem_alloc : memref<!tpu.dma_semaphore, #tpu.memory_space<semaphore_mem>>
        %dma_start3A_79 = arith.constant 0 : i32
        %dma_start3A_80 = tpu.memref_slice %arg9[%add3A_70, %dma_start3A_79] : memref<10008x128xf32, #tpu.memory_space<vmem_shared>> -> memref<88x128xf32, #tpu.memory_space<vmem_shared>>
        tpu.enqueue_dma source(%arg6 : memref<88x128xf32, #tpu.memory_space<hbm>>) target(%dma_start3A_80 : memref<88x128xf32, #tpu.memory_space<vmem_shared>>) target_semaphore(%run_scoped3A : memref<!tpu.dma_semaphore, #tpu.memory_space<semaphore_mem>>)
        %dma_wait3A_81 = arith.constant 0 : i32
        %dma_wait3A_82 = tpu.memref_slice %arg9[%add3A_70, %dma_wait3A_81] : memref<10008x128xf32, #tpu.memory_space<vmem_shared>> -> memref<88x128xf32, #tpu.memory_space<vmem_shared>>
        tpu.wait_dma2 semaphore(%run_scoped3A : memref<!tpu.dma_semaphore, #tpu.memory_space<semaphore_mem>>) src(%arg6 : memref<88x128xf32, #tpu.memory_space<hbm>>) dst(%dma_wait3A_82 : memref<88x128xf32, #tpu.memory_space<vmem_shared>>)
        tpu.yield
      }) : () -> ()
      %add3A_71 = arith.constant 352 : i32
      %add3A_72 = arith.addi %multiple_of3A, %add3A_71 : i32
      "tpu.region"() ({
        %run_scoped3A = tpu.sem_alloc : memref<!tpu.dma_semaphore, #tpu.memory_space<semaphore_mem>>
        %dma_start3A_79 = arith.constant 0 : i32
        %dma_start3A_80 = tpu.memref_slice %arg9[%add3A_72, %dma_start3A_79] : memref<10008x128xf32, #tpu.memory_space<vmem_shared>> -> memref<88x128xf32, #tpu.memory_space<vmem_shared>>
        tpu.enqueue_dma source(%arg6 : memref<88x128xf32, #tpu.memory_space<hbm>>) target(%dma_start3A_80 : memref<88x128xf32, #tpu.memory_space<vmem_shared>>) target_semaphore(%run_scoped3A : memref<!tpu.dma_semaphore, #tpu.memory_space<semaphore_mem>>)
        %dma_wait3A_81 = arith.constant 0 : i32
        %dma_wait3A_82 = tpu.memref_slice %arg9[%add3A_72, %dma_wait3A_81] : memref<10008x128xf32, #tpu.memory_space<vmem_shared>> -> memref<88x128xf32, #tpu.memory_space<vmem_shared>>
        tpu.wait_dma2 semaphore(%run_scoped3A : memref<!tpu.dma_semaphore, #tpu.memory_space<semaphore_mem>>) src(%arg6 : memref<88x128xf32, #tpu.memory_space<hbm>>) dst(%dma_wait3A_82 : memref<88x128xf32, #tpu.memory_space<vmem_shared>>)
        tpu.yield
      }) : () -> ()
      %add3A_73 = arith.constant 440 : i32
      %add3A_74 = arith.addi %multiple_of3A, %add3A_73 : i32
      "tpu.region"() ({
        %run_scoped3A = tpu.sem_alloc : memref<!tpu.dma_semaphore, #tpu.memory_space<semaphore_mem>>
        %dma_start3A_79 = arith.constant 0 : i32
        %dma_start3A_80 = tpu.memref_slice %arg9[%add3A_74, %dma_start3A_79] : memref<10008x128xf32, #tpu.memory_space<vmem_shared>> -> memref<88x128xf32, #tpu.memory_space<vmem_shared>>
        tpu.enqueue_dma source(%arg6 : memref<88x128xf32, #tpu.memory_space<hbm>>) target(%dma_start3A_80 : memref<88x128xf32, #tpu.memory_space<vmem_shared>>) target_semaphore(%run_scoped3A : memref<!tpu.dma_semaphore, #tpu.memory_space<semaphore_mem>>)
        %dma_wait3A_81 = arith.constant 0 : i32
        %dma_wait3A_82 = tpu.memref_slice %arg9[%add3A_74, %dma_wait3A_81] : memref<10008x128xf32, #tpu.memory_space<vmem_shared>> -> memref<88x128xf32, #tpu.memory_space<vmem_shared>>
        tpu.wait_dma2 semaphore(%run_scoped3A : memref<!tpu.dma_semaphore, #tpu.memory_space<semaphore_mem>>) src(%arg6 : memref<88x128xf32, #tpu.memory_space<hbm>>) dst(%dma_wait3A_82 : memref<88x128xf32, #tpu.memory_space<vmem_shared>>)
        tpu.yield
      }) : () -> ()
      %add3A_75 = arith.constant 528 : i32
      %add3A_76 = arith.addi %multiple_of3A, %add3A_75 : i32
      "tpu.region"() ({
        %run_scoped3A = tpu.sem_alloc : memref<!tpu.dma_semaphore, #tpu.memory_space<semaphore_mem>>
        %dma_start3A_79 = arith.constant 0 : i32
        %dma_start3A_80 = tpu.memref_slice %arg9[%add3A_76, %dma_start3A_79] : memref<10008x128xf32, #tpu.memory_space<vmem_shared>> -> memref<88x128xf32, #tpu.memory_space<vmem_shared>>
        tpu.enqueue_dma source(%arg6 : memref<88x128xf32, #tpu.memory_space<hbm>>) target(%dma_start3A_80 : memref<88x128xf32, #tpu.memory_space<vmem_shared>>) target_semaphore(%run_scoped3A : memref<!tpu.dma_semaphore, #tpu.memory_space<semaphore_mem>>)
        %dma_wait3A_81 = arith.constant 0 : i32
        %dma_wait3A_82 = tpu.memref_slice %arg9[%add3A_76, %dma_wait3A_81] : memref<10008x128xf32, #tpu.memory_space<vmem_shared>> -> memref<88x128xf32, #tpu.memory_space<vmem_shared>>
        tpu.wait_dma2 semaphore(%run_scoped3A : memref<!tpu.dma_semaphore, #tpu.memory_space<semaphore_mem>>) src(%arg6 : memref<88x128xf32, #tpu.memory_space<hbm>>) dst(%dma_wait3A_82 : memref<88x128xf32, #tpu.memory_space<vmem_shared>>)
        tpu.yield
      }) : () -> ()
      %add3A_77 = arith.constant 616 : i32
      %add3A_78 = arith.addi %multiple_of3A, %add3A_77 : i32
      "tpu.region"() ({
        %run_scoped3A = tpu.sem_alloc : memref<!tpu.dma_semaphore, #tpu.memory_space<semaphore_mem>>
        %dma_start3A_79 = arith.constant 0 : i32
        %dma_start3A_80 = tpu.memref_slice %arg9[%add3A_78, %dma_start3A_79] : memref<10008x128xf32, #tpu.memory_space<vmem_shared>> -> memref<16x128xf32, #tpu.memory_space<vmem_shared>>
        %dma_start3A_81 = arith.constant 0 : i32
        %dma_start3A_82 = arith.constant 0 : i32
        %dma_start3A_83 = tpu.memref_slice %arg6[%dma_start3A_81, %dma_start3A_82] : memref<88x128xf32, #tpu.memory_space<hbm>> -> memref<16x128xf32, #tpu.memory_space<hbm>>
        tpu.enqueue_dma source(%dma_start3A_83 : memref<16x128xf32, #tpu.memory_space<hbm>>) target(%dma_start3A_80 : memref<16x128xf32, #tpu.memory_space<vmem_shared>>) target_semaphore(%run_scoped3A : memref<!tpu.dma_semaphore, #tpu.memory_space<semaphore_mem>>)
        %dma_wait3A_84 = arith.constant 0 : i32
        %dma_wait3A_85 = tpu.memref_slice %arg9[%add3A_78, %dma_wait3A_84] : memref<10008x128xf32, #tpu.memory_space<vmem_shared>> -> memref<16x128xf32, #tpu.memory_space<vmem_shared>>
        %dma_wait3A_86 = arith.constant 0 : i32
        %dma_wait3A_87 = arith.constant 0 : i32
        %dma_wait3A_88 = tpu.memref_slice %arg6[%dma_wait3A_86, %dma_wait3A_87] : memref<88x128xf32, #tpu.memory_space<hbm>> -> memref<16x128xf32, #tpu.memory_space<hbm>>
        tpu.wait_dma2 semaphore(%run_scoped3A : memref<!tpu.dma_semaphore, #tpu.memory_space<semaphore_mem>>) src(%dma_wait3A_88 : memref<16x128xf32, #tpu.memory_space<hbm>>) dst(%dma_wait3A_85 : memref<16x128xf32, #tpu.memory_space<vmem_shared>>)
        tpu.yield
      }) : () -> ()
    } else {
    }
    %eq3A = arith.constant 15 : i32
    %eq3A_8 = arith.cmpi eq, %arg1, %eq3A : i32
    %convert_element_type3A_9 = arith.extui %eq3A_8 : i1 to i32
    %cond3A_10 = arith.constant 0 : i32
    %cond3A_11 = arith.cmpi ne, %convert_element_type3A_9, %cond3A_10 : i32
    scf.if %cond3A_11 {
      "tpu.region"() ({
        %run_scoped3A = tpu.sem_alloc : memref<!tpu.dma_semaphore, #tpu.memory_space<semaphore_mem>>
        %dma_start3A_62 = arith.constant 9480 : i32
        %dma_start3A_63 = arith.constant 0 : i32
        %dma_start3A_64 = tpu.memref_slice %arg9[%dma_start3A_62, %dma_start3A_63] : memref<10008x128xf32, #tpu.memory_space<vmem_shared>> -> memref<88x128xf32, #tpu.memory_space<vmem_shared>>
        tpu.enqueue_dma source(%arg6 : memref<88x128xf32, #tpu.memory_space<hbm>>) target(%dma_start3A_64 : memref<88x128xf32, #tpu.memory_space<vmem_shared>>) target_semaphore(%run_scoped3A : memref<!tpu.dma_semaphore, #tpu.memory_space<semaphore_mem>>)
        %dma_wait3A_65 = arith.constant 9480 : i32
        %dma_wait3A_66 = arith.constant 0 : i32
        %dma_wait3A_67 = tpu.memref_slice %arg9[%dma_wait3A_65, %dma_wait3A_66] : memref<10008x128xf32, #tpu.memory_space<vmem_shared>> -> memref<88x128xf32, #tpu.memory_space<vmem_shared>>
        tpu.wait_dma2 semaphore(%run_scoped3A : memref<!tpu.dma_semaphore, #tpu.memory_space<semaphore_mem>>) src(%arg6 : memref<88x128xf32, #tpu.memory_space<hbm>>) dst(%dma_wait3A_67 : memref<88x128xf32, #tpu.memory_space<vmem_shared>>)
        tpu.yield
      }) : () -> ()
      "tpu.region"() ({
        %run_scoped3A = tpu.sem_alloc : memref<!tpu.dma_semaphore, #tpu.memory_space<semaphore_mem>>
        %dma_start3A_62 = arith.constant 9568 : i32
        %dma_start3A_63 = arith.constant 0 : i32
        %dma_start3A_64 = tpu.memref_slice %arg9[%dma_start3A_62, %dma_start3A_63] : memref<10008x128xf32, #tpu.memory_space<vmem_shared>> -> memref<88x128xf32, #tpu.memory_space<vmem_shared>>
        tpu.enqueue_dma source(%arg6 : memref<88x128xf32, #tpu.memory_space<hbm>>) target(%dma_start3A_64 : memref<88x128xf32, #tpu.memory_space<vmem_shared>>) target_semaphore(%run_scoped3A : memref<!tpu.dma_semaphore, #tpu.memory_space<semaphore_mem>>)
        %dma_wait3A_65 = arith.constant 9568 : i32
        %dma_wait3A_66 = arith.constant 0 : i32
        %dma_wait3A_67 = tpu.memref_slice %arg9[%dma_wait3A_65, %dma_wait3A_66] : memref<10008x128xf32, #tpu.memory_space<vmem_shared>> -> memref<88x128xf32, #tpu.memory_space<vmem_shared>>
        tpu.wait_dma2 semaphore(%run_scoped3A : memref<!tpu.dma_semaphore, #tpu.memory_space<semaphore_mem>>) src(%arg6 : memref<88x128xf32, #tpu.memory_space<hbm>>) dst(%dma_wait3A_67 : memref<88x128xf32, #tpu.memory_space<vmem_shared>>)
        tpu.yield
      }) : () -> ()
      "tpu.region"() ({
        %run_scoped3A = tpu.sem_alloc : memref<!tpu.dma_semaphore, #tpu.memory_space<semaphore_mem>>
        %dma_start3A_62 = arith.constant 9656 : i32
        %dma_start3A_63 = arith.constant 0 : i32
        %dma_start3A_64 = tpu.memref_slice %arg9[%dma_start3A_62, %dma_start3A_63] : memref<10008x128xf32, #tpu.memory_space<vmem_shared>> -> memref<88x128xf32, #tpu.memory_space<vmem_shared>>
        tpu.enqueue_dma source(%arg6 : memref<88x128xf32, #tpu.memory_space<hbm>>) target(%dma_start3A_64 : memref<88x128xf32, #tpu.memory_space<vmem_shared>>) target_semaphore(%run_scoped3A : memref<!tpu.dma_semaphore, #tpu.memory_space<semaphore_mem>>)
        %dma_wait3A_65 = arith.constant 9656 : i32
        %dma_wait3A_66 = arith.constant 0 : i32
        %dma_wait3A_67 = tpu.memref_slice %arg9[%dma_wait3A_65, %dma_wait3A_66] : memref<10008x128xf32, #tpu.memory_space<vmem_shared>> -> memref<88x128xf32, #tpu.memory_space<vmem_shared>>
        tpu.wait_dma2 semaphore(%run_scoped3A : memref<!tpu.dma_semaphore, #tpu.memory_space<semaphore_mem>>) src(%arg6 : memref<88x128xf32, #tpu.memory_space<hbm>>) dst(%dma_wait3A_67 : memref<88x128xf32, #tpu.memory_space<vmem_shared>>)
        tpu.yield
      }) : () -> ()
      "tpu.region"() ({
        %run_scoped3A = tpu.sem_alloc : memref<!tpu.dma_semaphore, #tpu.memory_space<semaphore_mem>>
        %dma_start3A_62 = arith.constant 9744 : i32
        %dma_start3A_63 = arith.constant 0 : i32
        %dma_start3A_64 = tpu.memref_slice %arg9[%dma_start3A_62, %dma_start3A_63] : memref<10008x128xf32, #tpu.memory_space<vmem_shared>> -> memref<88x128xf32, #tpu.memory_space<vmem_shared>>
        tpu.enqueue_dma source(%arg6 : memref<88x128xf32, #tpu.memory_space<hbm>>) target(%dma_start3A_64 : memref<88x128xf32, #tpu.memory_space<vmem_shared>>) target_semaphore(%run_scoped3A : memref<!tpu.dma_semaphore, #tpu.memory_space<semaphore_mem>>)
        %dma_wait3A_65 = arith.constant 9744 : i32
        %dma_wait3A_66 = arith.constant 0 : i32
        %dma_wait3A_67 = tpu.memref_slice %arg9[%dma_wait3A_65, %dma_wait3A_66] : memref<10008x128xf32, #tpu.memory_space<vmem_shared>> -> memref<88x128xf32, #tpu.memory_space<vmem_shared>>
        tpu.wait_dma2 semaphore(%run_scoped3A : memref<!tpu.dma_semaphore, #tpu.memory_space<semaphore_mem>>) src(%arg6 : memref<88x128xf32, #tpu.memory_space<hbm>>) dst(%dma_wait3A_67 : memref<88x128xf32, #tpu.memory_space<vmem_shared>>)
        tpu.yield
      }) : () -> ()
      "tpu.region"() ({
        %run_scoped3A = tpu.sem_alloc : memref<!tpu.dma_semaphore, #tpu.memory_space<semaphore_mem>>
        %dma_start3A_62 = arith.constant 9832 : i32
        %dma_start3A_63 = arith.constant 0 : i32
        %dma_start3A_64 = tpu.memref_slice %arg9[%dma_start3A_62, %dma_start3A_63] : memref<10008x128xf32, #tpu.memory_space<vmem_shared>> -> memref<88x128xf32, #tpu.memory_space<vmem_shared>>
        tpu.enqueue_dma source(%arg6 : memref<88x128xf32, #tpu.memory_space<hbm>>) target(%dma_start3A_64 : memref<88x128xf32, #tpu.memory_space<vmem_shared>>) target_semaphore(%run_scoped3A : memref<!tpu.dma_semaphore, #tpu.memory_space<semaphore_mem>>)
        %dma_wait3A_65 = arith.constant 9832 : i32
        %dma_wait3A_66 = arith.constant 0 : i32
        %dma_wait3A_67 = tpu.memref_slice %arg9[%dma_wait3A_65, %dma_wait3A_66] : memref<10008x128xf32, #tpu.memory_space<vmem_shared>> -> memref<88x128xf32, #tpu.memory_space<vmem_shared>>
        tpu.wait_dma2 semaphore(%run_scoped3A : memref<!tpu.dma_semaphore, #tpu.memory_space<semaphore_mem>>) src(%arg6 : memref<88x128xf32, #tpu.memory_space<hbm>>) dst(%dma_wait3A_67 : memref<88x128xf32, #tpu.memory_space<vmem_shared>>)
        tpu.yield
      }) : () -> ()
      "tpu.region"() ({
        %run_scoped3A = tpu.sem_alloc : memref<!tpu.dma_semaphore, #tpu.memory_space<semaphore_mem>>
        %dma_start3A_62 = arith.constant 9920 : i32
        %dma_start3A_63 = arith.constant 0 : i32
        %dma_start3A_64 = tpu.memref_slice %arg9[%dma_start3A_62, %dma_start3A_63] : memref<10008x128xf32, #tpu.memory_space<vmem_shared>> -> memref<88x128xf32, #tpu.memory_space<vmem_shared>>
        tpu.enqueue_dma source(%arg6 : memref<88x128xf32, #tpu.memory_space<hbm>>) target(%dma_start3A_64 : memref<88x128xf32, #tpu.memory_space<vmem_shared>>) target_semaphore(%run_scoped3A : memref<!tpu.dma_semaphore, #tpu.memory_space<semaphore_mem>>)
        %dma_wait3A_65 = arith.constant 9920 : i32
        %dma_wait3A_66 = arith.constant 0 : i32
        %dma_wait3A_67 = tpu.memref_slice %arg9[%dma_wait3A_65, %dma_wait3A_66] : memref<10008x128xf32, #tpu.memory_space<vmem_shared>> -> memref<88x128xf32, #tpu.memory_space<vmem_shared>>
        tpu.wait_dma2 semaphore(%run_scoped3A : memref<!tpu.dma_semaphore, #tpu.memory_space<semaphore_mem>>) src(%arg6 : memref<88x128xf32, #tpu.memory_space<hbm>>) dst(%dma_wait3A_67 : memref<88x128xf32, #tpu.memory_space<vmem_shared>>)
        tpu.yield
      }) : () -> ()
    } else {
    }
    "tpu.region"() ({
      %run_scoped3A = tpu.sem_alloc : memref<!tpu.dma_semaphore, #tpu.memory_space<semaphore_mem>>
      tpu.enqueue_dma source(%arg5 : memref<88x128xf32, #tpu.memory_space<hbm>>) target(%arg12 : memref<88x128xf32, #tpu.memory_space<vmem>>) target_semaphore(%run_scoped3A : memref<!tpu.dma_semaphore, #tpu.memory_space<semaphore_mem>>)
      tpu.wait_dma2 semaphore(%run_scoped3A : memref<!tpu.dma_semaphore, #tpu.memory_space<semaphore_mem>>) src(%arg5 : memref<88x128xf32, #tpu.memory_space<hbm>>) dst(%arg12 : memref<88x128xf32, #tpu.memory_space<vmem>>)
      tpu.yield
    }) : () -> ()
    %dma_start3A = arith.constant 0 : i32
    %dma_start3A_12 = arith.constant 0 : i32
    %dma_start3A_13 = arith.constant 0 : i32
    %dma_start3A_14 = tpu.memref_slice %arg11[%dma_start3A_12, %dma_start3A_13] : memref<3x88xi32, #tpu.memory_space<vmem>> -> memref<1x88xi32, #tpu.memory_space<vmem>>
    %dma_start3A_15 = tpu.memref_squeeze %dma_start3A_14 : memref<1x88xi32, #tpu.memory_space<vmem>> -> memref<88xi32, #tpu.memory_space<vmem>>
    %dma_start3A_16 = arith.constant 0 : i32
    %dma_start3A_17 = tpu.memref_slice %arg4[%arg1, %dma_start3A, %dma_start3A_16] : memref<16x114x88xi32, #tpu.memory_space<hbm>> -> memref<1x1x88xi32, #tpu.memory_space<hbm>>
    %dma_start3A_18 = tpu.memref_squeeze %dma_start3A_17 : memref<1x1x88xi32, #tpu.memory_space<hbm>> -> memref<88xi32, #tpu.memory_space<hbm>>
    %dma_start3A_19 = arith.constant 0 : i32
    %dma_start3A_20 = tpu.memref_slice %arg11[%dma_start3A_12, %dma_start3A_19] : memref<3x88xi32, #tpu.memory_space<vmem>> -> memref<1x88xi32, #tpu.memory_space<vmem>>
    %dma_start3A_21 = tpu.memref_squeeze %dma_start3A_20 : memref<1x88xi32, #tpu.memory_space<vmem>> -> memref<88xi32, #tpu.memory_space<vmem>>
    %dma_start3A_22 = arith.constant 0 : i32
    %dma_start3A_23 = tpu.memref_slice %arg4[%arg1, %dma_start3A, %dma_start3A_22] : memref<16x114x88xi32, #tpu.memory_space<hbm>> -> memref<1x1x88xi32, #tpu.memory_space<hbm>>
    %dma_start3A_24 = tpu.memref_squeeze %dma_start3A_23 : memref<1x1x88xi32, #tpu.memory_space<hbm>> -> memref<88xi32, #tpu.memory_space<hbm>>
    tpu.enqueue_dma source(%dma_start3A_24 : memref<88xi32, #tpu.memory_space<hbm>>) target(%dma_start3A_21 : memref<88xi32, #tpu.memory_space<vmem>>) target_semaphore(%arg21 : memref<!tpu.dma_semaphore, #tpu.memory_space<semaphore_mem>>)
    %dma_start3A_25 = arith.constant 1 : i32
    %dma_start3A_26 = arith.constant 1 : i32
    %dma_start3A_27 = arith.constant 0 : i32
    %dma_start3A_28 = tpu.memref_slice %arg11[%dma_start3A_26, %dma_start3A_27] : memref<3x88xi32, #tpu.memory_space<vmem>> -> memref<1x88xi32, #tpu.memory_space<vmem>>
    %dma_start3A_29 = tpu.memref_squeeze %dma_start3A_28 : memref<1x88xi32, #tpu.memory_space<vmem>> -> memref<88xi32, #tpu.memory_space<vmem>>
    %dma_start3A_30 = arith.constant 0 : i32
    %dma_start3A_31 = tpu.memref_slice %arg4[%arg1, %dma_start3A_25, %dma_start3A_30] : memref<16x114x88xi32, #tpu.memory_space<hbm>> -> memref<1x1x88xi32, #tpu.memory_space<hbm>>
    %dma_start3A_32 = tpu.memref_squeeze %dma_start3A_31 : memref<1x1x88xi32, #tpu.memory_space<hbm>> -> memref<88xi32, #tpu.memory_space<hbm>>
    %dma_start3A_33 = arith.constant 0 : i32
    %dma_start3A_34 = tpu.memref_slice %arg11[%dma_start3A_26, %dma_start3A_33] : memref<3x88xi32, #tpu.memory_space<vmem>> -> memref<1x88xi32, #tpu.memory_space<vmem>>
    %dma_start3A_35 = tpu.memref_squeeze %dma_start3A_34 : memref<1x88xi32, #tpu.memory_space<vmem>> -> memref<88xi32, #tpu.memory_space<vmem>>
    %dma_start3A_36 = arith.constant 0 : i32
    %dma_start3A_37 = tpu.memref_slice %arg4[%arg1, %dma_start3A_25, %dma_start3A_36] : memref<16x114x88xi32, #tpu.memory_space<hbm>> -> memref<1x1x88xi32, #tpu.memory_space<hbm>>
    %dma_start3A_38 = tpu.memref_squeeze %dma_start3A_37 : memref<1x1x88xi32, #tpu.memory_space<hbm>> -> memref<88xi32, #tpu.memory_space<hbm>>
    tpu.enqueue_dma source(%dma_start3A_38 : memref<88xi32, #tpu.memory_space<hbm>>) target(%dma_start3A_35 : memref<88xi32, #tpu.memory_space<vmem>>) target_semaphore(%arg22 : memref<!tpu.dma_semaphore, #tpu.memory_space<semaphore_mem>>)
    %barrier3A = arith.constant 0 : index
    tpu.barrier barrier_id(%barrier3A)
    %scan3A_39 = arith.constant 0 : i32
    %scan3A_40 = arith.constant 38 : i32
    %scan3A_41 = arith.addi %scan3A_39, %scan3A_40 : i32
    %scan3A_42 = arith.constant 1 : i32
    scf.for %scan3A_62 = %scan3A_39 to %scan3A_41 step %scan3A_42  : i32 {
      %mul3A_63 = arith.constant 3 : i32
      %mul3A_64 = arith.muli %scan3A_62, %mul3A_63 : i32
      %add3A = arith.constant 0 : i32
      %add3A_65 = arith.addi %mul3A_64, %add3A : i32
      %dma_wait3A_66 = arith.constant 0 : i32
      %dma_wait3A_67 = arith.constant 0 : i32
      %dma_wait3A_68 = tpu.memref_slice %arg11[%dma_wait3A_66, %dma_wait3A_67] : memref<3x88xi32, #tpu.memory_space<vmem>> -> memref<1x88xi32, #tpu.memory_space<vmem>>
      %dma_wait3A_69 = tpu.memref_squeeze %dma_wait3A_68 : memref<1x88xi32, #tpu.memory_space<vmem>> -> memref<88xi32, #tpu.memory_space<vmem>>
      %dma_wait3A_70 = arith.constant 0 : i32
      %dma_wait3A_71 = tpu.memref_slice %arg4[%arg1, %add3A_65, %dma_wait3A_70] : memref<16x114x88xi32, #tpu.memory_space<hbm>> -> memref<1x1x88xi32, #tpu.memory_space<hbm>>
      %dma_wait3A_72 = tpu.memref_squeeze %dma_wait3A_71 : memref<1x1x88xi32, #tpu.memory_space<hbm>> -> memref<88xi32, #tpu.memory_space<hbm>>
      %dma_wait3A_73 = arith.constant 0 : i32
      %dma_wait3A_74 = tpu.memref_slice %arg11[%dma_wait3A_66, %dma_wait3A_73] : memref<3x88xi32, #tpu.memory_space<vmem>> -> memref<1x88xi32, #tpu.memory_space<vmem>>
      %dma_wait3A_75 = tpu.memref_squeeze %dma_wait3A_74 : memref<1x88xi32, #tpu.memory_space<vmem>> -> memref<88xi32, #tpu.memory_space<vmem>>
      %dma_wait3A_76 = arith.constant 0 : i32
      %dma_wait3A_77 = tpu.memref_slice %arg4[%arg1, %add3A_65, %dma_wait3A_76] : memref<16x114x88xi32, #tpu.memory_space<hbm>> -> memref<1x1x88xi32, #tpu.memory_space<hbm>>
      %dma_wait3A_78 = tpu.memref_squeeze %dma_wait3A_77 : memref<1x1x88xi32, #tpu.memory_space<hbm>> -> memref<88xi32, #tpu.memory_space<hbm>>
      tpu.wait_dma2 semaphore(%arg21 : memref<!tpu.dma_semaphore, #tpu.memory_space<semaphore_mem>>) src(%dma_wait3A_78 : memref<88xi32, #tpu.memory_space<hbm>>) dst(%dma_wait3A_75 : memref<88xi32, #tpu.memory_space<vmem>>)
      %dma_start3A_79 = arith.constant 0 : i32
      %dma_start3A_80 = arith.constant 0 : i32
      %dma_start3A_81 = tpu.memref_slice %arg11[%dma_start3A_79, %dma_start3A_80] : memref<3x88xi32, #tpu.memory_space<vmem>> -> memref<1x88xi32, #tpu.memory_space<vmem>>
      %dma_start3A_82 = tpu.memref_squeeze %dma_start3A_81 : memref<1x88xi32, #tpu.memory_space<vmem>> -> memref<88xi32, #tpu.memory_space<vmem>>
      %dma_start3A_83 = arith.constant 0 : i32
      %dma_start3A_84 = arith.constant 0 : i32
      %dma_start3A_85 = tpu.memref_slice %arg9[%dma_start3A_83, %dma_start3A_84] : memref<10008x128xf32, #tpu.memory_space<vmem_shared>> -> memref<10008x128xf32, #tpu.memory_space<vmem_shared>>
      tpu.enqueue_indirect_dma source(%arg12 : memref<88x128xf32, #tpu.memory_space<vmem>>) target(%dma_start3A_85 : memref<10008x128xf32, #tpu.memory_space<vmem_shared>>) offsets(%dma_start3A_82 : memref<88xi32, #tpu.memory_space<vmem>>) semaphore(%arg18 : memref<!tpu.dma_semaphore, #tpu.memory_space<semaphore_mem>>) {add = true}
      %ge3A = arith.constant 1 : i32
      %ge3A_86 = arith.cmpi sge, %add3A_65, %ge3A : i32
      %convert_element_type3A_87 = arith.extui %ge3A_86 : i1 to i32
      %cond3A_88 = arith.constant 0 : i32
      %cond3A_89 = arith.cmpi ne, %convert_element_type3A_87, %cond3A_88 : i32
      scf.if %cond3A_89 {
        %dma_wait3A_169 = arith.constant 2 : i32
        %dma_wait3A_170 = arith.constant 0 : i32
        %dma_wait3A_171 = tpu.memref_slice %arg11[%dma_wait3A_169, %dma_wait3A_170] : memref<3x88xi32, #tpu.memory_space<vmem>> -> memref<1x88xi32, #tpu.memory_space<vmem>>
        %dma_wait3A_172 = tpu.memref_squeeze %dma_wait3A_171 : memref<1x88xi32, #tpu.memory_space<vmem>> -> memref<88xi32, #tpu.memory_space<vmem>>
        %dma_wait3A_173 = arith.constant 0 : i32
        %dma_wait3A_174 = arith.constant 0 : i32
        %dma_wait3A_175 = tpu.memref_slice %arg9[%dma_wait3A_173, %dma_wait3A_174] : memref<10008x128xf32, #tpu.memory_space<vmem_shared>> -> memref<10008x128xf32, #tpu.memory_space<vmem_shared>>
        tpu.wait_indirect_dma semaphore(%arg20 : memref<!tpu.dma_semaphore, #tpu.memory_space<semaphore_mem>>) src(%arg12 : memref<88x128xf32, #tpu.memory_space<vmem>>) dst(%dma_wait3A_175 : memref<10008x128xf32, #tpu.memory_space<vmem_shared>>)
      } else {
      }
      %add3A_90 = arith.constant 2 : i32
      %add3A_91 = arith.addi %add3A_65, %add3A_90 : i32
      %lt3A_92 = arith.constant 114 : i32
      %lt3A_93 = arith.cmpi slt, %add3A_91, %lt3A_92 : i32
      %convert_element_type3A_94 = arith.extui %lt3A_93 : i1 to i32
      %cond3A_95 = arith.constant 0 : i32
      %cond3A_96 = arith.cmpi ne, %convert_element_type3A_94, %cond3A_95 : i32
      scf.if %cond3A_96 {
        %add3A_169 = arith.constant 2 : i32
        %add3A_170 = arith.addi %add3A_65, %add3A_169 : i32
        %dma_start3A_171 = arith.constant 2 : i32
        %dma_start3A_172 = arith.constant 0 : i32
        %dma_start3A_173 = tpu.memref_slice %arg11[%dma_start3A_171, %dma_start3A_172] : memref<3x88xi32, #tpu.memory_space<vmem>> -> memref<1x88xi32, #tpu.memory_space<vmem>>
        %dma_start3A_174 = tpu.memref_squeeze %dma_start3A_173 : memref<1x88xi32, #tpu.memory_space<vmem>> -> memref<88xi32, #tpu.memory_space<vmem>>
        %dma_start3A_175 = arith.constant 0 : i32
        %dma_start3A_176 = tpu.memref_slice %arg4[%arg1, %add3A_170, %dma_start3A_175] : memref<16x114x88xi32, #tpu.memory_space<hbm>> -> memref<1x1x88xi32, #tpu.memory_space<hbm>>
        %dma_start3A_177 = tpu.memref_squeeze %dma_start3A_176 : memref<1x1x88xi32, #tpu.memory_space<hbm>> -> memref<88xi32, #tpu.memory_space<hbm>>
        %dma_start3A_178 = arith.constant 0 : i32
        %dma_start3A_179 = tpu.memref_slice %arg11[%dma_start3A_171, %dma_start3A_178] : memref<3x88xi32, #tpu.memory_space<vmem>> -> memref<1x88xi32, #tpu.memory_space<vmem>>
        %dma_start3A_180 = tpu.memref_squeeze %dma_start3A_179 : memref<1x88xi32, #tpu.memory_space<vmem>> -> memref<88xi32, #tpu.memory_space<vmem>>
        %dma_start3A_181 = arith.constant 0 : i32
        %dma_start3A_182 = tpu.memref_slice %arg4[%arg1, %add3A_170, %dma_start3A_181] : memref<16x114x88xi32, #tpu.memory_space<hbm>> -> memref<1x1x88xi32, #tpu.memory_space<hbm>>
        %dma_start3A_183 = tpu.memref_squeeze %dma_start3A_182 : memref<1x1x88xi32, #tpu.memory_space<hbm>> -> memref<88xi32, #tpu.memory_space<hbm>>
        tpu.enqueue_dma source(%dma_start3A_183 : memref<88xi32, #tpu.memory_space<hbm>>) target(%dma_start3A_180 : memref<88xi32, #tpu.memory_space<vmem>>) target_semaphore(%arg23 : memref<!tpu.dma_semaphore, #tpu.memory_space<semaphore_mem>>)
      } else {
      }
      %mul3A_97 = arith.constant 3 : i32
      %mul3A_98 = arith.muli %scan3A_62, %mul3A_97 : i32
      %add3A_99 = arith.constant 1 : i32
      %add3A_100 = arith.addi %mul3A_98, %add3A_99 : i32
      %dma_wait3A_101 = arith.constant 1 : i32
      %dma_wait3A_102 = arith.constant 0 : i32
      %dma_wait3A_103 = tpu.memref_slice %arg11[%dma_wait3A_101, %dma_wait3A_102] : memref<3x88xi32, #tpu.memory_space<vmem>> -> memref<1x88xi32, #tpu.memory_space<vmem>>
      %dma_wait3A_104 = tpu.memref_squeeze %dma_wait3A_103 : memref<1x88xi32, #tpu.memory_space<vmem>> -> memref<88xi32, #tpu.memory_space<vmem>>
      %dma_wait3A_105 = arith.constant 0 : i32
      %dma_wait3A_106 = tpu.memref_slice %arg4[%arg1, %add3A_100, %dma_wait3A_105] : memref<16x114x88xi32, #tpu.memory_space<hbm>> -> memref<1x1x88xi32, #tpu.memory_space<hbm>>
      %dma_wait3A_107 = tpu.memref_squeeze %dma_wait3A_106 : memref<1x1x88xi32, #tpu.memory_space<hbm>> -> memref<88xi32, #tpu.memory_space<hbm>>
      %dma_wait3A_108 = arith.constant 0 : i32
      %dma_wait3A_109 = tpu.memref_slice %arg11[%dma_wait3A_101, %dma_wait3A_108] : memref<3x88xi32, #tpu.memory_space<vmem>> -> memref<1x88xi32, #tpu.memory_space<vmem>>
      %dma_wait3A_110 = tpu.memref_squeeze %dma_wait3A_109 : memref<1x88xi32, #tpu.memory_space<vmem>> -> memref<88xi32, #tpu.memory_space<vmem>>
      %dma_wait3A_111 = arith.constant 0 : i32
      %dma_wait3A_112 = tpu.memref_slice %arg4[%arg1, %add3A_100, %dma_wait3A_111] : memref<16x114x88xi32, #tpu.memory_space<hbm>> -> memref<1x1x88xi32, #tpu.memory_space<hbm>>
      %dma_wait3A_113 = tpu.memref_squeeze %dma_wait3A_112 : memref<1x1x88xi32, #tpu.memory_space<hbm>> -> memref<88xi32, #tpu.memory_space<hbm>>
      tpu.wait_dma2 semaphore(%arg22 : memref<!tpu.dma_semaphore, #tpu.memory_space<semaphore_mem>>) src(%dma_wait3A_113 : memref<88xi32, #tpu.memory_space<hbm>>) dst(%dma_wait3A_110 : memref<88xi32, #tpu.memory_space<vmem>>)
      %dma_start3A_114 = arith.constant 1 : i32
      %dma_start3A_115 = arith.constant 0 : i32
      %dma_start3A_116 = tpu.memref_slice %arg11[%dma_start3A_114, %dma_start3A_115] : memref<3x88xi32, #tpu.memory_space<vmem>> -> memref<1x88xi32, #tpu.memory_space<vmem>>
      %dma_start3A_117 = tpu.memref_squeeze %dma_start3A_116 : memref<1x88xi32, #tpu.memory_space<vmem>> -> memref<88xi32, #tpu.memory_space<vmem>>
      %dma_start3A_118 = arith.constant 0 : i32
      %dma_start3A_119 = arith.constant 0 : i32
      %dma_start3A_120 = tpu.memref_slice %arg9[%dma_start3A_118, %dma_start3A_119] : memref<10008x128xf32, #tpu.memory_space<vmem_shared>> -> memref<10008x128xf32, #tpu.memory_space<vmem_shared>>
      tpu.enqueue_indirect_dma source(%arg12 : memref<88x128xf32, #tpu.memory_space<vmem>>) target(%dma_start3A_120 : memref<10008x128xf32, #tpu.memory_space<vmem_shared>>) offsets(%dma_start3A_117 : memref<88xi32, #tpu.memory_space<vmem>>) semaphore(%arg19 : memref<!tpu.dma_semaphore, #tpu.memory_space<semaphore_mem>>) {add = true}
      %ge3A_121 = arith.constant 1 : i32
      %ge3A_122 = arith.cmpi sge, %add3A_100, %ge3A_121 : i32
      %convert_element_type3A_123 = arith.extui %ge3A_122 : i1 to i32
      %cond3A_124 = arith.constant 0 : i32
      %cond3A_125 = arith.cmpi ne, %convert_element_type3A_123, %cond3A_124 : i32
      scf.if %cond3A_125 {
        %dma_wait3A_169 = arith.constant 0 : i32
        %dma_wait3A_170 = arith.constant 0 : i32
        %dma_wait3A_171 = tpu.memref_slice %arg11[%dma_wait3A_169, %dma_wait3A_170] : memref<3x88xi32, #tpu.memory_space<vmem>> -> memref<1x88xi32, #tpu.memory_space<vmem>>
        %dma_wait3A_172 = tpu.memref_squeeze %dma_wait3A_171 : memref<1x88xi32, #tpu.memory_space<vmem>> -> memref<88xi32, #tpu.memory_space<vmem>>
        %dma_wait3A_173 = arith.constant 0 : i32
        %dma_wait3A_174 = arith.constant 0 : i32
        %dma_wait3A_175 = tpu.memref_slice %arg9[%dma_wait3A_173, %dma_wait3A_174] : memref<10008x128xf32, #tpu.memory_space<vmem_shared>> -> memref<10008x128xf32, #tpu.memory_space<vmem_shared>>
        tpu.wait_indirect_dma semaphore(%arg18 : memref<!tpu.dma_semaphore, #tpu.memory_space<semaphore_mem>>) src(%arg12 : memref<88x128xf32, #tpu.memory_space<vmem>>) dst(%dma_wait3A_175 : memref<10008x128xf32, #tpu.memory_space<vmem_shared>>)
      } else {
      }
      %add3A_126 = arith.constant 2 : i32
      %add3A_127 = arith.addi %add3A_100, %add3A_126 : i32
      %lt3A_128 = arith.constant 114 : i32
      %lt3A_129 = arith.cmpi slt, %add3A_127, %lt3A_128 : i32
      %convert_element_type3A_130 = arith.extui %lt3A_129 : i1 to i32
      %cond3A_131 = arith.constant 0 : i32
      %cond3A_132 = arith.cmpi ne, %convert_element_type3A_130, %cond3A_131 : i32
      scf.if %cond3A_132 {
        %add3A_169 = arith.constant 2 : i32
        %add3A_170 = arith.addi %add3A_100, %add3A_169 : i32
        %dma_start3A_171 = arith.constant 0 : i32
        %dma_start3A_172 = arith.constant 0 : i32
        %dma_start3A_173 = tpu.memref_slice %arg11[%dma_start3A_171, %dma_start3A_172] : memref<3x88xi32, #tpu.memory_space<vmem>> -> memref<1x88xi32, #tpu.memory_space<vmem>>
        %dma_start3A_174 = tpu.memref_squeeze %dma_start3A_173 : memref<1x88xi32, #tpu.memory_space<vmem>> -> memref<88xi32, #tpu.memory_space<vmem>>
        %dma_start3A_175 = arith.constant 0 : i32
        %dma_start3A_176 = tpu.memref_slice %arg4[%arg1, %add3A_170, %dma_start3A_175] : memref<16x114x88xi32, #tpu.memory_space<hbm>> -> memref<1x1x88xi32, #tpu.memory_space<hbm>>
        %dma_start3A_177 = tpu.memref_squeeze %dma_start3A_176 : memref<1x1x88xi32, #tpu.memory_space<hbm>> -> memref<88xi32, #tpu.memory_space<hbm>>
        %dma_start3A_178 = arith.constant 0 : i32
        %dma_start3A_179 = tpu.memref_slice %arg11[%dma_start3A_171, %dma_start3A_178] : memref<3x88xi32, #tpu.memory_space<vmem>> -> memref<1x88xi32, #tpu.memory_space<vmem>>
        %dma_start3A_180 = tpu.memref_squeeze %dma_start3A_179 : memref<1x88xi32, #tpu.memory_space<vmem>> -> memref<88xi32, #tpu.memory_space<vmem>>
        %dma_start3A_181 = arith.constant 0 : i32
        %dma_start3A_182 = tpu.memref_slice %arg4[%arg1, %add3A_170, %dma_start3A_181] : memref<16x114x88xi32, #tpu.memory_space<hbm>> -> memref<1x1x88xi32, #tpu.memory_space<hbm>>
        %dma_start3A_183 = tpu.memref_squeeze %dma_start3A_182 : memref<1x1x88xi32, #tpu.memory_space<hbm>> -> memref<88xi32, #tpu.memory_space<hbm>>
        tpu.enqueue_dma source(%dma_start3A_183 : memref<88xi32, #tpu.memory_space<hbm>>) target(%dma_start3A_180 : memref<88xi32, #tpu.memory_space<vmem>>) target_semaphore(%arg21 : memref<!tpu.dma_semaphore, #tpu.memory_space<semaphore_mem>>)
      } else {
      }
      %mul3A_133 = arith.constant 3 : i32
      %mul3A_134 = arith.muli %scan3A_62, %mul3A_133 : i32
      %add3A_135 = arith.constant 2 : i32
      %add3A_136 = arith.addi %mul3A_134, %add3A_135 : i32
      %dma_wait3A_137 = arith.constant 2 : i32
      %dma_wait3A_138 = arith.constant 0 : i32
      %dma_wait3A_139 = tpu.memref_slice %arg11[%dma_wait3A_137, %dma_wait3A_138] : memref<3x88xi32, #tpu.memory_space<vmem>> -> memref<1x88xi32, #tpu.memory_space<vmem>>
      %dma_wait3A_140 = tpu.memref_squeeze %dma_wait3A_139 : memref<1x88xi32, #tpu.memory_space<vmem>> -> memref<88xi32, #tpu.memory_space<vmem>>
      %dma_wait3A_141 = arith.constant 0 : i32
      %dma_wait3A_142 = tpu.memref_slice %arg4[%arg1, %add3A_136, %dma_wait3A_141] : memref<16x114x88xi32, #tpu.memory_space<hbm>> -> memref<1x1x88xi32, #tpu.memory_space<hbm>>
      %dma_wait3A_143 = tpu.memref_squeeze %dma_wait3A_142 : memref<1x1x88xi32, #tpu.memory_space<hbm>> -> memref<88xi32, #tpu.memory_space<hbm>>
      %dma_wait3A_144 = arith.constant 0 : i32
      %dma_wait3A_145 = tpu.memref_slice %arg11[%dma_wait3A_137, %dma_wait3A_144] : memref<3x88xi32, #tpu.memory_space<vmem>> -> memref<1x88xi32, #tpu.memory_space<vmem>>
      %dma_wait3A_146 = tpu.memref_squeeze %dma_wait3A_145 : memref<1x88xi32, #tpu.memory_space<vmem>> -> memref<88xi32, #tpu.memory_space<vmem>>
      %dma_wait3A_147 = arith.constant 0 : i32
      %dma_wait3A_148 = tpu.memref_slice %arg4[%arg1, %add3A_136, %dma_wait3A_147] : memref<16x114x88xi32, #tpu.memory_space<hbm>> -> memref<1x1x88xi32, #tpu.memory_space<hbm>>
      %dma_wait3A_149 = tpu.memref_squeeze %dma_wait3A_148 : memref<1x1x88xi32, #tpu.memory_space<hbm>> -> memref<88xi32, #tpu.memory_space<hbm>>
      tpu.wait_dma2 semaphore(%arg23 : memref<!tpu.dma_semaphore, #tpu.memory_space<semaphore_mem>>) src(%dma_wait3A_149 : memref<88xi32, #tpu.memory_space<hbm>>) dst(%dma_wait3A_146 : memref<88xi32, #tpu.memory_space<vmem>>)
      %dma_start3A_150 = arith.constant 2 : i32
      %dma_start3A_151 = arith.constant 0 : i32
      %dma_start3A_152 = tpu.memref_slice %arg11[%dma_start3A_150, %dma_start3A_151] : memref<3x88xi32, #tpu.memory_space<vmem>> -> memref<1x88xi32, #tpu.memory_space<vmem>>
      %dma_start3A_153 = tpu.memref_squeeze %dma_start3A_152 : memref<1x88xi32, #tpu.memory_space<vmem>> -> memref<88xi32, #tpu.memory_space<vmem>>
      %dma_start3A_154 = arith.constant 0 : i32
      %dma_start3A_155 = arith.constant 0 : i32
      %dma_start3A_156 = tpu.memref_slice %arg9[%dma_start3A_154, %dma_start3A_155] : memref<10008x128xf32, #tpu.memory_space<vmem_shared>> -> memref<10008x128xf32, #tpu.memory_space<vmem_shared>>
      tpu.enqueue_indirect_dma source(%arg12 : memref<88x128xf32, #tpu.memory_space<vmem>>) target(%dma_start3A_156 : memref<10008x128xf32, #tpu.memory_space<vmem_shared>>) offsets(%dma_start3A_153 : memref<88xi32, #tpu.memory_space<vmem>>) semaphore(%arg20 : memref<!tpu.dma_semaphore, #tpu.memory_space<semaphore_mem>>) {add = true}
      %ge3A_157 = arith.constant 1 : i32
      %ge3A_158 = arith.cmpi sge, %add3A_136, %ge3A_157 : i32
      %convert_element_type3A_159 = arith.extui %ge3A_158 : i1 to i32
      %cond3A_160 = arith.constant 0 : i32
      %cond3A_161 = arith.cmpi ne, %convert_element_type3A_159, %cond3A_160 : i32
      scf.if %cond3A_161 {
        %dma_wait3A_169 = arith.constant 1 : i32
        %dma_wait3A_170 = arith.constant 0 : i32
        %dma_wait3A_171 = tpu.memref_slice %arg11[%dma_wait3A_169, %dma_wait3A_170] : memref<3x88xi32, #tpu.memory_space<vmem>> -> memref<1x88xi32, #tpu.memory_space<vmem>>
        %dma_wait3A_172 = tpu.memref_squeeze %dma_wait3A_171 : memref<1x88xi32, #tpu.memory_space<vmem>> -> memref<88xi32, #tpu.memory_space<vmem>>
        %dma_wait3A_173 = arith.constant 0 : i32
        %dma_wait3A_174 = arith.constant 0 : i32
        %dma_wait3A_175 = tpu.memref_slice %arg9[%dma_wait3A_173, %dma_wait3A_174] : memref<10008x128xf32, #tpu.memory_space<vmem_shared>> -> memref<10008x128xf32, #tpu.memory_space<vmem_shared>>
        tpu.wait_indirect_dma semaphore(%arg19 : memref<!tpu.dma_semaphore, #tpu.memory_space<semaphore_mem>>) src(%arg12 : memref<88x128xf32, #tpu.memory_space<vmem>>) dst(%dma_wait3A_175 : memref<10008x128xf32, #tpu.memory_space<vmem_shared>>)
      } else {
      }
      %add3A_162 = arith.constant 2 : i32
      %add3A_163 = arith.addi %add3A_136, %add3A_162 : i32
      %lt3A_164 = arith.constant 114 : i32
      %lt3A_165 = arith.cmpi slt, %add3A_163, %lt3A_164 : i32
      %convert_element_type3A_166 = arith.extui %lt3A_165 : i1 to i32
      %cond3A_167 = arith.constant 0 : i32
      %cond3A_168 = arith.cmpi ne, %convert_element_type3A_166, %cond3A_167 : i32
      scf.if %cond3A_168 {
        %add3A_169 = arith.constant 2 : i32
        %add3A_170 = arith.addi %add3A_136, %add3A_169 : i32
        %dma_start3A_171 = arith.constant 1 : i32
        %dma_start3A_172 = arith.constant 0 : i32
        %dma_start3A_173 = tpu.memref_slice %arg11[%dma_start3A_171, %dma_start3A_172] : memref<3x88xi32, #tpu.memory_space<vmem>> -> memref<1x88xi32, #tpu.memory_space<vmem>>
        %dma_start3A_174 = tpu.memref_squeeze %dma_start3A_173 : memref<1x88xi32, #tpu.memory_space<vmem>> -> memref<88xi32, #tpu.memory_space<vmem>>
        %dma_start3A_175 = arith.constant 0 : i32
        %dma_start3A_176 = tpu.memref_slice %arg4[%arg1, %add3A_170, %dma_start3A_175] : memref<16x114x88xi32, #tpu.memory_space<hbm>> -> memref<1x1x88xi32, #tpu.memory_space<hbm>>
        %dma_start3A_177 = tpu.memref_squeeze %dma_start3A_176 : memref<1x1x88xi32, #tpu.memory_space<hbm>> -> memref<88xi32, #tpu.memory_space<hbm>>
        %dma_start3A_178 = arith.constant 0 : i32
        %dma_start3A_179 = tpu.memref_slice %arg11[%dma_start3A_171, %dma_start3A_178] : memref<3x88xi32, #tpu.memory_space<vmem>> -> memref<1x88xi32, #tpu.memory_space<vmem>>
        %dma_start3A_180 = tpu.memref_squeeze %dma_start3A_179 : memref<1x88xi32, #tpu.memory_space<vmem>> -> memref<88xi32, #tpu.memory_space<vmem>>
        %dma_start3A_181 = arith.constant 0 : i32
        %dma_start3A_182 = tpu.memref_slice %arg4[%arg1, %add3A_170, %dma_start3A_181] : memref<16x114x88xi32, #tpu.memory_space<hbm>> -> memref<1x1x88xi32, #tpu.memory_space<hbm>>
        %dma_start3A_183 = tpu.memref_squeeze %dma_start3A_182 : memref<1x1x88xi32, #tpu.memory_space<hbm>> -> memref<88xi32, #tpu.memory_space<hbm>>
        tpu.enqueue_dma source(%dma_start3A_183 : memref<88xi32, #tpu.memory_space<hbm>>) target(%dma_start3A_180 : memref<88xi32, #tpu.memory_space<vmem>>) target_semaphore(%arg22 : memref<!tpu.dma_semaphore, #tpu.memory_space<semaphore_mem>>)
      } else {
      }
    }
    %scan3A_43 = arith.constant 38 : i32
    %dma_wait3A = arith.constant 2 : i32
    %dma_wait3A_44 = arith.constant 0 : i32
    %dma_wait3A_45 = tpu.memref_slice %arg11[%dma_wait3A, %dma_wait3A_44] : memref<3x88xi32, #tpu.memory_space<vmem>> -> memref<1x88xi32, #tpu.memory_space<vmem>>
    %dma_wait3A_46 = tpu.memref_squeeze %dma_wait3A_45 : memref<1x88xi32, #tpu.memory_space<vmem>> -> memref<88xi32, #tpu.memory_space<vmem>>
    %dma_wait3A_47 = arith.constant 0 : i32
    %dma_wait3A_48 = arith.constant 0 : i32
    %dma_wait3A_49 = tpu.memref_slice %arg9[%dma_wait3A_47, %dma_wait3A_48] : memref<10008x128xf32, #tpu.memory_space<vmem_shared>> -> memref<10008x128xf32, #tpu.memory_space<vmem_shared>>
    tpu.wait_indirect_dma semaphore(%arg20 : memref<!tpu.dma_semaphore, #tpu.memory_space<semaphore_mem>>) src(%arg12 : memref<88x128xf32, #tpu.memory_space<vmem>>) dst(%dma_wait3A_49 : memref<10008x128xf32, #tpu.memory_space<vmem_shared>>)
    %barrier3A_50 = arith.constant 0 : index
    tpu.barrier barrier_id(%barrier3A_50)
    %eq3A_51 = arith.constant 0 : i32
    %eq3A_52 = arith.cmpi eq, %arg0, %eq3A_51 : i32
    %convert_element_type3A_53 = arith.extui %eq3A_52 : i1 to i32
    %cond3A_54 = arith.constant 0 : i32
    %cond3A_55 = arith.cmpi ne, %convert_element_type3A_53, %cond3A_54 : i32
    scf.if %cond3A_55 {
      %lt3A_62 = arith.constant 15 : i32
      %lt3A_63 = arith.cmpi slt, %arg1, %lt3A_62 : i32
      %convert_element_type3A_64 = arith.extui %lt3A_63 : i1 to i32
      %cond3A_65 = arith.constant 0 : i32
      %cond3A_66 = arith.cmpi ne, %convert_element_type3A_64, %cond3A_65 : i32
      scf.if %cond3A_66 {
        %mul3A_72 = arith.constant 632 : i32
        %mul3A_73 = arith.muli %arg1, %mul3A_72 : i32
        %multiple_of3A = tpu.assume_multiple %mul3A_73, 8 : i32
        "tpu.region"() ({
          %run_scoped3A = tpu.sem_alloc : memref<!tpu.dma_semaphore, #tpu.memory_space<semaphore_mem>>
          %dma_start3A_74 = arith.constant 0 : i32
          %dma_start3A_75 = tpu.memref_slice %arg8[%multiple_of3A, %dma_start3A_74] : memref<10000x128xf32, #tpu.memory_space<hbm>> -> memref<632x128xf32, #tpu.memory_space<hbm>>
          %dma_start3A_76 = arith.constant 0 : i32
          %dma_start3A_77 = tpu.memref_slice %arg9[%multiple_of3A, %dma_start3A_76] : memref<10008x128xf32, #tpu.memory_space<vmem_shared>> -> memref<632x128xf32, #tpu.memory_space<vmem_shared>>
          tpu.enqueue_dma source(%dma_start3A_77 : memref<632x128xf32, #tpu.memory_space<vmem_shared>>) target(%dma_start3A_75 : memref<632x128xf32, #tpu.memory_space<hbm>>) target_semaphore(%run_scoped3A : memref<!tpu.dma_semaphore, #tpu.memory_space<semaphore_mem>>)
          %dma_wait3A_78 = arith.constant 0 : i32
          %dma_wait3A_79 = tpu.memref_slice %arg8[%multiple_of3A, %dma_wait3A_78] : memref<10000x128xf32, #tpu.memory_space<hbm>> -> memref<632x128xf32, #tpu.memory_space<hbm>>
          %dma_wait3A_80 = arith.constant 0 : i32
          %dma_wait3A_81 = tpu.memref_slice %arg9[%multiple_of3A, %dma_wait3A_80] : memref<10008x128xf32, #tpu.memory_space<vmem_shared>> -> memref<632x128xf32, #tpu.memory_space<vmem_shared>>
          tpu.wait_dma2 semaphore(%run_scoped3A : memref<!tpu.dma_semaphore, #tpu.memory_space<semaphore_mem>>) src(%dma_wait3A_81 : memref<632x128xf32, #tpu.memory_space<vmem_shared>>) dst(%dma_wait3A_79 : memref<632x128xf32, #tpu.memory_space<hbm>>)
          tpu.yield
        }) : () -> ()
      } else {
      }
      %eq3A_67 = arith.constant 15 : i32
      %eq3A_68 = arith.cmpi eq, %arg1, %eq3A_67 : i32
      %convert_element_type3A_69 = arith.extui %eq3A_68 : i1 to i32
      %cond3A_70 = arith.constant 0 : i32
      %cond3A_71 = arith.cmpi ne, %convert_element_type3A_69, %cond3A_70 : i32
      scf.if %cond3A_71 {
        "tpu.region"() ({
          %run_scoped3A = tpu.sem_alloc : memref<!tpu.dma_semaphore, #tpu.memory_space<semaphore_mem>>
          %dma_start3A_72 = arith.constant 9480 : i32
          %dma_start3A_73 = arith.constant 0 : i32
          %dma_start3A_74 = tpu.memref_slice %arg8[%dma_start3A_72, %dma_start3A_73] : memref<10000x128xf32, #tpu.memory_space<hbm>> -> memref<520x128xf32, #tpu.memory_space<hbm>>
          %dma_start3A_75 = arith.constant 9480 : i32
          %dma_start3A_76 = arith.constant 0 : i32
          %dma_start3A_77 = tpu.memref_slice %arg9[%dma_start3A_75, %dma_start3A_76] : memref<10008x128xf32, #tpu.memory_space<vmem_shared>> -> memref<520x128xf32, #tpu.memory_space<vmem_shared>>
          tpu.enqueue_dma source(%dma_start3A_77 : memref<520x128xf32, #tpu.memory_space<vmem_shared>>) target(%dma_start3A_74 : memref<520x128xf32, #tpu.memory_space<hbm>>) target_semaphore(%run_scoped3A : memref<!tpu.dma_semaphore, #tpu.memory_space<semaphore_mem>>)
          %dma_wait3A_78 = arith.constant 9480 : i32
          %dma_wait3A_79 = arith.constant 0 : i32
          %dma_wait3A_80 = tpu.memref_slice %arg8[%dma_wait3A_78, %dma_wait3A_79] : memref<10000x128xf32, #tpu.memory_space<hbm>> -> memref<520x128xf32, #tpu.memory_space<hbm>>
          %dma_wait3A_81 = arith.constant 9480 : i32
          %dma_wait3A_82 = arith.constant 0 : i32
          %dma_wait3A_83 = tpu.memref_slice %arg9[%dma_wait3A_81, %dma_wait3A_82] : memref<10008x128xf32, #tpu.memory_space<vmem_shared>> -> memref<520x128xf32, #tpu.memory_space<vmem_shared>>
          tpu.wait_dma2 semaphore(%run_scoped3A : memref<!tpu.dma_semaphore, #tpu.memory_space<semaphore_mem>>) src(%dma_wait3A_83 : memref<520x128xf32, #tpu.memory_space<vmem_shared>>) dst(%dma_wait3A_80 : memref<520x128xf32, #tpu.memory_space<hbm>>)
          tpu.yield
        }) : () -> ()
      } else {
      }
    } else {
    }
    %barrier3A_56 = arith.constant 0 : index
    tpu.barrier barrier_id(%barrier3A_56)
    %scan3A_57 = arith.constant 0 : i32
    %scan3A_58 = arith.constant 12 : i32
    %scan3A_59 = arith.addi %scan3A_57, %scan3A_58 : i32
    %scan3A_60 = arith.constant 1 : i32
    scf.for %scan3A_62 = %scan3A_57 to %scan3A_59 step %scan3A_60  : i32 {
      %jit3A = arith.constant 12 : i32
      %div3A = arith.divsi %scan3A_62, %jit3A : i32
      %sign3A = arith.constant 0 : i32
      %sign3A_63 = arith.cmpi sgt, %scan3A_62, %sign3A : i32
      %sign3A_64 = arith.extui %sign3A_63 : i1 to i32
      %sign3A_65 = arith.constant 0 : i32
      %sign3A_66 = arith.cmpi slt, %scan3A_62, %sign3A_65 : i32
      %sign3A_67 = arith.extui %sign3A_66 : i1 to i32
      %sign3A_68 = arith.subi %sign3A_64, %sign3A_67 : i32
      %sign3A_69 = arith.constant 0 : i32
      %sign3A_70 = arith.cmpi sgt, %jit3A, %sign3A_69 : i32
      %sign3A_71 = arith.extui %sign3A_70 : i1 to i32
      %sign3A_72 = arith.constant 0 : i32
      %sign3A_73 = arith.cmpi slt, %jit3A, %sign3A_72 : i32
      %sign3A_74 = arith.extui %sign3A_73 : i1 to i32
      %sign3A_75 = arith.subi %sign3A_71, %sign3A_74 : i32
      %ne3A = arith.cmpi ne, %sign3A_68, %sign3A_75 : i32
      %rem3A = arith.remsi %scan3A_62, %jit3A : i32
      %ne3A_76 = arith.constant 0 : i32
      %ne3A_77 = arith.cmpi ne, %rem3A, %ne3A_76 : i32
      %and3A = arith.andi %ne3A, %ne3A_77 : i1
      %sub3A_78 = arith.constant 1 : i32
      %sub3A_79 = arith.subi %div3A, %sub3A_78 : i32
      %select_n3A = arith.select %and3A, %sub3A_79, %div3A : i32
      %mul3A_80 = arith.constant 12 : i32
      %mul3A_81 = arith.muli %select_n3A, %mul3A_80 : i32
      %sub3A_82 = arith.subi %scan3A_62, %mul3A_81 : i32
      %eq3A_83 = arith.constant 12 : i32
      %eq3A_84 = arith.cmpi eq, %scan3A_62, %eq3A_83 : i32
      %jit3A_85 = arith.constant 130000 : i32
      %jit3A_86 = arith.constant 10000 : i32
      %select_n3A_87 = arith.select %eq3A_84, %jit3A_85, %jit3A_86 : i32
      %scan3A_88 = arith.constant 0 : i32
      %scan3A_89 = arith.constant 114 : i32
      %scan3A_90 = arith.addi %scan3A_88, %scan3A_89 : i32
      %scan3A_91 = arith.constant 1 : i32
      scf.for %scan3A_170 = %scan3A_88 to %scan3A_90 step %scan3A_91  : i32 {
        %get3A = arith.constant 0 : i32
        %get3A_171 = tpu.memref_slice %arg10[%scan3A_170, %get3A] : memref<114x88xi32, #tpu.memory_space<vmem>> -> memref<1x88xi32, #tpu.memory_space<vmem>>
        %get3A_172 = tpu.memref_squeeze %get3A_171 : memref<1x88xi32, #tpu.memory_space<vmem>> -> memref<88xi32, #tpu.memory_space<vmem>>
        %get3A_173 = arith.constant 0 : index
        %get3A_174 = tpu.vector_load %get3A_172[%get3A_173] {strides = array<i32>} : memref<88xi32, #tpu.memory_space<vmem>>, vector<16xi32>,
        %get3A_175 = vector.shape_cast %get3A_174 : vector<16xi32> to vector<16xi32>
        %add3A = vector.broadcast %select_n3A_87 : i32 to vector<16xi32>
        %add3A_176 = arith.addi %get3A_175, %add3A : vector<16xi32>
        %swap3A = arith.constant 0 : i32
        %swap3A_177 = tpu.memref_slice %arg10[%scan3A_170, %swap3A] : memref<114x88xi32, #tpu.memory_space<vmem>> -> memref<1x88xi32, #tpu.memory_space<vmem>>
        %swap3A_178 = tpu.memref_squeeze %swap3A_177 : memref<1x88xi32, #tpu.memory_space<vmem>> -> memref<88xi32, #tpu.memory_space<vmem>>
        %swap3A_179 = arith.constant 0 : index
        %swap3A_180 = tpu.vector_load %swap3A_178[%swap3A_179] {strides = array<i32>} : memref<88xi32, #tpu.memory_space<vmem>>, vector<16xi32>,
        %swap3A_181 = vector.shape_cast %swap3A_180 : vector<16xi32> to vector<16xi32>
        %swap3A_182 = vector.shape_cast %add3A_176 : vector<16xi32> to vector<16xi32>
        tpu.vector_store %swap3A_178[%swap3A_179], %swap3A_182 {strides = array<i32>} : memref<88xi32, #tpu.memory_space<vmem>>, vector<16xi32>,
        %get3A_183 = arith.constant 0 : i32
        %get3A_184 = tpu.memref_slice %arg10[%scan3A_170, %get3A_183] : memref<114x88xi32, #tpu.memory_space<vmem>> -> memref<1x88xi32, #tpu.memory_space<vmem>>
        %get3A_185 = tpu.memref_squeeze %get3A_184 : memref<1x88xi32, #tpu.memory_space<vmem>> -> memref<88xi32, #tpu.memory_space<vmem>>
        %get3A_186 = arith.constant 16 : index
        %get3A_187 = tpu.vector_load %get3A_185[%get3A_186] {strides = array<i32>} : memref<88xi32, #tpu.memory_space<vmem>>, vector<16xi32>,
        %get3A_188 = vector.shape_cast %get3A_187 : vector<16xi32> to vector<16xi32>
        %add3A_189 = vector.broadcast %select_n3A_87 : i32 to vector<16xi32>
        %add3A_190 = arith.addi %get3A_188, %add3A_189 : vector<16xi32>
        %swap3A_191 = arith.constant 0 : i32
        %swap3A_192 = tpu.memref_slice %arg10[%scan3A_170, %swap3A_191] : memref<114x88xi32, #tpu.memory_space<vmem>> -> memref<1x88xi32, #tpu.memory_space<vmem>>
        %swap3A_193 = tpu.memref_squeeze %swap3A_192 : memref<1x88xi32, #tpu.memory_space<vmem>> -> memref<88xi32, #tpu.memory_space<vmem>>
        %swap3A_194 = arith.constant 16 : index
        %swap3A_195 = tpu.vector_load %swap3A_193[%swap3A_194] {strides = array<i32>} : memref<88xi32, #tpu.memory_space<vmem>>, vector<16xi32>,
        %swap3A_196 = vector.shape_cast %swap3A_195 : vector<16xi32> to vector<16xi32>
        %swap3A_197 = vector.shape_cast %add3A_190 : vector<16xi32> to vector<16xi32>
        tpu.vector_store %swap3A_193[%swap3A_194], %swap3A_197 {strides = array<i32>} : memref<88xi32, #tpu.memory_space<vmem>>, vector<16xi32>,
        %get3A_198 = arith.constant 0 : i32
        %get3A_199 = tpu.memref_slice %arg10[%scan3A_170, %get3A_198] : memref<114x88xi32, #tpu.memory_space<vmem>> -> memref<1x88xi32, #tpu.memory_space<vmem>>
        %get3A_200 = tpu.memref_squeeze %get3A_199 : memref<1x88xi32, #tpu.memory_space<vmem>> -> memref<88xi32, #tpu.memory_space<vmem>>
        %get3A_201 = arith.constant 32 : index
        %get3A_202 = tpu.vector_load %get3A_200[%get3A_201] {strides = array<i32>} : memref<88xi32, #tpu.memory_space<vmem>>, vector<16xi32>,
        %get3A_203 = vector.shape_cast %get3A_202 : vector<16xi32> to vector<16xi32>
        %add3A_204 = vector.broadcast %select_n3A_87 : i32 to vector<16xi32>
        %add3A_205 = arith.addi %get3A_203, %add3A_204 : vector<16xi32>
        %swap3A_206 = arith.constant 0 : i32
        %swap3A_207 = tpu.memref_slice %arg10[%scan3A_170, %swap3A_206] : memref<114x88xi32, #tpu.memory_space<vmem>> -> memref<1x88xi32, #tpu.memory_space<vmem>>
        %swap3A_208 = tpu.memref_squeeze %swap3A_207 : memref<1x88xi32, #tpu.memory_space<vmem>> -> memref<88xi32, #tpu.memory_space<vmem>>
        %swap3A_209 = arith.constant 32 : index
        %swap3A_210 = tpu.vector_load %swap3A_208[%swap3A_209] {strides = array<i32>} : memref<88xi32, #tpu.memory_space<vmem>>, vector<16xi32>,
        %swap3A_211 = vector.shape_cast %swap3A_210 : vector<16xi32> to vector<16xi32>
        %swap3A_212 = vector.shape_cast %add3A_205 : vector<16xi32> to vector<16xi32>
        tpu.vector_store %swap3A_208[%swap3A_209], %swap3A_212 {strides = array<i32>} : memref<88xi32, #tpu.memory_space<vmem>>, vector<16xi32>,
        %get3A_213 = arith.constant 0 : i32
        %get3A_214 = tpu.memref_slice %arg10[%scan3A_170, %get3A_213] : memref<114x88xi32, #tpu.memory_space<vmem>> -> memref<1x88xi32, #tpu.memory_space<vmem>>
        %get3A_215 = tpu.memref_squeeze %get3A_214 : memref<1x88xi32, #tpu.memory_space<vmem>> -> memref<88xi32, #tpu.memory_space<vmem>>
        %get3A_216 = arith.constant 48 : index
        %get3A_217 = tpu.vector_load %get3A_215[%get3A_216] {strides = array<i32>} : memref<88xi32, #tpu.memory_space<vmem>>, vector<16xi32>,
        %get3A_218 = vector.shape_cast %get3A_217 : vector<16xi32> to vector<16xi32>
        %add3A_219 = vector.broadcast %select_n3A_87 : i32 to vector<16xi32>
        %add3A_220 = arith.addi %get3A_218, %add3A_219 : vector<16xi32>
        %swap3A_221 = arith.constant 0 : i32
        %swap3A_222 = tpu.memref_slice %arg10[%scan3A_170, %swap3A_221] : memref<114x88xi32, #tpu.memory_space<vmem>> -> memref<1x88xi32, #tpu.memory_space<vmem>>
        %swap3A_223 = tpu.memref_squeeze %swap3A_222 : memref<1x88xi32, #tpu.memory_space<vmem>> -> memref<88xi32, #tpu.memory_space<vmem>>
        %swap3A_224 = arith.constant 48 : index
        %swap3A_225 = tpu.vector_load %swap3A_223[%swap3A_224] {strides = array<i32>} : memref<88xi32, #tpu.memory_space<vmem>>, vector<16xi32>,
        %swap3A_226 = vector.shape_cast %swap3A_225 : vector<16xi32> to vector<16xi32>
        %swap3A_227 = vector.shape_cast %add3A_220 : vector<16xi32> to vector<16xi32>
        tpu.vector_store %swap3A_223[%swap3A_224], %swap3A_227 {strides = array<i32>} : memref<88xi32, #tpu.memory_space<vmem>>, vector<16xi32>,
        %get3A_228 = arith.constant 0 : i32
        %get3A_229 = tpu.memref_slice %arg10[%scan3A_170, %get3A_228] : memref<114x88xi32, #tpu.memory_space<vmem>> -> memref<1x88xi32, #tpu.memory_space<vmem>>
        %get3A_230 = tpu.memref_squeeze %get3A_229 : memref<1x88xi32, #tpu.memory_space<vmem>> -> memref<88xi32, #tpu.memory_space<vmem>>
        %get3A_231 = arith.constant 64 : index
        %get3A_232 = tpu.vector_load %get3A_230[%get3A_231] {strides = array<i32>} : memref<88xi32, #tpu.memory_space<vmem>>, vector<16xi32>,
        %get3A_233 = vector.shape_cast %get3A_232 : vector<16xi32> to vector<16xi32>
        %add3A_234 = vector.broadcast %select_n3A_87 : i32 to vector<16xi32>
        %add3A_235 = arith.addi %get3A_233, %add3A_234 : vector<16xi32>
        %swap3A_236 = arith.constant 0 : i32
        %swap3A_237 = tpu.memref_slice %arg10[%scan3A_170, %swap3A_236] : memref<114x88xi32, #tpu.memory_space<vmem>> -> memref<1x88xi32, #tpu.memory_space<vmem>>
        %swap3A_238 = tpu.memref_squeeze %swap3A_237 : memref<1x88xi32, #tpu.memory_space<vmem>> -> memref<88xi32, #tpu.memory_space<vmem>>
        %swap3A_239 = arith.constant 64 : index
        %swap3A_240 = tpu.vector_load %swap3A_238[%swap3A_239] {strides = array<i32>} : memref<88xi32, #tpu.memory_space<vmem>>, vector<16xi32>,
        %swap3A_241 = vector.shape_cast %swap3A_240 : vector<16xi32> to vector<16xi32>
        %swap3A_242 = vector.shape_cast %add3A_235 : vector<16xi32> to vector<16xi32>
        tpu.vector_store %swap3A_238[%swap3A_239], %swap3A_242 {strides = array<i32>} : memref<88xi32, #tpu.memory_space<vmem>>, vector<16xi32>,
      }
      %scan3A_92 = arith.constant 114 : i32
      %dma_start3A_93 = arith.constant 0 : i32
      %dma_start3A_94 = arith.constant 0 : i32
      %dma_start3A_95 = arith.constant 0 : i32
      %dma_start3A_96 = tpu.memref_slice %arg11[%dma_start3A_94, %dma_start3A_95] : memref<3x88xi32, #tpu.memory_space<vmem>> -> memref<1x88xi32, #tpu.memory_space<vmem>>
      %dma_start3A_97 = tpu.memref_squeeze %dma_start3A_96 : memref<1x88xi32, #tpu.memory_space<vmem>> -> memref<88xi32, #tpu.memory_space<vmem>>
      %dma_start3A_98 = arith.constant 0 : i32
      %dma_start3A_99 = tpu.memref_slice %arg4[%arg1, %dma_start3A_93, %dma_start3A_98] : memref<16x114x88xi32, #tpu.memory_space<hbm>> -> memref<1x1x88xi32, #tpu.memory_space<hbm>>
      %dma_start3A_100 = tpu.memref_squeeze %dma_start3A_99 : memref<1x1x88xi32, #tpu.memory_space<hbm>> -> memref<88xi32, #tpu.memory_space<hbm>>
      %dma_start3A_101 = arith.constant 0 : i32
      %dma_start3A_102 = tpu.memref_slice %arg11[%dma_start3A_94, %dma_start3A_101] : memref<3x88xi32, #tpu.memory_space<vmem>> -> memref<1x88xi32, #tpu.memory_space<vmem>>
      %dma_start3A_103 = tpu.memref_squeeze %dma_start3A_102 : memref<1x88xi32, #tpu.memory_space<vmem>> -> memref<88xi32, #tpu.memory_space<vmem>>
      %dma_start3A_104 = arith.constant 0 : i32
      %dma_start3A_105 = tpu.memref_slice %arg4[%arg1, %dma_start3A_93, %dma_start3A_104] : memref<16x114x88xi32, #tpu.memory_space<hbm>> -> memref<1x1x88xi32, #tpu.memory_space<hbm>>
      %dma_start3A_106 = tpu.memref_squeeze %dma_start3A_105 : memref<1x1x88xi32, #tpu.memory_space<hbm>> -> memref<88xi32, #tpu.memory_space<hbm>>
      tpu.enqueue_dma source(%dma_start3A_106 : memref<88xi32, #tpu.memory_space<hbm>>) target(%dma_start3A_103 : memref<88xi32, #tpu.memory_space<vmem>>) target_semaphore(%arg21 : memref<!tpu.dma_semaphore, #tpu.memory_space<semaphore_mem>>)
      %dma_start3A_107 = arith.constant 0 : i32
      %dma_start3A_108 = arith.constant 0 : i32
      %dma_start3A_109 = tpu.memref_slice %arg10[%dma_start3A_107, %dma_start3A_108] : memref<114x88xi32, #tpu.memory_space<vmem>> -> memref<1x88xi32, #tpu.memory_space<vmem>>
      %dma_start3A_110 = tpu.memref_squeeze %dma_start3A_109 : memref<1x88xi32, #tpu.memory_space<vmem>> -> memref<88xi32, #tpu.memory_space<vmem>>
      %dma_start3A_111 = arith.constant 0 : i32
      %dma_start3A_112 = arith.constant 0 : i32
      %dma_start3A_113 = tpu.memref_slice %arg2[%dma_start3A_111, %dma_start3A_112] : memref<240000x128xf32, #tpu.memory_space<hbm>> -> memref<240000x128xf32, #tpu.memory_space<hbm>>
      tpu.enqueue_indirect_dma source(%dma_start3A_113 : memref<240000x128xf32, #tpu.memory_space<hbm>>) target(%arg12 : memref<88x128xf32, #tpu.memory_space<vmem>>) offsets(%dma_start3A_110 : memref<88xi32, #tpu.memory_space<vmem>>) semaphore(%arg15 : memref<!tpu.dma_semaphore, #tpu.memory_space<semaphore_mem>>)
      %dma_start3A_114 = arith.constant 1 : i32
      %dma_start3A_115 = arith.constant 1 : i32
      %dma_start3A_116 = arith.constant 0 : i32
      %dma_start3A_117 = tpu.memref_slice %arg11[%dma_start3A_115, %dma_start3A_116] : memref<3x88xi32, #tpu.memory_space<vmem>> -> memref<1x88xi32, #tpu.memory_space<vmem>>
      %dma_start3A_118 = tpu.memref_squeeze %dma_start3A_117 : memref<1x88xi32, #tpu.memory_space<vmem>> -> memref<88xi32, #tpu.memory_space<vmem>>
      %dma_start3A_119 = arith.constant 0 : i32
      %dma_start3A_120 = tpu.memref_slice %arg4[%arg1, %dma_start3A_114, %dma_start3A_119] : memref<16x114x88xi32, #tpu.memory_space<hbm>> -> memref<1x1x88xi32, #tpu.memory_space<hbm>>
      %dma_start3A_121 = tpu.memref_squeeze %dma_start3A_120 : memref<1x1x88xi32, #tpu.memory_space<hbm>> -> memref<88xi32, #tpu.memory_space<hbm>>
      %dma_start3A_122 = arith.constant 0 : i32
      %dma_start3A_123 = tpu.memref_slice %arg11[%dma_start3A_115, %dma_start3A_122] : memref<3x88xi32, #tpu.memory_space<vmem>> -> memref<1x88xi32, #tpu.memory_space<vmem>>
      %dma_start3A_124 = tpu.memref_squeeze %dma_start3A_123 : memref<1x88xi32, #tpu.memory_space<vmem>> -> memref<88xi32, #tpu.memory_space<vmem>>
      %dma_start3A_125 = arith.constant 0 : i32
      %dma_start3A_126 = tpu.memref_slice %arg4[%arg1, %dma_start3A_114, %dma_start3A_125] : memref<16x114x88xi32, #tpu.memory_space<hbm>> -> memref<1x1x88xi32, #tpu.memory_space<hbm>>
      %dma_start3A_127 = tpu.memref_squeeze %dma_start3A_126 : memref<1x1x88xi32, #tpu.memory_space<hbm>> -> memref<88xi32, #tpu.memory_space<hbm>>
      tpu.enqueue_dma source(%dma_start3A_127 : memref<88xi32, #tpu.memory_space<hbm>>) target(%dma_start3A_124 : memref<88xi32, #tpu.memory_space<vmem>>) target_semaphore(%arg22 : memref<!tpu.dma_semaphore, #tpu.memory_space<semaphore_mem>>)
      %dma_start3A_128 = arith.constant 1 : i32
      %dma_start3A_129 = arith.constant 0 : i32
      %dma_start3A_130 = tpu.memref_slice %arg10[%dma_start3A_128, %dma_start3A_129] : memref<114x88xi32, #tpu.memory_space<vmem>> -> memref<1x88xi32, #tpu.memory_space<vmem>>
      %dma_start3A_131 = tpu.memref_squeeze %dma_start3A_130 : memref<1x88xi32, #tpu.memory_space<vmem>> -> memref<88xi32, #tpu.memory_space<vmem>>
      %dma_start3A_132 = arith.constant 0 : i32
      %dma_start3A_133 = arith.constant 0 : i32
      %dma_start3A_134 = tpu.memref_slice %arg2[%dma_start3A_132, %dma_start3A_133] : memref<240000x128xf32, #tpu.memory_space<hbm>> -> memref<240000x128xf32, #tpu.memory_space<hbm>>
      tpu.enqueue_indirect_dma source(%dma_start3A_134 : memref<240000x128xf32, #tpu.memory_space<hbm>>) target(%arg13 : memref<88x128xf32, #tpu.memory_space<vmem>>) offsets(%dma_start3A_131 : memref<88xi32, #tpu.memory_space<vmem>>) semaphore(%arg16 : memref<!tpu.dma_semaphore, #tpu.memory_space<semaphore_mem>>)
      %lt3A_135 = arith.constant 15 : i32
      %lt3A_136 = arith.cmpi slt, %arg1, %lt3A_135 : i32
      %convert_element_type3A_137 = arith.extui %lt3A_136 : i1 to i32
      %cond3A_138 = arith.constant 0 : i32
      %cond3A_139 = arith.cmpi ne, %convert_element_type3A_137, %cond3A_138 : i32
      scf.if %cond3A_139 {
        %mul3A_170 = arith.constant 632 : i32
        %mul3A_171 = arith.muli %arg1, %mul3A_170 : i32
        %multiple_of3A = tpu.assume_multiple %mul3A_171, 8 : i32
        %add3A = arith.constant 0 : i32
        %add3A_172 = arith.addi %multiple_of3A, %add3A : i32
        "tpu.region"() ({
          %run_scoped3A = tpu.sem_alloc : memref<!tpu.dma_semaphore, #tpu.memory_space<semaphore_mem>>
          %dma_start3A_187 = arith.constant 0 : i32
          %dma_start3A_188 = tpu.memref_slice %arg9[%add3A_172, %dma_start3A_187] : memref<10008x128xf32, #tpu.memory_space<vmem_shared>> -> memref<88x128xf32, #tpu.memory_space<vmem_shared>>
          tpu.enqueue_dma source(%arg6 : memref<88x128xf32, #tpu.memory_space<hbm>>) target(%dma_start3A_188 : memref<88x128xf32, #tpu.memory_space<vmem_shared>>) target_semaphore(%run_scoped3A : memref<!tpu.dma_semaphore, #tpu.memory_space<semaphore_mem>>)
          %dma_wait3A_189 = arith.constant 0 : i32
          %dma_wait3A_190 = tpu.memref_slice %arg9[%add3A_172, %dma_wait3A_189] : memref<10008x128xf32, #tpu.memory_space<vmem_shared>> -> memref<88x128xf32, #tpu.memory_space<vmem_shared>>
          tpu.wait_dma2 semaphore(%run_scoped3A : memref<!tpu.dma_semaphore, #tpu.memory_space<semaphore_mem>>) src(%arg6 : memref<88x128xf32, #tpu.memory_space<hbm>>) dst(%dma_wait3A_190 : memref<88x128xf32, #tpu.memory_space<vmem_shared>>)
          tpu.yield
        }) : () -> ()
        %add3A_173 = arith.constant 88 : i32
        %add3A_174 = arith.addi %multiple_of3A, %add3A_173 : i32
        "tpu.region"() ({
          %run_scoped3A = tpu.sem_alloc : memref<!tpu.dma_semaphore, #tpu.memory_space<semaphore_mem>>
          %dma_start3A_187 = arith.constant 0 : i32
          %dma_start3A_188 = tpu.memref_slice %arg9[%add3A_174, %dma_start3A_187] : memref<10008x128xf32, #tpu.memory_space<vmem_shared>> -> memref<88x128xf32, #tpu.memory_space<vmem_shared>>
          tpu.enqueue_dma source(%arg6 : memref<88x128xf32, #tpu.memory_space<hbm>>) target(%dma_start3A_188 : memref<88x128xf32, #tpu.memory_space<vmem_shared>>) target_semaphore(%run_scoped3A : memref<!tpu.dma_semaphore, #tpu.memory_space<semaphore_mem>>)
          %dma_wait3A_189 = arith.constant 0 : i32
          %dma_wait3A_190 = tpu.memref_slice %arg9[%add3A_174, %dma_wait3A_189] : memref<10008x128xf32, #tpu.memory_space<vmem_shared>> -> memref<88x128xf32, #tpu.memory_space<vmem_shared>>
          tpu.wait_dma2 semaphore(%run_scoped3A : memref<!tpu.dma_semaphore, #tpu.memory_space<semaphore_mem>>) src(%arg6 : memref<88x128xf32, #tpu.memory_space<hbm>>) dst(%dma_wait3A_190 : memref<88x128xf32, #tpu.memory_space<vmem_shared>>)
          tpu.yield
        }) : () -> ()
        %add3A_175 = arith.constant 176 : i32
        %add3A_176 = arith.addi %multiple_of3A, %add3A_175 : i32
        "tpu.region"() ({
          %run_scoped3A = tpu.sem_alloc : memref<!tpu.dma_semaphore, #tpu.memory_space<semaphore_mem>>
          %dma_start3A_187 = arith.constant 0 : i32
          %dma_start3A_188 = tpu.memref_slice %arg9[%add3A_176, %dma_start3A_187] : memref<10008x128xf32, #tpu.memory_space<vmem_shared>> -> memref<88x128xf32, #tpu.memory_space<vmem_shared>>
          tpu.enqueue_dma source(%arg6 : memref<88x128xf32, #tpu.memory_space<hbm>>) target(%dma_start3A_188 : memref<88x128xf32, #tpu.memory_space<vmem_shared>>) target_semaphore(%run_scoped3A : memref<!tpu.dma_semaphore, #tpu.memory_space<semaphore_mem>>)
          %dma_wait3A_189 = arith.constant 0 : i32
          %dma_wait3A_190 = tpu.memref_slice %arg9[%add3A_176, %dma_wait3A_189] : memref<10008x128xf32, #tpu.memory_space<vmem_shared>> -> memref<88x128xf32, #tpu.memory_space<vmem_shared>>
          tpu.wait_dma2 semaphore(%run_scoped3A : memref<!tpu.dma_semaphore, #tpu.memory_space<semaphore_mem>>) src(%arg6 : memref<88x128xf32, #tpu.memory_space<hbm>>) dst(%dma_wait3A_190 : memref<88x128xf32, #tpu.memory_space<vmem_shared>>)
          tpu.yield
        }) : () -> ()
        %add3A_177 = arith.constant 264 : i32
        %add3A_178 = arith.addi %multiple_of3A, %add3A_177 : i32
        "tpu.region"() ({
          %run_scoped3A = tpu.sem_alloc : memref<!tpu.dma_semaphore, #tpu.memory_space<semaphore_mem>>
          %dma_start3A_187 = arith.constant 0 : i32
          %dma_start3A_188 = tpu.memref_slice %arg9[%add3A_178, %dma_start3A_187] : memref<10008x128xf32, #tpu.memory_space<vmem_shared>> -> memref<88x128xf32, #tpu.memory_space<vmem_shared>>
          tpu.enqueue_dma source(%arg6 : memref<88x128xf32, #tpu.memory_space<hbm>>) target(%dma_start3A_188 : memref<88x128xf32, #tpu.memory_space<vmem_shared>>) target_semaphore(%run_scoped3A : memref<!tpu.dma_semaphore, #tpu.memory_space<semaphore_mem>>)
          %dma_wait3A_189 = arith.constant 0 : i32
          %dma_wait3A_190 = tpu.memref_slice %arg9[%add3A_178, %dma_wait3A_189] : memref<10008x128xf32, #tpu.memory_space<vmem_shared>> -> memref<88x128xf32, #tpu.memory_space<vmem_shared>>
          tpu.wait_dma2 semaphore(%run_scoped3A : memref<!tpu.dma_semaphore, #tpu.memory_space<semaphore_mem>>) src(%arg6 : memref<88x128xf32, #tpu.memory_space<hbm>>) dst(%dma_wait3A_190 : memref<88x128xf32, #tpu.memory_space<vmem_shared>>)
          tpu.yield
        }) : () -> ()
        %add3A_179 = arith.constant 352 : i32
        %add3A_180 = arith.addi %multiple_of3A, %add3A_179 : i32
        "tpu.region"() ({
          %run_scoped3A = tpu.sem_alloc : memref<!tpu.dma_semaphore, #tpu.memory_space<semaphore_mem>>
          %dma_start3A_187 = arith.constant 0 : i32
          %dma_start3A_188 = tpu.memref_slice %arg9[%add3A_180, %dma_start3A_187] : memref<10008x128xf32, #tpu.memory_space<vmem_shared>> -> memref<88x128xf32, #tpu.memory_space<vmem_shared>>
          tpu.enqueue_dma source(%arg6 : memref<88x128xf32, #tpu.memory_space<hbm>>) target(%dma_start3A_188 : memref<88x128xf32, #tpu.memory_space<vmem_shared>>) target_semaphore(%run_scoped3A : memref<!tpu.dma_semaphore, #tpu.memory_space<semaphore_mem>>)
          %dma_wait3A_189 = arith.constant 0 : i32
          %dma_wait3A_190 = tpu.memref_slice %arg9[%add3A_180, %dma_wait3A_189] : memref<10008x128xf32, #tpu.memory_space<vmem_shared>> -> memref<88x128xf32, #tpu.memory_space<vmem_shared>>
          tpu.wait_dma2 semaphore(%run_scoped3A : memref<!tpu.dma_semaphore, #tpu.memory_space<semaphore_mem>>) src(%arg6 : memref<88x128xf32, #tpu.memory_space<hbm>>) dst(%dma_wait3A_190 : memref<88x128xf32, #tpu.memory_space<vmem_shared>>)
          tpu.yield
        }) : () -> ()
        %add3A_181 = arith.constant 440 : i32
        %add3A_182 = arith.addi %multiple_of3A, %add3A_181 : i32
        "tpu.region"() ({
          %run_scoped3A = tpu.sem_alloc : memref<!tpu.dma_semaphore, #tpu.memory_space<semaphore_mem>>
          %dma_start3A_187 = arith.constant 0 : i32
          %dma_start3A_188 = tpu.memref_slice %arg9[%add3A_182, %dma_start3A_187] : memref<10008x128xf32, #tpu.memory_space<vmem_shared>> -> memref<88x128xf32, #tpu.memory_space<vmem_shared>>
          tpu.enqueue_dma source(%arg6 : memref<88x128xf32, #tpu.memory_space<hbm>>) target(%dma_start3A_188 : memref<88x128xf32, #tpu.memory_space<vmem_shared>>) target_semaphore(%run_scoped3A : memref<!tpu.dma_semaphore, #tpu.memory_space<semaphore_mem>>)
          %dma_wait3A_189 = arith.constant 0 : i32
          %dma_wait3A_190 = tpu.memref_slice %arg9[%add3A_182, %dma_wait3A_189] : memref<10008x128xf32, #tpu.memory_space<vmem_shared>> -> memref<88x128xf32, #tpu.memory_space<vmem_shared>>
          tpu.wait_dma2 semaphore(%run_scoped3A : memref<!tpu.dma_semaphore, #tpu.memory_space<semaphore_mem>>) src(%arg6 : memref<88x128xf32, #tpu.memory_space<hbm>>) dst(%dma_wait3A_190 : memref<88x128xf32, #tpu.memory_space<vmem_shared>>)
          tpu.yield
        }) : () -> ()
        %add3A_183 = arith.constant 528 : i32
        %add3A_184 = arith.addi %multiple_of3A, %add3A_183 : i32
        "tpu.region"() ({
          %run_scoped3A = tpu.sem_alloc : memref<!tpu.dma_semaphore, #tpu.memory_space<semaphore_mem>>
          %dma_start3A_187 = arith.constant 0 : i32
          %dma_start3A_188 = tpu.memref_slice %arg9[%add3A_184, %dma_start3A_187] : memref<10008x128xf32, #tpu.memory_space<vmem_shared>> -> memref<88x128xf32, #tpu.memory_space<vmem_shared>>
          tpu.enqueue_dma source(%arg6 : memref<88x128xf32, #tpu.memory_space<hbm>>) target(%dma_start3A_188 : memref<88x128xf32, #tpu.memory_space<vmem_shared>>) target_semaphore(%run_scoped3A : memref<!tpu.dma_semaphore, #tpu.memory_space<semaphore_mem>>)
          %dma_wait3A_189 = arith.constant 0 : i32
          %dma_wait3A_190 = tpu.memref_slice %arg9[%add3A_184, %dma_wait3A_189] : memref<10008x128xf32, #tpu.memory_space<vmem_shared>> -> memref<88x128xf32, #tpu.memory_space<vmem_shared>>
          tpu.wait_dma2 semaphore(%run_scoped3A : memref<!tpu.dma_semaphore, #tpu.memory_space<semaphore_mem>>) src(%arg6 : memref<88x128xf32, #tpu.memory_space<hbm>>) dst(%dma_wait3A_190 : memref<88x128xf32, #tpu.memory_space<vmem_shared>>)
          tpu.yield
        }) : () -> ()
        %add3A_185 = arith.constant 616 : i32
        %add3A_186 = arith.addi %multiple_of3A, %add3A_185 : i32
        "tpu.region"() ({
          %run_scoped3A = tpu.sem_alloc : memref<!tpu.dma_semaphore, #tpu.memory_space<semaphore_mem>>
          %dma_start3A_187 = arith.constant 0 : i32
          %dma_start3A_188 = tpu.memref_slice %arg9[%add3A_186, %dma_start3A_187] : memref<10008x128xf32, #tpu.memory_space<vmem_shared>> -> memref<16x128xf32, #tpu.memory_space<vmem_shared>>
          %dma_start3A_189 = arith.constant 0 : i32
          %dma_start3A_190 = arith.constant 0 : i32
          %dma_start3A_191 = tpu.memref_slice %arg6[%dma_start3A_189, %dma_start3A_190] : memref<88x128xf32, #tpu.memory_space<hbm>> -> memref<16x128xf32, #tpu.memory_space<hbm>>
          tpu.enqueue_dma source(%dma_start3A_191 : memref<16x128xf32, #tpu.memory_space<hbm>>) target(%dma_start3A_188 : memref<16x128xf32, #tpu.memory_space<vmem_shared>>) target_semaphore(%run_scoped3A : memref<!tpu.dma_semaphore, #tpu.memory_space<semaphore_mem>>)
          %dma_wait3A_192 = arith.constant 0 : i32
          %dma_wait3A_193 = tpu.memref_slice %arg9[%add3A_186, %dma_wait3A_192] : memref<10008x128xf32, #tpu.memory_space<vmem_shared>> -> memref<16x128xf32, #tpu.memory_space<vmem_shared>>
          %dma_wait3A_194 = arith.constant 0 : i32
          %dma_wait3A_195 = arith.constant 0 : i32
          %dma_wait3A_196 = tpu.memref_slice %arg6[%dma_wait3A_194, %dma_wait3A_195] : memref<88x128xf32, #tpu.memory_space<hbm>> -> memref<16x128xf32, #tpu.memory_space<hbm>>
          tpu.wait_dma2 semaphore(%run_scoped3A : memref<!tpu.dma_semaphore, #tpu.memory_space<semaphore_mem>>) src(%dma_wait3A_196 : memref<16x128xf32, #tpu.memory_space<hbm>>) dst(%dma_wait3A_193 : memref<16x128xf32, #tpu.memory_space<vmem_shared>>)
          tpu.yield
        }) : () -> ()
      } else {
      }
      %eq3A_140 = arith.constant 15 : i32
      %eq3A_141 = arith.cmpi eq, %arg1, %eq3A_140 : i32
      %convert_element_type3A_142 = arith.extui %eq3A_141 : i1 to i32
      %cond3A_143 = arith.constant 0 : i32
      %cond3A_144 = arith.cmpi ne, %convert_element_type3A_142, %cond3A_143 : i32
      scf.if %cond3A_144 {
        "tpu.region"() ({
          %run_scoped3A = tpu.sem_alloc : memref<!tpu.dma_semaphore, #tpu.memory_space<semaphore_mem>>
          %dma_start3A_170 = arith.constant 9480 : i32
          %dma_start3A_171 = arith.constant 0 : i32
          %dma_start3A_172 = tpu.memref_slice %arg9[%dma_start3A_170, %dma_start3A_171] : memref<10008x128xf32, #tpu.memory_space<vmem_shared>> -> memref<88x128xf32, #tpu.memory_space<vmem_shared>>
          tpu.enqueue_dma source(%arg6 : memref<88x128xf32, #tpu.memory_space<hbm>>) target(%dma_start3A_172 : memref<88x128xf32, #tpu.memory_space<vmem_shared>>) target_semaphore(%run_scoped3A : memref<!tpu.dma_semaphore, #tpu.memory_space<semaphore_mem>>)
          %dma_wait3A_173 = arith.constant 9480 : i32
          %dma_wait3A_174 = arith.constant 0 : i32
          %dma_wait3A_175 = tpu.memref_slice %arg9[%dma_wait3A_173, %dma_wait3A_174] : memref<10008x128xf32, #tpu.memory_space<vmem_shared>> -> memref<88x128xf32, #tpu.memory_space<vmem_shared>>
          tpu.wait_dma2 semaphore(%run_scoped3A : memref<!tpu.dma_semaphore, #tpu.memory_space<semaphore_mem>>) src(%arg6 : memref<88x128xf32, #tpu.memory_space<hbm>>) dst(%dma_wait3A_175 : memref<88x128xf32, #tpu.memory_space<vmem_shared>>)
          tpu.yield
        }) : () -> ()
        "tpu.region"() ({
          %run_scoped3A = tpu.sem_alloc : memref<!tpu.dma_semaphore, #tpu.memory_space<semaphore_mem>>
          %dma_start3A_170 = arith.constant 9568 : i32
          %dma_start3A_171 = arith.constant 0 : i32
          %dma_start3A_172 = tpu.memref_slice %arg9[%dma_start3A_170, %dma_start3A_171] : memref<10008x128xf32, #tpu.memory_space<vmem_shared>> -> memref<88x128xf32, #tpu.memory_space<vmem_shared>>
          tpu.enqueue_dma source(%arg6 : memref<88x128xf32, #tpu.memory_space<hbm>>) target(%dma_start3A_172 : memref<88x128xf32, #tpu.memory_space<vmem_shared>>) target_semaphore(%run_scoped3A : memref<!tpu.dma_semaphore, #tpu.memory_space<semaphore_mem>>)
          %dma_wait3A_173 = arith.constant 9568 : i32
          %dma_wait3A_174 = arith.constant 0 : i32
          %dma_wait3A_175 = tpu.memref_slice %arg9[%dma_wait3A_173, %dma_wait3A_174] : memref<10008x128xf32, #tpu.memory_space<vmem_shared>> -> memref<88x128xf32, #tpu.memory_space<vmem_shared>>
          tpu.wait_dma2 semaphore(%run_scoped3A : memref<!tpu.dma_semaphore, #tpu.memory_space<semaphore_mem>>) src(%arg6 : memref<88x128xf32, #tpu.memory_space<hbm>>) dst(%dma_wait3A_175 : memref<88x128xf32, #tpu.memory_space<vmem_shared>>)
          tpu.yield
        }) : () -> ()
        "tpu.region"() ({
          %run_scoped3A = tpu.sem_alloc : memref<!tpu.dma_semaphore, #tpu.memory_space<semaphore_mem>>
          %dma_start3A_170 = arith.constant 9656 : i32
          %dma_start3A_171 = arith.constant 0 : i32
          %dma_start3A_172 = tpu.memref_slice %arg9[%dma_start3A_170, %dma_start3A_171] : memref<10008x128xf32, #tpu.memory_space<vmem_shared>> -> memref<88x128xf32, #tpu.memory_space<vmem_shared>>
          tpu.enqueue_dma source(%arg6 : memref<88x128xf32, #tpu.memory_space<hbm>>) target(%dma_start3A_172 : memref<88x128xf32, #tpu.memory_space<vmem_shared>>) target_semaphore(%run_scoped3A : memref<!tpu.dma_semaphore, #tpu.memory_space<semaphore_mem>>)
          %dma_wait3A_173 = arith.constant 9656 : i32
          %dma_wait3A_174 = arith.constant 0 : i32
          %dma_wait3A_175 = tpu.memref_slice %arg9[%dma_wait3A_173, %dma_wait3A_174] : memref<10008x128xf32, #tpu.memory_space<vmem_shared>> -> memref<88x128xf32, #tpu.memory_space<vmem_shared>>
          tpu.wait_dma2 semaphore(%run_scoped3A : memref<!tpu.dma_semaphore, #tpu.memory_space<semaphore_mem>>) src(%arg6 : memref<88x128xf32, #tpu.memory_space<hbm>>) dst(%dma_wait3A_175 : memref<88x128xf32, #tpu.memory_space<vmem_shared>>)
          tpu.yield
        }) : () -> ()
        "tpu.region"() ({
          %run_scoped3A = tpu.sem_alloc : memref<!tpu.dma_semaphore, #tpu.memory_space<semaphore_mem>>
          %dma_start3A_170 = arith.constant 9744 : i32
          %dma_start3A_171 = arith.constant 0 : i32
          %dma_start3A_172 = tpu.memref_slice %arg9[%dma_start3A_170, %dma_start3A_171] : memref<10008x128xf32, #tpu.memory_space<vmem_shared>> -> memref<88x128xf32, #tpu.memory_space<vmem_shared>>
          tpu.enqueue_dma source(%arg6 : memref<88x128xf32, #tpu.memory_space<hbm>>) target(%dma_start3A_172 : memref<88x128xf32, #tpu.memory_space<vmem_shared>>) target_semaphore(%run_scoped3A : memref<!tpu.dma_semaphore, #tpu.memory_space<semaphore_mem>>)
          %dma_wait3A_173 = arith.constant 9744 : i32
          %dma_wait3A_174 = arith.constant 0 : i32
          %dma_wait3A_175 = tpu.memref_slice %arg9[%dma_wait3A_173, %dma_wait3A_174] : memref<10008x128xf32, #tpu.memory_space<vmem_shared>> -> memref<88x128xf32, #tpu.memory_space<vmem_shared>>
          tpu.wait_dma2 semaphore(%run_scoped3A : memref<!tpu.dma_semaphore, #tpu.memory_space<semaphore_mem>>) src(%arg6 : memref<88x128xf32, #tpu.memory_space<hbm>>) dst(%dma_wait3A_175 : memref<88x128xf32, #tpu.memory_space<vmem_shared>>)
          tpu.yield
        }) : () -> ()
        "tpu.region"() ({
          %run_scoped3A = tpu.sem_alloc : memref<!tpu.dma_semaphore, #tpu.memory_space<semaphore_mem>>
          %dma_start3A_170 = arith.constant 9832 : i32
          %dma_start3A_171 = arith.constant 0 : i32
          %dma_start3A_172 = tpu.memref_slice %arg9[%dma_start3A_170, %dma_start3A_171] : memref<10008x128xf32, #tpu.memory_space<vmem_shared>> -> memref<88x128xf32, #tpu.memory_space<vmem_shared>>
          tpu.enqueue_dma source(%arg6 : memref<88x128xf32, #tpu.memory_space<hbm>>) target(%dma_start3A_172 : memref<88x128xf32, #tpu.memory_space<vmem_shared>>) target_semaphore(%run_scoped3A : memref<!tpu.dma_semaphore, #tpu.memory_space<semaphore_mem>>)
          %dma_wait3A_173 = arith.constant 9832 : i32
          %dma_wait3A_174 = arith.constant 0 : i32
          %dma_wait3A_175 = tpu.memref_slice %arg9[%dma_wait3A_173, %dma_wait3A_174] : memref<10008x128xf32, #tpu.memory_space<vmem_shared>> -> memref<88x128xf32, #tpu.memory_space<vmem_shared>>
          tpu.wait_dma2 semaphore(%run_scoped3A : memref<!tpu.dma_semaphore, #tpu.memory_space<semaphore_mem>>) src(%arg6 : memref<88x128xf32, #tpu.memory_space<hbm>>) dst(%dma_wait3A_175 : memref<88x128xf32, #tpu.memory_space<vmem_shared>>)
          tpu.yield
        }) : () -> ()
        "tpu.region"() ({
          %run_scoped3A = tpu.sem_alloc : memref<!tpu.dma_semaphore, #tpu.memory_space<semaphore_mem>>
          %dma_start3A_170 = arith.constant 9920 : i32
          %dma_start3A_171 = arith.constant 0 : i32
          %dma_start3A_172 = tpu.memref_slice %arg9[%dma_start3A_170, %dma_start3A_171] : memref<10008x128xf32, #tpu.memory_space<vmem_shared>> -> memref<88x128xf32, #tpu.memory_space<vmem_shared>>
          tpu.enqueue_dma source(%arg6 : memref<88x128xf32, #tpu.memory_space<hbm>>) target(%dma_start3A_172 : memref<88x128xf32, #tpu.memory_space<vmem_shared>>) target_semaphore(%run_scoped3A : memref<!tpu.dma_semaphore, #tpu.memory_space<semaphore_mem>>)
          %dma_wait3A_173 = arith.constant 9920 : i32
          %dma_wait3A_174 = arith.constant 0 : i32
          %dma_wait3A_175 = tpu.memref_slice %arg9[%dma_wait3A_173, %dma_wait3A_174] : memref<10008x128xf32, #tpu.memory_space<vmem_shared>> -> memref<88x128xf32, #tpu.memory_space<vmem_shared>>
          tpu.wait_dma2 semaphore(%run_scoped3A : memref<!tpu.dma_semaphore, #tpu.memory_space<semaphore_mem>>) src(%arg6 : memref<88x128xf32, #tpu.memory_space<hbm>>) dst(%dma_wait3A_175 : memref<88x128xf32, #tpu.memory_space<vmem_shared>>)
          tpu.yield
        }) : () -> ()
      } else {
      }
      %barrier3A_145 = arith.constant 0 : index
      tpu.barrier barrier_id(%barrier3A_145)
      %scan3A_146 = arith.constant 0 : i32
      %scan3A_147 = arith.constant 38 : i32
      %scan3A_148 = arith.addi %scan3A_146, %scan3A_147 : i32
      %scan3A_149 = arith.constant 1 : i32
      scf.for %scan3A_170 = %scan3A_146 to %scan3A_148 step %scan3A_149  : i32 {
        %mul3A_171 = arith.constant 3 : i32
        %mul3A_172 = arith.muli %scan3A_170, %mul3A_171 : i32
        %add3A = arith.constant 0 : i32
        %add3A_173 = arith.addi %mul3A_172, %add3A : i32
        %dma_wait3A_174 = arith.constant 0 : i32
        %dma_wait3A_175 = tpu.memref_slice %arg10[%add3A_173, %dma_wait3A_174] : memref<114x88xi32, #tpu.memory_space<vmem>> -> memref<1x88xi32, #tpu.memory_space<vmem>>
        %dma_wait3A_176 = tpu.memref_squeeze %dma_wait3A_175 : memref<1x88xi32, #tpu.memory_space<vmem>> -> memref<88xi32, #tpu.memory_space<vmem>>
        %dma_wait3A_177 = arith.constant 0 : i32
        %dma_wait3A_178 = arith.constant 0 : i32
        %dma_wait3A_179 = tpu.memref_slice %arg2[%dma_wait3A_177, %dma_wait3A_178] : memref<240000x128xf32, #tpu.memory_space<hbm>> -> memref<240000x128xf32, #tpu.memory_space<hbm>>
        tpu.wait_indirect_dma semaphore(%arg15 : memref<!tpu.dma_semaphore, #tpu.memory_space<semaphore_mem>>) src(%dma_wait3A_179 : memref<240000x128xf32, #tpu.memory_space<hbm>>) dst(%arg12 : memref<88x128xf32, #tpu.memory_space<vmem>>)
        %dma_wait3A_180 = arith.constant 0 : i32
        %dma_wait3A_181 = arith.constant 0 : i32
        %dma_wait3A_182 = tpu.memref_slice %arg11[%dma_wait3A_180, %dma_wait3A_181] : memref<3x88xi32, #tpu.memory_space<vmem>> -> memref<1x88xi32, #tpu.memory_space<vmem>>
        %dma_wait3A_183 = tpu.memref_squeeze %dma_wait3A_182 : memref<1x88xi32, #tpu.memory_space<vmem>> -> memref<88xi32, #tpu.memory_space<vmem>>
        %dma_wait3A_184 = arith.constant 0 : i32
        %dma_wait3A_185 = tpu.memref_slice %arg4[%arg1, %add3A_173, %dma_wait3A_184] : memref<16x114x88xi32, #tpu.memory_space<hbm>> -> memref<1x1x88xi32, #tpu.memory_space<hbm>>
        %dma_wait3A_186 = tpu.memref_squeeze %dma_wait3A_185 : memref<1x1x88xi32, #tpu.memory_space<hbm>> -> memref<88xi32, #tpu.memory_space<hbm>>
        %dma_wait3A_187 = arith.constant 0 : i32
        %dma_wait3A_188 = tpu.memref_slice %arg11[%dma_wait3A_180, %dma_wait3A_187] : memref<3x88xi32, #tpu.memory_space<vmem>> -> memref<1x88xi32, #tpu.memory_space<vmem>>
        %dma_wait3A_189 = tpu.memref_squeeze %dma_wait3A_188 : memref<1x88xi32, #tpu.memory_space<vmem>> -> memref<88xi32, #tpu.memory_space<vmem>>
        %dma_wait3A_190 = arith.constant 0 : i32
        %dma_wait3A_191 = tpu.memref_slice %arg4[%arg1, %add3A_173, %dma_wait3A_190] : memref<16x114x88xi32, #tpu.memory_space<hbm>> -> memref<1x1x88xi32, #tpu.memory_space<hbm>>
        %dma_wait3A_192 = tpu.memref_squeeze %dma_wait3A_191 : memref<1x1x88xi32, #tpu.memory_space<hbm>> -> memref<88xi32, #tpu.memory_space<hbm>>
        tpu.wait_dma2 semaphore(%arg21 : memref<!tpu.dma_semaphore, #tpu.memory_space<semaphore_mem>>) src(%dma_wait3A_192 : memref<88xi32, #tpu.memory_space<hbm>>) dst(%dma_wait3A_189 : memref<88xi32, #tpu.memory_space<vmem>>)
        %dma_start3A_193 = arith.constant 0 : i32
        %dma_start3A_194 = arith.constant 0 : i32
        %dma_start3A_195 = tpu.memref_slice %arg11[%dma_start3A_193, %dma_start3A_194] : memref<3x88xi32, #tpu.memory_space<vmem>> -> memref<1x88xi32, #tpu.memory_space<vmem>>
        %dma_start3A_196 = tpu.memref_squeeze %dma_start3A_195 : memref<1x88xi32, #tpu.memory_space<vmem>> -> memref<88xi32, #tpu.memory_space<vmem>>
        %dma_start3A_197 = arith.constant 0 : i32
        %dma_start3A_198 = arith.constant 0 : i32
        %dma_start3A_199 = tpu.memref_slice %arg9[%dma_start3A_197, %dma_start3A_198] : memref<10008x128xf32, #tpu.memory_space<vmem_shared>> -> memref<10008x128xf32, #tpu.memory_space<vmem_shared>>
        tpu.enqueue_indirect_dma source(%arg12 : memref<88x128xf32, #tpu.memory_space<vmem>>) target(%dma_start3A_199 : memref<10008x128xf32, #tpu.memory_space<vmem_shared>>) offsets(%dma_start3A_196 : memref<88xi32, #tpu.memory_space<vmem>>) semaphore(%arg18 : memref<!tpu.dma_semaphore, #tpu.memory_space<semaphore_mem>>) {add = true}
        %ge3A = arith.constant 1 : i32
        %ge3A_200 = arith.cmpi sge, %add3A_173, %ge3A : i32
        %convert_element_type3A_201 = arith.extui %ge3A_200 : i1 to i32
        %cond3A_202 = arith.constant 0 : i32
        %cond3A_203 = arith.cmpi ne, %convert_element_type3A_201, %cond3A_202 : i32
        scf.if %cond3A_203 {
          %dma_wait3A_295 = arith.constant 2 : i32
          %dma_wait3A_296 = arith.constant 0 : i32
          %dma_wait3A_297 = tpu.memref_slice %arg11[%dma_wait3A_295, %dma_wait3A_296] : memref<3x88xi32, #tpu.memory_space<vmem>> -> memref<1x88xi32, #tpu.memory_space<vmem>>
          %dma_wait3A_298 = tpu.memref_squeeze %dma_wait3A_297 : memref<1x88xi32, #tpu.memory_space<vmem>> -> memref<88xi32, #tpu.memory_space<vmem>>
          %dma_wait3A_299 = arith.constant 0 : i32
          %dma_wait3A_300 = arith.constant 0 : i32
          %dma_wait3A_301 = tpu.memref_slice %arg9[%dma_wait3A_299, %dma_wait3A_300] : memref<10008x128xf32, #tpu.memory_space<vmem_shared>> -> memref<10008x128xf32, #tpu.memory_space<vmem_shared>>
          tpu.wait_indirect_dma semaphore(%arg20 : memref<!tpu.dma_semaphore, #tpu.memory_space<semaphore_mem>>) src(%arg14 : memref<88x128xf32, #tpu.memory_space<vmem>>) dst(%dma_wait3A_301 : memref<10008x128xf32, #tpu.memory_space<vmem_shared>>)
        } else {
        }
        %add3A_204 = arith.constant 2 : i32
        %add3A_205 = arith.addi %add3A_173, %add3A_204 : i32
        %lt3A_206 = arith.constant 114 : i32
        %lt3A_207 = arith.cmpi slt, %add3A_205, %lt3A_206 : i32
        %convert_element_type3A_208 = arith.extui %lt3A_207 : i1 to i32
        %cond3A_209 = arith.constant 0 : i32
        %cond3A_210 = arith.cmpi ne, %convert_element_type3A_208, %cond3A_209 : i32
        scf.if %cond3A_210 {
          %add3A_295 = arith.constant 2 : i32
          %add3A_296 = arith.addi %add3A_173, %add3A_295 : i32
          %dma_start3A_297 = arith.constant 2 : i32
          %dma_start3A_298 = arith.constant 0 : i32
          %dma_start3A_299 = tpu.memref_slice %arg11[%dma_start3A_297, %dma_start3A_298] : memref<3x88xi32, #tpu.memory_space<vmem>> -> memref<1x88xi32, #tpu.memory_space<vmem>>
          %dma_start3A_300 = tpu.memref_squeeze %dma_start3A_299 : memref<1x88xi32, #tpu.memory_space<vmem>> -> memref<88xi32, #tpu.memory_space<vmem>>
          %dma_start3A_301 = arith.constant 0 : i32
          %dma_start3A_302 = tpu.memref_slice %arg4[%arg1, %add3A_296, %dma_start3A_301] : memref<16x114x88xi32, #tpu.memory_space<hbm>> -> memref<1x1x88xi32, #tpu.memory_space<hbm>>
          %dma_start3A_303 = tpu.memref_squeeze %dma_start3A_302 : memref<1x1x88xi32, #tpu.memory_space<hbm>> -> memref<88xi32, #tpu.memory_space<hbm>>
          %dma_start3A_304 = arith.constant 0 : i32
          %dma_start3A_305 = tpu.memref_slice %arg11[%dma_start3A_297, %dma_start3A_304] : memref<3x88xi32, #tpu.memory_space<vmem>> -> memref<1x88xi32, #tpu.memory_space<vmem>>
          %dma_start3A_306 = tpu.memref_squeeze %dma_start3A_305 : memref<1x88xi32, #tpu.memory_space<vmem>> -> memref<88xi32, #tpu.memory_space<vmem>>
          %dma_start3A_307 = arith.constant 0 : i32
          %dma_start3A_308 = tpu.memref_slice %arg4[%arg1, %add3A_296, %dma_start3A_307] : memref<16x114x88xi32, #tpu.memory_space<hbm>> -> memref<1x1x88xi32, #tpu.memory_space<hbm>>
          %dma_start3A_309 = tpu.memref_squeeze %dma_start3A_308 : memref<1x1x88xi32, #tpu.memory_space<hbm>> -> memref<88xi32, #tpu.memory_space<hbm>>
          tpu.enqueue_dma source(%dma_start3A_309 : memref<88xi32, #tpu.memory_space<hbm>>) target(%dma_start3A_306 : memref<88xi32, #tpu.memory_space<vmem>>) target_semaphore(%arg23 : memref<!tpu.dma_semaphore, #tpu.memory_space<semaphore_mem>>)
          %add3A_310 = arith.constant 2 : i32
          %add3A_311 = arith.addi %add3A_173, %add3A_310 : i32
          %dma_start3A_312 = arith.constant 0 : i32
          %dma_start3A_313 = tpu.memref_slice %arg10[%add3A_311, %dma_start3A_312] : memref<114x88xi32, #tpu.memory_space<vmem>> -> memref<1x88xi32, #tpu.memory_space<vmem>>
          %dma_start3A_314 = tpu.memref_squeeze %dma_start3A_313 : memref<1x88xi32, #tpu.memory_space<vmem>> -> memref<88xi32, #tpu.memory_space<vmem>>
          %dma_start3A_315 = arith.constant 0 : i32
          %dma_start3A_316 = arith.constant 0 : i32
          %dma_start3A_317 = tpu.memref_slice %arg2[%dma_start3A_315, %dma_start3A_316] : memref<240000x128xf32, #tpu.memory_space<hbm>> -> memref<240000x128xf32, #tpu.memory_space<hbm>>
          tpu.enqueue_indirect_dma source(%dma_start3A_317 : memref<240000x128xf32, #tpu.memory_space<hbm>>) target(%arg14 : memref<88x128xf32, #tpu.memory_space<vmem>>) offsets(%dma_start3A_314 : memref<88xi32, #tpu.memory_space<vmem>>) semaphore(%arg17 : memref<!tpu.dma_semaphore, #tpu.memory_space<semaphore_mem>>)
        } else {
        }
        %mul3A_211 = arith.constant 3 : i32
        %mul3A_212 = arith.muli %scan3A_170, %mul3A_211 : i32
        %add3A_213 = arith.constant 1 : i32
        %add3A_214 = arith.addi %mul3A_212, %add3A_213 : i32
        %dma_wait3A_215 = arith.constant 0 : i32
        %dma_wait3A_216 = tpu.memref_slice %arg10[%add3A_214, %dma_wait3A_215] : memref<114x88xi32, #tpu.memory_space<vmem>> -> memref<1x88xi32, #tpu.memory_space<vmem>>
        %dma_wait3A_217 = tpu.memref_squeeze %dma_wait3A_216 : memref<1x88xi32, #tpu.memory_space<vmem>> -> memref<88xi32, #tpu.memory_space<vmem>>
        %dma_wait3A_218 = arith.constant 0 : i32
        %dma_wait3A_219 = arith.constant 0 : i32
        %dma_wait3A_220 = tpu.memref_slice %arg2[%dma_wait3A_218, %dma_wait3A_219] : memref<240000x128xf32, #tpu.memory_space<hbm>> -> memref<240000x128xf32, #tpu.memory_space<hbm>>
        tpu.wait_indirect_dma semaphore(%arg16 : memref<!tpu.dma_semaphore, #tpu.memory_space<semaphore_mem>>) src(%dma_wait3A_220 : memref<240000x128xf32, #tpu.memory_space<hbm>>) dst(%arg13 : memref<88x128xf32, #tpu.memory_space<vmem>>)
        %dma_wait3A_221 = arith.constant 1 : i32
        %dma_wait3A_222 = arith.constant 0 : i32
        %dma_wait3A_223 = tpu.memref_slice %arg11[%dma_wait3A_221, %dma_wait3A_222] : memref<3x88xi32, #tpu.memory_space<vmem>> -> memref<1x88xi32, #tpu.memory_space<vmem>>
        %dma_wait3A_224 = tpu.memref_squeeze %dma_wait3A_223 : memref<1x88xi32, #tpu.memory_space<vmem>> -> memref<88xi32, #tpu.memory_space<vmem>>
        %dma_wait3A_225 = arith.constant 0 : i32
        %dma_wait3A_226 = tpu.memref_slice %arg4[%arg1, %add3A_214, %dma_wait3A_225] : memref<16x114x88xi32, #tpu.memory_space<hbm>> -> memref<1x1x88xi32, #tpu.memory_space<hbm>>
        %dma_wait3A_227 = tpu.memref_squeeze %dma_wait3A_226 : memref<1x1x88xi32, #tpu.memory_space<hbm>> -> memref<88xi32, #tpu.memory_space<hbm>>
        %dma_wait3A_228 = arith.constant 0 : i32
        %dma_wait3A_229 = tpu.memref_slice %arg11[%dma_wait3A_221, %dma_wait3A_228] : memref<3x88xi32, #tpu.memory_space<vmem>> -> memref<1x88xi32, #tpu.memory_space<vmem>>
        %dma_wait3A_230 = tpu.memref_squeeze %dma_wait3A_229 : memref<1x88xi32, #tpu.memory_space<vmem>> -> memref<88xi32, #tpu.memory_space<vmem>>
        %dma_wait3A_231 = arith.constant 0 : i32
        %dma_wait3A_232 = tpu.memref_slice %arg4[%arg1, %add3A_214, %dma_wait3A_231] : memref<16x114x88xi32, #tpu.memory_space<hbm>> -> memref<1x1x88xi32, #tpu.memory_space<hbm>>
        %dma_wait3A_233 = tpu.memref_squeeze %dma_wait3A_232 : memref<1x1x88xi32, #tpu.memory_space<hbm>> -> memref<88xi32, #tpu.memory_space<hbm>>
        tpu.wait_dma2 semaphore(%arg22 : memref<!tpu.dma_semaphore, #tpu.memory_space<semaphore_mem>>) src(%dma_wait3A_233 : memref<88xi32, #tpu.memory_space<hbm>>) dst(%dma_wait3A_230 : memref<88xi32, #tpu.memory_space<vmem>>)
        %dma_start3A_234 = arith.constant 1 : i32
        %dma_start3A_235 = arith.constant 0 : i32
        %dma_start3A_236 = tpu.memref_slice %arg11[%dma_start3A_234, %dma_start3A_235] : memref<3x88xi32, #tpu.memory_space<vmem>> -> memref<1x88xi32, #tpu.memory_space<vmem>>
        %dma_start3A_237 = tpu.memref_squeeze %dma_start3A_236 : memref<1x88xi32, #tpu.memory_space<vmem>> -> memref<88xi32, #tpu.memory_space<vmem>>
        %dma_start3A_238 = arith.constant 0 : i32
        %dma_start3A_239 = arith.constant 0 : i32
        %dma_start3A_240 = tpu.memref_slice %arg9[%dma_start3A_238, %dma_start3A_239] : memref<10008x128xf32, #tpu.memory_space<vmem_shared>> -> memref<10008x128xf32, #tpu.memory_space<vmem_shared>>
        tpu.enqueue_indirect_dma source(%arg13 : memref<88x128xf32, #tpu.memory_space<vmem>>) target(%dma_start3A_240 : memref<10008x128xf32, #tpu.memory_space<vmem_shared>>) offsets(%dma_start3A_237 : memref<88xi32, #tpu.memory_space<vmem>>) semaphore(%arg19 : memref<!tpu.dma_semaphore, #tpu.memory_space<semaphore_mem>>) {add = true}
        %ge3A_241 = arith.constant 1 : i32
        %ge3A_242 = arith.cmpi sge, %add3A_214, %ge3A_241 : i32
        %convert_element_type3A_243 = arith.extui %ge3A_242 : i1 to i32
        %cond3A_244 = arith.constant 0 : i32
        %cond3A_245 = arith.cmpi ne, %convert_element_type3A_243, %cond3A_244 : i32
        scf.if %cond3A_245 {
          %dma_wait3A_295 = arith.constant 0 : i32
          %dma_wait3A_296 = arith.constant 0 : i32
          %dma_wait3A_297 = tpu.memref_slice %arg11[%dma_wait3A_295, %dma_wait3A_296] : memref<3x88xi32, #tpu.memory_space<vmem>> -> memref<1x88xi32, #tpu.memory_space<vmem>>
          %dma_wait3A_298 = tpu.memref_squeeze %dma_wait3A_297 : memref<1x88xi32, #tpu.memory_space<vmem>> -> memref<88xi32, #tpu.memory_space<vmem>>
          %dma_wait3A_299 = arith.constant 0 : i32
          %dma_wait3A_300 = arith.constant 0 : i32
          %dma_wait3A_301 = tpu.memref_slice %arg9[%dma_wait3A_299, %dma_wait3A_300] : memref<10008x128xf32, #tpu.memory_space<vmem_shared>> -> memref<10008x128xf32, #tpu.memory_space<vmem_shared>>
          tpu.wait_indirect_dma semaphore(%arg18 : memref<!tpu.dma_semaphore, #tpu.memory_space<semaphore_mem>>) src(%arg12 : memref<88x128xf32, #tpu.memory_space<vmem>>) dst(%dma_wait3A_301 : memref<10008x128xf32, #tpu.memory_space<vmem_shared>>)
        } else {
        }
        %add3A_246 = arith.constant 2 : i32
        %add3A_247 = arith.addi %add3A_214, %add3A_246 : i32
        %lt3A_248 = arith.constant 114 : i32
        %lt3A_249 = arith.cmpi slt, %add3A_247, %lt3A_248 : i32
        %convert_element_type3A_250 = arith.extui %lt3A_249 : i1 to i32
        %cond3A_251 = arith.constant 0 : i32
        %cond3A_252 = arith.cmpi ne, %convert_element_type3A_250, %cond3A_251 : i32
        scf.if %cond3A_252 {
          %add3A_295 = arith.constant 2 : i32
          %add3A_296 = arith.addi %add3A_214, %add3A_295 : i32
          %dma_start3A_297 = arith.constant 0 : i32
          %dma_start3A_298 = arith.constant 0 : i32
          %dma_start3A_299 = tpu.memref_slice %arg11[%dma_start3A_297, %dma_start3A_298] : memref<3x88xi32, #tpu.memory_space<vmem>> -> memref<1x88xi32, #tpu.memory_space<vmem>>
          %dma_start3A_300 = tpu.memref_squeeze %dma_start3A_299 : memref<1x88xi32, #tpu.memory_space<vmem>> -> memref<88xi32, #tpu.memory_space<vmem>>
          %dma_start3A_301 = arith.constant 0 : i32
          %dma_start3A_302 = tpu.memref_slice %arg4[%arg1, %add3A_296, %dma_start3A_301] : memref<16x114x88xi32, #tpu.memory_space<hbm>> -> memref<1x1x88xi32, #tpu.memory_space<hbm>>
          %dma_start3A_303 = tpu.memref_squeeze %dma_start3A_302 : memref<1x1x88xi32, #tpu.memory_space<hbm>> -> memref<88xi32, #tpu.memory_space<hbm>>
          %dma_start3A_304 = arith.constant 0 : i32
          %dma_start3A_305 = tpu.memref_slice %arg11[%dma_start3A_297, %dma_start3A_304] : memref<3x88xi32, #tpu.memory_space<vmem>> -> memref<1x88xi32, #tpu.memory_space<vmem>>
          %dma_start3A_306 = tpu.memref_squeeze %dma_start3A_305 : memref<1x88xi32, #tpu.memory_space<vmem>> -> memref<88xi32, #tpu.memory_space<vmem>>
          %dma_start3A_307 = arith.constant 0 : i32
          %dma_start3A_308 = tpu.memref_slice %arg4[%arg1, %add3A_296, %dma_start3A_307] : memref<16x114x88xi32, #tpu.memory_space<hbm>> -> memref<1x1x88xi32, #tpu.memory_space<hbm>>
          %dma_start3A_309 = tpu.memref_squeeze %dma_start3A_308 : memref<1x1x88xi32, #tpu.memory_space<hbm>> -> memref<88xi32, #tpu.memory_space<hbm>>
          tpu.enqueue_dma source(%dma_start3A_309 : memref<88xi32, #tpu.memory_space<hbm>>) target(%dma_start3A_306 : memref<88xi32, #tpu.memory_space<vmem>>) target_semaphore(%arg21 : memref<!tpu.dma_semaphore, #tpu.memory_space<semaphore_mem>>)
          %add3A_310 = arith.constant 2 : i32
          %add3A_311 = arith.addi %add3A_214, %add3A_310 : i32
          %dma_start3A_312 = arith.constant 0 : i32
          %dma_start3A_313 = tpu.memref_slice %arg10[%add3A_311, %dma_start3A_312] : memref<114x88xi32, #tpu.memory_space<vmem>> -> memref<1x88xi32, #tpu.memory_space<vmem>>
          %dma_start3A_314 = tpu.memref_squeeze %dma_start3A_313 : memref<1x88xi32, #tpu.memory_space<vmem>> -> memref<88xi32, #tpu.memory_space<vmem>>
          %dma_start3A_315 = arith.constant 0 : i32
          %dma_start3A_316 = arith.constant 0 : i32
          %dma_start3A_317 = tpu.memref_slice %arg2[%dma_start3A_315, %dma_start3A_316] : memref<240000x128xf32, #tpu.memory_space<hbm>> -> memref<240000x128xf32, #tpu.memory_space<hbm>>
          tpu.enqueue_indirect_dma source(%dma_start3A_317 : memref<240000x128xf32, #tpu.memory_space<hbm>>) target(%arg12 : memref<88x128xf32, #tpu.memory_space<vmem>>) offsets(%dma_start3A_314 : memref<88xi32, #tpu.memory_space<vmem>>) semaphore(%arg15 : memref<!tpu.dma_semaphore, #tpu.memory_space<semaphore_mem>>)
        } else {
        }
        %mul3A_253 = arith.constant 3 : i32
        %mul3A_254 = arith.muli %scan3A_170, %mul3A_253 : i32
        %add3A_255 = arith.constant 2 : i32
        %add3A_256 = arith.addi %mul3A_254, %add3A_255 : i32
        %dma_wait3A_257 = arith.constant 0 : i32
        %dma_wait3A_258 = tpu.memref_slice %arg10[%add3A_256, %dma_wait3A_257] : memref<114x88xi32, #tpu.memory_space<vmem>> -> memref<1x88xi32, #tpu.memory_space<vmem>>
        %dma_wait3A_259 = tpu.memref_squeeze %dma_wait3A_258 : memref<1x88xi32, #tpu.memory_space<vmem>> -> memref<88xi32, #tpu.memory_space<vmem>>
        %dma_wait3A_260 = arith.constant 0 : i32
        %dma_wait3A_261 = arith.constant 0 : i32
        %dma_wait3A_262 = tpu.memref_slice %arg2[%dma_wait3A_260, %dma_wait3A_261] : memref<240000x128xf32, #tpu.memory_space<hbm>> -> memref<240000x128xf32, #tpu.memory_space<hbm>>
        tpu.wait_indirect_dma semaphore(%arg17 : memref<!tpu.dma_semaphore, #tpu.memory_space<semaphore_mem>>) src(%dma_wait3A_262 : memref<240000x128xf32, #tpu.memory_space<hbm>>) dst(%arg14 : memref<88x128xf32, #tpu.memory_space<vmem>>)
        %dma_wait3A_263 = arith.constant 2 : i32
        %dma_wait3A_264 = arith.constant 0 : i32
        %dma_wait3A_265 = tpu.memref_slice %arg11[%dma_wait3A_263, %dma_wait3A_264] : memref<3x88xi32, #tpu.memory_space<vmem>> -> memref<1x88xi32, #tpu.memory_space<vmem>>
        %dma_wait3A_266 = tpu.memref_squeeze %dma_wait3A_265 : memref<1x88xi32, #tpu.memory_space<vmem>> -> memref<88xi32, #tpu.memory_space<vmem>>
        %dma_wait3A_267 = arith.constant 0 : i32
        %dma_wait3A_268 = tpu.memref_slice %arg4[%arg1, %add3A_256, %dma_wait3A_267] : memref<16x114x88xi32, #tpu.memory_space<hbm>> -> memref<1x1x88xi32, #tpu.memory_space<hbm>>
        %dma_wait3A_269 = tpu.memref_squeeze %dma_wait3A_268 : memref<1x1x88xi32, #tpu.memory_space<hbm>> -> memref<88xi32, #tpu.memory_space<hbm>>
        %dma_wait3A_270 = arith.constant 0 : i32
        %dma_wait3A_271 = tpu.memref_slice %arg11[%dma_wait3A_263, %dma_wait3A_270] : memref<3x88xi32, #tpu.memory_space<vmem>> -> memref<1x88xi32, #tpu.memory_space<vmem>>
        %dma_wait3A_272 = tpu.memref_squeeze %dma_wait3A_271 : memref<1x88xi32, #tpu.memory_space<vmem>> -> memref<88xi32, #tpu.memory_space<vmem>>
        %dma_wait3A_273 = arith.constant 0 : i32
        %dma_wait3A_274 = tpu.memref_slice %arg4[%arg1, %add3A_256, %dma_wait3A_273] : memref<16x114x88xi32, #tpu.memory_space<hbm>> -> memref<1x1x88xi32, #tpu.memory_space<hbm>>
        %dma_wait3A_275 = tpu.memref_squeeze %dma_wait3A_274 : memref<1x1x88xi32, #tpu.memory_space<hbm>> -> memref<88xi32, #tpu.memory_space<hbm>>
        tpu.wait_dma2 semaphore(%arg23 : memref<!tpu.dma_semaphore, #tpu.memory_space<semaphore_mem>>) src(%dma_wait3A_275 : memref<88xi32, #tpu.memory_space<hbm>>) dst(%dma_wait3A_272 : memref<88xi32, #tpu.memory_space<vmem>>)
        %dma_start3A_276 = arith.constant 2 : i32
        %dma_start3A_277 = arith.constant 0 : i32
        %dma_start3A_278 = tpu.memref_slice %arg11[%dma_start3A_276, %dma_start3A_277] : memref<3x88xi32, #tpu.memory_space<vmem>> -> memref<1x88xi32, #tpu.memory_space<vmem>>
        %dma_start3A_279 = tpu.memref_squeeze %dma_start3A_278 : memref<1x88xi32, #tpu.memory_space<vmem>> -> memref<88xi32, #tpu.memory_space<vmem>>
        %dma_start3A_280 = arith.constant 0 : i32
        %dma_start3A_281 = arith.constant 0 : i32
        %dma_start3A_282 = tpu.memref_slice %arg9[%dma_start3A_280, %dma_start3A_281] : memref<10008x128xf32, #tpu.memory_space<vmem_shared>> -> memref<10008x128xf32, #tpu.memory_space<vmem_shared>>
        tpu.enqueue_indirect_dma source(%arg14 : memref<88x128xf32, #tpu.memory_space<vmem>>) target(%dma_start3A_282 : memref<10008x128xf32, #tpu.memory_space<vmem_shared>>) offsets(%dma_start3A_279 : memref<88xi32, #tpu.memory_space<vmem>>) semaphore(%arg20 : memref<!tpu.dma_semaphore, #tpu.memory_space<semaphore_mem>>) {add = true}
        %ge3A_283 = arith.constant 1 : i32
        %ge3A_284 = arith.cmpi sge, %add3A_256, %ge3A_283 : i32
        %convert_element_type3A_285 = arith.extui %ge3A_284 : i1 to i32
        %cond3A_286 = arith.constant 0 : i32
        %cond3A_287 = arith.cmpi ne, %convert_element_type3A_285, %cond3A_286 : i32
        scf.if %cond3A_287 {
          %dma_wait3A_295 = arith.constant 1 : i32
          %dma_wait3A_296 = arith.constant 0 : i32
          %dma_wait3A_297 = tpu.memref_slice %arg11[%dma_wait3A_295, %dma_wait3A_296] : memref<3x88xi32, #tpu.memory_space<vmem>> -> memref<1x88xi32, #tpu.memory_space<vmem>>
          %dma_wait3A_298 = tpu.memref_squeeze %dma_wait3A_297 : memref<1x88xi32, #tpu.memory_space<vmem>> -> memref<88xi32, #tpu.memory_space<vmem>>
          %dma_wait3A_299 = arith.constant 0 : i32
          %dma_wait3A_300 = arith.constant 0 : i32
          %dma_wait3A_301 = tpu.memref_slice %arg9[%dma_wait3A_299, %dma_wait3A_300] : memref<10008x128xf32, #tpu.memory_space<vmem_shared>> -> memref<10008x128xf32, #tpu.memory_space<vmem_shared>>
          tpu.wait_indirect_dma semaphore(%arg19 : memref<!tpu.dma_semaphore, #tpu.memory_space<semaphore_mem>>) src(%arg13 : memref<88x128xf32, #tpu.memory_space<vmem>>) dst(%dma_wait3A_301 : memref<10008x128xf32, #tpu.memory_space<vmem_shared>>)
        } else {
        }
        %add3A_288 = arith.constant 2 : i32
        %add3A_289 = arith.addi %add3A_256, %add3A_288 : i32
        %lt3A_290 = arith.constant 114 : i32
        %lt3A_291 = arith.cmpi slt, %add3A_289, %lt3A_290 : i32
        %convert_element_type3A_292 = arith.extui %lt3A_291 : i1 to i32
        %cond3A_293 = arith.constant 0 : i32
        %cond3A_294 = arith.cmpi ne, %convert_element_type3A_292, %cond3A_293 : i32
        scf.if %cond3A_294 {
          %add3A_295 = arith.constant 2 : i32
          %add3A_296 = arith.addi %add3A_256, %add3A_295 : i32
          %dma_start3A_297 = arith.constant 1 : i32
          %dma_start3A_298 = arith.constant 0 : i32
          %dma_start3A_299 = tpu.memref_slice %arg11[%dma_start3A_297, %dma_start3A_298] : memref<3x88xi32, #tpu.memory_space<vmem>> -> memref<1x88xi32, #tpu.memory_space<vmem>>
          %dma_start3A_300 = tpu.memref_squeeze %dma_start3A_299 : memref<1x88xi32, #tpu.memory_space<vmem>> -> memref<88xi32, #tpu.memory_space<vmem>>
          %dma_start3A_301 = arith.constant 0 : i32
          %dma_start3A_302 = tpu.memref_slice %arg4[%arg1, %add3A_296, %dma_start3A_301] : memref<16x114x88xi32, #tpu.memory_space<hbm>> -> memref<1x1x88xi32, #tpu.memory_space<hbm>>
          %dma_start3A_303 = tpu.memref_squeeze %dma_start3A_302 : memref<1x1x88xi32, #tpu.memory_space<hbm>> -> memref<88xi32, #tpu.memory_space<hbm>>
          %dma_start3A_304 = arith.constant 0 : i32
          %dma_start3A_305 = tpu.memref_slice %arg11[%dma_start3A_297, %dma_start3A_304] : memref<3x88xi32, #tpu.memory_space<vmem>> -> memref<1x88xi32, #tpu.memory_space<vmem>>
          %dma_start3A_306 = tpu.memref_squeeze %dma_start3A_305 : memref<1x88xi32, #tpu.memory_space<vmem>> -> memref<88xi32, #tpu.memory_space<vmem>>
          %dma_start3A_307 = arith.constant 0 : i32
          %dma_start3A_308 = tpu.memref_slice %arg4[%arg1, %add3A_296, %dma_start3A_307] : memref<16x114x88xi32, #tpu.memory_space<hbm>> -> memref<1x1x88xi32, #tpu.memory_space<hbm>>
          %dma_start3A_309 = tpu.memref_squeeze %dma_start3A_308 : memref<1x1x88xi32, #tpu.memory_space<hbm>> -> memref<88xi32, #tpu.memory_space<hbm>>
          tpu.enqueue_dma source(%dma_start3A_309 : memref<88xi32, #tpu.memory_space<hbm>>) target(%dma_start3A_306 : memref<88xi32, #tpu.memory_space<vmem>>) target_semaphore(%arg22 : memref<!tpu.dma_semaphore, #tpu.memory_space<semaphore_mem>>)
          %add3A_310 = arith.constant 2 : i32
          %add3A_311 = arith.addi %add3A_256, %add3A_310 : i32
          %dma_start3A_312 = arith.constant 0 : i32
          %dma_start3A_313 = tpu.memref_slice %arg10[%add3A_311, %dma_start3A_312] : memref<114x88xi32, #tpu.memory_space<vmem>> -> memref<1x88xi32, #tpu.memory_space<vmem>>
          %dma_start3A_314 = tpu.memref_squeeze %dma_start3A_313 : memref<1x88xi32, #tpu.memory_space<vmem>> -> memref<88xi32, #tpu.memory_space<vmem>>
          %dma_start3A_315 = arith.constant 0 : i32
          %dma_start3A_316 = arith.constant 0 : i32
          %dma_start3A_317 = tpu.memref_slice %arg2[%dma_start3A_315, %dma_start3A_316] : memref<240000x128xf32, #tpu.memory_space<hbm>> -> memref<240000x128xf32, #tpu.memory_space<hbm>>
          tpu.enqueue_indirect_dma source(%dma_start3A_317 : memref<240000x128xf32, #tpu.memory_space<hbm>>) target(%arg13 : memref<88x128xf32, #tpu.memory_space<vmem>>) offsets(%dma_start3A_314 : memref<88xi32, #tpu.memory_space<vmem>>) semaphore(%arg16 : memref<!tpu.dma_semaphore, #tpu.memory_space<semaphore_mem>>)
        } else {
        }
      }
      %scan3A_150 = arith.constant 38 : i32
      %dma_wait3A_151 = arith.constant 2 : i32
      %dma_wait3A_152 = arith.constant 0 : i32
      %dma_wait3A_153 = tpu.memref_slice %arg11[%dma_wait3A_151, %dma_wait3A_152] : memref<3x88xi32, #tpu.memory_space<vmem>> -> memref<1x88xi32, #tpu.memory_space<vmem>>
      %dma_wait3A_154 = tpu.memref_squeeze %dma_wait3A_153 : memref<1x88xi32, #tpu.memory_space<vmem>> -> memref<88xi32, #tpu.memory_space<vmem>>
      %dma_wait3A_155 = arith.constant 0 : i32
      %dma_wait3A_156 = arith.constant 0 : i32
      %dma_wait3A_157 = tpu.memref_slice %arg9[%dma_wait3A_155, %dma_wait3A_156] : memref<10008x128xf32, #tpu.memory_space<vmem_shared>> -> memref<10008x128xf32, #tpu.memory_space<vmem_shared>>
      tpu.wait_indirect_dma semaphore(%arg20 : memref<!tpu.dma_semaphore, #tpu.memory_space<semaphore_mem>>) src(%arg14 : memref<88x128xf32, #tpu.memory_space<vmem>>) dst(%dma_wait3A_157 : memref<10008x128xf32, #tpu.memory_space<vmem_shared>>)
      %barrier3A_158 = arith.constant 0 : index
      tpu.barrier barrier_id(%barrier3A_158)
      %lt3A_159 = arith.constant 15 : i32
      %lt3A_160 = arith.cmpi slt, %arg1, %lt3A_159 : i32
      %convert_element_type3A_161 = arith.extui %lt3A_160 : i1 to i32
      %cond3A_162 = arith.constant 0 : i32
      %cond3A_163 = arith.cmpi ne, %convert_element_type3A_161, %cond3A_162 : i32
      scf.if %cond3A_163 {
        %mul3A_170 = arith.constant 632 : i32
        %mul3A_171 = arith.muli %arg1, %mul3A_170 : i32
        %multiple_of3A = tpu.assume_multiple %mul3A_171, 8 : i32
        %mul3A_172 = arith.constant 2 : i32
        %mul3A_173 = arith.muli %mul3A_172, %select_n3A : i32
        %add3A = arith.addi %mul3A_173, %arg0 : i32
        "tpu.region"() ({
          %run_scoped3A = tpu.sem_alloc : memref<!tpu.dma_semaphore, #tpu.memory_space<semaphore_mem>>
          %dma_start3A_174 = arith.constant 0 : i32
          %dma_start3A_175 = tpu.memref_slice %arg7[%add3A, %sub3A_82, %multiple_of3A, %dma_start3A_174] : memref<2x12x10000x128xf32, #tpu.memory_space<hbm>> -> memref<1x1x632x128xf32, #tpu.memory_space<hbm>>
          %dma_start3A_176 = tpu.memref_squeeze %dma_start3A_175 : memref<1x1x632x128xf32, #tpu.memory_space<hbm>> -> memref<632x128xf32, #tpu.memory_space<hbm>>
          %dma_start3A_177 = arith.constant 0 : i32
          %dma_start3A_178 = tpu.memref_slice %arg9[%multiple_of3A, %dma_start3A_177] : memref<10008x128xf32, #tpu.memory_space<vmem_shared>> -> memref<632x128xf32, #tpu.memory_space<vmem_shared>>
          tpu.enqueue_dma source(%dma_start3A_178 : memref<632x128xf32, #tpu.memory_space<vmem_shared>>) target(%dma_start3A_176 : memref<632x128xf32, #tpu.memory_space<hbm>>) target_semaphore(%run_scoped3A : memref<!tpu.dma_semaphore, #tpu.memory_space<semaphore_mem>>)
          %dma_wait3A_179 = arith.constant 0 : i32
          %dma_wait3A_180 = tpu.memref_slice %arg7[%add3A, %sub3A_82, %multiple_of3A, %dma_wait3A_179] : memref<2x12x10000x128xf32, #tpu.memory_space<hbm>> -> memref<1x1x632x128xf32, #tpu.memory_space<hbm>>
          %dma_wait3A_181 = tpu.memref_squeeze %dma_wait3A_180 : memref<1x1x632x128xf32, #tpu.memory_space<hbm>> -> memref<632x128xf32, #tpu.memory_space<hbm>>
          %dma_wait3A_182 = arith.constant 0 : i32
          %dma_wait3A_183 = tpu.memref_slice %arg9[%multiple_of3A, %dma_wait3A_182] : memref<10008x128xf32, #tpu.memory_space<vmem_shared>> -> memref<632x128xf32, #tpu.memory_space<vmem_shared>>
          tpu.wait_dma2 semaphore(%run_scoped3A : memref<!tpu.dma_semaphore, #tpu.memory_space<semaphore_mem>>) src(%dma_wait3A_183 : memref<632x128xf32, #tpu.memory_space<vmem_shared>>) dst(%dma_wait3A_181 : memref<632x128xf32, #tpu.memory_space<hbm>>)
          tpu.yield
        }) : () -> ()
      } else {
      }
      %eq3A_164 = arith.constant 15 : i32
      %eq3A_165 = arith.cmpi eq, %arg1, %eq3A_164 : i32
      %convert_element_type3A_166 = arith.extui %eq3A_165 : i1 to i32
      %cond3A_167 = arith.constant 0 : i32
      %cond3A_168 = arith.cmpi ne, %convert_element_type3A_166, %cond3A_167 : i32
      scf.if %cond3A_168 {
        %mul3A_170 = arith.constant 2 : i32
        %mul3A_171 = arith.muli %mul3A_170, %select_n3A : i32
        %add3A = arith.addi %mul3A_171, %arg0 : i32
        "tpu.region"() ({
          %run_scoped3A = tpu.sem_alloc : memref<!tpu.dma_semaphore, #tpu.memory_space<semaphore_mem>>
          %dma_start3A_172 = arith.constant 9480 : i32
          %dma_start3A_173 = arith.constant 0 : i32
          %dma_start3A_174 = tpu.memref_slice %arg7[%add3A, %sub3A_82, %dma_start3A_172, %dma_start3A_173] : memref<2x12x10000x128xf32, #tpu.memory_space<hbm>> -> memref<1x1x520x128xf32, #tpu.memory_space<hbm>>
          %dma_start3A_175 = tpu.memref_squeeze %dma_start3A_174 : memref<1x1x520x128xf32, #tpu.memory_space<hbm>> -> memref<520x128xf32, #tpu.memory_space<hbm>>
          %dma_start3A_176 = arith.constant 9480 : i32
          %dma_start3A_177 = arith.constant 0 : i32
          %dma_start3A_178 = tpu.memref_slice %arg9[%dma_start3A_176, %dma_start3A_177] : memref<10008x128xf32, #tpu.memory_space<vmem_shared>> -> memref<520x128xf32, #tpu.memory_space<vmem_shared>>
          tpu.enqueue_dma source(%dma_start3A_178 : memref<520x128xf32, #tpu.memory_space<vmem_shared>>) target(%dma_start3A_175 : memref<520x128xf32, #tpu.memory_space<hbm>>) target_semaphore(%run_scoped3A : memref<!tpu.dma_semaphore, #tpu.memory_space<semaphore_mem>>)
          %dma_wait3A_179 = arith.constant 9480 : i32
          %dma_wait3A_180 = arith.constant 0 : i32
          %dma_wait3A_181 = tpu.memref_slice %arg7[%add3A, %sub3A_82, %dma_wait3A_179, %dma_wait3A_180] : memref<2x12x10000x128xf32, #tpu.memory_space<hbm>> -> memref<1x1x520x128xf32, #tpu.memory_space<hbm>>
          %dma_wait3A_182 = tpu.memref_squeeze %dma_wait3A_181 : memref<1x1x520x128xf32, #tpu.memory_space<hbm>> -> memref<520x128xf32, #tpu.memory_space<hbm>>
          %dma_wait3A_183 = arith.constant 9480 : i32
          %dma_wait3A_184 = arith.constant 0 : i32
          %dma_wait3A_185 = tpu.memref_slice %arg9[%dma_wait3A_183, %dma_wait3A_184] : memref<10008x128xf32, #tpu.memory_space<vmem_shared>> -> memref<520x128xf32, #tpu.memory_space<vmem_shared>>
          tpu.wait_dma2 semaphore(%run_scoped3A : memref<!tpu.dma_semaphore, #tpu.memory_space<semaphore_mem>>) src(%dma_wait3A_185 : memref<520x128xf32, #tpu.memory_space<vmem_shared>>) dst(%dma_wait3A_182 : memref<520x128xf32, #tpu.memory_space<hbm>>)
          tpu.yield
        }) : () -> ()
      } else {
      }
      %barrier3A_169 = arith.constant 0 : index
      tpu.barrier barrier_id(%barrier3A_169)
    }
    %scan3A_61 = arith.constant 12 : i32
    return
  }
}

module attributes {stable_mosaic.version = 14 : i64} {
  func.func @_tc_proj_body(%arg0: i32, %arg1: i32, %arg2: memref<1x2000x256xf32, #tpu.memory_space<vmem>>, %arg3: memref<256x256xf32, #tpu.memory_space<vmem>>, %arg4: memref<2x1x2000x128xf32, #tpu.memory_space<vmem>>) attributes {dimension_semantics = [#tpu.dimension_semantics<arbitrary>, #tpu.dimension_semantics<arbitrary>], iteration_bounds = array<i64: 12, 5>, scalar_prefetch = 0 : i64, scratch_operands = 0 : i64, tpu.core_type = #tpu.core_type<tc>, window_params = [{transform_indices = @transform_0, window_bounds = array<i64: 1, 2000, 256>}, {pipeline_mode = #tpu.pipeline_mode<synchronous>, transform_indices = @transform_1, window_bounds = array<i64: 256, 256>}, {transform_indices = @transform_2, window_bounds = array<i64: 2, 1, 2000, 128>}]} {
    %get3A = arith.constant 0 : index
    %get3A_0 = arith.constant 0 : index
    %get3A_1 = arith.constant 0 : index
    %get3A_2 = vector.load %arg2[%get3A, %get3A_0, %get3A_1] : memref<1x2000x256xf32, #tpu.memory_space<vmem>>, vector<1x2000x256xf32>
    %get3A_3 = vector.shape_cast %get3A_2 : vector<1x2000x256xf32> to vector<2000x256xf32>
    %get3A_4 = arith.constant 0 : index
    %get3A_5 = arith.constant 0 : index
    %get3A_6 = vector.load %arg3[%get3A_4, %get3A_5] : memref<256x256xf32, #tpu.memory_space<vmem>>, vector<256x256xf32>
    %dot_general3A = arith.constant dense<0.000000e+00> : vector<2000x256xf32>
    %dot_general3A_7 = tpu.matmul %get3A_3, %get3A_6, %dot_general3A {dimension_numbers = #tpu.dot_dimension_numbers<[1], [1], [0], [0], [0, 0, 1, 0], [], []>, transpose_lhs_hint = false} : vector<2000x256xf32>, vector<256x256xf32>, vector<2000x256xf32> -> vector<2000x256xf32>
    %slice3A = vector.extract_strided_slice %dot_general3A_7 {offsets = [0, 0], sizes = [2000, 128], strides = [1, 1]} : vector<2000x256xf32> to vector<2000x128xf32>
    %swap3A = arith.constant 0 : index
    %swap3A_8 = arith.constant 0 : index
    %swap3A_9 = arith.constant 0 : index
    %swap3A_10 = arith.constant 0 : index
    %swap3A_11 = vector.load %arg4[%swap3A, %swap3A_8, %swap3A_9, %swap3A_10] : memref<2x1x2000x128xf32, #tpu.memory_space<vmem>>, vector<1x1x2000x128xf32>
    %swap3A_12 = vector.shape_cast %swap3A_11 : vector<1x1x2000x128xf32> to vector<2000x128xf32>
    %swap3A_13 = vector.shape_cast %slice3A : vector<2000x128xf32> to vector<1x1x2000x128xf32>
    tpu.vector_store %arg4[%swap3A, %swap3A_8, %swap3A_9, %swap3A_10], %swap3A_13 {strides = array<i32>} : memref<2x1x2000x128xf32, #tpu.memory_space<vmem>>, vector<1x1x2000x128xf32>,
    %slice3A_14 = vector.extract_strided_slice %dot_general3A_7 {offsets = [0, 128], sizes = [2000, 128], strides = [1, 1]} : vector<2000x256xf32> to vector<2000x128xf32>
    %swap3A_15 = arith.constant 1 : index
    %swap3A_16 = arith.constant 0 : index
    %swap3A_17 = arith.constant 0 : index
    %swap3A_18 = arith.constant 0 : index
    %swap3A_19 = vector.load %arg4[%swap3A_15, %swap3A_16, %swap3A_17, %swap3A_18] : memref<2x1x2000x128xf32, #tpu.memory_space<vmem>>, vector<1x1x2000x128xf32>
    %swap3A_20 = vector.shape_cast %swap3A_19 : vector<1x1x2000x128xf32> to vector<2000x128xf32>
    %swap3A_21 = vector.shape_cast %slice3A_14 : vector<2000x128xf32> to vector<1x1x2000x128xf32>
    tpu.vector_store %arg4[%swap3A_15, %swap3A_16, %swap3A_17, %swap3A_18], %swap3A_21 {strides = array<i32>} : memref<2x1x2000x128xf32, #tpu.memory_space<vmem>>, vector<1x1x2000x128xf32>,
    return
  }
  func.func @transform_0(%arg0: i32, %arg1: i32) -> (i32, i32, i32) {
    %c0_i32 = arith.constant 0 : i32
    %c0_i32_0 = arith.constant 0 : i32
    return %arg0, %arg1, %c0_i32 : i32, i32, i32
  }
  func.func @transform_1(%arg0: i32, %arg1: i32) -> (i32, i32) {
    %c0_i32 = arith.constant 0 : i32
    %c0_i32_0 = arith.constant 0 : i32
    %c0_i32_1 = arith.constant 0 : i32
    return %c0_i32, %c0_i32_0 : i32, i32
  }
  func.func @transform_2(%arg0: i32, %arg1: i32) -> (i32, i32, i32, i32) {
    %c0_i32 = arith.constant 0 : i32
    %c0_i32_0 = arith.constant 0 : i32
    %c0_i32_1 = arith.constant 0 : i32
    return %c0_i32, %arg0, %arg1, %c0_i32_0 : i32, i32, i32, i32
  }
}

module attributes {stable_mosaic.version = 14 : i64} {
  func.func @_tc_mid_body(%arg0: i32, %arg1: i32, %arg2: memref<1x1x2000x128xf32, #tpu.memory_space<vmem>>, %arg3: memref<1x1x2000x128xf32, #tpu.memory_space<vmem>>, %arg4: memref<2000x128xf32, #tpu.memory_space<vmem>>, %arg5: memref<1x2000x256xf32, #tpu.memory_space<vmem>>, %arg6: memref<256x256xf32, #tpu.memory_space<vmem>>, %arg7: memref<256x256xf32, #tpu.memory_space<vmem>>, %arg8: memref<256x256xf32, #tpu.memory_space<vmem>>, %arg9: memref<1x256xf32, #tpu.memory_space<vmem>>, %arg10: memref<1x256xf32, #tpu.memory_space<vmem>>, %arg11: memref<2x1x2000x128xf32, #tpu.memory_space<vmem>>, %arg12: memref<1x2000x256xf32, #tpu.memory_space<vmem>>) attributes {dimension_semantics = [#tpu.dimension_semantics<arbitrary>, #tpu.dimension_semantics<arbitrary>], iteration_bounds = array<i64: 12, 5>, scalar_prefetch = 0 : i64, scratch_operands = 0 : i64, tpu.core_type = #tpu.core_type<tc>, window_params = [{transform_indices = @transform_0, window_bounds = array<i64: 1, 1, 2000, 128>}, {transform_indices = @transform_1, window_bounds = array<i64: 1, 1, 2000, 128>}, {transform_indices = @transform_2, window_bounds = array<i64: 2000, 128>}, {transform_indices = @transform_3, window_bounds = array<i64: 1, 2000, 256>}, {pipeline_mode = #tpu.pipeline_mode<synchronous>, transform_indices = @transform_4, window_bounds = array<i64: 256, 256>}, {pipeline_mode = #tpu.pipeline_mode<synchronous>, transform_indices = @transform_5, window_bounds = array<i64: 256, 256>}, {pipeline_mode = #tpu.pipeline_mode<synchronous>, transform_indices = @transform_6, window_bounds = array<i64: 256, 256>}, {pipeline_mode = #tpu.pipeline_mode<synchronous>, transform_indices = @transform_7, window_bounds = array<i64: 1, 256>}, {pipeline_mode = #tpu.pipeline_mode<synchronous>, transform_indices = @transform_8, window_bounds = array<i64: 1, 256>}, {transform_indices = @transform_9, window_bounds = array<i64: 2, 1, 2000, 128>}, {transform_indices = @transform_10, window_bounds = array<i64: 1, 2000, 256>}]} {
    %get3A = arith.constant 0 : index
    %get3A_0 = arith.constant 0 : index
    %get3A_1 = vector.load %arg4[%get3A, %get3A_0] : memref<2000x128xf32, #tpu.memory_space<vmem>>, vector<2000x1xf32>
    %max3A = arith.constant 1.000000e+00 : f32
    %max3A_2 = vector.broadcast %max3A : f32 to vector<2000x1xf32>
    %max3A_3 = arith.maximumf %get3A_1, %max3A_2 : vector<2000x1xf32>
    %div3A = arith.constant 1.000000e+00 : f32
    %div3A_4 = vector.broadcast %div3A : f32 to vector<2000x1xf32>
    %div3A_5 = arith.divf %div3A_4, %max3A_3 : vector<2000x1xf32>
    %get3A_6 = arith.constant 0 : index
    %get3A_7 = arith.constant 0 : index
    %get3A_8 = arith.constant 0 : index
    %get3A_9 = arith.constant 0 : index
    %get3A_10 = vector.load %arg2[%get3A_6, %get3A_7, %get3A_8, %get3A_9] : memref<1x1x2000x128xf32, #tpu.memory_space<vmem>>, vector<1x1x2000x128xf32>
    %get3A_11 = vector.shape_cast %get3A_10 : vector<1x1x2000x128xf32> to vector<2000x128xf32>
    %get3A_12 = arith.constant 0 : index
    %get3A_13 = arith.constant 0 : index
    %get3A_14 = arith.constant 0 : index
    %get3A_15 = arith.constant 0 : index
    %get3A_16 = vector.load %arg3[%get3A_12, %get3A_13, %get3A_14, %get3A_15] : memref<1x1x2000x128xf32, #tpu.memory_space<vmem>>, vector<1x1x2000x128xf32>
    %get3A_17 = vector.shape_cast %get3A_16 : vector<1x1x2000x128xf32> to vector<2000x128xf32>
    %concatenate3A = tpu.concatenate %get3A_11, %get3A_17 in 1 : vector<2000x128xf32>, vector<2000x128xf32> -> vector<2000x256xf32>
    %mul3A = vector.broadcast %div3A_5 : vector<2000x1xf32> to vector<2000x256xf32>
    %mul3A_18 = arith.mulf %concatenate3A, %mul3A : vector<2000x256xf32>
    %get3A_19 = arith.constant 0 : index
    %get3A_20 = arith.constant 0 : index
    %get3A_21 = arith.constant 0 : index
    %get3A_22 = vector.load %arg5[%get3A_19, %get3A_20, %get3A_21] : memref<1x2000x256xf32, #tpu.memory_space<vmem>>, vector<1x2000x256xf32>
    %get3A_23 = vector.shape_cast %get3A_22 : vector<1x2000x256xf32> to vector<2000x256xf32>
    %get3A_24 = arith.constant 0 : index
    %get3A_25 = arith.constant 0 : index
    %get3A_26 = vector.load %arg6[%get3A_24, %get3A_25] : memref<256x256xf32, #tpu.memory_space<vmem>>, vector<256x256xf32>
    %dot_general3A = arith.constant dense<0.000000e+00> : vector<2000x256xf32>
    %dot_general3A_27 = tpu.matmul %get3A_23, %get3A_26, %dot_general3A {dimension_numbers = #tpu.dot_dimension_numbers<[1], [1], [0], [0], [0, 0, 1, 0], [], []>, transpose_lhs_hint = false} : vector<2000x256xf32>, vector<256x256xf32>, vector<2000x256xf32> -> vector<2000x256xf32>
    %add3A = arith.addf %mul3A_18, %dot_general3A_27 : vector<2000x256xf32>
    %get3A_28 = arith.constant 0 : index
    %get3A_29 = arith.constant 0 : index
    %get3A_30 = vector.load %arg9[%get3A_28, %get3A_29] : memref<1x256xf32, #tpu.memory_space<vmem>>, vector<1x256xf32>
    %add3A_31 = vector.broadcast %get3A_30 : vector<1x256xf32> to vector<2000x256xf32>
    %add3A_32 = arith.addf %add3A, %add3A_31 : vector<2000x256xf32>
    %gt3A = arith.constant 0.000000e+00 : f32
    %gt3A_33 = vector.broadcast %gt3A : f32 to vector<2000x256xf32>
    %gt3A_34 = arith.cmpf ogt, %add3A_32, %gt3A_33 : vector<2000x256xf32>
    %get3A_35 = arith.constant 0 : index
    %get3A_36 = arith.constant 0 : index
    %get3A_37 = vector.load %arg10[%get3A_35, %get3A_36] : memref<1x256xf32, #tpu.memory_space<vmem>>, vector<1x256xf32>
    %mul3A_38 = vector.broadcast %get3A_37 : vector<1x256xf32> to vector<2000x256xf32>
    %mul3A_39 = arith.mulf %mul3A_38, %add3A_32 : vector<2000x256xf32>
    %select_n3A = arith.select %gt3A_34, %add3A_32, %mul3A_39 : vector<2000x256xi1>, vector<2000x256xf32>
    %get3A_40 = arith.constant 0 : index
    %get3A_41 = arith.constant 0 : index
    %get3A_42 = vector.load %arg7[%get3A_40, %get3A_41] : memref<256x256xf32, #tpu.memory_space<vmem>>, vector<256x256xf32>
    %dot_general3A_43 = arith.constant dense<0.000000e+00> : vector<2000x256xf32>
    %dot_general3A_44 = tpu.matmul %select_n3A, %get3A_42, %dot_general3A_43 {dimension_numbers = #tpu.dot_dimension_numbers<[1], [1], [0], [0], [0, 0, 1, 0], [], []>, transpose_lhs_hint = false} : vector<2000x256xf32>, vector<256x256xf32>, vector<2000x256xf32> -> vector<2000x256xf32>
    %slice3A = vector.extract_strided_slice %dot_general3A_44 {offsets = [0, 0], sizes = [2000, 128], strides = [1, 1]} : vector<2000x256xf32> to vector<2000x128xf32>
    %swap3A = arith.constant 0 : index
    %swap3A_45 = arith.constant 0 : index
    %swap3A_46 = arith.constant 0 : index
    %swap3A_47 = arith.constant 0 : index
    %swap3A_48 = vector.load %arg11[%swap3A, %swap3A_45, %swap3A_46, %swap3A_47] : memref<2x1x2000x128xf32, #tpu.memory_space<vmem>>, vector<1x1x2000x128xf32>
    %swap3A_49 = vector.shape_cast %swap3A_48 : vector<1x1x2000x128xf32> to vector<2000x128xf32>
    %swap3A_50 = vector.shape_cast %slice3A : vector<2000x128xf32> to vector<1x1x2000x128xf32>
    tpu.vector_store %arg11[%swap3A, %swap3A_45, %swap3A_46, %swap3A_47], %swap3A_50 {strides = array<i32>} : memref<2x1x2000x128xf32, #tpu.memory_space<vmem>>, vector<1x1x2000x128xf32>,
    %slice3A_51 = vector.extract_strided_slice %dot_general3A_44 {offsets = [0, 128], sizes = [2000, 128], strides = [1, 1]} : vector<2000x256xf32> to vector<2000x128xf32>
    %swap3A_52 = arith.constant 1 : index
    %swap3A_53 = arith.constant 0 : index
    %swap3A_54 = arith.constant 0 : index
    %swap3A_55 = arith.constant 0 : index
    %swap3A_56 = vector.load %arg11[%swap3A_52, %swap3A_53, %swap3A_54, %swap3A_55] : memref<2x1x2000x128xf32, #tpu.memory_space<vmem>>, vector<1x1x2000x128xf32>
    %swap3A_57 = vector.shape_cast %swap3A_56 : vector<1x1x2000x128xf32> to vector<2000x128xf32>
    %swap3A_58 = vector.shape_cast %slice3A_51 : vector<2000x128xf32> to vector<1x1x2000x128xf32>
    tpu.vector_store %arg11[%swap3A_52, %swap3A_53, %swap3A_54, %swap3A_55], %swap3A_58 {strides = array<i32>} : memref<2x1x2000x128xf32, #tpu.memory_space<vmem>>, vector<1x1x2000x128xf32>,
    %get3A_59 = arith.constant 0 : index
    %get3A_60 = arith.constant 0 : index
    %get3A_61 = vector.load %arg8[%get3A_59, %get3A_60] : memref<256x256xf32, #tpu.memory_space<vmem>>, vector<256x256xf32>
    %dot_general3A_62 = arith.constant dense<0.000000e+00> : vector<2000x256xf32>
    %dot_general3A_63 = tpu.matmul %select_n3A, %get3A_61, %dot_general3A_62 {dimension_numbers = #tpu.dot_dimension_numbers<[1], [1], [0], [0], [0, 0, 1, 0], [], []>, transpose_lhs_hint = false} : vector<2000x256xf32>, vector<256x256xf32>, vector<2000x256xf32> -> vector<2000x256xf32>
    %swap3A_64 = arith.constant 0 : index
    %swap3A_65 = arith.constant 0 : index
    %swap3A_66 = arith.constant 0 : index
    %swap3A_67 = vector.load %arg12[%swap3A_64, %swap3A_65, %swap3A_66] : memref<1x2000x256xf32, #tpu.memory_space<vmem>>, vector<1x2000x256xf32>
    %swap3A_68 = vector.shape_cast %swap3A_67 : vector<1x2000x256xf32> to vector<2000x256xf32>
    %swap3A_69 = vector.shape_cast %dot_general3A_63 : vector<2000x256xf32> to vector<1x2000x256xf32>
    tpu.vector_store %arg12[%swap3A_64, %swap3A_65, %swap3A_66], %swap3A_69 {strides = array<i32>} : memref<1x2000x256xf32, #tpu.memory_space<vmem>>, vector<1x2000x256xf32>,
    return
  }
  func.func @transform_0(%arg0: i32, %arg1: i32) -> (i32, i32, i32, i32) {
    %c0_i32 = arith.constant 0 : i32
    %c0_i32_0 = arith.constant 0 : i32
    %c0_i32_1 = arith.constant 0 : i32
    return %c0_i32, %arg0, %arg1, %c0_i32_0 : i32, i32, i32, i32
  }
  func.func @transform_1(%arg0: i32, %arg1: i32) -> (i32, i32, i32, i32) {
    %c1_i32 = arith.constant 1 : i32
    %c0_i32 = arith.constant 0 : i32
    %c0_i32_0 = arith.constant 0 : i32
    return %c1_i32, %arg0, %arg1, %c0_i32 : i32, i32, i32, i32
  }
  func.func @transform_2(%arg0: i32, %arg1: i32) -> (i32, i32) {
    %c0_i32 = arith.constant 0 : i32
    %c0_i32_0 = arith.constant 0 : i32
    return %arg1, %c0_i32 : i32, i32
  }
  func.func @transform_3(%arg0: i32, %arg1: i32) -> (i32, i32, i32) {
    %c0_i32 = arith.constant 0 : i32
    %c0_i32_0 = arith.constant 0 : i32
    return %arg0, %arg1, %c0_i32 : i32, i32, i32
  }
  func.func @transform_4(%arg0: i32, %arg1: i32) -> (i32, i32) {
    %c0_i32 = arith.constant 0 : i32
    %c0_i32_0 = arith.constant 0 : i32
    %c0_i32_1 = arith.constant 0 : i32
    return %c0_i32, %c0_i32_0 : i32, i32
  }
  func.func @transform_5(%arg0: i32, %arg1: i32) -> (i32, i32) {
    %c0_i32 = arith.constant 0 : i32
    %c0_i32_0 = arith.constant 0 : i32
    %c0_i32_1 = arith.constant 0 : i32
    return %c0_i32, %c0_i32_0 : i32, i32
  }
  func.func @transform_6(%arg0: i32, %arg1: i32) -> (i32, i32) {
    %c0_i32 = arith.constant 0 : i32
    %c0_i32_0 = arith.constant 0 : i32
    %c0_i32_1 = arith.constant 0 : i32
    return %c0_i32, %c0_i32_0 : i32, i32
  }
  func.func @transform_7(%arg0: i32, %arg1: i32) -> (i32, i32) {
    %c0_i32 = arith.constant 0 : i32
    %c0_i32_0 = arith.constant 0 : i32
    %c0_i32_1 = arith.constant 0 : i32
    return %c0_i32, %c0_i32_0 : i32, i32
  }
  func.func @transform_8(%arg0: i32, %arg1: i32) -> (i32, i32) {
    %c0_i32 = arith.constant 0 : i32
    %c0_i32_0 = arith.constant 0 : i32
    %c0_i32_1 = arith.constant 0 : i32
    return %c0_i32, %c0_i32_0 : i32, i32
  }
  func.func @transform_9(%arg0: i32, %arg1: i32) -> (i32, i32, i32, i32) {
    %c0_i32 = arith.constant 0 : i32
    %c0_i32_0 = arith.constant 0 : i32
    %c0_i32_1 = arith.constant 0 : i32
    return %c0_i32, %arg0, %arg1, %c0_i32_0 : i32, i32, i32, i32
  }
  func.func @transform_10(%arg0: i32, %arg1: i32) -> (i32, i32, i32) {
    %c0_i32 = arith.constant 0 : i32
    %c0_i32_0 = arith.constant 0 : i32
    return %arg0, %arg1, %c0_i32 : i32, i32, i32
  }
}

module attributes {stable_mosaic.version = 14 : i64} {
  func.func @_tc_pool_body(%arg0: i32, %arg1: i32, %arg2: memref<1x1x2000x128xf32, #tpu.memory_space<vmem>>, %arg3: memref<1x1x2000x128xf32, #tpu.memory_space<vmem>>, %arg4: memref<2000x128xf32, #tpu.memory_space<vmem>>, %arg5: memref<1x2000x256xf32, #tpu.memory_space<vmem>>, %arg6: memref<1x256xf32, #tpu.memory_space<vmem>>, %arg7: memref<1x1x256xf32, #tpu.memory_space<vmem>>) attributes {dimension_semantics = [#tpu.dimension_semantics<arbitrary>, #tpu.dimension_semantics<arbitrary>], iteration_bounds = array<i64: 12, 5>, scalar_prefetch = 0 : i64, scratch_operands = 0 : i64, tpu.core_type = #tpu.core_type<tc>, window_params = [{transform_indices = @transform_0, window_bounds = array<i64: 1, 1, 2000, 128>}, {transform_indices = @transform_1, window_bounds = array<i64: 1, 1, 2000, 128>}, {transform_indices = @transform_2, window_bounds = array<i64: 2000, 128>}, {transform_indices = @transform_3, window_bounds = array<i64: 1, 2000, 256>}, {pipeline_mode = #tpu.pipeline_mode<synchronous>, transform_indices = @transform_4, window_bounds = array<i64: 1, 256>}, {transform_indices = @transform_5, window_bounds = array<i64: 1, 1, 256>}]} {
    %get3A = arith.constant 0 : index
    %get3A_0 = arith.constant 0 : index
    %get3A_1 = vector.load %arg4[%get3A, %get3A_0] : memref<2000x128xf32, #tpu.memory_space<vmem>>, vector<2000x1xf32>
    %max3A = arith.constant 1.000000e+00 : f32
    %max3A_2 = vector.broadcast %max3A : f32 to vector<2000x1xf32>
    %max3A_3 = arith.maximumf %get3A_1, %max3A_2 : vector<2000x1xf32>
    %div3A = arith.constant 1.000000e+00 : f32
    %div3A_4 = vector.broadcast %div3A : f32 to vector<2000x1xf32>
    %div3A_5 = arith.divf %div3A_4, %max3A_3 : vector<2000x1xf32>
    %get3A_6 = arith.constant 0 : index
    %get3A_7 = arith.constant 0 : index
    %get3A_8 = arith.constant 0 : index
    %get3A_9 = arith.constant 0 : index
    %get3A_10 = vector.load %arg2[%get3A_6, %get3A_7, %get3A_8, %get3A_9] : memref<1x1x2000x128xf32, #tpu.memory_space<vmem>>, vector<1x1x2000x128xf32>
    %get3A_11 = vector.shape_cast %get3A_10 : vector<1x1x2000x128xf32> to vector<2000x128xf32>
    %get3A_12 = arith.constant 0 : index
    %get3A_13 = arith.constant 0 : index
    %get3A_14 = arith.constant 0 : index
    %get3A_15 = arith.constant 0 : index
    %get3A_16 = vector.load %arg3[%get3A_12, %get3A_13, %get3A_14, %get3A_15] : memref<1x1x2000x128xf32, #tpu.memory_space<vmem>>, vector<1x1x2000x128xf32>
    %get3A_17 = vector.shape_cast %get3A_16 : vector<1x1x2000x128xf32> to vector<2000x128xf32>
    %concatenate3A = tpu.concatenate %get3A_11, %get3A_17 in 1 : vector<2000x128xf32>, vector<2000x128xf32> -> vector<2000x256xf32>
    %mul3A = vector.broadcast %div3A_5 : vector<2000x1xf32> to vector<2000x256xf32>
    %mul3A_18 = arith.mulf %concatenate3A, %mul3A : vector<2000x256xf32>
    %get3A_19 = arith.constant 0 : index
    %get3A_20 = arith.constant 0 : index
    %get3A_21 = arith.constant 0 : index
    %get3A_22 = vector.load %arg5[%get3A_19, %get3A_20, %get3A_21] : memref<1x2000x256xf32, #tpu.memory_space<vmem>>, vector<1x2000x256xf32>
    %get3A_23 = vector.shape_cast %get3A_22 : vector<1x2000x256xf32> to vector<2000x256xf32>
    %add3A = arith.addf %mul3A_18, %get3A_23 : vector<2000x256xf32>
    %get3A_24 = arith.constant 0 : index
    %get3A_25 = arith.constant 0 : index
    %get3A_26 = vector.load %arg6[%get3A_24, %get3A_25] : memref<1x256xf32, #tpu.memory_space<vmem>>, vector<1x256xf32>
    %add3A_27 = vector.broadcast %get3A_26 : vector<1x256xf32> to vector<2000x256xf32>
    %add3A_28 = arith.addf %add3A, %add3A_27 : vector<2000x256xf32>
    %reduce_max3A = arith.constant dense<0xFF800000> : vector<256xf32>
    %reduce_max3A_29 = vector.multi_reduction <maximumf>, %add3A_28, %reduce_max3A [0] : vector<2000x256xf32> to vector<256xf32>
    %broadcast_in_dim3A = vector.shape_cast %reduce_max3A_29 : vector<256xf32> to vector<1x256xf32>
    %broadcast_in_dim3A_30 = vector.shape_cast %broadcast_in_dim3A : vector<1x256xf32> to vector<1x1x256xf32>
    %eq3A = arith.constant 0 : i32
    %eq3A_31 = arith.cmpi eq, %arg1, %eq3A : i32
    %convert_element_type3A = arith.extui %eq3A_31 : i1 to i32
    %cond3A = arith.constant 0 : i32
    %cond3A_32 = arith.cmpi ne, %convert_element_type3A, %cond3A : i32
    scf.if %cond3A_32 {
      %swap3A = arith.constant 0 : index
      %swap3A_37 = arith.constant 0 : index
      %swap3A_38 = arith.constant 0 : index
      %swap3A_39 = vector.load %arg7[%swap3A, %swap3A_37, %swap3A_38] : memref<1x1x256xf32, #tpu.memory_space<vmem>>, vector<1x1x256xf32>
      tpu.vector_store %arg7[%swap3A, %swap3A_37, %swap3A_38], %broadcast_in_dim3A_30 {strides = array<i32>} : memref<1x1x256xf32, #tpu.memory_space<vmem>>, vector<1x1x256xf32>,
    } else {
    }
    %gt3A = arith.constant 0 : i32
    %gt3A_33 = arith.cmpi sgt, %arg1, %gt3A : i32
    %convert_element_type3A_34 = arith.extui %gt3A_33 : i1 to i32
    %cond3A_35 = arith.constant 0 : i32
    %cond3A_36 = arith.cmpi ne, %convert_element_type3A_34, %cond3A_35 : i32
    scf.if %cond3A_36 {
      %get3A_37 = arith.constant 0 : index
      %get3A_38 = arith.constant 0 : index
      %get3A_39 = arith.constant 0 : index
      %get3A_40 = vector.load %arg7[%get3A_37, %get3A_38, %get3A_39] : memref<1x1x256xf32, #tpu.memory_space<vmem>>, vector<1x1x256xf32>
      %max3A_41 = arith.maximumf %get3A_40, %broadcast_in_dim3A_30 : vector<1x1x256xf32>
      %swap3A = arith.constant 0 : index
      %swap3A_42 = arith.constant 0 : index
      %swap3A_43 = arith.constant 0 : index
      %swap3A_44 = vector.load %arg7[%swap3A, %swap3A_42, %swap3A_43] : memref<1x1x256xf32, #tpu.memory_space<vmem>>, vector<1x1x256xf32>
      tpu.vector_store %arg7[%swap3A, %swap3A_42, %swap3A_43], %max3A_41 {strides = array<i32>} : memref<1x1x256xf32, #tpu.memory_space<vmem>>, vector<1x1x256xf32>,
    } else {
    }
    return
  }
  func.func @transform_0(%arg0: i32, %arg1: i32) -> (i32, i32, i32, i32) {
    %c0_i32 = arith.constant 0 : i32
    %c0_i32_0 = arith.constant 0 : i32
    %c0_i32_1 = arith.constant 0 : i32
    return %c0_i32, %arg0, %arg1, %c0_i32_0 : i32, i32, i32, i32
  }
  func.func @transform_1(%arg0: i32, %arg1: i32) -> (i32, i32, i32, i32) {
    %c1_i32 = arith.constant 1 : i32
    %c0_i32 = arith.constant 0 : i32
    %c0_i32_0 = arith.constant 0 : i32
    return %c1_i32, %arg0, %arg1, %c0_i32 : i32, i32, i32, i32
  }
  func.func @transform_2(%arg0: i32, %arg1: i32) -> (i32, i32) {
    %c0_i32 = arith.constant 0 : i32
    %c0_i32_0 = arith.constant 0 : i32
    return %arg1, %c0_i32 : i32, i32
  }
  func.func @transform_3(%arg0: i32, %arg1: i32) -> (i32, i32, i32) {
    %c0_i32 = arith.constant 0 : i32
    %c0_i32_0 = arith.constant 0 : i32
    return %arg0, %arg1, %c0_i32 : i32, i32, i32
  }
  func.func @transform_4(%arg0: i32, %arg1: i32) -> (i32, i32) {
    %c0_i32 = arith.constant 0 : i32
    %c0_i32_0 = arith.constant 0 : i32
    %c0_i32_1 = arith.constant 0 : i32
    return %c0_i32, %c0_i32_0 : i32, i32
  }
  func.func @transform_5(%arg0: i32, %arg1: i32) -> (i32, i32, i32) {
    %c0_i32 = arith.constant 0 : i32
    %c0_i32_0 = arith.constant 0 : i32
    %c0_i32_1 = arith.constant 0 : i32
    return %arg0, %c0_i32, %c0_i32_0 : i32, i32, i32
  }
}

module attributes {stable_mosaic.version = 14 : i64} {
  func.func @_tc_head_body(%arg0: memref<12x256xf32, #tpu.memory_space<vmem>>, %arg1: memref<768x256xf32, #tpu.memory_space<vmem>>, %arg2: memref<768x256xf32, #tpu.memory_space<vmem>>, %arg3: memref<1x768xf32, #tpu.memory_space<vmem>>, %arg4: memref<1x768xf32, #tpu.memory_space<vmem>>, %arg5: memref<1x1xf32, #tpu.memory_space<vmem>>, %arg6: memref<1x1xf32, #tpu.memory_space<vmem>>, %arg7: memref<12x256xf32, #tpu.memory_space<vmem>>) attributes {dimension_semantics = [], scalar_prefetch = 0 : i64, scratch_operands = 1 : i64, tpu.core_type = #tpu.core_type<tc>} {
    %broadcast_in_dim3A = arith.constant 0.000000e+00 : f32
    %broadcast_in_dim3A_0 = vector.broadcast %broadcast_in_dim3A : f32 to vector<1x256xf32>
    %scan3A = arith.constant 0 : i32
    %scan3A_1 = arith.constant 12 : i32
    %scan3A_2 = arith.addi %scan3A, %scan3A_1 : i32
    %scan3A_3 = arith.constant 1 : i32
    %scan3A_4 = scf.for %scan3A_776 = %scan3A to %scan3A_2 step %scan3A_3 iter_args(%scan3A_777 = %broadcast_in_dim3A_0) -> (vector<1x256xf32>)  : i32 {
      %get3A_778 = arith.index_cast %scan3A_776 : i32 to index
      %get3A_779 = arith.constant 0 : index
      %get3A_780 = vector.load %arg0[%get3A_778, %get3A_779] : memref<12x256xf32, #tpu.memory_space<vmem>>, vector<1x256xf32>
      %get3A_781 = arith.constant 0 : index
      %get3A_782 = arith.constant 0 : index
      %get3A_783 = vector.load %arg1[%get3A_781, %get3A_782] : memref<768x256xf32, #tpu.memory_space<vmem>>, vector<768x256xf32>
      %dot_general3A_784 = arith.constant dense<0.000000e+00> : vector<1x768xf32>
      %dot_general3A_785 = tpu.matmul %get3A_780, %get3A_783, %dot_general3A_784 {dimension_numbers = #tpu.dot_dimension_numbers<[1], [1], [0], [0], [0, 0, 1, 0], [], []>, transpose_lhs_hint = false} : vector<1x256xf32>, vector<768x256xf32>, vector<1x768xf32> -> vector<1x768xf32>
      %get3A_786 = arith.constant 0 : index
      %get3A_787 = arith.constant 0 : index
      %get3A_788 = vector.load %arg3[%get3A_786, %get3A_787] : memref<1x768xf32, #tpu.memory_space<vmem>>, vector<1x768xf32>
      %add3A_789 = arith.addf %dot_general3A_785, %get3A_788 : vector<1x768xf32>
      %get3A_790 = arith.constant 0 : index
      %get3A_791 = arith.constant 0 : index
      %get3A_792 = vector.load %arg2[%get3A_790, %get3A_791] : memref<768x256xf32, #tpu.memory_space<vmem>>, vector<768x256xf32>
      %dot_general3A_793 = arith.constant dense<0.000000e+00> : vector<1x768xf32>
      %dot_general3A_794 = tpu.matmul %scan3A_777, %get3A_792, %dot_general3A_793 {dimension_numbers = #tpu.dot_dimension_numbers<[1], [1], [0], [0], [0, 0, 1, 0], [], []>, transpose_lhs_hint = false} : vector<1x256xf32>, vector<768x256xf32>, vector<1x768xf32> -> vector<1x768xf32>
      %get3A_795 = arith.constant 0 : index
      %get3A_796 = arith.constant 0 : index
      %get3A_797 = vector.load %arg4[%get3A_795, %get3A_796] : memref<1x768xf32, #tpu.memory_space<vmem>>, vector<1x768xf32>
      %add3A_798 = arith.addf %dot_general3A_794, %get3A_797 : vector<1x768xf32>
      %slice3A_799 = vector.extract_strided_slice %add3A_789 {offsets = [0, 0], sizes = [1, 256], strides = [1, 1]} : vector<1x768xf32> to vector<1x256xf32>
      %slice3A_800 = vector.extract_strided_slice %add3A_798 {offsets = [0, 0], sizes = [1, 256], strides = [1, 1]} : vector<1x768xf32> to vector<1x256xf32>
      %add3A_801 = arith.addf %slice3A_799, %slice3A_800 : vector<1x256xf32>
      %logistic3A = arith.negf %add3A_801 : vector<1x256xf32>
      %logistic3A_802 = math.exp %logistic3A : vector<1x256xf32>
      %logistic3A_803 = arith.constant 1.000000e+00 : f32
      %logistic3A_804 = vector.broadcast %logistic3A_803 : f32 to vector<1x256xf32>
      %logistic3A_805 = arith.addf %logistic3A_804, %logistic3A_802 : vector<1x256xf32>
      %logistic3A_806 = arith.divf %logistic3A_804, %logistic3A_805 : vector<1x256xf32>
      %slice3A_807 = vector.extract_strided_slice %add3A_789 {offsets = [0, 256], sizes = [1, 256], strides = [1, 1]} : vector<1x768xf32> to vector<1x256xf32>
      %slice3A_808 = vector.extract_strided_slice %add3A_798 {offsets = [0, 256], sizes = [1, 256], strides = [1, 1]} : vector<1x768xf32> to vector<1x256xf32>
      %add3A_809 = arith.addf %slice3A_807, %slice3A_808 : vector<1x256xf32>
      %logistic3A_810 = arith.negf %add3A_809 : vector<1x256xf32>
      %logistic3A_811 = math.exp %logistic3A_810 : vector<1x256xf32>
      %logistic3A_812 = arith.constant 1.000000e+00 : f32
      %logistic3A_813 = vector.broadcast %logistic3A_812 : f32 to vector<1x256xf32>
      %logistic3A_814 = arith.addf %logistic3A_813, %logistic3A_811 : vector<1x256xf32>
      %logistic3A_815 = arith.divf %logistic3A_813, %logistic3A_814 : vector<1x256xf32>
      %slice3A_816 = vector.extract_strided_slice %add3A_789 {offsets = [0, 512], sizes = [1, 256], strides = [1, 1]} : vector<1x768xf32> to vector<1x256xf32>
      %slice3A_817 = vector.extract_strided_slice %add3A_798 {offsets = [0, 512], sizes = [1, 256], strides = [1, 1]} : vector<1x768xf32> to vector<1x256xf32>
      %mul3A_818 = arith.mulf %logistic3A_806, %slice3A_817 : vector<1x256xf32>
      %add3A_819 = arith.addf %slice3A_816, %mul3A_818 : vector<1x256xf32>
      %tanh3A = math.tanh %add3A_819 : vector<1x256xf32>
      %sub3A_820 = arith.constant 1.000000e+00 : f32
      %sub3A_821 = vector.broadcast %sub3A_820 : f32 to vector<1x256xf32>
      %sub3A_822 = arith.subf %sub3A_821, %logistic3A_815 : vector<1x256xf32>
      %mul3A_823 = arith.mulf %sub3A_822, %tanh3A : vector<1x256xf32>
      %mul3A_824 = arith.mulf %logistic3A_815, %scan3A_777 : vector<1x256xf32>
      %add3A_825 = arith.addf %mul3A_823, %mul3A_824 : vector<1x256xf32>
      %swap3A_826 = arith.index_cast %scan3A_776 : i32 to index
      %swap3A_827 = arith.constant 0 : index
      %swap3A_828 = vector.load %arg7[%swap3A_826, %swap3A_827] : memref<12x256xf32, #tpu.memory_space<vmem>>, vector<1x256xf32>
      tpu.vector_store %arg7[%swap3A_826, %swap3A_827], %add3A_825 {strides = array<i32>} : memref<12x256xf32, #tpu.memory_space<vmem>>, vector<1x256xf32>,
      scf.yield %add3A_825 : vector<1x256xf32>
    }
    %scan3A_5 = arith.constant 12 : i32
    %broadcast_in_dim3A_6 = arith.constant 0.000000e+00 : f32
    %broadcast_in_dim3A_7 = vector.broadcast %broadcast_in_dim3A_6 : f32 to vector<1x1xf32>
    %broadcast_in_dim3A_8 = arith.constant 0.000000e+00 : f32
    %broadcast_in_dim3A_9 = vector.broadcast %broadcast_in_dim3A_8 : f32 to vector<1x1xf32>
    %get3A = arith.constant 1 : index
    %get3A_10 = arith.constant 0 : index
    %get3A_11 = vector.load %arg7[%get3A, %get3A_10] : memref<12x256xf32, #tpu.memory_space<vmem>>, vector<1x256xf32>
    %mul3A = arith.mulf %get3A_11, %get3A_11 : vector<1x256xf32>
    %reduce_sum3A = vector.shape_cast %mul3A : vector<1x256xf32> to vector<1x1x256xf32>
    %reduce_sum3A_12 = arith.constant dense<0.000000e+00> : vector<1xf32>
    %reduce_sum3A_13 = vector.multi_reduction <add>, %reduce_sum3A, %reduce_sum3A_12 [1, 2] : vector<1x1x256xf32> to vector<1xf32>
    %reduce_sum3A_14 = vector.shape_cast %reduce_sum3A_13 : vector<1xf32> to vector<1x1x1xf32>
    %reduce_sum3A_15 = vector.extract %reduce_sum3A_14[0, 0, 0] : f32 from vector<1x1x1xf32>
    %sqrt3A = math.sqrt %reduce_sum3A_15 : f32
    %get3A_16 = arith.constant 2 : index
    %get3A_17 = arith.constant 0 : index
    %get3A_18 = vector.load %arg0[%get3A_16, %get3A_17] : memref<12x256xf32, #tpu.memory_space<vmem>>, vector<1x256xf32>
    %get3A_19 = arith.constant 4 : index
    %get3A_20 = arith.constant 0 : index
    %get3A_21 = vector.load %arg0[%get3A_19, %get3A_20] : memref<12x256xf32, #tpu.memory_space<vmem>>, vector<1x256xf32>
    %get3A_22 = arith.constant 5 : index
    %get3A_23 = arith.constant 0 : index
    %get3A_24 = vector.load %arg0[%get3A_22, %get3A_23] : memref<12x256xf32, #tpu.memory_space<vmem>>, vector<1x256xf32>
    %get3A_25 = arith.constant 6 : index
    %get3A_26 = arith.constant 0 : index
    %get3A_27 = vector.load %arg0[%get3A_25, %get3A_26] : memref<12x256xf32, #tpu.memory_space<vmem>>, vector<1x256xf32>
    %concatenate3A = tpu.concatenate %get3A_18, %get3A_21, %get3A_24, %get3A_27 in 0 : vector<1x256xf32>, vector<1x256xf32>, vector<1x256xf32>, vector<1x256xf32> -> vector<4x256xf32>
    %dot_general3A = arith.constant dense<0.000000e+00> : vector<4x1xf32>
    %dot_general3A_28 = tpu.matmul %concatenate3A, %get3A_11, %dot_general3A {dimension_numbers = #tpu.dot_dimension_numbers<[1], [1], [0], [0], [0, 0, 1, 0], [], []>, transpose_lhs_hint = false} : vector<4x256xf32>, vector<1x256xf32>, vector<4x1xf32> -> vector<4x1xf32>
    %mul3A_29 = arith.mulf %concatenate3A, %concatenate3A : vector<4x256xf32>
    %reduce_sum3A_30 = arith.constant dense<0.000000e+00> : vector<4xf32>
    %reduce_sum3A_31 = vector.multi_reduction <add>, %mul3A_29, %reduce_sum3A_30 [1] : vector<4x256xf32> to vector<4xf32>
    %broadcast_in_dim3A_32 = vector.shape_cast %reduce_sum3A_31 : vector<4xf32> to vector<4x1xf32>
    %sqrt3A_33 = math.sqrt %broadcast_in_dim3A_32 : vector<4x1xf32>
    %mul3A_34 = vector.broadcast %sqrt3A : f32 to vector<4x1xf32>
    %mul3A_35 = arith.mulf %sqrt3A_33, %mul3A_34 : vector<4x1xf32>
    %max3A = arith.constant 9.99999993E-9 : f32
    %max3A_36 = vector.broadcast %max3A : f32 to vector<4x1xf32>
    %max3A_37 = arith.maximumf %mul3A_35, %max3A_36 : vector<4x1xf32>
    %div3A = arith.divf %dot_general3A_28, %max3A_37 : vector<4x1xf32>
    %reduce_max3A = vector.shape_cast %div3A : vector<4x1xf32> to vector<1x4x1xf32>
    %reduce_max3A_38 = arith.constant dense<0xFF800000> : vector<1xf32>
    %reduce_max3A_39 = vector.multi_reduction <maximumf>, %reduce_max3A, %reduce_max3A_38 [1, 2] : vector<1x4x1xf32> to vector<1xf32>
    %reduce_max3A_40 = vector.shape_cast %reduce_max3A_39 : vector<1xf32> to vector<1x1x1xf32>
    %reduce_max3A_41 = vector.extract %reduce_max3A_40[0, 0, 0] : f32 from vector<1x1x1xf32>
    %sub3A = vector.broadcast %reduce_max3A_41 : f32 to vector<4x1xf32>
    %sub3A_42 = arith.subf %div3A, %sub3A : vector<4x1xf32>
    %exp3A = math.exp %sub3A_42 : vector<4x1xf32>
    %reduce_sum3A_43 = vector.shape_cast %exp3A : vector<4x1xf32> to vector<1x4x1xf32>
    %reduce_sum3A_44 = arith.constant dense<0.000000e+00> : vector<1xf32>
    %reduce_sum3A_45 = vector.multi_reduction <add>, %reduce_sum3A_43, %reduce_sum3A_44 [1, 2] : vector<1x4x1xf32> to vector<1xf32>
    %reduce_sum3A_46 = vector.shape_cast %reduce_sum3A_45 : vector<1xf32> to vector<1x1x1xf32>
    %reduce_sum3A_47 = vector.extract %reduce_sum3A_46[0, 0, 0] : f32 from vector<1x1x1xf32>
    %log3A = math.log %reduce_sum3A_47 : f32
    %slice3A = vector.extract_strided_slice %div3A {offsets = [0, 0], sizes = [1, 1], strides = [1, 1]} : vector<4x1xf32> to vector<1x1xf32>
    %sub3A_48 = vector.broadcast %reduce_max3A_41 : f32 to vector<1x1xf32>
    %sub3A_49 = arith.subf %slice3A, %sub3A_48 : vector<1x1xf32>
    %sub3A_50 = vector.broadcast %log3A : f32 to vector<1x1xf32>
    %sub3A_51 = arith.subf %sub3A_49, %sub3A_50 : vector<1x1xf32>
    %add3A = arith.addf %broadcast_in_dim3A_7, %sub3A_51 : vector<1x1xf32>
    %slice3A_52 = vector.extract_strided_slice %div3A {offsets = [1, 0], sizes = [3, 1], strides = [1, 1]} : vector<4x1xf32> to vector<3x1xf32>
    %reduce_max3A_53 = vector.shape_cast %slice3A_52 : vector<3x1xf32> to vector<1x3x1xf32>
    %reduce_max3A_54 = arith.constant dense<0xFF800000> : vector<1xf32>
    %reduce_max3A_55 = vector.multi_reduction <maximumf>, %reduce_max3A_53, %reduce_max3A_54 [1, 2] : vector<1x3x1xf32> to vector<1xf32>
    %reduce_max3A_56 = vector.shape_cast %reduce_max3A_55 : vector<1xf32> to vector<1x1x1xf32>
    %reduce_max3A_57 = vector.extract %reduce_max3A_56[0, 0, 0] : f32 from vector<1x1x1xf32>
    %slice3A_58 = vector.extract_strided_slice %div3A {offsets = [0, 0], sizes = [1, 1], strides = [1, 1]} : vector<4x1xf32> to vector<1x1xf32>
    %ge3A = vector.broadcast %reduce_max3A_57 : f32 to vector<1x1xf32>
    %ge3A_59 = arith.cmpf oge, %slice3A_58, %ge3A : vector<1x1xf32>
    %jit3A = arith.constant 1.000000e+00 : f32
    %jit3A_60 = arith.constant 0.000000e+00 : f32
    %broadcast_in_dim3A_61 = vector.broadcast %jit3A : f32 to vector<1x1xf32>
    %broadcast_in_dim3A_62 = vector.broadcast %jit3A_60 : f32 to vector<1x1xf32>
    %select_n3A = arith.select %ge3A_59, %broadcast_in_dim3A_61, %broadcast_in_dim3A_62 : vector<1x1xi1>, vector<1x1xf32>
    %add3A_63 = arith.addf %broadcast_in_dim3A_9, %select_n3A : vector<1x1xf32>
    %get3A_64 = arith.constant 3 : index
    %get3A_65 = arith.constant 0 : index
    %get3A_66 = vector.load %arg0[%get3A_64, %get3A_65] : memref<12x256xf32, #tpu.memory_space<vmem>>, vector<1x256xf32>
    %get3A_67 = arith.constant 5 : index
    %get3A_68 = arith.constant 0 : index
    %get3A_69 = vector.load %arg0[%get3A_67, %get3A_68] : memref<12x256xf32, #tpu.memory_space<vmem>>, vector<1x256xf32>
    %get3A_70 = arith.constant 6 : index
    %get3A_71 = arith.constant 0 : index
    %get3A_72 = vector.load %arg0[%get3A_70, %get3A_71] : memref<12x256xf32, #tpu.memory_space<vmem>>, vector<1x256xf32>
    %get3A_73 = arith.constant 7 : index
    %get3A_74 = arith.constant 0 : index
    %get3A_75 = vector.load %arg0[%get3A_73, %get3A_74] : memref<12x256xf32, #tpu.memory_space<vmem>>, vector<1x256xf32>
    %concatenate3A_76 = tpu.concatenate %get3A_66, %get3A_69, %get3A_72, %get3A_75 in 0 : vector<1x256xf32>, vector<1x256xf32>, vector<1x256xf32>, vector<1x256xf32> -> vector<4x256xf32>
    %dot_general3A_77 = arith.constant dense<0.000000e+00> : vector<4x1xf32>
    %dot_general3A_78 = tpu.matmul %concatenate3A_76, %get3A_11, %dot_general3A_77 {dimension_numbers = #tpu.dot_dimension_numbers<[1], [1], [0], [0], [0, 0, 1, 0], [], []>, transpose_lhs_hint = false} : vector<4x256xf32>, vector<1x256xf32>, vector<4x1xf32> -> vector<4x1xf32>
    %mul3A_79 = arith.mulf %concatenate3A_76, %concatenate3A_76 : vector<4x256xf32>
    %reduce_sum3A_80 = arith.constant dense<0.000000e+00> : vector<4xf32>
    %reduce_sum3A_81 = vector.multi_reduction <add>, %mul3A_79, %reduce_sum3A_80 [1] : vector<4x256xf32> to vector<4xf32>
    %broadcast_in_dim3A_82 = vector.shape_cast %reduce_sum3A_81 : vector<4xf32> to vector<4x1xf32>
    %sqrt3A_83 = math.sqrt %broadcast_in_dim3A_82 : vector<4x1xf32>
    %mul3A_84 = vector.broadcast %sqrt3A : f32 to vector<4x1xf32>
    %mul3A_85 = arith.mulf %sqrt3A_83, %mul3A_84 : vector<4x1xf32>
    %max3A_86 = arith.constant 9.99999993E-9 : f32
    %max3A_87 = vector.broadcast %max3A_86 : f32 to vector<4x1xf32>
    %max3A_88 = arith.maximumf %mul3A_85, %max3A_87 : vector<4x1xf32>
    %div3A_89 = arith.divf %dot_general3A_78, %max3A_88 : vector<4x1xf32>
    %reduce_max3A_90 = vector.shape_cast %div3A_89 : vector<4x1xf32> to vector<1x4x1xf32>
    %reduce_max3A_91 = arith.constant dense<0xFF800000> : vector<1xf32>
    %reduce_max3A_92 = vector.multi_reduction <maximumf>, %reduce_max3A_90, %reduce_max3A_91 [1, 2] : vector<1x4x1xf32> to vector<1xf32>
    %reduce_max3A_93 = vector.shape_cast %reduce_max3A_92 : vector<1xf32> to vector<1x1x1xf32>
    %reduce_max3A_94 = vector.extract %reduce_max3A_93[0, 0, 0] : f32 from vector<1x1x1xf32>
    %sub3A_95 = vector.broadcast %reduce_max3A_94 : f32 to vector<4x1xf32>
    %sub3A_96 = arith.subf %div3A_89, %sub3A_95 : vector<4x1xf32>
    %exp3A_97 = math.exp %sub3A_96 : vector<4x1xf32>
    %reduce_sum3A_98 = vector.shape_cast %exp3A_97 : vector<4x1xf32> to vector<1x4x1xf32>
    %reduce_sum3A_99 = arith.constant dense<0.000000e+00> : vector<1xf32>
    %reduce_sum3A_100 = vector.multi_reduction <add>, %reduce_sum3A_98, %reduce_sum3A_99 [1, 2] : vector<1x4x1xf32> to vector<1xf32>
    %reduce_sum3A_101 = vector.shape_cast %reduce_sum3A_100 : vector<1xf32> to vector<1x1x1xf32>
    %reduce_sum3A_102 = vector.extract %reduce_sum3A_101[0, 0, 0] : f32 from vector<1x1x1xf32>
    %log3A_103 = math.log %reduce_sum3A_102 : f32
    %slice3A_104 = vector.extract_strided_slice %div3A_89 {offsets = [0, 0], sizes = [1, 1], strides = [1, 1]} : vector<4x1xf32> to vector<1x1xf32>
    %sub3A_105 = vector.broadcast %reduce_max3A_94 : f32 to vector<1x1xf32>
    %sub3A_106 = arith.subf %slice3A_104, %sub3A_105 : vector<1x1xf32>
    %sub3A_107 = vector.broadcast %log3A_103 : f32 to vector<1x1xf32>
    %sub3A_108 = arith.subf %sub3A_106, %sub3A_107 : vector<1x1xf32>
    %add3A_109 = arith.addf %add3A, %sub3A_108 : vector<1x1xf32>
    %slice3A_110 = vector.extract_strided_slice %div3A_89 {offsets = [1, 0], sizes = [3, 1], strides = [1, 1]} : vector<4x1xf32> to vector<3x1xf32>
    %reduce_max3A_111 = vector.shape_cast %slice3A_110 : vector<3x1xf32> to vector<1x3x1xf32>
    %reduce_max3A_112 = arith.constant dense<0xFF800000> : vector<1xf32>
    %reduce_max3A_113 = vector.multi_reduction <maximumf>, %reduce_max3A_111, %reduce_max3A_112 [1, 2] : vector<1x3x1xf32> to vector<1xf32>
    %reduce_max3A_114 = vector.shape_cast %reduce_max3A_113 : vector<1xf32> to vector<1x1x1xf32>
    %reduce_max3A_115 = vector.extract %reduce_max3A_114[0, 0, 0] : f32 from vector<1x1x1xf32>
    %slice3A_116 = vector.extract_strided_slice %div3A_89 {offsets = [0, 0], sizes = [1, 1], strides = [1, 1]} : vector<4x1xf32> to vector<1x1xf32>
    %ge3A_117 = vector.broadcast %reduce_max3A_115 : f32 to vector<1x1xf32>
    %ge3A_118 = arith.cmpf oge, %slice3A_116, %ge3A_117 : vector<1x1xf32>
    %jit3A_119 = arith.constant 1.000000e+00 : f32
    %jit3A_120 = arith.constant 0.000000e+00 : f32
    %broadcast_in_dim3A_121 = vector.broadcast %jit3A_119 : f32 to vector<1x1xf32>
    %broadcast_in_dim3A_122 = vector.broadcast %jit3A_120 : f32 to vector<1x1xf32>
    %select_n3A_123 = arith.select %ge3A_118, %broadcast_in_dim3A_121, %broadcast_in_dim3A_122 : vector<1x1xi1>, vector<1x1xf32>
    %add3A_124 = arith.addf %add3A_63, %select_n3A_123 : vector<1x1xf32>
    %get3A_125 = arith.constant 4 : index
    %get3A_126 = arith.constant 0 : index
    %get3A_127 = vector.load %arg0[%get3A_125, %get3A_126] : memref<12x256xf32, #tpu.memory_space<vmem>>, vector<1x256xf32>
    %get3A_128 = arith.constant 6 : index
    %get3A_129 = arith.constant 0 : index
    %get3A_130 = vector.load %arg0[%get3A_128, %get3A_129] : memref<12x256xf32, #tpu.memory_space<vmem>>, vector<1x256xf32>
    %get3A_131 = arith.constant 7 : index
    %get3A_132 = arith.constant 0 : index
    %get3A_133 = vector.load %arg0[%get3A_131, %get3A_132] : memref<12x256xf32, #tpu.memory_space<vmem>>, vector<1x256xf32>
    %get3A_134 = arith.constant 8 : index
    %get3A_135 = arith.constant 0 : index
    %get3A_136 = vector.load %arg0[%get3A_134, %get3A_135] : memref<12x256xf32, #tpu.memory_space<vmem>>, vector<1x256xf32>
    %concatenate3A_137 = tpu.concatenate %get3A_127, %get3A_130, %get3A_133, %get3A_136 in 0 : vector<1x256xf32>, vector<1x256xf32>, vector<1x256xf32>, vector<1x256xf32> -> vector<4x256xf32>
    %dot_general3A_138 = arith.constant dense<0.000000e+00> : vector<4x1xf32>
    %dot_general3A_139 = tpu.matmul %concatenate3A_137, %get3A_11, %dot_general3A_138 {dimension_numbers = #tpu.dot_dimension_numbers<[1], [1], [0], [0], [0, 0, 1, 0], [], []>, transpose_lhs_hint = false} : vector<4x256xf32>, vector<1x256xf32>, vector<4x1xf32> -> vector<4x1xf32>
    %mul3A_140 = arith.mulf %concatenate3A_137, %concatenate3A_137 : vector<4x256xf32>
    %reduce_sum3A_141 = arith.constant dense<0.000000e+00> : vector<4xf32>
    %reduce_sum3A_142 = vector.multi_reduction <add>, %mul3A_140, %reduce_sum3A_141 [1] : vector<4x256xf32> to vector<4xf32>
    %broadcast_in_dim3A_143 = vector.shape_cast %reduce_sum3A_142 : vector<4xf32> to vector<4x1xf32>
    %sqrt3A_144 = math.sqrt %broadcast_in_dim3A_143 : vector<4x1xf32>
    %mul3A_145 = vector.broadcast %sqrt3A : f32 to vector<4x1xf32>
    %mul3A_146 = arith.mulf %sqrt3A_144, %mul3A_145 : vector<4x1xf32>
    %max3A_147 = arith.constant 9.99999993E-9 : f32
    %max3A_148 = vector.broadcast %max3A_147 : f32 to vector<4x1xf32>
    %max3A_149 = arith.maximumf %mul3A_146, %max3A_148 : vector<4x1xf32>
    %div3A_150 = arith.divf %dot_general3A_139, %max3A_149 : vector<4x1xf32>
    %reduce_max3A_151 = vector.shape_cast %div3A_150 : vector<4x1xf32> to vector<1x4x1xf32>
    %reduce_max3A_152 = arith.constant dense<0xFF800000> : vector<1xf32>
    %reduce_max3A_153 = vector.multi_reduction <maximumf>, %reduce_max3A_151, %reduce_max3A_152 [1, 2] : vector<1x4x1xf32> to vector<1xf32>
    %reduce_max3A_154 = vector.shape_cast %reduce_max3A_153 : vector<1xf32> to vector<1x1x1xf32>
    %reduce_max3A_155 = vector.extract %reduce_max3A_154[0, 0, 0] : f32 from vector<1x1x1xf32>
    %sub3A_156 = vector.broadcast %reduce_max3A_155 : f32 to vector<4x1xf32>
    %sub3A_157 = arith.subf %div3A_150, %sub3A_156 : vector<4x1xf32>
    %exp3A_158 = math.exp %sub3A_157 : vector<4x1xf32>
    %reduce_sum3A_159 = vector.shape_cast %exp3A_158 : vector<4x1xf32> to vector<1x4x1xf32>
    %reduce_sum3A_160 = arith.constant dense<0.000000e+00> : vector<1xf32>
    %reduce_sum3A_161 = vector.multi_reduction <add>, %reduce_sum3A_159, %reduce_sum3A_160 [1, 2] : vector<1x4x1xf32> to vector<1xf32>
    %reduce_sum3A_162 = vector.shape_cast %reduce_sum3A_161 : vector<1xf32> to vector<1x1x1xf32>
    %reduce_sum3A_163 = vector.extract %reduce_sum3A_162[0, 0, 0] : f32 from vector<1x1x1xf32>
    %log3A_164 = math.log %reduce_sum3A_163 : f32
    %slice3A_165 = vector.extract_strided_slice %div3A_150 {offsets = [0, 0], sizes = [1, 1], strides = [1, 1]} : vector<4x1xf32> to vector<1x1xf32>
    %sub3A_166 = vector.broadcast %reduce_max3A_155 : f32 to vector<1x1xf32>
    %sub3A_167 = arith.subf %slice3A_165, %sub3A_166 : vector<1x1xf32>
    %sub3A_168 = vector.broadcast %log3A_164 : f32 to vector<1x1xf32>
    %sub3A_169 = arith.subf %sub3A_167, %sub3A_168 : vector<1x1xf32>
    %add3A_170 = arith.addf %add3A_109, %sub3A_169 : vector<1x1xf32>
    %slice3A_171 = vector.extract_strided_slice %div3A_150 {offsets = [1, 0], sizes = [3, 1], strides = [1, 1]} : vector<4x1xf32> to vector<3x1xf32>
    %reduce_max3A_172 = vector.shape_cast %slice3A_171 : vector<3x1xf32> to vector<1x3x1xf32>
    %reduce_max3A_173 = arith.constant dense<0xFF800000> : vector<1xf32>
    %reduce_max3A_174 = vector.multi_reduction <maximumf>, %reduce_max3A_172, %reduce_max3A_173 [1, 2] : vector<1x3x1xf32> to vector<1xf32>
    %reduce_max3A_175 = vector.shape_cast %reduce_max3A_174 : vector<1xf32> to vector<1x1x1xf32>
    %reduce_max3A_176 = vector.extract %reduce_max3A_175[0, 0, 0] : f32 from vector<1x1x1xf32>
    %slice3A_177 = vector.extract_strided_slice %div3A_150 {offsets = [0, 0], sizes = [1, 1], strides = [1, 1]} : vector<4x1xf32> to vector<1x1xf32>
    %ge3A_178 = vector.broadcast %reduce_max3A_176 : f32 to vector<1x1xf32>
    %ge3A_179 = arith.cmpf oge, %slice3A_177, %ge3A_178 : vector<1x1xf32>
    %jit3A_180 = arith.constant 1.000000e+00 : f32
    %jit3A_181 = arith.constant 0.000000e+00 : f32
    %broadcast_in_dim3A_182 = vector.broadcast %jit3A_180 : f32 to vector<1x1xf32>
    %broadcast_in_dim3A_183 = vector.broadcast %jit3A_181 : f32 to vector<1x1xf32>
    %select_n3A_184 = arith.select %ge3A_179, %broadcast_in_dim3A_182, %broadcast_in_dim3A_183 : vector<1x1xi1>, vector<1x1xf32>
    %add3A_185 = arith.addf %add3A_124, %select_n3A_184 : vector<1x1xf32>
    %get3A_186 = arith.constant 2 : index
    %get3A_187 = arith.constant 0 : index
    %get3A_188 = vector.load %arg7[%get3A_186, %get3A_187] : memref<12x256xf32, #tpu.memory_space<vmem>>, vector<1x256xf32>
    %mul3A_189 = arith.mulf %get3A_188, %get3A_188 : vector<1x256xf32>
    %reduce_sum3A_190 = vector.shape_cast %mul3A_189 : vector<1x256xf32> to vector<1x1x256xf32>
    %reduce_sum3A_191 = arith.constant dense<0.000000e+00> : vector<1xf32>
    %reduce_sum3A_192 = vector.multi_reduction <add>, %reduce_sum3A_190, %reduce_sum3A_191 [1, 2] : vector<1x1x256xf32> to vector<1xf32>
    %reduce_sum3A_193 = vector.shape_cast %reduce_sum3A_192 : vector<1xf32> to vector<1x1x1xf32>
    %reduce_sum3A_194 = vector.extract %reduce_sum3A_193[0, 0, 0] : f32 from vector<1x1x1xf32>
    %sqrt3A_195 = math.sqrt %reduce_sum3A_194 : f32
    %get3A_196 = arith.constant 3 : index
    %get3A_197 = arith.constant 0 : index
    %get3A_198 = vector.load %arg0[%get3A_196, %get3A_197] : memref<12x256xf32, #tpu.memory_space<vmem>>, vector<1x256xf32>
    %get3A_199 = arith.constant 5 : index
    %get3A_200 = arith.constant 0 : index
    %get3A_201 = vector.load %arg0[%get3A_199, %get3A_200] : memref<12x256xf32, #tpu.memory_space<vmem>>, vector<1x256xf32>
    %get3A_202 = arith.constant 6 : index
    %get3A_203 = arith.constant 0 : index
    %get3A_204 = vector.load %arg0[%get3A_202, %get3A_203] : memref<12x256xf32, #tpu.memory_space<vmem>>, vector<1x256xf32>
    %get3A_205 = arith.constant 7 : index
    %get3A_206 = arith.constant 0 : index
    %get3A_207 = vector.load %arg0[%get3A_205, %get3A_206] : memref<12x256xf32, #tpu.memory_space<vmem>>, vector<1x256xf32>
    %concatenate3A_208 = tpu.concatenate %get3A_198, %get3A_201, %get3A_204, %get3A_207 in 0 : vector<1x256xf32>, vector<1x256xf32>, vector<1x256xf32>, vector<1x256xf32> -> vector<4x256xf32>
    %dot_general3A_209 = arith.constant dense<0.000000e+00> : vector<4x1xf32>
    %dot_general3A_210 = tpu.matmul %concatenate3A_208, %get3A_188, %dot_general3A_209 {dimension_numbers = #tpu.dot_dimension_numbers<[1], [1], [0], [0], [0, 0, 1, 0], [], []>, transpose_lhs_hint = false} : vector<4x256xf32>, vector<1x256xf32>, vector<4x1xf32> -> vector<4x1xf32>
    %mul3A_211 = arith.mulf %concatenate3A_208, %concatenate3A_208 : vector<4x256xf32>
    %reduce_sum3A_212 = arith.constant dense<0.000000e+00> : vector<4xf32>
    %reduce_sum3A_213 = vector.multi_reduction <add>, %mul3A_211, %reduce_sum3A_212 [1] : vector<4x256xf32> to vector<4xf32>
    %broadcast_in_dim3A_214 = vector.shape_cast %reduce_sum3A_213 : vector<4xf32> to vector<4x1xf32>
    %sqrt3A_215 = math.sqrt %broadcast_in_dim3A_214 : vector<4x1xf32>
    %mul3A_216 = vector.broadcast %sqrt3A_195 : f32 to vector<4x1xf32>
    %mul3A_217 = arith.mulf %sqrt3A_215, %mul3A_216 : vector<4x1xf32>
    %max3A_218 = arith.constant 9.99999993E-9 : f32
    %max3A_219 = vector.broadcast %max3A_218 : f32 to vector<4x1xf32>
    %max3A_220 = arith.maximumf %mul3A_217, %max3A_219 : vector<4x1xf32>
    %div3A_221 = arith.divf %dot_general3A_210, %max3A_220 : vector<4x1xf32>
    %reduce_max3A_222 = vector.shape_cast %div3A_221 : vector<4x1xf32> to vector<1x4x1xf32>
    %reduce_max3A_223 = arith.constant dense<0xFF800000> : vector<1xf32>
    %reduce_max3A_224 = vector.multi_reduction <maximumf>, %reduce_max3A_222, %reduce_max3A_223 [1, 2] : vector<1x4x1xf32> to vector<1xf32>
    %reduce_max3A_225 = vector.shape_cast %reduce_max3A_224 : vector<1xf32> to vector<1x1x1xf32>
    %reduce_max3A_226 = vector.extract %reduce_max3A_225[0, 0, 0] : f32 from vector<1x1x1xf32>
    %sub3A_227 = vector.broadcast %reduce_max3A_226 : f32 to vector<4x1xf32>
    %sub3A_228 = arith.subf %div3A_221, %sub3A_227 : vector<4x1xf32>
    %exp3A_229 = math.exp %sub3A_228 : vector<4x1xf32>
    %reduce_sum3A_230 = vector.shape_cast %exp3A_229 : vector<4x1xf32> to vector<1x4x1xf32>
    %reduce_sum3A_231 = arith.constant dense<0.000000e+00> : vector<1xf32>
    %reduce_sum3A_232 = vector.multi_reduction <add>, %reduce_sum3A_230, %reduce_sum3A_231 [1, 2] : vector<1x4x1xf32> to vector<1xf32>
    %reduce_sum3A_233 = vector.shape_cast %reduce_sum3A_232 : vector<1xf32> to vector<1x1x1xf32>
    %reduce_sum3A_234 = vector.extract %reduce_sum3A_233[0, 0, 0] : f32 from vector<1x1x1xf32>
    %log3A_235 = math.log %reduce_sum3A_234 : f32
    %slice3A_236 = vector.extract_strided_slice %div3A_221 {offsets = [0, 0], sizes = [1, 1], strides = [1, 1]} : vector<4x1xf32> to vector<1x1xf32>
    %sub3A_237 = vector.broadcast %reduce_max3A_226 : f32 to vector<1x1xf32>
    %sub3A_238 = arith.subf %slice3A_236, %sub3A_237 : vector<1x1xf32>
    %sub3A_239 = vector.broadcast %log3A_235 : f32 to vector<1x1xf32>
    %sub3A_240 = arith.subf %sub3A_238, %sub3A_239 : vector<1x1xf32>
    %add3A_241 = arith.addf %add3A_170, %sub3A_240 : vector<1x1xf32>
    %slice3A_242 = vector.extract_strided_slice %div3A_221 {offsets = [1, 0], sizes = [3, 1], strides = [1, 1]} : vector<4x1xf32> to vector<3x1xf32>
    %reduce_max3A_243 = vector.shape_cast %slice3A_242 : vector<3x1xf32> to vector<1x3x1xf32>
    %reduce_max3A_244 = arith.constant dense<0xFF800000> : vector<1xf32>
    %reduce_max3A_245 = vector.multi_reduction <maximumf>, %reduce_max3A_243, %reduce_max3A_244 [1, 2] : vector<1x3x1xf32> to vector<1xf32>
    %reduce_max3A_246 = vector.shape_cast %reduce_max3A_245 : vector<1xf32> to vector<1x1x1xf32>
    %reduce_max3A_247 = vector.extract %reduce_max3A_246[0, 0, 0] : f32 from vector<1x1x1xf32>
    %slice3A_248 = vector.extract_strided_slice %div3A_221 {offsets = [0, 0], sizes = [1, 1], strides = [1, 1]} : vector<4x1xf32> to vector<1x1xf32>
    %ge3A_249 = vector.broadcast %reduce_max3A_247 : f32 to vector<1x1xf32>
    %ge3A_250 = arith.cmpf oge, %slice3A_248, %ge3A_249 : vector<1x1xf32>
    %jit3A_251 = arith.constant 1.000000e+00 : f32
    %jit3A_252 = arith.constant 0.000000e+00 : f32
    %broadcast_in_dim3A_253 = vector.broadcast %jit3A_251 : f32 to vector<1x1xf32>
    %broadcast_in_dim3A_254 = vector.broadcast %jit3A_252 : f32 to vector<1x1xf32>
    %select_n3A_255 = arith.select %ge3A_250, %broadcast_in_dim3A_253, %broadcast_in_dim3A_254 : vector<1x1xi1>, vector<1x1xf32>
    %add3A_256 = arith.addf %add3A_185, %select_n3A_255 : vector<1x1xf32>
    %get3A_257 = arith.constant 4 : index
    %get3A_258 = arith.constant 0 : index
    %get3A_259 = vector.load %arg0[%get3A_257, %get3A_258] : memref<12x256xf32, #tpu.memory_space<vmem>>, vector<1x256xf32>
    %get3A_260 = arith.constant 6 : index
    %get3A_261 = arith.constant 0 : index
    %get3A_262 = vector.load %arg0[%get3A_260, %get3A_261] : memref<12x256xf32, #tpu.memory_space<vmem>>, vector<1x256xf32>
    %get3A_263 = arith.constant 7 : index
    %get3A_264 = arith.constant 0 : index
    %get3A_265 = vector.load %arg0[%get3A_263, %get3A_264] : memref<12x256xf32, #tpu.memory_space<vmem>>, vector<1x256xf32>
    %get3A_266 = arith.constant 8 : index
    %get3A_267 = arith.constant 0 : index
    %get3A_268 = vector.load %arg0[%get3A_266, %get3A_267] : memref<12x256xf32, #tpu.memory_space<vmem>>, vector<1x256xf32>
    %concatenate3A_269 = tpu.concatenate %get3A_259, %get3A_262, %get3A_265, %get3A_268 in 0 : vector<1x256xf32>, vector<1x256xf32>, vector<1x256xf32>, vector<1x256xf32> -> vector<4x256xf32>
    %dot_general3A_270 = arith.constant dense<0.000000e+00> : vector<4x1xf32>
    %dot_general3A_271 = tpu.matmul %concatenate3A_269, %get3A_188, %dot_general3A_270 {dimension_numbers = #tpu.dot_dimension_numbers<[1], [1], [0], [0], [0, 0, 1, 0], [], []>, transpose_lhs_hint = false} : vector<4x256xf32>, vector<1x256xf32>, vector<4x1xf32> -> vector<4x1xf32>
    %mul3A_272 = arith.mulf %concatenate3A_269, %concatenate3A_269 : vector<4x256xf32>
    %reduce_sum3A_273 = arith.constant dense<0.000000e+00> : vector<4xf32>
    %reduce_sum3A_274 = vector.multi_reduction <add>, %mul3A_272, %reduce_sum3A_273 [1] : vector<4x256xf32> to vector<4xf32>
    %broadcast_in_dim3A_275 = vector.shape_cast %reduce_sum3A_274 : vector<4xf32> to vector<4x1xf32>
    %sqrt3A_276 = math.sqrt %broadcast_in_dim3A_275 : vector<4x1xf32>
    %mul3A_277 = vector.broadcast %sqrt3A_195 : f32 to vector<4x1xf32>
    %mul3A_278 = arith.mulf %sqrt3A_276, %mul3A_277 : vector<4x1xf32>
    %max3A_279 = arith.constant 9.99999993E-9 : f32
    %max3A_280 = vector.broadcast %max3A_279 : f32 to vector<4x1xf32>
    %max3A_281 = arith.maximumf %mul3A_278, %max3A_280 : vector<4x1xf32>
    %div3A_282 = arith.divf %dot_general3A_271, %max3A_281 : vector<4x1xf32>
    %reduce_max3A_283 = vector.shape_cast %div3A_282 : vector<4x1xf32> to vector<1x4x1xf32>
    %reduce_max3A_284 = arith.constant dense<0xFF800000> : vector<1xf32>
    %reduce_max3A_285 = vector.multi_reduction <maximumf>, %reduce_max3A_283, %reduce_max3A_284 [1, 2] : vector<1x4x1xf32> to vector<1xf32>
    %reduce_max3A_286 = vector.shape_cast %reduce_max3A_285 : vector<1xf32> to vector<1x1x1xf32>
    %reduce_max3A_287 = vector.extract %reduce_max3A_286[0, 0, 0] : f32 from vector<1x1x1xf32>
    %sub3A_288 = vector.broadcast %reduce_max3A_287 : f32 to vector<4x1xf32>
    %sub3A_289 = arith.subf %div3A_282, %sub3A_288 : vector<4x1xf32>
    %exp3A_290 = math.exp %sub3A_289 : vector<4x1xf32>
    %reduce_sum3A_291 = vector.shape_cast %exp3A_290 : vector<4x1xf32> to vector<1x4x1xf32>
    %reduce_sum3A_292 = arith.constant dense<0.000000e+00> : vector<1xf32>
    %reduce_sum3A_293 = vector.multi_reduction <add>, %reduce_sum3A_291, %reduce_sum3A_292 [1, 2] : vector<1x4x1xf32> to vector<1xf32>
    %reduce_sum3A_294 = vector.shape_cast %reduce_sum3A_293 : vector<1xf32> to vector<1x1x1xf32>
    %reduce_sum3A_295 = vector.extract %reduce_sum3A_294[0, 0, 0] : f32 from vector<1x1x1xf32>
    %log3A_296 = math.log %reduce_sum3A_295 : f32
    %slice3A_297 = vector.extract_strided_slice %div3A_282 {offsets = [0, 0], sizes = [1, 1], strides = [1, 1]} : vector<4x1xf32> to vector<1x1xf32>
    %sub3A_298 = vector.broadcast %reduce_max3A_287 : f32 to vector<1x1xf32>
    %sub3A_299 = arith.subf %slice3A_297, %sub3A_298 : vector<1x1xf32>
    %sub3A_300 = vector.broadcast %log3A_296 : f32 to vector<1x1xf32>
    %sub3A_301 = arith.subf %sub3A_299, %sub3A_300 : vector<1x1xf32>
    %add3A_302 = arith.addf %add3A_241, %sub3A_301 : vector<1x1xf32>
    %slice3A_303 = vector.extract_strided_slice %div3A_282 {offsets = [1, 0], sizes = [3, 1], strides = [1, 1]} : vector<4x1xf32> to vector<3x1xf32>
    %reduce_max3A_304 = vector.shape_cast %slice3A_303 : vector<3x1xf32> to vector<1x3x1xf32>
    %reduce_max3A_305 = arith.constant dense<0xFF800000> : vector<1xf32>
    %reduce_max3A_306 = vector.multi_reduction <maximumf>, %reduce_max3A_304, %reduce_max3A_305 [1, 2] : vector<1x3x1xf32> to vector<1xf32>
    %reduce_max3A_307 = vector.shape_cast %reduce_max3A_306 : vector<1xf32> to vector<1x1x1xf32>
    %reduce_max3A_308 = vector.extract %reduce_max3A_307[0, 0, 0] : f32 from vector<1x1x1xf32>
    %slice3A_309 = vector.extract_strided_slice %div3A_282 {offsets = [0, 0], sizes = [1, 1], strides = [1, 1]} : vector<4x1xf32> to vector<1x1xf32>
    %ge3A_310 = vector.broadcast %reduce_max3A_308 : f32 to vector<1x1xf32>
    %ge3A_311 = arith.cmpf oge, %slice3A_309, %ge3A_310 : vector<1x1xf32>
    %jit3A_312 = arith.constant 1.000000e+00 : f32
    %jit3A_313 = arith.constant 0.000000e+00 : f32
    %broadcast_in_dim3A_314 = vector.broadcast %jit3A_312 : f32 to vector<1x1xf32>
    %broadcast_in_dim3A_315 = vector.broadcast %jit3A_313 : f32 to vector<1x1xf32>
    %select_n3A_316 = arith.select %ge3A_311, %broadcast_in_dim3A_314, %broadcast_in_dim3A_315 : vector<1x1xi1>, vector<1x1xf32>
    %add3A_317 = arith.addf %add3A_256, %select_n3A_316 : vector<1x1xf32>
    %get3A_318 = arith.constant 5 : index
    %get3A_319 = arith.constant 0 : index
    %get3A_320 = vector.load %arg0[%get3A_318, %get3A_319] : memref<12x256xf32, #tpu.memory_space<vmem>>, vector<1x256xf32>
    %get3A_321 = arith.constant 7 : index
    %get3A_322 = arith.constant 0 : index
    %get3A_323 = vector.load %arg0[%get3A_321, %get3A_322] : memref<12x256xf32, #tpu.memory_space<vmem>>, vector<1x256xf32>
    %get3A_324 = arith.constant 8 : index
    %get3A_325 = arith.constant 0 : index
    %get3A_326 = vector.load %arg0[%get3A_324, %get3A_325] : memref<12x256xf32, #tpu.memory_space<vmem>>, vector<1x256xf32>
    %get3A_327 = arith.constant 9 : index
    %get3A_328 = arith.constant 0 : index
    %get3A_329 = vector.load %arg0[%get3A_327, %get3A_328] : memref<12x256xf32, #tpu.memory_space<vmem>>, vector<1x256xf32>
    %concatenate3A_330 = tpu.concatenate %get3A_320, %get3A_323, %get3A_326, %get3A_329 in 0 : vector<1x256xf32>, vector<1x256xf32>, vector<1x256xf32>, vector<1x256xf32> -> vector<4x256xf32>
    %dot_general3A_331 = arith.constant dense<0.000000e+00> : vector<4x1xf32>
    %dot_general3A_332 = tpu.matmul %concatenate3A_330, %get3A_188, %dot_general3A_331 {dimension_numbers = #tpu.dot_dimension_numbers<[1], [1], [0], [0], [0, 0, 1, 0], [], []>, transpose_lhs_hint = false} : vector<4x256xf32>, vector<1x256xf32>, vector<4x1xf32> -> vector<4x1xf32>
    %mul3A_333 = arith.mulf %concatenate3A_330, %concatenate3A_330 : vector<4x256xf32>
    %reduce_sum3A_334 = arith.constant dense<0.000000e+00> : vector<4xf32>
    %reduce_sum3A_335 = vector.multi_reduction <add>, %mul3A_333, %reduce_sum3A_334 [1] : vector<4x256xf32> to vector<4xf32>
    %broadcast_in_dim3A_336 = vector.shape_cast %reduce_sum3A_335 : vector<4xf32> to vector<4x1xf32>
    %sqrt3A_337 = math.sqrt %broadcast_in_dim3A_336 : vector<4x1xf32>
    %mul3A_338 = vector.broadcast %sqrt3A_195 : f32 to vector<4x1xf32>
    %mul3A_339 = arith.mulf %sqrt3A_337, %mul3A_338 : vector<4x1xf32>
    %max3A_340 = arith.constant 9.99999993E-9 : f32
    %max3A_341 = vector.broadcast %max3A_340 : f32 to vector<4x1xf32>
    %max3A_342 = arith.maximumf %mul3A_339, %max3A_341 : vector<4x1xf32>
    %div3A_343 = arith.divf %dot_general3A_332, %max3A_342 : vector<4x1xf32>
    %reduce_max3A_344 = vector.shape_cast %div3A_343 : vector<4x1xf32> to vector<1x4x1xf32>
    %reduce_max3A_345 = arith.constant dense<0xFF800000> : vector<1xf32>
    %reduce_max3A_346 = vector.multi_reduction <maximumf>, %reduce_max3A_344, %reduce_max3A_345 [1, 2] : vector<1x4x1xf32> to vector<1xf32>
    %reduce_max3A_347 = vector.shape_cast %reduce_max3A_346 : vector<1xf32> to vector<1x1x1xf32>
    %reduce_max3A_348 = vector.extract %reduce_max3A_347[0, 0, 0] : f32 from vector<1x1x1xf32>
    %sub3A_349 = vector.broadcast %reduce_max3A_348 : f32 to vector<4x1xf32>
    %sub3A_350 = arith.subf %div3A_343, %sub3A_349 : vector<4x1xf32>
    %exp3A_351 = math.exp %sub3A_350 : vector<4x1xf32>
    %reduce_sum3A_352 = vector.shape_cast %exp3A_351 : vector<4x1xf32> to vector<1x4x1xf32>
    %reduce_sum3A_353 = arith.constant dense<0.000000e+00> : vector<1xf32>
    %reduce_sum3A_354 = vector.multi_reduction <add>, %reduce_sum3A_352, %reduce_sum3A_353 [1, 2] : vector<1x4x1xf32> to vector<1xf32>
    %reduce_sum3A_355 = vector.shape_cast %reduce_sum3A_354 : vector<1xf32> to vector<1x1x1xf32>
    %reduce_sum3A_356 = vector.extract %reduce_sum3A_355[0, 0, 0] : f32 from vector<1x1x1xf32>
    %log3A_357 = math.log %reduce_sum3A_356 : f32
    %slice3A_358 = vector.extract_strided_slice %div3A_343 {offsets = [0, 0], sizes = [1, 1], strides = [1, 1]} : vector<4x1xf32> to vector<1x1xf32>
    %sub3A_359 = vector.broadcast %reduce_max3A_348 : f32 to vector<1x1xf32>
    %sub3A_360 = arith.subf %slice3A_358, %sub3A_359 : vector<1x1xf32>
    %sub3A_361 = vector.broadcast %log3A_357 : f32 to vector<1x1xf32>
    %sub3A_362 = arith.subf %sub3A_360, %sub3A_361 : vector<1x1xf32>
    %add3A_363 = arith.addf %add3A_302, %sub3A_362 : vector<1x1xf32>
    %slice3A_364 = vector.extract_strided_slice %div3A_343 {offsets = [1, 0], sizes = [3, 1], strides = [1, 1]} : vector<4x1xf32> to vector<3x1xf32>
    %reduce_max3A_365 = vector.shape_cast %slice3A_364 : vector<3x1xf32> to vector<1x3x1xf32>
    %reduce_max3A_366 = arith.constant dense<0xFF800000> : vector<1xf32>
    %reduce_max3A_367 = vector.multi_reduction <maximumf>, %reduce_max3A_365, %reduce_max3A_366 [1, 2] : vector<1x3x1xf32> to vector<1xf32>
    %reduce_max3A_368 = vector.shape_cast %reduce_max3A_367 : vector<1xf32> to vector<1x1x1xf32>
    %reduce_max3A_369 = vector.extract %reduce_max3A_368[0, 0, 0] : f32 from vector<1x1x1xf32>
    %slice3A_370 = vector.extract_strided_slice %div3A_343 {offsets = [0, 0], sizes = [1, 1], strides = [1, 1]} : vector<4x1xf32> to vector<1x1xf32>
    %ge3A_371 = vector.broadcast %reduce_max3A_369 : f32 to vector<1x1xf32>
    %ge3A_372 = arith.cmpf oge, %slice3A_370, %ge3A_371 : vector<1x1xf32>
    %jit3A_373 = arith.constant 1.000000e+00 : f32
    %jit3A_374 = arith.constant 0.000000e+00 : f32
    %broadcast_in_dim3A_375 = vector.broadcast %jit3A_373 : f32 to vector<1x1xf32>
    %broadcast_in_dim3A_376 = vector.broadcast %jit3A_374 : f32 to vector<1x1xf32>
    %select_n3A_377 = arith.select %ge3A_372, %broadcast_in_dim3A_375, %broadcast_in_dim3A_376 : vector<1x1xi1>, vector<1x1xf32>
    %add3A_378 = arith.addf %add3A_317, %select_n3A_377 : vector<1x1xf32>
    %get3A_379 = arith.constant 3 : index
    %get3A_380 = arith.constant 0 : index
    %get3A_381 = vector.load %arg7[%get3A_379, %get3A_380] : memref<12x256xf32, #tpu.memory_space<vmem>>, vector<1x256xf32>
    %mul3A_382 = arith.mulf %get3A_381, %get3A_381 : vector<1x256xf32>
    %reduce_sum3A_383 = vector.shape_cast %mul3A_382 : vector<1x256xf32> to vector<1x1x256xf32>
    %reduce_sum3A_384 = arith.constant dense<0.000000e+00> : vector<1xf32>
    %reduce_sum3A_385 = vector.multi_reduction <add>, %reduce_sum3A_383, %reduce_sum3A_384 [1, 2] : vector<1x1x256xf32> to vector<1xf32>
    %reduce_sum3A_386 = vector.shape_cast %reduce_sum3A_385 : vector<1xf32> to vector<1x1x1xf32>
    %reduce_sum3A_387 = vector.extract %reduce_sum3A_386[0, 0, 0] : f32 from vector<1x1x1xf32>
    %sqrt3A_388 = math.sqrt %reduce_sum3A_387 : f32
    %get3A_389 = arith.constant 4 : index
    %get3A_390 = arith.constant 0 : index
    %get3A_391 = vector.load %arg0[%get3A_389, %get3A_390] : memref<12x256xf32, #tpu.memory_space<vmem>>, vector<1x256xf32>
    %get3A_392 = arith.constant 6 : index
    %get3A_393 = arith.constant 0 : index
    %get3A_394 = vector.load %arg0[%get3A_392, %get3A_393] : memref<12x256xf32, #tpu.memory_space<vmem>>, vector<1x256xf32>
    %get3A_395 = arith.constant 7 : index
    %get3A_396 = arith.constant 0 : index
    %get3A_397 = vector.load %arg0[%get3A_395, %get3A_396] : memref<12x256xf32, #tpu.memory_space<vmem>>, vector<1x256xf32>
    %get3A_398 = arith.constant 8 : index
    %get3A_399 = arith.constant 0 : index
    %get3A_400 = vector.load %arg0[%get3A_398, %get3A_399] : memref<12x256xf32, #tpu.memory_space<vmem>>, vector<1x256xf32>
    %concatenate3A_401 = tpu.concatenate %get3A_391, %get3A_394, %get3A_397, %get3A_400 in 0 : vector<1x256xf32>, vector<1x256xf32>, vector<1x256xf32>, vector<1x256xf32> -> vector<4x256xf32>
    %dot_general3A_402 = arith.constant dense<0.000000e+00> : vector<4x1xf32>
    %dot_general3A_403 = tpu.matmul %concatenate3A_401, %get3A_381, %dot_general3A_402 {dimension_numbers = #tpu.dot_dimension_numbers<[1], [1], [0], [0], [0, 0, 1, 0], [], []>, transpose_lhs_hint = false} : vector<4x256xf32>, vector<1x256xf32>, vector<4x1xf32> -> vector<4x1xf32>
    %mul3A_404 = arith.mulf %concatenate3A_401, %concatenate3A_401 : vector<4x256xf32>
    %reduce_sum3A_405 = arith.constant dense<0.000000e+00> : vector<4xf32>
    %reduce_sum3A_406 = vector.multi_reduction <add>, %mul3A_404, %reduce_sum3A_405 [1] : vector<4x256xf32> to vector<4xf32>
    %broadcast_in_dim3A_407 = vector.shape_cast %reduce_sum3A_406 : vector<4xf32> to vector<4x1xf32>
    %sqrt3A_408 = math.sqrt %broadcast_in_dim3A_407 : vector<4x1xf32>
    %mul3A_409 = vector.broadcast %sqrt3A_388 : f32 to vector<4x1xf32>
    %mul3A_410 = arith.mulf %sqrt3A_408, %mul3A_409 : vector<4x1xf32>
    %max3A_411 = arith.constant 9.99999993E-9 : f32
    %max3A_412 = vector.broadcast %max3A_411 : f32 to vector<4x1xf32>
    %max3A_413 = arith.maximumf %mul3A_410, %max3A_412 : vector<4x1xf32>
    %div3A_414 = arith.divf %dot_general3A_403, %max3A_413 : vector<4x1xf32>
    %reduce_max3A_415 = vector.shape_cast %div3A_414 : vector<4x1xf32> to vector<1x4x1xf32>
    %reduce_max3A_416 = arith.constant dense<0xFF800000> : vector<1xf32>
    %reduce_max3A_417 = vector.multi_reduction <maximumf>, %reduce_max3A_415, %reduce_max3A_416 [1, 2] : vector<1x4x1xf32> to vector<1xf32>
    %reduce_max3A_418 = vector.shape_cast %reduce_max3A_417 : vector<1xf32> to vector<1x1x1xf32>
    %reduce_max3A_419 = vector.extract %reduce_max3A_418[0, 0, 0] : f32 from vector<1x1x1xf32>
    %sub3A_420 = vector.broadcast %reduce_max3A_419 : f32 to vector<4x1xf32>
    %sub3A_421 = arith.subf %div3A_414, %sub3A_420 : vector<4x1xf32>
    %exp3A_422 = math.exp %sub3A_421 : vector<4x1xf32>
    %reduce_sum3A_423 = vector.shape_cast %exp3A_422 : vector<4x1xf32> to vector<1x4x1xf32>
    %reduce_sum3A_424 = arith.constant dense<0.000000e+00> : vector<1xf32>
    %reduce_sum3A_425 = vector.multi_reduction <add>, %reduce_sum3A_423, %reduce_sum3A_424 [1, 2] : vector<1x4x1xf32> to vector<1xf32>
    %reduce_sum3A_426 = vector.shape_cast %reduce_sum3A_425 : vector<1xf32> to vector<1x1x1xf32>
    %reduce_sum3A_427 = vector.extract %reduce_sum3A_426[0, 0, 0] : f32 from vector<1x1x1xf32>
    %log3A_428 = math.log %reduce_sum3A_427 : f32
    %slice3A_429 = vector.extract_strided_slice %div3A_414 {offsets = [0, 0], sizes = [1, 1], strides = [1, 1]} : vector<4x1xf32> to vector<1x1xf32>
    %sub3A_430 = vector.broadcast %reduce_max3A_419 : f32 to vector<1x1xf32>
    %sub3A_431 = arith.subf %slice3A_429, %sub3A_430 : vector<1x1xf32>
    %sub3A_432 = vector.broadcast %log3A_428 : f32 to vector<1x1xf32>
    %sub3A_433 = arith.subf %sub3A_431, %sub3A_432 : vector<1x1xf32>
    %add3A_434 = arith.addf %add3A_363, %sub3A_433 : vector<1x1xf32>
    %slice3A_435 = vector.extract_strided_slice %div3A_414 {offsets = [1, 0], sizes = [3, 1], strides = [1, 1]} : vector<4x1xf32> to vector<3x1xf32>
    %reduce_max3A_436 = vector.shape_cast %slice3A_435 : vector<3x1xf32> to vector<1x3x1xf32>
    %reduce_max3A_437 = arith.constant dense<0xFF800000> : vector<1xf32>
    %reduce_max3A_438 = vector.multi_reduction <maximumf>, %reduce_max3A_436, %reduce_max3A_437 [1, 2] : vector<1x3x1xf32> to vector<1xf32>
    %reduce_max3A_439 = vector.shape_cast %reduce_max3A_438 : vector<1xf32> to vector<1x1x1xf32>
    %reduce_max3A_440 = vector.extract %reduce_max3A_439[0, 0, 0] : f32 from vector<1x1x1xf32>
    %slice3A_441 = vector.extract_strided_slice %div3A_414 {offsets = [0, 0], sizes = [1, 1], strides = [1, 1]} : vector<4x1xf32> to vector<1x1xf32>
    %ge3A_442 = vector.broadcast %reduce_max3A_440 : f32 to vector<1x1xf32>
    %ge3A_443 = arith.cmpf oge, %slice3A_441, %ge3A_442 : vector<1x1xf32>
    %jit3A_444 = arith.constant 1.000000e+00 : f32
    %jit3A_445 = arith.constant 0.000000e+00 : f32
    %broadcast_in_dim3A_446 = vector.broadcast %jit3A_444 : f32 to vector<1x1xf32>
    %broadcast_in_dim3A_447 = vector.broadcast %jit3A_445 : f32 to vector<1x1xf32>
    %select_n3A_448 = arith.select %ge3A_443, %broadcast_in_dim3A_446, %broadcast_in_dim3A_447 : vector<1x1xi1>, vector<1x1xf32>
    %add3A_449 = arith.addf %add3A_378, %select_n3A_448 : vector<1x1xf32>
    %get3A_450 = arith.constant 5 : index
    %get3A_451 = arith.constant 0 : index
    %get3A_452 = vector.load %arg0[%get3A_450, %get3A_451] : memref<12x256xf32, #tpu.memory_space<vmem>>, vector<1x256xf32>
    %get3A_453 = arith.constant 7 : index
    %get3A_454 = arith.constant 0 : index
    %get3A_455 = vector.load %arg0[%get3A_453, %get3A_454] : memref<12x256xf32, #tpu.memory_space<vmem>>, vector<1x256xf32>
    %get3A_456 = arith.constant 8 : index
    %get3A_457 = arith.constant 0 : index
    %get3A_458 = vector.load %arg0[%get3A_456, %get3A_457] : memref<12x256xf32, #tpu.memory_space<vmem>>, vector<1x256xf32>
    %get3A_459 = arith.constant 9 : index
    %get3A_460 = arith.constant 0 : index
    %get3A_461 = vector.load %arg0[%get3A_459, %get3A_460] : memref<12x256xf32, #tpu.memory_space<vmem>>, vector<1x256xf32>
    %concatenate3A_462 = tpu.concatenate %get3A_452, %get3A_455, %get3A_458, %get3A_461 in 0 : vector<1x256xf32>, vector<1x256xf32>, vector<1x256xf32>, vector<1x256xf32> -> vector<4x256xf32>
    %dot_general3A_463 = arith.constant dense<0.000000e+00> : vector<4x1xf32>
    %dot_general3A_464 = tpu.matmul %concatenate3A_462, %get3A_381, %dot_general3A_463 {dimension_numbers = #tpu.dot_dimension_numbers<[1], [1], [0], [0], [0, 0, 1, 0], [], []>, transpose_lhs_hint = false} : vector<4x256xf32>, vector<1x256xf32>, vector<4x1xf32> -> vector<4x1xf32>
    %mul3A_465 = arith.mulf %concatenate3A_462, %concatenate3A_462 : vector<4x256xf32>
    %reduce_sum3A_466 = arith.constant dense<0.000000e+00> : vector<4xf32>
    %reduce_sum3A_467 = vector.multi_reduction <add>, %mul3A_465, %reduce_sum3A_466 [1] : vector<4x256xf32> to vector<4xf32>
    %broadcast_in_dim3A_468 = vector.shape_cast %reduce_sum3A_467 : vector<4xf32> to vector<4x1xf32>
    %sqrt3A_469 = math.sqrt %broadcast_in_dim3A_468 : vector<4x1xf32>
    %mul3A_470 = vector.broadcast %sqrt3A_388 : f32 to vector<4x1xf32>
    %mul3A_471 = arith.mulf %sqrt3A_469, %mul3A_470 : vector<4x1xf32>
    %max3A_472 = arith.constant 9.99999993E-9 : f32
    %max3A_473 = vector.broadcast %max3A_472 : f32 to vector<4x1xf32>
    %max3A_474 = arith.maximumf %mul3A_471, %max3A_473 : vector<4x1xf32>
    %div3A_475 = arith.divf %dot_general3A_464, %max3A_474 : vector<4x1xf32>
    %reduce_max3A_476 = vector.shape_cast %div3A_475 : vector<4x1xf32> to vector<1x4x1xf32>
    %reduce_max3A_477 = arith.constant dense<0xFF800000> : vector<1xf32>
    %reduce_max3A_478 = vector.multi_reduction <maximumf>, %reduce_max3A_476, %reduce_max3A_477 [1, 2] : vector<1x4x1xf32> to vector<1xf32>
    %reduce_max3A_479 = vector.shape_cast %reduce_max3A_478 : vector<1xf32> to vector<1x1x1xf32>
    %reduce_max3A_480 = vector.extract %reduce_max3A_479[0, 0, 0] : f32 from vector<1x1x1xf32>
    %sub3A_481 = vector.broadcast %reduce_max3A_480 : f32 to vector<4x1xf32>
    %sub3A_482 = arith.subf %div3A_475, %sub3A_481 : vector<4x1xf32>
    %exp3A_483 = math.exp %sub3A_482 : vector<4x1xf32>
    %reduce_sum3A_484 = vector.shape_cast %exp3A_483 : vector<4x1xf32> to vector<1x4x1xf32>
    %reduce_sum3A_485 = arith.constant dense<0.000000e+00> : vector<1xf32>
    %reduce_sum3A_486 = vector.multi_reduction <add>, %reduce_sum3A_484, %reduce_sum3A_485 [1, 2] : vector<1x4x1xf32> to vector<1xf32>
    %reduce_sum3A_487 = vector.shape_cast %reduce_sum3A_486 : vector<1xf32> to vector<1x1x1xf32>
    %reduce_sum3A_488 = vector.extract %reduce_sum3A_487[0, 0, 0] : f32 from vector<1x1x1xf32>
    %log3A_489 = math.log %reduce_sum3A_488 : f32
    %slice3A_490 = vector.extract_strided_slice %div3A_475 {offsets = [0, 0], sizes = [1, 1], strides = [1, 1]} : vector<4x1xf32> to vector<1x1xf32>
    %sub3A_491 = vector.broadcast %reduce_max3A_480 : f32 to vector<1x1xf32>
    %sub3A_492 = arith.subf %slice3A_490, %sub3A_491 : vector<1x1xf32>
    %sub3A_493 = vector.broadcast %log3A_489 : f32 to vector<1x1xf32>
    %sub3A_494 = arith.subf %sub3A_492, %sub3A_493 : vector<1x1xf32>
    %add3A_495 = arith.addf %add3A_434, %sub3A_494 : vector<1x1xf32>
    %slice3A_496 = vector.extract_strided_slice %div3A_475 {offsets = [1, 0], sizes = [3, 1], strides = [1, 1]} : vector<4x1xf32> to vector<3x1xf32>
    %reduce_max3A_497 = vector.shape_cast %slice3A_496 : vector<3x1xf32> to vector<1x3x1xf32>
    %reduce_max3A_498 = arith.constant dense<0xFF800000> : vector<1xf32>
    %reduce_max3A_499 = vector.multi_reduction <maximumf>, %reduce_max3A_497, %reduce_max3A_498 [1, 2] : vector<1x3x1xf32> to vector<1xf32>
    %reduce_max3A_500 = vector.shape_cast %reduce_max3A_499 : vector<1xf32> to vector<1x1x1xf32>
    %reduce_max3A_501 = vector.extract %reduce_max3A_500[0, 0, 0] : f32 from vector<1x1x1xf32>
    %slice3A_502 = vector.extract_strided_slice %div3A_475 {offsets = [0, 0], sizes = [1, 1], strides = [1, 1]} : vector<4x1xf32> to vector<1x1xf32>
    %ge3A_503 = vector.broadcast %reduce_max3A_501 : f32 to vector<1x1xf32>
    %ge3A_504 = arith.cmpf oge, %slice3A_502, %ge3A_503 : vector<1x1xf32>
    %jit3A_505 = arith.constant 1.000000e+00 : f32
    %jit3A_506 = arith.constant 0.000000e+00 : f32
    %broadcast_in_dim3A_507 = vector.broadcast %jit3A_505 : f32 to vector<1x1xf32>
    %broadcast_in_dim3A_508 = vector.broadcast %jit3A_506 : f32 to vector<1x1xf32>
    %select_n3A_509 = arith.select %ge3A_504, %broadcast_in_dim3A_507, %broadcast_in_dim3A_508 : vector<1x1xi1>, vector<1x1xf32>
    %add3A_510 = arith.addf %add3A_449, %select_n3A_509 : vector<1x1xf32>
    %get3A_511 = arith.constant 6 : index
    %get3A_512 = arith.constant 0 : index
    %get3A_513 = vector.load %arg0[%get3A_511, %get3A_512] : memref<12x256xf32, #tpu.memory_space<vmem>>, vector<1x256xf32>
    %get3A_514 = arith.constant 8 : index
    %get3A_515 = arith.constant 0 : index
    %get3A_516 = vector.load %arg0[%get3A_514, %get3A_515] : memref<12x256xf32, #tpu.memory_space<vmem>>, vector<1x256xf32>
    %get3A_517 = arith.constant 9 : index
    %get3A_518 = arith.constant 0 : index
    %get3A_519 = vector.load %arg0[%get3A_517, %get3A_518] : memref<12x256xf32, #tpu.memory_space<vmem>>, vector<1x256xf32>
    %get3A_520 = arith.constant 10 : index
    %get3A_521 = arith.constant 0 : index
    %get3A_522 = vector.load %arg0[%get3A_520, %get3A_521] : memref<12x256xf32, #tpu.memory_space<vmem>>, vector<1x256xf32>
    %concatenate3A_523 = tpu.concatenate %get3A_513, %get3A_516, %get3A_519, %get3A_522 in 0 : vector<1x256xf32>, vector<1x256xf32>, vector<1x256xf32>, vector<1x256xf32> -> vector<4x256xf32>
    %dot_general3A_524 = arith.constant dense<0.000000e+00> : vector<4x1xf32>
    %dot_general3A_525 = tpu.matmul %concatenate3A_523, %get3A_381, %dot_general3A_524 {dimension_numbers = #tpu.dot_dimension_numbers<[1], [1], [0], [0], [0, 0, 1, 0], [], []>, transpose_lhs_hint = false} : vector<4x256xf32>, vector<1x256xf32>, vector<4x1xf32> -> vector<4x1xf32>
    %mul3A_526 = arith.mulf %concatenate3A_523, %concatenate3A_523 : vector<4x256xf32>
    %reduce_sum3A_527 = arith.constant dense<0.000000e+00> : vector<4xf32>
    %reduce_sum3A_528 = vector.multi_reduction <add>, %mul3A_526, %reduce_sum3A_527 [1] : vector<4x256xf32> to vector<4xf32>
    %broadcast_in_dim3A_529 = vector.shape_cast %reduce_sum3A_528 : vector<4xf32> to vector<4x1xf32>
    %sqrt3A_530 = math.sqrt %broadcast_in_dim3A_529 : vector<4x1xf32>
    %mul3A_531 = vector.broadcast %sqrt3A_388 : f32 to vector<4x1xf32>
    %mul3A_532 = arith.mulf %sqrt3A_530, %mul3A_531 : vector<4x1xf32>
    %max3A_533 = arith.constant 9.99999993E-9 : f32
    %max3A_534 = vector.broadcast %max3A_533 : f32 to vector<4x1xf32>
    %max3A_535 = arith.maximumf %mul3A_532, %max3A_534 : vector<4x1xf32>
    %div3A_536 = arith.divf %dot_general3A_525, %max3A_535 : vector<4x1xf32>
    %reduce_max3A_537 = vector.shape_cast %div3A_536 : vector<4x1xf32> to vector<1x4x1xf32>
    %reduce_max3A_538 = arith.constant dense<0xFF800000> : vector<1xf32>
    %reduce_max3A_539 = vector.multi_reduction <maximumf>, %reduce_max3A_537, %reduce_max3A_538 [1, 2] : vector<1x4x1xf32> to vector<1xf32>
    %reduce_max3A_540 = vector.shape_cast %reduce_max3A_539 : vector<1xf32> to vector<1x1x1xf32>
    %reduce_max3A_541 = vector.extract %reduce_max3A_540[0, 0, 0] : f32 from vector<1x1x1xf32>
    %sub3A_542 = vector.broadcast %reduce_max3A_541 : f32 to vector<4x1xf32>
    %sub3A_543 = arith.subf %div3A_536, %sub3A_542 : vector<4x1xf32>
    %exp3A_544 = math.exp %sub3A_543 : vector<4x1xf32>
    %reduce_sum3A_545 = vector.shape_cast %exp3A_544 : vector<4x1xf32> to vector<1x4x1xf32>
    %reduce_sum3A_546 = arith.constant dense<0.000000e+00> : vector<1xf32>
    %reduce_sum3A_547 = vector.multi_reduction <add>, %reduce_sum3A_545, %reduce_sum3A_546 [1, 2] : vector<1x4x1xf32> to vector<1xf32>
    %reduce_sum3A_548 = vector.shape_cast %reduce_sum3A_547 : vector<1xf32> to vector<1x1x1xf32>
    %reduce_sum3A_549 = vector.extract %reduce_sum3A_548[0, 0, 0] : f32 from vector<1x1x1xf32>
    %log3A_550 = math.log %reduce_sum3A_549 : f32
    %slice3A_551 = vector.extract_strided_slice %div3A_536 {offsets = [0, 0], sizes = [1, 1], strides = [1, 1]} : vector<4x1xf32> to vector<1x1xf32>
    %sub3A_552 = vector.broadcast %reduce_max3A_541 : f32 to vector<1x1xf32>
    %sub3A_553 = arith.subf %slice3A_551, %sub3A_552 : vector<1x1xf32>
    %sub3A_554 = vector.broadcast %log3A_550 : f32 to vector<1x1xf32>
    %sub3A_555 = arith.subf %sub3A_553, %sub3A_554 : vector<1x1xf32>
    %add3A_556 = arith.addf %add3A_495, %sub3A_555 : vector<1x1xf32>
    %slice3A_557 = vector.extract_strided_slice %div3A_536 {offsets = [1, 0], sizes = [3, 1], strides = [1, 1]} : vector<4x1xf32> to vector<3x1xf32>
    %reduce_max3A_558 = vector.shape_cast %slice3A_557 : vector<3x1xf32> to vector<1x3x1xf32>
    %reduce_max3A_559 = arith.constant dense<0xFF800000> : vector<1xf32>
    %reduce_max3A_560 = vector.multi_reduction <maximumf>, %reduce_max3A_558, %reduce_max3A_559 [1, 2] : vector<1x3x1xf32> to vector<1xf32>
    %reduce_max3A_561 = vector.shape_cast %reduce_max3A_560 : vector<1xf32> to vector<1x1x1xf32>
    %reduce_max3A_562 = vector.extract %reduce_max3A_561[0, 0, 0] : f32 from vector<1x1x1xf32>
    %slice3A_563 = vector.extract_strided_slice %div3A_536 {offsets = [0, 0], sizes = [1, 1], strides = [1, 1]} : vector<4x1xf32> to vector<1x1xf32>
    %ge3A_564 = vector.broadcast %reduce_max3A_562 : f32 to vector<1x1xf32>
    %ge3A_565 = arith.cmpf oge, %slice3A_563, %ge3A_564 : vector<1x1xf32>
    %jit3A_566 = arith.constant 1.000000e+00 : f32
    %jit3A_567 = arith.constant 0.000000e+00 : f32
    %broadcast_in_dim3A_568 = vector.broadcast %jit3A_566 : f32 to vector<1x1xf32>
    %broadcast_in_dim3A_569 = vector.broadcast %jit3A_567 : f32 to vector<1x1xf32>
    %select_n3A_570 = arith.select %ge3A_565, %broadcast_in_dim3A_568, %broadcast_in_dim3A_569 : vector<1x1xi1>, vector<1x1xf32>
    %add3A_571 = arith.addf %add3A_510, %select_n3A_570 : vector<1x1xf32>
    %get3A_572 = arith.constant 4 : index
    %get3A_573 = arith.constant 0 : index
    %get3A_574 = vector.load %arg7[%get3A_572, %get3A_573] : memref<12x256xf32, #tpu.memory_space<vmem>>, vector<1x256xf32>
    %mul3A_575 = arith.mulf %get3A_574, %get3A_574 : vector<1x256xf32>
    %reduce_sum3A_576 = vector.shape_cast %mul3A_575 : vector<1x256xf32> to vector<1x1x256xf32>
    %reduce_sum3A_577 = arith.constant dense<0.000000e+00> : vector<1xf32>
    %reduce_sum3A_578 = vector.multi_reduction <add>, %reduce_sum3A_576, %reduce_sum3A_577 [1, 2] : vector<1x1x256xf32> to vector<1xf32>
    %reduce_sum3A_579 = vector.shape_cast %reduce_sum3A_578 : vector<1xf32> to vector<1x1x1xf32>
    %reduce_sum3A_580 = vector.extract %reduce_sum3A_579[0, 0, 0] : f32 from vector<1x1x1xf32>
    %sqrt3A_581 = math.sqrt %reduce_sum3A_580 : f32
    %get3A_582 = arith.constant 5 : index
    %get3A_583 = arith.constant 0 : index
    %get3A_584 = vector.load %arg0[%get3A_582, %get3A_583] : memref<12x256xf32, #tpu.memory_space<vmem>>, vector<1x256xf32>
    %get3A_585 = arith.constant 7 : index
    %get3A_586 = arith.constant 0 : index
    %get3A_587 = vector.load %arg0[%get3A_585, %get3A_586] : memref<12x256xf32, #tpu.memory_space<vmem>>, vector<1x256xf32>
    %get3A_588 = arith.constant 8 : index
    %get3A_589 = arith.constant 0 : index
    %get3A_590 = vector.load %arg0[%get3A_588, %get3A_589] : memref<12x256xf32, #tpu.memory_space<vmem>>, vector<1x256xf32>
    %get3A_591 = arith.constant 9 : index
    %get3A_592 = arith.constant 0 : index
    %get3A_593 = vector.load %arg0[%get3A_591, %get3A_592] : memref<12x256xf32, #tpu.memory_space<vmem>>, vector<1x256xf32>
    %concatenate3A_594 = tpu.concatenate %get3A_584, %get3A_587, %get3A_590, %get3A_593 in 0 : vector<1x256xf32>, vector<1x256xf32>, vector<1x256xf32>, vector<1x256xf32> -> vector<4x256xf32>
    %dot_general3A_595 = arith.constant dense<0.000000e+00> : vector<4x1xf32>
    %dot_general3A_596 = tpu.matmul %concatenate3A_594, %get3A_574, %dot_general3A_595 {dimension_numbers = #tpu.dot_dimension_numbers<[1], [1], [0], [0], [0, 0, 1, 0], [], []>, transpose_lhs_hint = false} : vector<4x256xf32>, vector<1x256xf32>, vector<4x1xf32> -> vector<4x1xf32>
    %mul3A_597 = arith.mulf %concatenate3A_594, %concatenate3A_594 : vector<4x256xf32>
    %reduce_sum3A_598 = arith.constant dense<0.000000e+00> : vector<4xf32>
    %reduce_sum3A_599 = vector.multi_reduction <add>, %mul3A_597, %reduce_sum3A_598 [1] : vector<4x256xf32> to vector<4xf32>
    %broadcast_in_dim3A_600 = vector.shape_cast %reduce_sum3A_599 : vector<4xf32> to vector<4x1xf32>
    %sqrt3A_601 = math.sqrt %broadcast_in_dim3A_600 : vector<4x1xf32>
    %mul3A_602 = vector.broadcast %sqrt3A_581 : f32 to vector<4x1xf32>
    %mul3A_603 = arith.mulf %sqrt3A_601, %mul3A_602 : vector<4x1xf32>
    %max3A_604 = arith.constant 9.99999993E-9 : f32
    %max3A_605 = vector.broadcast %max3A_604 : f32 to vector<4x1xf32>
    %max3A_606 = arith.maximumf %mul3A_603, %max3A_605 : vector<4x1xf32>
    %div3A_607 = arith.divf %dot_general3A_596, %max3A_606 : vector<4x1xf32>
    %reduce_max3A_608 = vector.shape_cast %div3A_607 : vector<4x1xf32> to vector<1x4x1xf32>
    %reduce_max3A_609 = arith.constant dense<0xFF800000> : vector<1xf32>
    %reduce_max3A_610 = vector.multi_reduction <maximumf>, %reduce_max3A_608, %reduce_max3A_609 [1, 2] : vector<1x4x1xf32> to vector<1xf32>
    %reduce_max3A_611 = vector.shape_cast %reduce_max3A_610 : vector<1xf32> to vector<1x1x1xf32>
    %reduce_max3A_612 = vector.extract %reduce_max3A_611[0, 0, 0] : f32 from vector<1x1x1xf32>
    %sub3A_613 = vector.broadcast %reduce_max3A_612 : f32 to vector<4x1xf32>
    %sub3A_614 = arith.subf %div3A_607, %sub3A_613 : vector<4x1xf32>
    %exp3A_615 = math.exp %sub3A_614 : vector<4x1xf32>
    %reduce_sum3A_616 = vector.shape_cast %exp3A_615 : vector<4x1xf32> to vector<1x4x1xf32>
    %reduce_sum3A_617 = arith.constant dense<0.000000e+00> : vector<1xf32>
    %reduce_sum3A_618 = vector.multi_reduction <add>, %reduce_sum3A_616, %reduce_sum3A_617 [1, 2] : vector<1x4x1xf32> to vector<1xf32>
    %reduce_sum3A_619 = vector.shape_cast %reduce_sum3A_618 : vector<1xf32> to vector<1x1x1xf32>
    %reduce_sum3A_620 = vector.extract %reduce_sum3A_619[0, 0, 0] : f32 from vector<1x1x1xf32>
    %log3A_621 = math.log %reduce_sum3A_620 : f32
    %slice3A_622 = vector.extract_strided_slice %div3A_607 {offsets = [0, 0], sizes = [1, 1], strides = [1, 1]} : vector<4x1xf32> to vector<1x1xf32>
    %sub3A_623 = vector.broadcast %reduce_max3A_612 : f32 to vector<1x1xf32>
    %sub3A_624 = arith.subf %slice3A_622, %sub3A_623 : vector<1x1xf32>
    %sub3A_625 = vector.broadcast %log3A_621 : f32 to vector<1x1xf32>
    %sub3A_626 = arith.subf %sub3A_624, %sub3A_625 : vector<1x1xf32>
    %add3A_627 = arith.addf %add3A_556, %sub3A_626 : vector<1x1xf32>
    %slice3A_628 = vector.extract_strided_slice %div3A_607 {offsets = [1, 0], sizes = [3, 1], strides = [1, 1]} : vector<4x1xf32> to vector<3x1xf32>
    %reduce_max3A_629 = vector.shape_cast %slice3A_628 : vector<3x1xf32> to vector<1x3x1xf32>
    %reduce_max3A_630 = arith.constant dense<0xFF800000> : vector<1xf32>
    %reduce_max3A_631 = vector.multi_reduction <maximumf>, %reduce_max3A_629, %reduce_max3A_630 [1, 2] : vector<1x3x1xf32> to vector<1xf32>
    %reduce_max3A_632 = vector.shape_cast %reduce_max3A_631 : vector<1xf32> to vector<1x1x1xf32>
    %reduce_max3A_633 = vector.extract %reduce_max3A_632[0, 0, 0] : f32 from vector<1x1x1xf32>
    %slice3A_634 = vector.extract_strided_slice %div3A_607 {offsets = [0, 0], sizes = [1, 1], strides = [1, 1]} : vector<4x1xf32> to vector<1x1xf32>
    %ge3A_635 = vector.broadcast %reduce_max3A_633 : f32 to vector<1x1xf32>
    %ge3A_636 = arith.cmpf oge, %slice3A_634, %ge3A_635 : vector<1x1xf32>
    %jit3A_637 = arith.constant 1.000000e+00 : f32
    %jit3A_638 = arith.constant 0.000000e+00 : f32
    %broadcast_in_dim3A_639 = vector.broadcast %jit3A_637 : f32 to vector<1x1xf32>
    %broadcast_in_dim3A_640 = vector.broadcast %jit3A_638 : f32 to vector<1x1xf32>
    %select_n3A_641 = arith.select %ge3A_636, %broadcast_in_dim3A_639, %broadcast_in_dim3A_640 : vector<1x1xi1>, vector<1x1xf32>
    %add3A_642 = arith.addf %add3A_571, %select_n3A_641 : vector<1x1xf32>
    %get3A_643 = arith.constant 6 : index
    %get3A_644 = arith.constant 0 : index
    %get3A_645 = vector.load %arg0[%get3A_643, %get3A_644] : memref<12x256xf32, #tpu.memory_space<vmem>>, vector<1x256xf32>
    %get3A_646 = arith.constant 8 : index
    %get3A_647 = arith.constant 0 : index
    %get3A_648 = vector.load %arg0[%get3A_646, %get3A_647] : memref<12x256xf32, #tpu.memory_space<vmem>>, vector<1x256xf32>
    %get3A_649 = arith.constant 9 : index
    %get3A_650 = arith.constant 0 : index
    %get3A_651 = vector.load %arg0[%get3A_649, %get3A_650] : memref<12x256xf32, #tpu.memory_space<vmem>>, vector<1x256xf32>
    %get3A_652 = arith.constant 10 : index
    %get3A_653 = arith.constant 0 : index
    %get3A_654 = vector.load %arg0[%get3A_652, %get3A_653] : memref<12x256xf32, #tpu.memory_space<vmem>>, vector<1x256xf32>
    %concatenate3A_655 = tpu.concatenate %get3A_645, %get3A_648, %get3A_651, %get3A_654 in 0 : vector<1x256xf32>, vector<1x256xf32>, vector<1x256xf32>, vector<1x256xf32> -> vector<4x256xf32>
    %dot_general3A_656 = arith.constant dense<0.000000e+00> : vector<4x1xf32>
    %dot_general3A_657 = tpu.matmul %concatenate3A_655, %get3A_574, %dot_general3A_656 {dimension_numbers = #tpu.dot_dimension_numbers<[1], [1], [0], [0], [0, 0, 1, 0], [], []>, transpose_lhs_hint = false} : vector<4x256xf32>, vector<1x256xf32>, vector<4x1xf32> -> vector<4x1xf32>
    %mul3A_658 = arith.mulf %concatenate3A_655, %concatenate3A_655 : vector<4x256xf32>
    %reduce_sum3A_659 = arith.constant dense<0.000000e+00> : vector<4xf32>
    %reduce_sum3A_660 = vector.multi_reduction <add>, %mul3A_658, %reduce_sum3A_659 [1] : vector<4x256xf32> to vector<4xf32>
    %broadcast_in_dim3A_661 = vector.shape_cast %reduce_sum3A_660 : vector<4xf32> to vector<4x1xf32>
    %sqrt3A_662 = math.sqrt %broadcast_in_dim3A_661 : vector<4x1xf32>
    %mul3A_663 = vector.broadcast %sqrt3A_581 : f32 to vector<4x1xf32>
    %mul3A_664 = arith.mulf %sqrt3A_662, %mul3A_663 : vector<4x1xf32>
    %max3A_665 = arith.constant 9.99999993E-9 : f32
    %max3A_666 = vector.broadcast %max3A_665 : f32 to vector<4x1xf32>
    %max3A_667 = arith.maximumf %mul3A_664, %max3A_666 : vector<4x1xf32>
    %div3A_668 = arith.divf %dot_general3A_657, %max3A_667 : vector<4x1xf32>
    %reduce_max3A_669 = vector.shape_cast %div3A_668 : vector<4x1xf32> to vector<1x4x1xf32>
    %reduce_max3A_670 = arith.constant dense<0xFF800000> : vector<1xf32>
    %reduce_max3A_671 = vector.multi_reduction <maximumf>, %reduce_max3A_669, %reduce_max3A_670 [1, 2] : vector<1x4x1xf32> to vector<1xf32>
    %reduce_max3A_672 = vector.shape_cast %reduce_max3A_671 : vector<1xf32> to vector<1x1x1xf32>
    %reduce_max3A_673 = vector.extract %reduce_max3A_672[0, 0, 0] : f32 from vector<1x1x1xf32>
    %sub3A_674 = vector.broadcast %reduce_max3A_673 : f32 to vector<4x1xf32>
    %sub3A_675 = arith.subf %div3A_668, %sub3A_674 : vector<4x1xf32>
    %exp3A_676 = math.exp %sub3A_675 : vector<4x1xf32>
    %reduce_sum3A_677 = vector.shape_cast %exp3A_676 : vector<4x1xf32> to vector<1x4x1xf32>
    %reduce_sum3A_678 = arith.constant dense<0.000000e+00> : vector<1xf32>
    %reduce_sum3A_679 = vector.multi_reduction <add>, %reduce_sum3A_677, %reduce_sum3A_678 [1, 2] : vector<1x4x1xf32> to vector<1xf32>
    %reduce_sum3A_680 = vector.shape_cast %reduce_sum3A_679 : vector<1xf32> to vector<1x1x1xf32>
    %reduce_sum3A_681 = vector.extract %reduce_sum3A_680[0, 0, 0] : f32 from vector<1x1x1xf32>
    %log3A_682 = math.log %reduce_sum3A_681 : f32
    %slice3A_683 = vector.extract_strided_slice %div3A_668 {offsets = [0, 0], sizes = [1, 1], strides = [1, 1]} : vector<4x1xf32> to vector<1x1xf32>
    %sub3A_684 = vector.broadcast %reduce_max3A_673 : f32 to vector<1x1xf32>
    %sub3A_685 = arith.subf %slice3A_683, %sub3A_684 : vector<1x1xf32>
    %sub3A_686 = vector.broadcast %log3A_682 : f32 to vector<1x1xf32>
    %sub3A_687 = arith.subf %sub3A_685, %sub3A_686 : vector<1x1xf32>
    %add3A_688 = arith.addf %add3A_627, %sub3A_687 : vector<1x1xf32>
    %slice3A_689 = vector.extract_strided_slice %div3A_668 {offsets = [1, 0], sizes = [3, 1], strides = [1, 1]} : vector<4x1xf32> to vector<3x1xf32>
    %reduce_max3A_690 = vector.shape_cast %slice3A_689 : vector<3x1xf32> to vector<1x3x1xf32>
    %reduce_max3A_691 = arith.constant dense<0xFF800000> : vector<1xf32>
    %reduce_max3A_692 = vector.multi_reduction <maximumf>, %reduce_max3A_690, %reduce_max3A_691 [1, 2] : vector<1x3x1xf32> to vector<1xf32>
    %reduce_max3A_693 = vector.shape_cast %reduce_max3A_692 : vector<1xf32> to vector<1x1x1xf32>
    %reduce_max3A_694 = vector.extract %reduce_max3A_693[0, 0, 0] : f32 from vector<1x1x1xf32>
    %slice3A_695 = vector.extract_strided_slice %div3A_668 {offsets = [0, 0], sizes = [1, 1], strides = [1, 1]} : vector<4x1xf32> to vector<1x1xf32>
    %ge3A_696 = vector.broadcast %reduce_max3A_694 : f32 to vector<1x1xf32>
    %ge3A_697 = arith.cmpf oge, %slice3A_695, %ge3A_696 : vector<1x1xf32>
    %jit3A_698 = arith.constant 1.000000e+00 : f32
    %jit3A_699 = arith.constant 0.000000e+00 : f32
    %broadcast_in_dim3A_700 = vector.broadcast %jit3A_698 : f32 to vector<1x1xf32>
    %broadcast_in_dim3A_701 = vector.broadcast %jit3A_699 : f32 to vector<1x1xf32>
    %select_n3A_702 = arith.select %ge3A_697, %broadcast_in_dim3A_700, %broadcast_in_dim3A_701 : vector<1x1xi1>, vector<1x1xf32>
    %add3A_703 = arith.addf %add3A_642, %select_n3A_702 : vector<1x1xf32>
    %get3A_704 = arith.constant 7 : index
    %get3A_705 = arith.constant 0 : index
    %get3A_706 = vector.load %arg0[%get3A_704, %get3A_705] : memref<12x256xf32, #tpu.memory_space<vmem>>, vector<1x256xf32>
    %get3A_707 = arith.constant 9 : index
    %get3A_708 = arith.constant 0 : index
    %get3A_709 = vector.load %arg0[%get3A_707, %get3A_708] : memref<12x256xf32, #tpu.memory_space<vmem>>, vector<1x256xf32>
    %get3A_710 = arith.constant 10 : index
    %get3A_711 = arith.constant 0 : index
    %get3A_712 = vector.load %arg0[%get3A_710, %get3A_711] : memref<12x256xf32, #tpu.memory_space<vmem>>, vector<1x256xf32>
    %get3A_713 = arith.constant 11 : index
    %get3A_714 = arith.constant 0 : index
    %get3A_715 = vector.load %arg0[%get3A_713, %get3A_714] : memref<12x256xf32, #tpu.memory_space<vmem>>, vector<1x256xf32>
    %concatenate3A_716 = tpu.concatenate %get3A_706, %get3A_709, %get3A_712, %get3A_715 in 0 : vector<1x256xf32>, vector<1x256xf32>, vector<1x256xf32>, vector<1x256xf32> -> vector<4x256xf32>
    %dot_general3A_717 = arith.constant dense<0.000000e+00> : vector<4x1xf32>
    %dot_general3A_718 = tpu.matmul %concatenate3A_716, %get3A_574, %dot_general3A_717 {dimension_numbers = #tpu.dot_dimension_numbers<[1], [1], [0], [0], [0, 0, 1, 0], [], []>, transpose_lhs_hint = false} : vector<4x256xf32>, vector<1x256xf32>, vector<4x1xf32> -> vector<4x1xf32>
    %mul3A_719 = arith.mulf %concatenate3A_716, %concatenate3A_716 : vector<4x256xf32>
    %reduce_sum3A_720 = arith.constant dense<0.000000e+00> : vector<4xf32>
    %reduce_sum3A_721 = vector.multi_reduction <add>, %mul3A_719, %reduce_sum3A_720 [1] : vector<4x256xf32> to vector<4xf32>
    %broadcast_in_dim3A_722 = vector.shape_cast %reduce_sum3A_721 : vector<4xf32> to vector<4x1xf32>
    %sqrt3A_723 = math.sqrt %broadcast_in_dim3A_722 : vector<4x1xf32>
    %mul3A_724 = vector.broadcast %sqrt3A_581 : f32 to vector<4x1xf32>
    %mul3A_725 = arith.mulf %sqrt3A_723, %mul3A_724 : vector<4x1xf32>
    %max3A_726 = arith.constant 9.99999993E-9 : f32
    %max3A_727 = vector.broadcast %max3A_726 : f32 to vector<4x1xf32>
    %max3A_728 = arith.maximumf %mul3A_725, %max3A_727 : vector<4x1xf32>
    %div3A_729 = arith.divf %dot_general3A_718, %max3A_728 : vector<4x1xf32>
    %reduce_max3A_730 = vector.shape_cast %div3A_729 : vector<4x1xf32> to vector<1x4x1xf32>
    %reduce_max3A_731 = arith.constant dense<0xFF800000> : vector<1xf32>
    %reduce_max3A_732 = vector.multi_reduction <maximumf>, %reduce_max3A_730, %reduce_max3A_731 [1, 2] : vector<1x4x1xf32> to vector<1xf32>
    %reduce_max3A_733 = vector.shape_cast %reduce_max3A_732 : vector<1xf32> to vector<1x1x1xf32>
    %reduce_max3A_734 = vector.extract %reduce_max3A_733[0, 0, 0] : f32 from vector<1x1x1xf32>
    %sub3A_735 = vector.broadcast %reduce_max3A_734 : f32 to vector<4x1xf32>
    %sub3A_736 = arith.subf %div3A_729, %sub3A_735 : vector<4x1xf32>
    %exp3A_737 = math.exp %sub3A_736 : vector<4x1xf32>
    %reduce_sum3A_738 = vector.shape_cast %exp3A_737 : vector<4x1xf32> to vector<1x4x1xf32>
    %reduce_sum3A_739 = arith.constant dense<0.000000e+00> : vector<1xf32>
    %reduce_sum3A_740 = vector.multi_reduction <add>, %reduce_sum3A_738, %reduce_sum3A_739 [1, 2] : vector<1x4x1xf32> to vector<1xf32>
    %reduce_sum3A_741 = vector.shape_cast %reduce_sum3A_740 : vector<1xf32> to vector<1x1x1xf32>
    %reduce_sum3A_742 = vector.extract %reduce_sum3A_741[0, 0, 0] : f32 from vector<1x1x1xf32>
    %log3A_743 = math.log %reduce_sum3A_742 : f32
    %slice3A_744 = vector.extract_strided_slice %div3A_729 {offsets = [0, 0], sizes = [1, 1], strides = [1, 1]} : vector<4x1xf32> to vector<1x1xf32>
    %sub3A_745 = vector.broadcast %reduce_max3A_734 : f32 to vector<1x1xf32>
    %sub3A_746 = arith.subf %slice3A_744, %sub3A_745 : vector<1x1xf32>
    %sub3A_747 = vector.broadcast %log3A_743 : f32 to vector<1x1xf32>
    %sub3A_748 = arith.subf %sub3A_746, %sub3A_747 : vector<1x1xf32>
    %add3A_749 = arith.addf %add3A_688, %sub3A_748 : vector<1x1xf32>
    %slice3A_750 = vector.extract_strided_slice %div3A_729 {offsets = [1, 0], sizes = [3, 1], strides = [1, 1]} : vector<4x1xf32> to vector<3x1xf32>
    %reduce_max3A_751 = vector.shape_cast %slice3A_750 : vector<3x1xf32> to vector<1x3x1xf32>
    %reduce_max3A_752 = arith.constant dense<0xFF800000> : vector<1xf32>
    %reduce_max3A_753 = vector.multi_reduction <maximumf>, %reduce_max3A_751, %reduce_max3A_752 [1, 2] : vector<1x3x1xf32> to vector<1xf32>
    %reduce_max3A_754 = vector.shape_cast %reduce_max3A_753 : vector<1xf32> to vector<1x1x1xf32>
    %reduce_max3A_755 = vector.extract %reduce_max3A_754[0, 0, 0] : f32 from vector<1x1x1xf32>
    %slice3A_756 = vector.extract_strided_slice %div3A_729 {offsets = [0, 0], sizes = [1, 1], strides = [1, 1]} : vector<4x1xf32> to vector<1x1xf32>
    %ge3A_757 = vector.broadcast %reduce_max3A_755 : f32 to vector<1x1xf32>
    %ge3A_758 = arith.cmpf oge, %slice3A_756, %ge3A_757 : vector<1x1xf32>
    %jit3A_759 = arith.constant 1.000000e+00 : f32
    %jit3A_760 = arith.constant 0.000000e+00 : f32
    %broadcast_in_dim3A_761 = vector.broadcast %jit3A_759 : f32 to vector<1x1xf32>
    %broadcast_in_dim3A_762 = vector.broadcast %jit3A_760 : f32 to vector<1x1xf32>
    %select_n3A_763 = arith.select %ge3A_758, %broadcast_in_dim3A_761, %broadcast_in_dim3A_762 : vector<1x1xi1>, vector<1x1xf32>
    %add3A_764 = arith.addf %add3A_703, %select_n3A_763 : vector<1x1xf32>
    %div3A_765 = arith.constant -1.200000e+01 : f32
    %div3A_766 = vector.broadcast %div3A_765 : f32 to vector<1x1xf32>
    %div3A_767 = arith.divf %add3A_749, %div3A_766 : vector<1x1xf32>
    %swap3A = arith.constant 0 : index
    %swap3A_768 = arith.constant 0 : index
    %swap3A_769 = vector.load %arg5[%swap3A, %swap3A_768] : memref<1x1xf32, #tpu.memory_space<vmem>>, vector<1x1xf32>
    tpu.vector_store %arg5[%swap3A, %swap3A_768], %div3A_767 {strides = array<i32>} : memref<1x1xf32, #tpu.memory_space<vmem>>, vector<1x1xf32>,
    %div3A_770 = arith.constant 1.200000e+01 : f32
    %div3A_771 = vector.broadcast %div3A_770 : f32 to vector<1x1xf32>
    %div3A_772 = arith.divf %add3A_764, %div3A_771 : vector<1x1xf32>
    %swap3A_773 = arith.constant 0 : index
    %swap3A_774 = arith.constant 0 : index
    %swap3A_775 = vector.load %arg6[%swap3A_773, %swap3A_774] : memref<1x1xf32, #tpu.memory_space<vmem>>, vector<1x1xf32>
    tpu.vector_store %arg6[%swap3A_773, %swap3A_774], %div3A_772 {strides = array<i32>} : memref<1x1xf32, #tpu.memory_space<vmem>>, vector<1x1xf32>,
    return
  }
}

</mosaic_0001>

<sc_bundles>
// kernel: kernel.11.cloned.1.call-start
scs
__scs_entry_jumppad:
0x0: {  	(pc) =	sbr.rel $0x88, $3  }
0x1: {  	(tag) =	ssettag $0x0;
	lr =	simm.s32 $0x1  }
0x2: {  	[smem:$0x3F94] =	sst lr;
	_ =	strace $0xD0000000  }
0x3: {  	_ = 	snop  }
0x4: {  	_ = 	snop  }
0x5: {  	_ = 	snop  }
0x6: {  	_ = 	snop  }
0x7: {  	_ = 	snop  }
__scs_overlays_trampoline_lowered:
0x8: {  	[smem:$0x3FA3] =	sst s0  }
0x9: {  	[smem:$0x3FA4] =	sst s1  }
0xa: {  	[smem:$0x3FA5] =	sst s2  }
0xb: {  	[smem:$0x3FA6] =	sst s3  }
0xc: {  	[smem:$0x3FA7] =	sst s4  }
0xd: {  	[smem:$0x3FA8] =	sst s5  }
0xe: {  	[smem:$0x3FA9] =	sst s6  }
0xf: {  	[smem:$0x3FAA] =	sst s7  }
0x10: {  	[smem:$0x3FAB] =	sst s8  }
0x11: {  	[smem:$0x3FAC] =	sst s9;
	s0 =	simm.s32 @!p0 $0x0  }
0x12: {  	s1 =	sld [smem:$0x3F92];
	s0 =	simm.s32 @p0 $0x1  }
0x13: {  	[smem:$0x3FAD] =	sst s0;
	s0 =	simm.s32 @!p1 $0x0  }
0x14: {  	s2 =	sld [smem:$0x3F91];
	s0 =	simm.s32 @p1 $0x1  }
0x15: {  	[smem:$0x3FAE] =	sst s0;
	s0 =	simm.s32 @!p2 $0x0  }
0x16: {  	s3 =	sld [smem:$0x3FDB];
	s0 =	simm.s32 @p2 $0x1  }
0x17: {  	s4 =	simm.s32 $0x1BF5;
	[smem:$0x3FB0] =	sst s0  }
0x18: {  	s0 =	sld [smem:$0x3F93];
	_ =	swait.ge [sflag:s4], $0x0  }
0x19: {  	s7 =	sld [smem:$0x3F94]  }
0x1a: {  	s8 =	sadd.s32 $0xFFFFE003, lr  }
0x1b: {  	s9 =	sadd.s32 $0xFFFFFEF7, lr;
	s5 =	simm.s32 $0xFFFFFFFF;
	p2 =	slt.u32 s8, $0xFFFFF086  }
0x1c: {  	p1 =	slt.u32 s9, $0xF7A;
	s5 =	simm.s32 @!p2 $0x0  }
0x1d: {  	s5 =	simm.s32 @p1 $0x1;
	p0 =	seq.s32 s7, s2  }
0x1e: {  	s7 =	smul.u32 @!p0 $0xF7A, s2;
	p2 =	seq.s32 @!p0 s5, $0x0  }
0x1f: {  	s9 =	smul.u32 $0xF7A, s1;
	s8 =	simm.s32 @!p0 $0x1BF5;
	p2 =	por !p2, p0  }
0x20: {  	[sflag:s8] =	ssyncset.s32 @!p0 $0xFFFFF086;
	s6 =	sadd.s32 @!p0 s3, s7;
	s7 =	simm.s32 @!p0 $0x108  }
0x21: {  	s3 =	sadd.s32 s3, s9;
	s6 =	sadd.s32 @!p0 $0x88, s6;
	s7 =	simm.s32 @p2 $0x1082  }
0x22: {  	[simem:s7], [sflag:s8] =	dma.local @!p0 [hbm:s6], $0xF7A  }
0x23: {  	s9 =	sor.u32 $0xD0000000, s2;
	s6 =	simm.s32 $0x108;
	_ =	swait.ge @!p0 [sflag:s8], $0x0  }
0x24: {  	s3 =	sadd.s32 $0x88, s3;
	s6 =	simm.s32 @!p1 $0x1082;
	[sflag:s4] =	ssyncset.s32 $0xFFFFF086  }
0x25: {  	[simem:s6], [sflag:s4] =	dma.local [hbm:s3], $0xF7A  }
0x26: {  	[smem:$0x3F94] =	sst s1;
	(tag) =	ssettag s2;
	_ =	strace s9  }
0x27: {  	s1 =	sld [smem:$0x3FA4]  }
0x28: {  	s2 =	sld [smem:$0x3FA5]  }
0x29: {  	s4 =	sld [smem:$0x3FA7]  }
0x2a: {  	p0 =	seq.s32 s5, $0x0;
	s5 =	sld [smem:$0x3FA8]  }
0x2b: {  	s6 =	sld [smem:$0x3FA9]  }
0x2c: {  	s7 =	sld [smem:$0x3FAA]  }
0x2d: {  	s3 =	simm.s32 $0x108;
	s8 =	sld [smem:$0x3FAB]  }
0x2e: {  	s3 =	simm.s32 @!p0 $0x1082;
	s9 =	sld [smem:$0x3FAC]  }
0x2f: {  	lr =	sadd.s32 s0, s3;
	s0 =	sld [smem:$0x3FA3]  }
0x30: {  	s3 =	sld [smem:$0x3FA6]  }
0x31: {  	[smem:$0x3FAF] =	sst s10  }
0x32: {  	s10 =	sld [smem:$0x3FAD];
	_ =	sdelay $0x3  }
0x33: {  	p0 =	seq.s32 s10, $0x1;
	s10 =	sld [smem:$0x3FAF];
	_ =	sdelay $0x3  }
0x34: {  	[smem:$0x3FAF] =	sst s10  }
0x35: {  	s10 =	sld [smem:$0x3FAE];
	_ =	sdelay $0x3  }
0x36: {  	p1 =	seq.s32 s10, $0x1;
	s10 =	sld [smem:$0x3FAF];
	_ =	sdelay $0x3  }
0x37: {  	[smem:$0x3FAF] =	sst s10  }
0x38: {  	s10 =	sld [smem:$0x3FB0]  }
0x39: {  	_ = 	snop;
	(pc) =	sbr.ind lr, $3  }
0x3a: {  	_ = 	snop  }
0x3b: {  	_ = 	snop  }
0x3c: {  	p2 =	seq.s32 s10, $0x1;
	s10 =	sld [smem:$0x3FAF]  }
0x3d: {  	_ =	shalt  }
0x3e: {  	_ =	shalt  }
0x3f: {  	_ =	shalt  }
0x40: {  	_ =	shalt  }
0x41: {  	_ =	shalt  }
0x42: {  	_ =	shalt  }
0x43: {  	_ =	shalt  }
0x44: {  	_ =	shalt  }
0x45: {  	_ =	shalt  }
0x46: {  	_ =	shalt  }
0x47: {  	_ =	shalt  }
0x48: {  	_ =	shalt  }
0x49: {  	_ =	shalt  }
0x4a: {  	_ =	shalt  }
0x4b: {  	_ =	shalt  }
0x4c: {  	_ =	shalt  }
0x4d: {  	_ =	shalt  }
0x4e: {  	_ =	shalt  }
0x4f: {  	_ =	shalt  }
0x50: {  	_ =	shalt  }
0x51: {  	_ =	shalt  }
0x52: {  	_ =	shalt  }
0x53: {  	_ =	shalt  }
0x54: {  	_ =	shalt  }
0x55: {  	_ =	shalt  }
0x56: {  	_ =	shalt  }
0x57: {  	_ =	shalt  }
0x58: {  	_ =	shalt  }
0x59: {  	_ =	shalt  }
0x5a: {  	_ =	shalt  }
0x5b: {  	_ =	shalt  }
0x5c: {  	_ =	shalt  }
0x5d: {  	_ =	shalt  }
0x5e: {  	_ =	shalt  }
0x5f: {  	_ =	shalt  }
0x60: {  	_ =	shalt  }
0x61: {  	_ =	shalt  }
0x62: {  	_ =	shalt  }
0x63: {  	_ =	shalt  }
0x64: {  	_ =	shalt  }
0x65: {  	_ =	shalt  }
0x66: {  	_ =	shalt  }
0x67: {  	_ =	shalt  }
0x68: {  	_ =	shalt  }
0x69: {  	_ =	shalt  }
0x6a: {  	_ =	shalt  }
0x6b: {  	_ =	shalt  }
0x6c: {  	_ =	shalt  }
0x6d: {  	_ =	shalt  }
0x6e: {  	_ =	shalt  }
0x6f: {  	_ =	shalt  }
0x70: {  	_ =	shalt  }
0x71: {  	_ =	shalt  }
0x72: {  	_ =	shalt  }
0x73: {  	_ =	shalt  }
0x74: {  	_ =	shalt  }
0x75: {  	_ =	shalt  }
0x76: {  	_ =	shalt  }
0x77: {  	_ =	shalt  }
0x78: {  	_ =	shalt  }
0x79: {  	_ =	shalt  }
0x7a: {  	_ =	shalt  }
0x7b: {  	_ =	shalt  }
0x7c: {  	_ =	shalt  }
0x7d: {  	_ =	shalt  }
0x7e: {  	_ =	shalt  }
0x7f: {  	_ =	shalt  }
0x80: {  	_ =	shalt  }
0x81: {  	_ =	shalt  }
0x82: {  	_ =	shalt  }
0x83: {  	_ =	shalt  }
0x84: {  	_ =	shalt  }
0x85: {  	_ =	shalt  }
0x86: {  	_ =	shalt  }
0x87: {  	_ =	shalt  }
.Lfunc_end0:
.L_simem_size_0:
called_computation.1_lowered:
.L_overlay_start_0:
0x88: {  	s2 =	sld [smem:$0x3FD9]  }
0x89: {  	s3 =	sld [smem:$0x3FFE];
	_ =	sdelay $0x1  }
0x8a: {  	s1 =	srdreg.scid  }
0x8b: {  	s0 =	sand.u32 $0x1, s1  }
0x8c: {  	s16 =	sshll.u32 s0, $0xA;
	s2 =	sadd.s32 s3, s2  }
0x8d: {  	s2 =	sadd.s32 s2, s16  }
0x8e: {  	[smem:$0x3FBB] =	sst s2  }
0x8f: {  	_ = 	snop  }
0x90: {  	(tm) =	ssettm $0x1  }
0x91: {  	s17 =	sld [smem:$0x3FFB];
	_ =	sdelay $0x3  }
0x92: {  	_ =	strace s17  }
0x93: {  	s2 =	sld [smem:$0x3FFC];
	_ =	sdelay $0x3  }
0x94: {  	_ =	strace s2  }
0x95: {  	s2 =	sld [smem:$0x3FFD];
	_ =	sdelay $0x3  }
0x96: {  	_ =	strace s2  }
0x97: {  	_ =	strace $0x8FFFFFFF  }
0x98: {  	s18 =	sld [smem:$0x3FDB];
	_ =	sdelay $0x1  }
0x99: {  	s19 =	simm.s32 $_scs_section_size  }
0x9a: {  	s4 =	simm.s32 $_size__tile_overlayer_lowered;
	s5 =	simm.s32 $_tile_overlayer_lowered  }
0x9b: {  	s22 =	simm.s32 $0x1BFF;
	s21 =	sshll.u32 s5, $0x1;
	s2 =	sadd.s32 s19, s18  }
0x9c: {  	s6 =	simm.s32 $0x0;
	s20 =	sshll.u32 s4, $0x1;
	s4 =	sadd.s32 s21, s2  }
0x9d: {  	[timem:s6], [sflag:s22] =	dma.local [hbm:s4], s20  }
0x9e: {  	_ =	swait.ge [sflag:s22], s20  }
0x9f: {  	s3 =	ssub.s32 $0x0, s20;
	[sflag:s22] =	ssyncset.done $0x0  }
0xa0: {  	[sflag:s22] =	ssyncadd.s32 s3;
	_ =	sdelay $0x1  }
0xa1: {  	s23 =	simm.s32 $0x1B8B  }
0xa2: {  	_ =	swait.ge [sflag:s23], $0x1  }
0xa3: {  	[sflag:s23] =	ssyncset.done $0x0  }
0xa4: {  	s25 =	simm.s32 $0x1B8E;
	s24 =	sld [smem:$0x3FFE];
	[sflag:s23] =	ssyncadd.s32 $0xFFFFFFFF  }
0xa5: {  	s26 =	simm.s32 $execute0_lowered;
	[smem:$0x3FD2] =	sst s25  }
0xa6: {  	s4 =	sshll.u32 s26, $0x1;
	_ =	strace $0x80000049;
	[dreg:$0x1] =	wrdreg $0xFFFFFFFF  }
0xa7: {  	s28 =	simm.s32 $_size_execute0_lowered;
	s2 =	sadd.s32 s2, s4;
	[dreg:$0x0] =	wrdreg $0x0  }
0xa8: {  	s4 =	sshll.u32 s28, $0x1;
	[dreg:$0x2] =	wrdreg s2  }
0xa9: {  	[dreg:$0x3] =	wrdreg s4  }
0xaa: {  	[dreg:$0x4] =	wrdreg $0xC0  }
0xab: {  	_ =	task [dreg:s6], $0x5FFFF  }
0xac: {  	[dreg:$0x1] =	wrdreg $0xFFFFFFFF  }
0xad: {  	[dreg:$0x0] =	wrdreg $0x60  }
0xae: {  	[dreg:$0x2] =	wrdreg s24  }
0xaf: {  	[dreg:$0x3] =	wrdreg $0x0  }
0xb0: {  	[dreg:$0x4] =	wrdreg $0x9  }
0xb1: {  	_ =	task.clear_ibuf [dreg:s6], $0x5FFFF;
	_ =	strace $0x90000049  }
0xb2: {  	s29 =	simm.s32 $0x9;
	_ =	strace $0x8000004B  }
0xb3: {  	_ =	swait.ge [sflag:s29], $0x1  }
0xb4: {  	[sflag:s29] =	ssyncadd.s32 $0xFFFFFFFF  }
0xb5: {  	_ =	strace $0x9000004B  }
0xb6: {  	_ =	sfence  }
0xb7: {  	s30 =	sld [smem:$0x0];
	_ =	sdelay $0x2  }
0xb8: {  	s31 =	sshll.u32 s1, $0xD;
	s1 =	sshrl.u32 s1, $0x2  }
0xb9: {  	s3 =	sand.u32 $0x4000, s31;
	s1 =	sadd.s32 s1, s30  }
0xba: {  	s0 =	sor.u32 s3, s0;
	s1 =	sshll.u32 s1, $0x11  }
0xbb: {  	s0 =	sor.u32 s1, s0  }
0xbc: {  	s0 =	sadd.s32 $0x8F2B, s0  }
0xbd: {  	[sflag:s0] =	ssyncadd.remote.s32 $0x1  }
0xbe: {  	_ =	sfence.sel $0xFFFF  }
0xbf: {  	[dreg:$0x0] =	wrdreg $0xFFFFFFFF;
	(pc) =	sbr.abs _section_cstart, $3  }
0xc0: {  	[dreg:$0x1] =	wrdreg $0xFFFFFFFF  }
0xc1: {  	_ =	task.clear_ibuf [dreg:s6], $0x2FFFF;
	_ =	strace $0x9FFFFFFF  }
0xc2: {  	(tm) =	ssettm $0x7FFFFFFF  }
0xc3: {  	_ =	shalt  }
tec
execute0_lowered:
.L_overlay_start_1:
0x0: {  	(tag) =	ssettag $0x1  }
0x1: {  	s0 =	rddreg [dreg:$0x0]  }
0x2: {  	s2 =	rddreg [dreg:$0x1];
	s21 =	stileid.u32;
	s3 =	simm.s32 $0x0  }
0x3: {  	s7 =	srdreg.scid;
	s31 =	simm.s32 $0x17540;
	s4 =	smul.u32 $0x3C00, s21  }
0x4: {  	[smem:$0x7FF] =	sst s3;
	s5 =	sadd.s32 $0x11200, s0;
	s6 =	sadd.s32 $0x9A00, s0  }
0x5: {  	s10 =	sand.u32 $0x1, s7;
	s11 =	smul.u32 $0x4F000, s21;
	s7 =	sadd.s32 $0x3BAA00, s0  }
0x6: {  	s8 =	sadd.s32 $0x3BB000, s0;
	s14 =	smul.u32 $0x13C00, s21;
	s16 =	sadd.s32 $0x12DC00, s2  }
0x7: {  	s30 =	simm.s32 $0x1;
	s17 =	sadd.s32 $0x130800, s2;
	s18 =	sadd.s32 $0x133400, s2  }
0x8: {  	s20 =	sadd.s32 $0x136000, s2;
	p0 =	seq.s32 s21, $0xF;
	s29 =	sadd.s32 $0x128400, s2  }
0x9: {  	s21 =	simm.s32 $0x0;
	_ =	strace $0x8000004A;
	s13 =	smul.u32 $0x1D4C0, s10  }
0xa: {  	s26 =	ssub.s32 $0x2, s10;
	s10 =	smul.u32 $0xEA6000, s10;
	[dreg:$0x16] =	wrdreg s29  }
0xb: {  	s1 =	sshrl.u32 s4, $0x3;
	s12 =	sshrl.u32 s26, $0x1;
	s11 =	sshrl.u32 s11, $0x2  }
0xc: {  	s9 =	sadd.s32 s1, s0;
	s0 =	ssub.s32 s26, s12;
	s14 =	sadd.s32 s10, s14  }
0xd: {  	s22 =	sadd.s32 s11, s2;
	s10 =	sadd.s32 $0x128400, s10;
	[dreg:$0x6] =	wrdreg s14  }
0xe: {  	s19 =	sadd.s32 $0xFFFFD8F0, s13;
	s23 =	sadd.s32 s6, s1;
	[dreg:$0x7] =	wrdreg s10  }
0xf: {  	s13 =	sadd.s32 $0x12B000, s2;
	s9 =	sadd.s32 $0x2200, s9;
	[dreg:$0x4] =	wrdreg s22  }
0x10: {  	s1 =	sadd.s32 $0x2C00, s22;
	s11 =	sadd.s32 $0x8400, s22;
	[dreg:$0x5] =	wrdreg s23  }
0x11: {  	s12 =	sadd.s32 $0xB000, s22;
	s0 =	smax.u32 s0, $0x1;
	[dreg:$0x3] =	wrdreg s9  }
0x12: {  	s15 =	sadd.s32 $0xDC00, s22;
	s28 =	sadd.s32 $0x10, s23;
	[dreg:$0x8] =	wrdreg s0  }
0x13: {  	s14 =	simm.s32 $0x176C0;
	s0 =	sshrl.u32 @p0 s13, $0x3;
	[dreg:$0x15] =	wrdreg s28  }
0x14: {  	s10 =	simm.s32 $0x175C0;
	[dreg:$0x9] =	wrdreg s0;
	s0 =	sshrl.u32 @p0 s16, $0x3  }
0x15: {  	v0 =	vmov s19;
	s19 =	simm.s32 $0x5;
	[dreg:$0xa] =	wrdreg s0;
	s0 =	sshrl.u32 @p0 s17, $0x3  }
0x16: {  	s9 =	sadd.s32 $0x5800, s22;
	[dreg:$0xb] =	wrdreg s0;
	s0 =	sshrl.u32 @p0 s18, $0x3  }
0x17: {  	s13 =	simm.s32 $0x2;
	[dreg:$0xc] =	wrdreg s0;
	s0 =	sshrl.u32 @p0 s20, $0x3  }
0x18: {  	s16 =	simm.s32 $0x4;
	[dreg:$0xd] =	wrdreg s0;
	s0 =	sshrl.u32 @!p0 s1, $0x3  }
0x19: {  	s17 =	simm.s32 $0x3;
	[dreg:$0xe] =	wrdreg s0;
	s0 =	sshrl.u32 @!p0 s9, $0x3  }
0x1a: {  	s18 =	simm.s32 $0x9;
	[dreg:$0xf] =	wrdreg s0;
	s0 =	sshrl.u32 @!p0 s11, $0x3  }
0x1b: {  	s1 =	sadd.s32 $0x13400, s22;
	[dreg:$0x10] =	wrdreg s0;
	s0 =	sshrl.u32 @!p0 s12, $0x3  }
.Ltmp0:
0x1c: {  	[dreg:$0x11] =	wrdreg s0;
	s0 =	sshrl.u32 @!p0 s15, $0x3;
	(pc) =	sbr.rel .LBB2_1-.Ltmp0, $4  }
0x1d: {  	s9 =	simm.s32 $0x58;
	[dreg:$0x12] =	wrdreg s0;
	s0 =	sadd.s32 $0x10800, s22  }
0x1e: {  	s11 =	simm.s32 $0x7;
	s12 =	simm.s32 $0x1CEC0;
	s0 =	sshrl.u32 @!p0 s0, $0x3  }
0x1f: {  	s15 =	simm.s32 $0x8;
	[dreg:$0x13] =	wrdreg s0;
	s0 =	sshrl.u32 @!p0 s1, $0x3  }
0x20: {  	s1 =	simm.s32 $0x1A2C0;
	[dreg:$0x14] =	wrdreg s0;
	s0 =	simm.s32 $0x174C0  }
.LBB2_10:
0x21: {  	s21 =	rddreg [dreg:$0x17]  }
0x22: {  	s20 =	rddreg [dreg:$0x8];
	s21 =	sadd.s32 $0x1, s21  }
0x23: {  	p1 =	sne.s32 s21, s20  }
.Ltmp1:
0x24: {  	_ = 	snop;
	(pc) =	sbr.rel @!p1 .LBB2_11-.Ltmp1, $1  }
0x25: {  	_ =	sdelay $0x3  }
.LBB2_1:
0x26: {  	[dreg:$0x17] =	wrdreg s21  }
0x27: {  	s20 =	rddreg [dreg:$0x3];
	s28 =	simm.s32 $0x138C0;
	s29 =	simm.s32 $0xA  }
0x28: {  	[tilespmem:s28], [sflag:$0xA] =	stream.linear.gather [hbm4b:s20+s3], $0x3900, $0x38;
	[tilespmem:$0x1FAC0] =	vst v63  }
0x29: {  	_ =	swait.ge [sflag:s29], $0x3900  }
0x2a: {  	[sflag:s29] =	ssyncset.done $0x0  }
0x2b: {  	s21 =	simm.s32 $0x0;
	[sflag:s29] =	ssyncadd.s32 $0xFFFFC700  }
0x2c: {  	v4 =	vld [tilespmem:s21+$0x138C0]  }
0x2d: {  	v3 =	vld [tilespmem:s21+$0x138D0]  }
0x2e: {  	v2 =	vld [tilespmem:s21+$0x138E0]  }
0x2f: {  	s22 =	simm.s32 $0x200;
	v1 =	vld [tilespmem:s21+$0x138F0]  }
.LBB2_2:
0x30: {  	p1 =	seq.s32 s22, $0xE200;
	v5 =	vld [tilespmem:s21+$0x13900]  }
0x31: {  	v4 =	vadd.s32 v0, v4  }
.Ltmp2:
0x32: {  	s23 =	sshra.s32 s22, $0x2;
	[tilespmem:s21+$0x138C0] =	vst v4;
	v3 =	vadd.s32 v0, v3;
	(pc) =	sbr.rel @!p1 .LBB2_2-.Ltmp2, $4  }
0x33: {  	v4 =	vld [tilespmem:s23+$0x138C0];
	[tilespmem:s21+$0x138D0] =	vst v3;
	v2 =	vadd.s32 v0, v2  }
0x34: {  	v3 =	vld [tilespmem:s23+$0x138D0];
	[tilespmem:s21+$0x138E0] =	vst v2;
	v1 =	vadd.s32 v0, v1  }
0x35: {  	v2 =	vld [tilespmem:s23+$0x138E0];
	[tilespmem:s21+$0x138F0] =	vst v1;
	v5 =	vadd.s32 v0, v5  }
0x36: {  	s22 =	sadd.s32 $0x200, s22;
	v1 =	vld [tilespmem:s23+$0x138F0];
	[tilespmem:s21+$0x13900] =	vst v5;
	s21 =	smov.u32 s23  }
0x37: {  	v5 =	vld [tilespmem:s21+$0x13900]  }
0x38: {  	v4 =	vadd.s32 v0, v4  }
.Ltmp3:
0x39: {  	[tilespmem:s21+$0x138C0] =	vst v4;
	v3 =	vadd.s32 v0, v3;
	(pc) =	sbr.rel .LBB2_4-.Ltmp3, $4  }
0x3a: {  	[tilespmem:s21+$0x138D0] =	vst v3;
	v2 =	vadd.s32 v0, v2  }
0x3b: {  	[tilespmem:s21+$0x138E0] =	vst v2;
	v1 =	vadd.s32 v0, v1  }
0x3c: {  	[tilespmem:s21+$0x138F0] =	vst v1;
	v1 =	vadd.s32 v0, v5  }
0x3d: {  	[tilespmem:s21+$0x13900] =	vst v1;
	s21 =	simm.s32 $0x0  }
.LBB2_9:
0x3e: {  	_ =	swait.ge [sflag:s17], $0x2C00  }
0x3f: {  	[sflag:s17] =	ssyncset.done $0x0  }
0x40: {  	[sflag:s17] =	ssyncadd.s32 $0xFFFFD400  }
0x41: {  	_ =	swait.ge [sflag:s18], $0x80  }
0x42: {  	[sflag:s18] =	ssyncset.done $0x0  }
0x43: {  	[sflag:s18] =	ssyncadd.s32 $0xFFFFFF80  }
0x44: {  	[spmem:s2] =	stream.indirect.scatter.add.f32 [tilespmem:s12], [sflag:$0x6], $0x80, s10, s9, $0xb8;
	[tilespmem:$0x1FAC0] =	vst v63  }
0x45: {  	_ =	swait.ge [sflag:s19], $0x2C00  }
0x46: {  	[sflag:s19] =	ssyncset.done $0x0  }
0x47: {  	s26 =	simm.s32 $0x6;
	[sflag:s19] =	ssyncadd.s32 $0xFFFFD400  }
0x48: {  	s20 =	smul.u32 $0x138800, s21;
	_ =	swait.ge [sflag:s26], $0x2C00  }
0x49: {  	s25 =	rddreg [dreg:$0x7]  }
0x4a: {  	[sflag:s26] =	ssyncset.done $0x0;
	s25 =	sadd.s32 @p0 s20, s25  }
0x4b: {  	[sflag:s26] =	ssyncadd.s32 $0xFFFFD400;
	s25 =	sshrl.u32 @p0 s25, $0x3  }
0x4c: {  	s26 =	simm.s32 @p0 $0x1FCA;
	[bflag:$0x0] =	sbarrier.arrive $0xFFFF;
	s25 =	sadd.s32 @p0 s8, s25  }
0x4d: {  	[hbm:s25], [sflag:s26] =	dma.local @p0 [spmem:s22], $0x2080  }
0x4e: {  	s22 =	simm.s32 @p0 $0xA  }
0x4f: {  	_ =	swait.ge @p0 [sflag:s22], $0x2080  }
0x50: {  	s25 =	rddreg [dreg:$0x6]  }
0x51: {  	s20 =	sadd.s32 @!p0 s20, s25  }
0x52: {  	[sflag:s22] =	ssyncset.done @p0 $0x0;
	s20 =	sshrl.u32 @!p0 s20, $0x3  }
0x53: {  	s21 =	sadd.s32 $0x1, s21;
	[sflag:s22] =	ssyncadd.s32 @p0 $0xFFFFDF80;
	s20 =	sadd.s32 @!p0 s8, s20  }
0x54: {  	[hbm:s20], [sflag:s23] =	dma.local @!p0 [spmem:s24], $0x2780  }
0x55: {  	p1 =	sne.s32 s21, $0xC;
	s20 =	simm.s32 @!p0 $0xA  }
.Ltmp4:
0x56: {  	_ =	swait.ge @!p0 [sflag:s20], $0x2780;
	(pc) =	sbr.rel @!p1 .LBB2_10-.Ltmp4, $3  }
0x57: {  	[sflag:s20] =	ssyncset.done @!p0 $0x0  }
0x58: {  	[sflag:s20] =	ssyncadd.s32 @!p0 $0xFFFFD880  }
0x59: {  	[bflag:$0x0] =	sbarrier.arrive $0xFFFF;
	_ =	sdelay $0x1  }
.LBB2_4:
0x5a: {  	s22 =	simm.s32 $0x0  }
0x5b: {  	v4 =	vld [tilespmem:s22+$0x138C0]  }
0x5c: {  	v3 =	vld [tilespmem:s22+$0x138D0]  }
0x5d: {  	v2 =	vld [tilespmem:s22+$0x138E0]  }
0x5e: {  	s23 =	simm.s32 $0x200;
	v1 =	vld [tilespmem:s22+$0x138F0]  }
.LBB2_5:
0x5f: {  	p1 =	sne.s32 s23, $0xE200;
	v5 =	vld [tilespmem:s22+$0x13900]  }
0x60: {  	v4 =	vadd.s32 $0x2710, v4  }
.Ltmp5:
0x61: {  	s24 =	sshra.s32 s23, $0x2;
	[tilespmem:s22+$0x138C0] =	vst v4;
	v3 =	vadd.s32 $0x2710, v3;
	(pc) =	sbr.rel @p1 .LBB2_5-.Ltmp5, $4  }
0x62: {  	v4 =	vld [tilespmem:s24+$0x138C0];
	[tilespmem:s22+$0x138D0] =	vst v3;
	v2 =	vadd.s32 $0x2710, v2  }
0x63: {  	v3 =	vld [tilespmem:s24+$0x138D0];
	[tilespmem:s22+$0x138E0] =	vst v2;
	v1 =	vadd.s32 $0x2710, v1  }
0x64: {  	v2 =	vld [tilespmem:s24+$0x138E0];
	[tilespmem:s22+$0x138F0] =	vst v1;
	v5 =	vadd.s32 $0x2710, v5  }
0x65: {  	s23 =	sadd.s32 $0x200, s23;
	v1 =	vld [tilespmem:s24+$0x138F0];
	[tilespmem:s22+$0x13900] =	vst v5;
	s22 =	smov.u32 s24  }
0x66: {  	v5 =	vld [tilespmem:s22+$0x13900]  }
0x67: {  	v4 =	vadd.s32 $0x2710, v4  }
0x68: {  	[tilespmem:s22+$0x138C0] =	vst v4;
	v3 =	vadd.s32 $0x2710, v3  }
0x69: {  	[tilespmem:s22+$0x138D0] =	vst v3;
	v2 =	vadd.s32 $0x2710, v2  }
0x6a: {  	[tilespmem:s22+$0x138E0] =	vst v2;
	v1 =	vadd.s32 $0x2710, v1  }
0x6b: {  	[tilespmem:s22+$0x138F0] =	vst v1;
	v1 =	vadd.s32 $0x2710, v5  }
0x6c: {  	s20 =	rddreg [dreg:$0x5];
	[tilespmem:s22+$0x13900] =	vst v1  }
0x6d: {  	[tilespmem:s0], [sflag:$0x7] =	stream.linear.gather [hbm4b:s20+s3], $0x80, $0x38;
	[tilespmem:$0x1FAC0] =	vst v63  }
0x6e: {  	s26 =	simm.s32 $0x138C0;
	s28 =	rddreg [dreg:$0x15]  }
0x6f: {  	[tilespmem:s14], [sflag:$0x1] =	stream.indirect.gather [hbm4b:s5+s9], $0x80, s26, s9, $0xb8;
	[tilespmem:$0x1FAC0] =	vst v63  }
0x70: {  	s29 =	simm.s32 $0x13940;
	s20 =	rddreg [dreg:$0x16]  }
0x71: {  	[tilespmem:s31], [sflag:$0x8] =	stream.linear.gather [hbm4b:s28+s3], $0x80, $0x38;
	[tilespmem:$0x1FAC0] =	vst v63  }
0x72: {  	s23 =	simm.s32 @p0 $0x1FCA;
	s24 =	simm.s32 @p0 $0xA;
	s22 =	sshrl.u32 @p0 s20, $0x3  }
0x73: {  	[tilespmem:s1], [sflag:$0x2] =	stream.indirect.gather [hbm4b:s5+s9], $0x80, s29, s9, $0xb8;
	[tilespmem:$0x1FAC0] =	vst v63  }
0x74: {  	[spmem:s22], [sflag:s23] =	dma.local @p0 [hbm:s7], $0x580  }
0x75: {  	_ =	swait.ge @p0 [sflag:s24], $0x580  }
0x76: {  	[sflag:s24] =	ssyncset.done @p0 $0x0  }
0x77: {  	s20 =	rddreg [dreg:$0x9];
	[sflag:s24] =	ssyncadd.s32 @p0 $0xFFFFFA80  }
0x78: {  	[spmem:s20], [sflag:s23] =	dma.local @p0 [hbm:s7], $0x580  }
0x79: {  	_ =	swait.ge @p0 [sflag:s24], $0x580  }
0x7a: {  	[sflag:s24] =	ssyncset.done @p0 $0x0  }
0x7b: {  	s20 =	rddreg [dreg:$0xa];
	[sflag:s24] =	ssyncadd.s32 @p0 $0xFFFFFA80  }
0x7c: {  	[spmem:s20], [sflag:s23] =	dma.local @p0 [hbm:s7], $0x580  }
0x7d: {  	_ =	swait.ge @p0 [sflag:s24], $0x580  }
0x7e: {  	[sflag:s24] =	ssyncset.done @p0 $0x0  }
0x7f: {  	s20 =	rddreg [dreg:$0xb];
	[sflag:s24] =	ssyncadd.s32 @p0 $0xFFFFFA80  }
0x80: {  	[spmem:s20], [sflag:s23] =	dma.local @p0 [hbm:s7], $0x580  }
0x81: {  	_ =	swait.ge @p0 [sflag:s24], $0x580  }
0x82: {  	[sflag:s24] =	ssyncset.done @p0 $0x0  }
0x83: {  	s20 =	rddreg [dreg:$0xc];
	[sflag:s24] =	ssyncadd.s32 @p0 $0xFFFFFA80  }
0x84: {  	[spmem:s20], [sflag:s23] =	dma.local @p0 [hbm:s7], $0x580  }
0x85: {  	_ =	swait.ge @p0 [sflag:s24], $0x580  }
0x86: {  	[sflag:s24] =	ssyncset.done @p0 $0x0  }
0x87: {  	s20 =	rddreg [dreg:$0xd];
	[sflag:s24] =	ssyncadd.s32 @p0 $0xFFFFFA80  }
0x88: {  	[spmem:s20], [sflag:s23] =	dma.local @p0 [hbm:s7], $0x580  }
0x89: {  	s25 =	simm.s32 @!p0 $0xA;
	s20 =	stileid.u32;
	_ =	swait.ge @p0 [sflag:s24], $0x580  }
0x8a: {  	s23 =	sshll.u32 @!p0 s20, $0x6;
	[sflag:s24] =	ssyncset.done @p0 $0x0;
	s20 =	rddreg [dreg:$0x4]  }
0x8b: {  	s23 =	sor.u32 @!p0 $0x1C0A, s23;
	[sflag:s24] =	ssyncadd.s32 @p0 $0xFFFFFA80;
	s24 =	sshrl.u32 @!p0 s20, $0x3  }
0x8c: {  	[spmem:s24], [sflag:s23] =	dma.local @!p0 [hbm:s7], $0x580  }
0x8d: {  	_ =	swait.ge @!p0 [sflag:s25], $0x580  }
0x8e: {  	[sflag:s25] =	ssyncset.done @!p0 $0x0  }
0x8f: {  	s20 =	rddreg [dreg:$0xe];
	[sflag:s25] =	ssyncadd.s32 @!p0 $0xFFFFFA80  }
0x90: {  	[spmem:s20], [sflag:s23] =	dma.local @!p0 [hbm:s7], $0x580  }
0x91: {  	_ =	swait.ge @!p0 [sflag:s25], $0x580  }
0x92: {  	[sflag:s25] =	ssyncset.done @!p0 $0x0  }
0x93: {  	s20 =	rddreg [dreg:$0xf];
	[sflag:s25] =	ssyncadd.s32 @!p0 $0xFFFFFA80  }
0x94: {  	[spmem:s20], [sflag:s23] =	dma.local @!p0 [hbm:s7], $0x580  }
0x95: {  	_ =	swait.ge @!p0 [sflag:s25], $0x580  }
0x96: {  	[sflag:s25] =	ssyncset.done @!p0 $0x0  }
0x97: {  	s20 =	rddreg [dreg:$0x10];
	[sflag:s25] =	ssyncadd.s32 @!p0 $0xFFFFFA80  }
0x98: {  	[spmem:s20], [sflag:s23] =	dma.local @!p0 [hbm:s7], $0x580  }
0x99: {  	_ =	swait.ge @!p0 [sflag:s25], $0x580  }
0x9a: {  	[sflag:s25] =	ssyncset.done @!p0 $0x0  }
0x9b: {  	s20 =	rddreg [dreg:$0x11];
	[sflag:s25] =	ssyncadd.s32 @!p0 $0xFFFFFA80  }
0x9c: {  	[spmem:s20], [sflag:s23] =	dma.local @!p0 [hbm:s7], $0x580  }
0x9d: {  	_ =	swait.ge @!p0 [sflag:s25], $0x580  }
0x9e: {  	[sflag:s25] =	ssyncset.done @!p0 $0x0  }
0x9f: {  	s20 =	rddreg [dreg:$0x12];
	[sflag:s25] =	ssyncadd.s32 @!p0 $0xFFFFFA80  }
0xa0: {  	[spmem:s20], [sflag:s23] =	dma.local @!p0 [hbm:s7], $0x580  }
0xa1: {  	_ =	swait.ge @!p0 [sflag:s25], $0x580  }
0xa2: {  	[sflag:s25] =	ssyncset.done @!p0 $0x0  }
0xa3: {  	s20 =	rddreg [dreg:$0x13];
	[sflag:s25] =	ssyncadd.s32 @!p0 $0xFFFFFA80  }
0xa4: {  	[spmem:s20], [sflag:s23] =	dma.local @!p0 [hbm:s7], $0x580  }
0xa5: {  	_ =	swait.ge @!p0 [sflag:s25], $0x580  }
0xa6: {  	[sflag:s25] =	ssyncset.done @!p0 $0x0  }
0xa7: {  	s20 =	rddreg [dreg:$0x14];
	[sflag:s25] =	ssyncadd.s32 @!p0 $0xFFFFFA80  }
0xa8: {  	[spmem:s20], [sflag:s23] =	dma.local @!p0 [hbm:s7], $0x100  }
0xa9: {  	_ =	swait.ge @!p0 [sflag:s25], $0x100  }
0xaa: {  	[sflag:s25] =	ssyncset.done @!p0 $0x0  }
0xab: {  	[sflag:s25] =	ssyncadd.s32 @!p0 $0xFFFFFF00  }
0xac: {  	s26 =	simm.s32 $0x13AC0;
	s25 =	simm.s32 $0x200;
	[bflag:$0x0] =	sbarrier.arrive $0xFFFF  }
.LBB2_7:
0xad: {  	_ =	swait.ge [sflag:s30], $0x2C00  }
0xae: {  	[sflag:s30] =	ssyncset.done $0x0  }
0xaf: {  	[sflag:s30] =	ssyncadd.s32 $0xFFFFD400  }
0xb0: {  	s28 =	sadd.s32 $0xFFFFFF00, s25;
	p1 =	seq.s32 s25, $0x200;
	_ =	swait.ge [sflag:s11], $0x80  }
0xb1: {  	s29 =	sand.u32 $0xFC00, s28;
	s20 =	simm.s32 @!p1 $0x6;
	[sflag:s11] =	ssyncset.done $0x0  }
0xb2: {  	s28 =	sand.u32 $0x380, s28;
	s29 =	sadd.s32 s4, s29;
	[sflag:s11] =	ssyncadd.s32 $0xFFFFFF80  }
0xb3: {  	[spmem:s2] =	stream.indirect.scatter.add.f32 [tilespmem:s14], [sflag:$0x4], $0x80, s0, s9, $0xb8;
	[tilespmem:$0x1FAC0] =	vst v63  }
0xb4: {  	s28 =	sor.u32 s28, s29;
	_ =	swait.ge @!p1 [sflag:s20], $0x2C00  }
0xb5: {  	s28 =	sshrl.u32 s28, $0x3;
	[sflag:s20] =	ssyncset.done @!p1 $0x0  }
0xb6: {  	s28 =	sadd.s32 s6, s28;
	[sflag:s20] =	ssyncadd.s32 @!p1 $0xFFFFD400  }
0xb7: {  	[tilespmem:s10], [sflag:$0x9] =	stream.linear.gather [hbm4b:s28+s3], $0x80, $0x38;
	[tilespmem:$0x1FAC0] =	vst v63  }
0xb8: {  	s29 =	sadd.s32 $0xFFFFFF00, s26  }
0xb9: {  	[tilespmem:s12], [sflag:$0x3] =	stream.indirect.gather [hbm4b:s5+s9], $0x80, s29, s9, $0xb8;
	[tilespmem:$0x1FAC0] =	vst v63  }
0xba: {  	_ =	swait.ge [sflag:s13], $0x2C00  }
0xbb: {  	[sflag:s13] =	ssyncset.done $0x0  }
0xbc: {  	[sflag:s13] =	ssyncadd.s32 $0xFFFFD400  }
0xbd: {  	_ =	swait.ge [sflag:s15], $0x80  }
0xbe: {  	p1 =	seq.s32 s25, $0x3980;
	[sflag:s15] =	ssyncset.done $0x0  }
.Ltmp6:
0xbf: {  	[sflag:s15] =	ssyncadd.s32 $0xFFFFFF80;
	(pc) =	sbr.rel @p1 .LBB2_9-.Ltmp6, $4  }
0xc0: {  	[spmem:s2] =	stream.indirect.scatter.add.f32 [tilespmem:s1], [sflag:$0x5], $0x80, s31, s9, $0xb8;
	[tilespmem:$0x1FAC0] =	vst v63  }
0xc1: {  	_ =	swait.ge [sflag:s16], $0x2C00  }
0xc2: {  	[sflag:s16] =	ssyncset.done $0x0  }
0xc3: {  	[sflag:s16] =	ssyncadd.s32 $0xFFFFD400  }
0xc4: {  	s20 =	sadd.s32 $0xFFFFFF80, s25  }
0xc5: {  	s28 =	sand.u32 $0xFC00, s20  }
0xc6: {  	s20 =	sand.u32 $0x380, s20;
	s28 =	sadd.s32 s4, s28  }
0xc7: {  	s20 =	sor.u32 s20, s28  }
0xc8: {  	s20 =	sshrl.u32 s20, $0x3  }
0xc9: {  	s20 =	sadd.s32 s6, s20  }
0xca: {  	[tilespmem:s0], [sflag:$0x7] =	stream.linear.gather [hbm4b:s20+s3], $0x80, $0x38;
	[tilespmem:$0x1FAC0] =	vst v63  }
0xcb: {  	s29 =	sadd.s32 $0xFFFFFF80, s26  }
0xcc: {  	[tilespmem:s14], [sflag:$0x1] =	stream.indirect.gather [hbm4b:s5+s9], $0x80, s29, s9, $0xb8;
	[tilespmem:$0x1FAC0] =	vst v63  }
0xcd: {  	_ =	swait.ge [sflag:s17], $0x2C00  }
0xce: {  	[sflag:s17] =	ssyncset.done $0x0  }
0xcf: {  	[sflag:s17] =	ssyncadd.s32 $0xFFFFD400  }
0xd0: {  	_ =	swait.ge [sflag:s18], $0x80  }
0xd1: {  	s28 =	sand.u32 $0xFC00, s25;
	[sflag:s18] =	ssyncset.done $0x0  }
0xd2: {  	s20 =	sadd.s32 s4, s28;
	s29 =	sand.u32 $0x380, s25;
	[sflag:s18] =	ssyncadd.s32 $0xFFFFFF80  }
0xd3: {  	[spmem:s2] =	stream.indirect.scatter.add.f32 [tilespmem:s12], [sflag:$0x6], $0x80, s10, s9, $0xb8;
	[tilespmem:$0x1FAC0] =	vst v63  }
0xd4: {  	s20 =	sor.u32 s29, s20;
	_ =	swait.ge [sflag:s19], $0x2C00  }
0xd5: {  	s20 =	sshrl.u32 s20, $0x3;
	[sflag:s19] =	ssyncset.done $0x0  }
.Ltmp7:
0xd6: {  	s20 =	sadd.s32 s6, s20;
	[sflag:s19] =	ssyncadd.s32 $0xFFFFD400;
	(pc) =	sbr.rel .LBB2_7-.Ltmp7, $4  }
0xd7: {  	[tilespmem:s31], [sflag:$0x8] =	stream.linear.gather [hbm4b:s20+s3], $0x80, $0x38;
	[tilespmem:$0x1FAC0] =	vst v63  }
0xd8: {  	_ = 	snop  }
0xd9: {  	[tilespmem:s1], [sflag:$0x2] =	stream.indirect.gather [hbm4b:s5+s9], $0x80, s26, s9, $0xb8;
	[tilespmem:$0x1FAC0] =	vst v63  }
0xda: {  	s25 =	sadd.s32 $0x180, s25;
	s26 =	sadd.s32 $0x180, s26  }
.LBB2_11:
0xdb: {  	_ =	sfence.sel $0x180000  }
0xdc: {  	[bflag:$0x0] =	sbarrier.arrive $0xFFFF  }
0xdd: {  	_ =	strace $0x9000004A  }
0xde: {  	s0 =	stileid.u32;
	[bflag:$0x2] =	sbarrier.arrive $0xFFFF  }
0xdf: {  	p0 =	sne.s32 s0, $0x0;
	s0 =	rddreg [dreg:$0x2]  }
0xe0: {  	s0 =	sadd.s32 @!p0 $0x100000, s0  }
0xe1: {  	[sflag:s0] =	ssyncadd.tile.s32 @!p0 $0x1;
	_ =	shalt  }
.Lfunc_end2:
_tile_overlayer_lowered:
.L_overlay_start_2:
0xe2: {  	(tag) =	ssettag $0x2  }
0xe3: {  	s0 =	rddreg [dreg:$0x0];
	s2 =	stileid.u32  }
0xe4: {  	s1 =	rddreg [dreg:$0x1];
	p0 =	sne.s32 s2, $0x0  }
0xe5: {  	s3 =	rddreg [dreg:$0x2];
	[bflag:$0x3] =	sbarrier.arrive $0xFFFF;
	s2 =	simm.s32 @!p0 $0x1C0A  }
0xe6: {  	[timem:s3], [sflag:s2] =	dma.local @!p0 [hbm:s0], s1  }
0xe7: {  	s0 =	simm.s32 @!p0 $0xA  }
0xe8: {  	_ =	swait.ge @!p0 [sflag:s0], s1  }
0xe9: {  	s1 =	ssub.s32 @!p0 $0x0, s1;
	[sflag:s0] =	ssyncset.done @!p0 $0x0  }
0xea: {  	[sflag:s0] =	ssyncadd.s32 @!p0 s1  }
0xeb: {  	[bflag:$0x3] =	sbarrier.arrive $0xFFFF  }
0xec: {  	_ =	shalt  }

// kernel: kernel.8.cloned.1.call-start
scs
__scs_entry_jumppad:
0x0: {  	(pc) =	sbr.rel $0x88, $3  }
0x1: {  	(tag) =	ssettag $0x0;
	lr =	simm.s32 $0x1  }
0x2: {  	[smem:$0x3F94] =	sst lr;
	_ =	strace $0xD0000000  }
0x3: {  	_ = 	snop  }
0x4: {  	_ = 	snop  }
0x5: {  	_ = 	snop  }
0x6: {  	_ = 	snop  }
0x7: {  	_ = 	snop  }
__scs_overlays_trampoline_lowered:
0x8: {  	[smem:$0x3FA3] =	sst s0  }
0x9: {  	[smem:$0x3FA4] =	sst s1  }
0xa: {  	[smem:$0x3FA5] =	sst s2  }
0xb: {  	[smem:$0x3FA6] =	sst s3  }
0xc: {  	[smem:$0x3FA7] =	sst s4  }
0xd: {  	[smem:$0x3FA8] =	sst s5  }
0xe: {  	[smem:$0x3FA9] =	sst s6  }
0xf: {  	[smem:$0x3FAA] =	sst s7  }
0x10: {  	[smem:$0x3FAB] =	sst s8  }
0x11: {  	[smem:$0x3FAC] =	sst s9;
	s0 =	simm.s32 @!p0 $0x0  }
0x12: {  	s1 =	sld [smem:$0x3F92];
	s0 =	simm.s32 @p0 $0x1  }
0x13: {  	[smem:$0x3FAD] =	sst s0;
	s0 =	simm.s32 @!p1 $0x0  }
0x14: {  	s2 =	sld [smem:$0x3F91];
	s0 =	simm.s32 @p1 $0x1  }
0x15: {  	[smem:$0x3FAE] =	sst s0;
	s0 =	simm.s32 @!p2 $0x0  }
0x16: {  	s3 =	sld [smem:$0x3FDB];
	s0 =	simm.s32 @p2 $0x1  }
0x17: {  	s4 =	simm.s32 $0x1BF5;
	[smem:$0x3FB0] =	sst s0  }
0x18: {  	s0 =	sld [smem:$0x3F93];
	_ =	swait.ge [sflag:s4], $0x0  }
0x19: {  	s7 =	sld [smem:$0x3F94]  }
0x1a: {  	s8 =	sadd.s32 $0xFFFFE003, lr  }
0x1b: {  	s9 =	sadd.s32 $0xFFFFFEF7, lr;
	s5 =	simm.s32 $0xFFFFFFFF;
	p2 =	slt.u32 s8, $0xFFFFF086  }
0x1c: {  	p1 =	slt.u32 s9, $0xF7A;
	s5 =	simm.s32 @!p2 $0x0  }
0x1d: {  	s5 =	simm.s32 @p1 $0x1;
	p0 =	seq.s32 s7, s2  }
0x1e: {  	s7 =	smul.u32 @!p0 $0xF7A, s2;
	p2 =	seq.s32 @!p0 s5, $0x0  }
0x1f: {  	s9 =	smul.u32 $0xF7A, s1;
	s8 =	simm.s32 @!p0 $0x1BF5;
	p2 =	por !p2, p0  }
0x20: {  	[sflag:s8] =	ssyncset.s32 @!p0 $0xFFFFF086;
	s6 =	sadd.s32 @!p0 s3, s7;
	s7 =	simm.s32 @!p0 $0x108  }
0x21: {  	s3 =	sadd.s32 s3, s9;
	s6 =	sadd.s32 @!p0 $0x88, s6;
	s7 =	simm.s32 @p2 $0x1082  }
0x22: {  	[simem:s7], [sflag:s8] =	dma.local @!p0 [hbm:s6], $0xF7A  }
0x23: {  	s9 =	sor.u32 $0xD0000000, s2;
	s6 =	simm.s32 $0x108;
	_ =	swait.ge @!p0 [sflag:s8], $0x0  }
0x24: {  	s3 =	sadd.s32 $0x88, s3;
	s6 =	simm.s32 @!p1 $0x1082;
	[sflag:s4] =	ssyncset.s32 $0xFFFFF086  }
0x25: {  	[simem:s6], [sflag:s4] =	dma.local [hbm:s3], $0xF7A  }
0x26: {  	[smem:$0x3F94] =	sst s1;
	(tag) =	ssettag s2;
	_ =	strace s9  }
0x27: {  	s1 =	sld [smem:$0x3FA4]  }
0x28: {  	s2 =	sld [smem:$0x3FA5]  }
0x29: {  	s4 =	sld [smem:$0x3FA7]  }
0x2a: {  	p0 =	seq.s32 s5, $0x0;
	s5 =	sld [smem:$0x3FA8]  }
0x2b: {  	s6 =	sld [smem:$0x3FA9]  }
0x2c: {  	s7 =	sld [smem:$0x3FAA]  }
0x2d: {  	s3 =	simm.s32 $0x108;
	s8 =	sld [smem:$0x3FAB]  }
0x2e: {  	s3 =	simm.s32 @!p0 $0x1082;
	s9 =	sld [smem:$0x3FAC]  }
0x2f: {  	lr =	sadd.s32 s0, s3;
	s0 =	sld [smem:$0x3FA3]  }
0x30: {  	s3 =	sld [smem:$0x3FA6]  }
0x31: {  	[smem:$0x3FAF] =	sst s10  }
0x32: {  	s10 =	sld [smem:$0x3FAD];
	_ =	sdelay $0x3  }
0x33: {  	p0 =	seq.s32 s10, $0x1;
	s10 =	sld [smem:$0x3FAF];
	_ =	sdelay $0x3  }
0x34: {  	[smem:$0x3FAF] =	sst s10  }
0x35: {  	s10 =	sld [smem:$0x3FAE];
	_ =	sdelay $0x3  }
0x36: {  	p1 =	seq.s32 s10, $0x1;
	s10 =	sld [smem:$0x3FAF];
	_ =	sdelay $0x3  }
0x37: {  	[smem:$0x3FAF] =	sst s10  }
0x38: {  	s10 =	sld [smem:$0x3FB0]  }
0x39: {  	_ = 	snop;
	(pc) =	sbr.ind lr, $3  }
0x3a: {  	_ = 	snop  }
0x3b: {  	_ = 	snop  }
0x3c: {  	p2 =	seq.s32 s10, $0x1;
	s10 =	sld [smem:$0x3FAF]  }
0x3d: {  	_ =	shalt  }
0x3e: {  	_ =	shalt  }
0x3f: {  	_ =	shalt  }
0x40: {  	_ =	shalt  }
0x41: {  	_ =	shalt  }
0x42: {  	_ =	shalt  }
0x43: {  	_ =	shalt  }
0x44: {  	_ =	shalt  }
0x45: {  	_ =	shalt  }
0x46: {  	_ =	shalt  }
0x47: {  	_ =	shalt  }
0x48: {  	_ =	shalt  }
0x49: {  	_ =	shalt  }
0x4a: {  	_ =	shalt  }
0x4b: {  	_ =	shalt  }
0x4c: {  	_ =	shalt  }
0x4d: {  	_ =	shalt  }
0x4e: {  	_ =	shalt  }
0x4f: {  	_ =	shalt  }
0x50: {  	_ =	shalt  }
0x51: {  	_ =	shalt  }
0x52: {  	_ =	shalt  }
0x53: {  	_ =	shalt  }
0x54: {  	_ =	shalt  }
0x55: {  	_ =	shalt  }
0x56: {  	_ =	shalt  }
0x57: {  	_ =	shalt  }
0x58: {  	_ =	shalt  }
0x59: {  	_ =	shalt  }
0x5a: {  	_ =	shalt  }
0x5b: {  	_ =	shalt  }
0x5c: {  	_ =	shalt  }
0x5d: {  	_ =	shalt  }
0x5e: {  	_ =	shalt  }
0x5f: {  	_ =	shalt  }
0x60: {  	_ =	shalt  }
0x61: {  	_ =	shalt  }
0x62: {  	_ =	shalt  }
0x63: {  	_ =	shalt  }
0x64: {  	_ =	shalt  }
0x65: {  	_ =	shalt  }
0x66: {  	_ =	shalt  }
0x67: {  	_ =	shalt  }
0x68: {  	_ =	shalt  }
0x69: {  	_ =	shalt  }
0x6a: {  	_ =	shalt  }
0x6b: {  	_ =	shalt  }
0x6c: {  	_ =	shalt  }
0x6d: {  	_ =	shalt  }
0x6e: {  	_ =	shalt  }
0x6f: {  	_ =	shalt  }
0x70: {  	_ =	shalt  }
0x71: {  	_ =	shalt  }
0x72: {  	_ =	shalt  }
0x73: {  	_ =	shalt  }
0x74: {  	_ =	shalt  }
0x75: {  	_ =	shalt  }
0x76: {  	_ =	shalt  }
0x77: {  	_ =	shalt  }
0x78: {  	_ =	shalt  }
0x79: {  	_ =	shalt  }
0x7a: {  	_ =	shalt  }
0x7b: {  	_ =	shalt  }
0x7c: {  	_ =	shalt  }
0x7d: {  	_ =	shalt  }
0x7e: {  	_ =	shalt  }
0x7f: {  	_ =	shalt  }
0x80: {  	_ =	shalt  }
0x81: {  	_ =	shalt  }
0x82: {  	_ =	shalt  }
0x83: {  	_ =	shalt  }
0x84: {  	_ =	shalt  }
0x85: {  	_ =	shalt  }
0x86: {  	_ =	shalt  }
0x87: {  	_ =	shalt  }
.Lfunc_end0:
.L_simem_size_0:
called_computation_lowered:
.L_overlay_start_0:
0x88: {  	s2 =	sld [smem:$0x3FD9]  }
0x89: {  	s3 =	sld [smem:$0x3FFE];
	_ =	sdelay $0x1  }
0x8a: {  	s1 =	srdreg.scid  }
0x8b: {  	s0 =	sand.u32 $0x1, s1  }
0x8c: {  	s16 =	sshll.u32 s0, $0xA;
	s2 =	sadd.s32 s3, s2  }
0x8d: {  	s2 =	sadd.s32 s2, s16  }
0x8e: {  	[smem:$0x3FBB] =	sst s2  }
0x8f: {  	_ = 	snop  }
0x90: {  	(tm) =	ssettm $0x1  }
0x91: {  	s17 =	sld [smem:$0x3FFB];
	_ =	sdelay $0x3  }
0x92: {  	_ =	strace s17  }
0x93: {  	s2 =	sld [smem:$0x3FFC];
	_ =	sdelay $0x3  }
0x94: {  	_ =	strace s2  }
0x95: {  	s2 =	sld [smem:$0x3FFD];
	_ =	sdelay $0x3  }
0x96: {  	_ =	strace s2  }
0x97: {  	_ =	strace $0x8FFFFFFF  }
0x98: {  	s18 =	sld [smem:$0x3FDB];
	_ =	sdelay $0x1  }
0x99: {  	s19 =	simm.s32 $_scs_section_size  }
0x9a: {  	s4 =	simm.s32 $_size__tile_overlayer_lowered;
	s5 =	simm.s32 $_tile_overlayer_lowered  }
0x9b: {  	s22 =	simm.s32 $0x1BFF;
	s21 =	sshll.u32 s5, $0x1;
	s2 =	sadd.s32 s19, s18  }
0x9c: {  	s6 =	simm.s32 $0x0;
	s20 =	sshll.u32 s4, $0x1;
	s4 =	sadd.s32 s21, s2  }
0x9d: {  	[timem:s6], [sflag:s22] =	dma.local [hbm:s4], s20  }
0x9e: {  	_ =	swait.ge [sflag:s22], s20  }
0x9f: {  	s3 =	ssub.s32 $0x0, s20;
	[sflag:s22] =	ssyncset.done $0x0  }
0xa0: {  	[sflag:s22] =	ssyncadd.s32 s3;
	_ =	sdelay $0x1  }
0xa1: {  	s23 =	simm.s32 $0x1B8B  }
0xa2: {  	_ =	swait.ge [sflag:s23], $0x1  }
0xa3: {  	[sflag:s23] =	ssyncset.done $0x0  }
0xa4: {  	s25 =	simm.s32 $0x1B8E;
	s24 =	sld [smem:$0x3FFE];
	[sflag:s23] =	ssyncadd.s32 $0xFFFFFFFF  }
0xa5: {  	s26 =	simm.s32 $execute0_lowered;
	[smem:$0x3FD2] =	sst s25  }
0xa6: {  	s4 =	sshll.u32 s26, $0x1;
	_ =	strace $0x80000046;
	[dreg:$0x1] =	wrdreg $0xFFFFFFFF  }
0xa7: {  	s28 =	simm.s32 $_size_execute0_lowered;
	s2 =	sadd.s32 s2, s4;
	[dreg:$0x0] =	wrdreg $0x0  }
0xa8: {  	s4 =	sshll.u32 s28, $0x1;
	[dreg:$0x2] =	wrdreg s2  }
0xa9: {  	[dreg:$0x3] =	wrdreg s4  }
0xaa: {  	[dreg:$0x4] =	wrdreg $0xC0  }
0xab: {  	_ =	task [dreg:s6], $0x5FFFF  }
0xac: {  	[dreg:$0x1] =	wrdreg $0xFFFFFFFF  }
0xad: {  	[dreg:$0x0] =	wrdreg $0x60  }
0xae: {  	[dreg:$0x2] =	wrdreg s24  }
0xaf: {  	[dreg:$0x3] =	wrdreg $0x0  }
0xb0: {  	[dreg:$0x4] =	wrdreg $0x9  }
0xb1: {  	_ =	task.clear_ibuf [dreg:s6], $0x5FFFF;
	_ =	strace $0x90000046  }
0xb2: {  	s29 =	simm.s32 $0x9;
	_ =	strace $0x80000048  }
0xb3: {  	_ =	swait.ge [sflag:s29], $0x1  }
0xb4: {  	[sflag:s29] =	ssyncadd.s32 $0xFFFFFFFF  }
0xb5: {  	_ =	strace $0x90000048  }
0xb6: {  	_ =	sfence  }
0xb7: {  	s30 =	sld [smem:$0x0];
	_ =	sdelay $0x2  }
0xb8: {  	s31 =	sshll.u32 s1, $0xD;
	s1 =	sshrl.u32 s1, $0x2  }
0xb9: {  	s3 =	sand.u32 $0x4000, s31;
	s1 =	sadd.s32 s1, s30  }
0xba: {  	s0 =	sor.u32 s3, s0;
	s1 =	sshll.u32 s1, $0x11  }
0xbb: {  	s0 =	sor.u32 s1, s0  }
0xbc: {  	s0 =	sadd.s32 $0x8F2B, s0  }
0xbd: {  	[sflag:s0] =	ssyncadd.remote.s32 $0x1  }
0xbe: {  	_ =	sfence.sel $0xFFFF  }
0xbf: {  	[dreg:$0x0] =	wrdreg $0xFFFFFFFF;
	(pc) =	sbr.abs _section_cstart, $3  }
0xc0: {  	[dreg:$0x1] =	wrdreg $0xFFFFFFFF  }
0xc1: {  	_ =	task.clear_ibuf [dreg:s6], $0x2FFFF;
	_ =	strace $0x9FFFFFFF  }
0xc2: {  	(tm) =	ssettm $0x7FFFFFFF  }
0xc3: {  	_ =	shalt  }
tec
execute0_lowered:
.L_overlay_start_1:
0x0: {  	(tag) =	ssettag $0x1  }
0x1: {  	s0 =	rddreg [dreg:$0x0]  }
0x2: {  	s2 =	rddreg [dreg:$0x1]  }
0x3: {  	s8 =	stileid.u32;
	s3 =	simm.s32 $0x0;
	s17 =	srdreg.scid  }
0x4: {  	s28 =	simm.s32 $0x5;
	s29 =	simm.s32 $0x6;
	s31 =	simm.s32 $0x1A2C0  }
0x5: {  	s4 =	smul.u32 $0x3C00, s8;
	[smem:$0x7FF] =	sst s3;
	s5 =	sadd.s32 $0x11200, s0  }
0x6: {  	s6 =	sadd.s32 $0x9A00, s0;
	s9 =	sadd.s32 $0x3BB000, s0;
	s10 =	smul.u32 $0x2780, s8  }
0x7: {  	s8 =	sadd.s32 $0x3BAA00, s0;
	s11 =	sand.u32 $0x1, s17;
	s13 =	sadd.s32 $0x3BB600, s0  }
0x8: {  	s30 =	sadd.s32 $0x128400, s2;
	_ =	strace $0x80000047;
	[dreg:$0x3] =	wrdreg s9  }
0x9: {  	s9 =	stileid.u32;
	[dreg:$0x4] =	wrdreg s13;
	s18 =	ssub.s32 $0x2, s11  }
0xa: {  	s23 =	smul.u32 $0xEA6000, s11;
	[dreg:$0xd] =	wrdreg s30;
	s10 =	sadd.s32 s10, s0  }
0xb: {  	s1 =	sshrl.u32 s4, $0x3;
	s12 =	smul.u32 $0x4F000, s9;
	s10 =	sadd.s32 $0x764E00, s10  }
0xc: {  	s7 =	sadd.s32 s1, s0;
	s0 =	sadd.s32 $0x789E80, s0;
	[dreg:$0xf] =	wrdreg s10  }
0xd: {  	s26 =	smul.u32 $0x13C00, s9;
	s1 =	sadd.s32 s6, s1;
	[dreg:$0x10] =	wrdreg s0  }
0xe: {  	s14 =	sshrl.u32 s18, $0x1;
	s7 =	sadd.s32 $0x2200, s7;
	[dreg:$0xe] =	wrdreg s1  }
0xf: {  	s13 =	ssub.s32 s18, s14;
	s14 =	sadd.s32 s23, s26;
	[dreg:$0x5] =	wrdreg s7  }
0x10: {  	s15 =	smul.u32 $0x1D4C0, s11;
	s17 =	smax.u32 s13, $0x1;
	[dreg:$0x11] =	wrdreg s14  }
0x11: {  	s12 =	sshrl.u32 s12, $0x2;
	s26 =	sadd.s32 $0x30, s1;
	[dreg:$0x13] =	wrdreg s17  }
0x12: {  	s30 =	sadd.s32 $0x40, s1;
	s16 =	sadd.s32 s12, s2;
	[dreg:$0x1c] =	wrdreg s26  }
0x13: {  	s12 =	sadd.s32 $0xFFFFD8F0, s15;
	s15 =	sadd.s32 $0x128400, s23;
	[dreg:$0x1d] =	wrdreg s30  }
0x14: {  	p2 =	sne.s32 s11, $0x0;
	s11 =	simm.s32 $0x0;
	[dreg:$0x12] =	wrdreg s15  }
0x15: {  	p3 =	seq.s32 @!p2 s9, $0xF;
	s23 =	sadd.s32 $0x136000, s2;
	[dreg:$0x6] =	wrdreg s16  }
0x16: {  	p0 =	seq.s32 s9, $0xF;
	s19 =	sadd.s32 $0x2C00, s16;
	[dreg:$0x19] =	wrdreg s23  }
0x17: {  	p1 =	por !p3, p2;
	s20 =	sadd.s32 $0x5800, s16;
	[dreg:$0x7] =	wrdreg s19  }
0x18: {  	p2 =	por p3, p2;
	s21 =	sadd.s32 $0x8400, s16;
	[dreg:$0x8] =	wrdreg s20  }
0x19: {  	s10 =	simm.s32 $0x1CEC0;
	s22 =	sadd.s32 $0xB000, s16;
	[dreg:$0x9] =	wrdreg s21  }
0x1a: {  	s17 =	simm.s32 $0x17540;
	s24 =	sadd.s32 $0x10800, s16;
	[dreg:$0xa] =	wrdreg s22  }
0x1b: {  	s26 =	simm.s32 $0x9;
	s25 =	sadd.s32 $0x13400, s16;
	[dreg:$0xb] =	wrdreg s24  }
0x1c: {  	s7 =	simm.s32 $0x1;
	s18 =	sadd.s32 $0xDC00, s16;
	[dreg:$0xc] =	wrdreg s25  }
0x1d: {  	s15 =	simm.s32 $0x176C0;
	[dreg:$0x14] =	wrdreg s18;
	s19 =	sadd.s32 $0x12DC00, s2  }
0x1e: {  	s16 =	simm.s32 $0x174C0;
	s20 =	sadd.s32 $0x130800, s2;
	[dreg:$0x15] =	wrdreg s19  }
0x1f: {  	v0 =	vmov s12;
	s12 =	simm.s32 $0x2;
	s21 =	sadd.s32 $0x12B000, s2;
	[dreg:$0x16] =	wrdreg s20  }
.Ltmp0:
0x20: {  	s22 =	sadd.s32 $0x133400, s2;
	[dreg:$0x17] =	wrdreg s21;
	(pc) =	sbr.rel .LBB2_1-.Ltmp0, $4  }
0x21: {  	s24 =	sadd.s32 $0x10, s1;
	s25 =	sadd.s32 $0x20, s1;
	[dreg:$0x18] =	wrdreg s22  }
0x22: {  	s1 =	simm.s32 $0x8;
	s18 =	simm.s32 $0x3;
	[dreg:$0x1a] =	wrdreg s24  }
0x23: {  	[dreg:$0x1b] =	wrdreg s25;
	s22 =	simm.s32 $0xA;
	s20 =	simm.s32 $0x7  }
0x24: {  	s21 =	simm.s32 $0x58;
	s24 =	simm.s32 $0x175C0;
	s25 =	simm.s32 $0x4  }
.LBB2_13:
0x25: {  	s11 =	rddreg [dreg:$0x1e]  }
0x26: {  	s0 =	rddreg [dreg:$0x13];
	s11 =	sadd.s32 $0x1, s11  }
0x27: {  	p3 =	sne.s32 s11, s0  }
.Ltmp1:
0x28: {  	_ = 	snop;
	(pc) =	sbr.rel @!p3 .LBB2_14-.Ltmp1, $2  }
0x29: {  	_ =	sdelay $0x2  }
0x2a: {  	s9 =	stileid.u32;
	s22 =	simm.s32 $0xA  }
.LBB2_1:
0x2b: {  	[dreg:$0x1e] =	wrdreg s11  }
0x2c: {  	s0 =	rddreg [dreg:$0x5];
	s30 =	simm.s32 $0x138C0  }
0x2d: {  	[tilespmem:s30], [sflag:$0xA] =	stream.linear.gather [hbm4b:s0+s3], $0x3900, $0x38;
	[tilespmem:$0x1FAC0] =	vst v63  }
0x2e: {  	_ =	swait.ge [sflag:s22], $0x3900  }
0x2f: {  	[sflag:s22] =	ssyncset.done $0x0  }
0x30: {  	s0 =	simm.s32 $0x0;
	[sflag:s22] =	ssyncadd.s32 $0xFFFFC700  }
0x31: {  	v4 =	vld [tilespmem:s0+$0x138C0]  }
0x32: {  	v3 =	vld [tilespmem:s0+$0x138D0]  }
0x33: {  	v2 =	vld [tilespmem:s0+$0x138E0]  }
0x34: {  	s11 =	simm.s32 $0x200;
	v1 =	vld [tilespmem:s0+$0x138F0]  }
.LBB2_2:
0x35: {  	p3 =	sne.s32 s11, $0xE200;
	v5 =	vld [tilespmem:s0+$0x13900]  }
0x36: {  	v4 =	vadd.s32 v0, v4  }
.Ltmp2:
0x37: {  	s13 =	sshra.s32 s11, $0x2;
	[tilespmem:s0+$0x138C0] =	vst v4;
	v3 =	vadd.s32 v0, v3;
	(pc) =	sbr.rel @p3 .LBB2_2-.Ltmp2, $4  }
0x38: {  	v4 =	vld [tilespmem:s13+$0x138C0];
	[tilespmem:s0+$0x138D0] =	vst v3;
	v2 =	vadd.s32 v0, v2  }
0x39: {  	v3 =	vld [tilespmem:s13+$0x138D0];
	[tilespmem:s0+$0x138E0] =	vst v2;
	v1 =	vadd.s32 v0, v1  }
0x3a: {  	v2 =	vld [tilespmem:s13+$0x138E0];
	[tilespmem:s0+$0x138F0] =	vst v1;
	v5 =	vadd.s32 v0, v5  }
0x3b: {  	s11 =	sadd.s32 $0x200, s11;
	v1 =	vld [tilespmem:s13+$0x138F0];
	[tilespmem:s0+$0x13900] =	vst v5;
	s0 =	smov.u32 s13  }
0x3c: {  	v5 =	vld [tilespmem:s0+$0x13900]  }
0x3d: {  	v4 =	vadd.s32 v0, v4  }
0x3e: {  	[tilespmem:s0+$0x138C0] =	vst v4;
	v3 =	vadd.s32 v0, v3  }
0x3f: {  	[tilespmem:s0+$0x138D0] =	vst v3;
	v2 =	vadd.s32 v0, v2  }
0x40: {  	[tilespmem:s0+$0x138E0] =	vst v2;
	v1 =	vadd.s32 v0, v1  }
0x41: {  	[tilespmem:s0+$0x138F0] =	vst v1;
	v1 =	vadd.s32 v0, v5  }
0x42: {  	[tilespmem:s0+$0x13900] =	vst v1;
	s0 =	rddreg [dreg:$0xd]  }
0x43: {  	s11 =	simm.s32 @p0 $0xA;
	s14 =	sshrl.u32 @p0 s0, $0x3;
	s0 =	simm.s32 @p0 $0x1FCA  }
0x44: {  	[spmem:s14], [sflag:s0] =	dma.local @p0 [hbm:s8], $0x580  }
0x45: {  	_ =	swait.ge @p0 [sflag:s11], $0x580  }
0x46: {  	s13 =	rddreg [dreg:$0x17]  }
0x47: {  	[sflag:s11] =	ssyncset.done @p0 $0x0;
	s13 =	sshrl.u32 @p0 s13, $0x3  }
0x48: {  	[sflag:s11] =	ssyncadd.s32 @p0 $0xFFFFFA80;
	[dreg:$0x1f] =	wrdreg s13  }
0x49: {  	[spmem:s13], [sflag:s0] =	dma.local @p0 [hbm:s8], $0x580  }
0x4a: {  	_ =	swait.ge @p0 [sflag:s11], $0x580  }
0x4b: {  	s13 =	rddreg [dreg:$0x15]  }
0x4c: {  	[sflag:s11] =	ssyncset.done @p0 $0x0;
	s13 =	sshrl.u32 @p0 s13, $0x3  }
0x4d: {  	[sflag:s11] =	ssyncadd.s32 @p0 $0xFFFFFA80;
	[smem:$0x7F3] =	sst s13  }
0x4e: {  	[spmem:s13], [sflag:s0] =	dma.local @p0 [hbm:s8], $0x580  }
0x4f: {  	_ =	swait.ge @p0 [sflag:s11], $0x580  }
0x50: {  	s13 =	rddreg [dreg:$0x16]  }
0x51: {  	[sflag:s11] =	ssyncset.done @p0 $0x0;
	s13 =	sshrl.u32 @p0 s13, $0x3  }
0x52: {  	[sflag:s11] =	ssyncadd.s32 @p0 $0xFFFFFA80;
	[smem:$0x7F4] =	sst s13  }
0x53: {  	[spmem:s13], [sflag:s0] =	dma.local @p0 [hbm:s8], $0x580  }
0x54: {  	_ =	swait.ge @p0 [sflag:s11], $0x580  }
0x55: {  	s13 =	rddreg [dreg:$0x18]  }
0x56: {  	[sflag:s11] =	ssyncset.done @p0 $0x0;
	s13 =	sshrl.u32 @p0 s13, $0x3  }
0x57: {  	[sflag:s11] =	ssyncadd.s32 @p0 $0xFFFFFA80;
	[smem:$0x7F5] =	sst s13  }
0x58: {  	[spmem:s13], [sflag:s0] =	dma.local @p0 [hbm:s8], $0x580  }
0x59: {  	_ =	swait.ge @p0 [sflag:s11], $0x580  }
0x5a: {  	s13 =	rddreg [dreg:$0x19]  }
0x5b: {  	[sflag:s11] =	ssyncset.done @p0 $0x0;
	s13 =	sshrl.u32 @p0 s13, $0x3  }
0x5c: {  	[sflag:s11] =	ssyncadd.s32 @p0 $0xFFFFFA80;
	[smem:$0x7F6] =	sst s13  }
0x5d: {  	[spmem:s13], [sflag:s0] =	dma.local @p0 [hbm:s8], $0x580  }
0x5e: {  	s0 =	sshll.u32 @!p0 s9, $0x6;
	_ =	swait.ge @p0 [sflag:s11], $0x580  }
0x5f: {  	s19 =	sor.u32 @!p0 $0x1C0A, s0;
	[sflag:s11] =	ssyncset.done @p0 $0x0;
	s0 =	rddreg [dreg:$0x6]  }
0x60: {  	s13 =	simm.s32 @!p0 $0xA;
	[sflag:s11] =	ssyncadd.s32 @p0 $0xFFFFFA80;
	s0 =	sshrl.u32 @!p0 s0, $0x3  }
0x61: {  	[spmem:s0], [sflag:s19] =	dma.local @!p0 [hbm:s8], $0x580  }
0x62: {  	_ =	swait.ge @!p0 [sflag:s13], $0x580  }
0x63: {  	s11 =	rddreg [dreg:$0x7]  }
0x64: {  	[sflag:s13] =	ssyncset.done @!p0 $0x0;
	s11 =	sshrl.u32 @!p0 s11, $0x3  }
0x65: {  	[sflag:s13] =	ssyncadd.s32 @!p0 $0xFFFFFA80;
	[smem:$0x7F7] =	sst s11  }
0x66: {  	[spmem:s11], [sflag:s19] =	dma.local @!p0 [hbm:s8], $0x580  }
0x67: {  	_ =	swait.ge @!p0 [sflag:s13], $0x580  }
0x68: {  	s11 =	rddreg [dreg:$0x8]  }
0x69: {  	[sflag:s13] =	ssyncset.done @!p0 $0x0;
	s11 =	sshrl.u32 @!p0 s11, $0x3  }
0x6a: {  	[sflag:s13] =	ssyncadd.s32 @!p0 $0xFFFFFA80;
	[smem:$0x7F8] =	sst s11  }
0x6b: {  	[spmem:s11], [sflag:s19] =	dma.local @!p0 [hbm:s8], $0x580  }
0x6c: {  	_ =	swait.ge @!p0 [sflag:s13], $0x580  }
0x6d: {  	s11 =	rddreg [dreg:$0x9]  }
0x6e: {  	[sflag:s13] =	ssyncset.done @!p0 $0x0;
	s11 =	sshrl.u32 @!p0 s11, $0x3  }
0x6f: {  	[sflag:s13] =	ssyncadd.s32 @!p0 $0xFFFFFA80;
	[smem:$0x7F9] =	sst s11  }
0x70: {  	[spmem:s11], [sflag:s19] =	dma.local @!p0 [hbm:s8], $0x580  }
0x71: {  	_ =	swait.ge @!p0 [sflag:s13], $0x580  }
0x72: {  	s11 =	rddreg [dreg:$0xa]  }
0x73: {  	[sflag:s13] =	ssyncset.done @!p0 $0x0;
	s11 =	sshrl.u32 @!p0 s11, $0x3  }
0x74: {  	[sflag:s13] =	ssyncadd.s32 @!p0 $0xFFFFFA80;
	[smem:$0x7FA] =	sst s11  }
0x75: {  	[spmem:s11], [sflag:s19] =	dma.local @!p0 [hbm:s8], $0x580  }
0x76: {  	_ =	swait.ge @!p0 [sflag:s13], $0x580  }
0x77: {  	s11 =	rddreg [dreg:$0x14]  }
0x78: {  	[sflag:s13] =	ssyncset.done @!p0 $0x0;
	s11 =	sshrl.u32 @!p0 s11, $0x3  }
0x79: {  	[sflag:s13] =	ssyncadd.s32 @!p0 $0xFFFFFA80;
	[smem:$0x7FB] =	sst s11  }
0x7a: {  	[spmem:s11], [sflag:s19] =	dma.local @!p0 [hbm:s8], $0x580  }
0x7b: {  	_ =	swait.ge @!p0 [sflag:s13], $0x580  }
0x7c: {  	s11 =	rddreg [dreg:$0xb]  }
0x7d: {  	[sflag:s13] =	ssyncset.done @!p0 $0x0;
	s11 =	sshrl.u32 @!p0 s11, $0x3  }
0x7e: {  	[sflag:s13] =	ssyncadd.s32 @!p0 $0xFFFFFA80;
	[smem:$0x7FC] =	sst s11  }
0x7f: {  	[spmem:s11], [sflag:s19] =	dma.local @!p0 [hbm:s8], $0x580  }
0x80: {  	_ =	swait.ge @!p0 [sflag:s13], $0x580  }
0x81: {  	s11 =	rddreg [dreg:$0xc]  }
0x82: {  	[sflag:s13] =	ssyncset.done @!p0 $0x0;
	s11 =	sshrl.u32 @!p0 s11, $0x3  }
0x83: {  	[sflag:s13] =	ssyncadd.s32 @!p0 $0xFFFFFA80;
	[smem:$0x7FD] =	sst s11  }
0x84: {  	[spmem:s11], [sflag:s19] =	dma.local @!p0 [hbm:s8], $0x100  }
0x85: {  	_ =	swait.ge @!p0 [sflag:s13], $0x100  }
0x86: {  	[sflag:s13] =	ssyncset.done @!p0 $0x0  }
0x87: {  	s23 =	rddreg [dreg:$0x3];
	[sflag:s13] =	ssyncadd.s32 @!p0 $0xFFFFFF00  }
0x88: {  	[tilespmem:s15], [sflag:$0xA] =	stream.linear.gather [hbm4b:s23+s3], $0x2C00, $0x38;
	[tilespmem:$0x1FAC0] =	vst v63  }
0x89: {  	_ =	swait.ge [sflag:s22], $0x2C00  }
0x8a: {  	[sflag:s22] =	ssyncset.done $0x0  }
0x8b: {  	s30 =	rddreg [dreg:$0xe];
	[sflag:s22] =	ssyncadd.s32 $0xFFFFD400  }
0x8c: {  	[tilespmem:s16], [sflag:$0x7] =	stream.linear.gather [hbm4b:s30+s3], $0x80, $0x38;
	[tilespmem:$0x1FAC0] =	vst v63  }
0x8d: {  	s13 =	rddreg [dreg:$0x1a]  }
0x8e: {  	[tilespmem:s17], [sflag:$0x8] =	stream.linear.gather [hbm4b:s13+s3], $0x80, $0x38;
	[tilespmem:$0x1FAC0] =	vst v63  }
0x8f: {  	[bflag:$0x0] =	sbarrier.arrive $0xFFFF  }
0x90: {  	_ =	swait.ge [sflag:s20], $0x80  }
0x91: {  	[sflag:s20] =	ssyncset.done $0x0  }
0x92: {  	[sflag:s20] =	ssyncadd.s32 $0xFFFFFF80  }
0x93: {  	[spmem:s2] =	stream.indirect.scatter.add.f32 [tilespmem:s15], [sflag:$0x4], $0x80, s16, s21, $0xb8;
	[tilespmem:$0x1FAC0] =	vst v63  }
0x94: {  	s22 =	rddreg [dreg:$0x1b]  }
0x95: {  	[tilespmem:s24], [sflag:$0x9] =	stream.linear.gather [hbm4b:s22+s3], $0x80, $0x38;
	[tilespmem:$0x1FAC0] =	vst v63  }
0x96: {  	_ =	swait.ge [sflag:s1], $0x80  }
0x97: {  	[sflag:s1] =	ssyncset.done $0x0  }
0x98: {  	[sflag:s1] =	ssyncadd.s32 $0xFFFFFF80  }
0x99: {  	[spmem:s2] =	stream.indirect.scatter.add.f32 [tilespmem:s15], [sflag:$0x5], $0x80, s17, s21, $0xb8;
	[tilespmem:$0x1FAC0] =	vst v63  }
0x9a: {  	_ =	swait.ge [sflag:s25], $0x2C00  }
0x9b: {  	[sflag:s25] =	ssyncset.done $0x0  }
0x9c: {  	s23 =	rddreg [dreg:$0x1c];
	[sflag:s25] =	ssyncadd.s32 $0xFFFFD400  }
0x9d: {  	[tilespmem:s16], [sflag:$0x7] =	stream.linear.gather [hbm4b:s23+s3], $0x80, $0x38;
	[tilespmem:$0x1FAC0] =	vst v63  }
0x9e: {  	_ =	swait.ge [sflag:s26], $0x80  }
0x9f: {  	[sflag:s26] =	ssyncset.done $0x0  }
0xa0: {  	[sflag:s26] =	ssyncadd.s32 $0xFFFFFF80  }
0xa1: {  	[spmem:s2] =	stream.indirect.scatter.add.f32 [tilespmem:s15], [sflag:$0x6], $0x80, s24, s21, $0xb8;
	[tilespmem:$0x1FAC0] =	vst v63  }
0xa2: {  	_ =	swait.ge [sflag:s28], $0x2C00  }
0xa3: {  	[sflag:s28] =	ssyncset.done $0x0  }
0xa4: {  	s13 =	simm.s32 $0x380;
	s30 =	rddreg [dreg:$0x1d];
	[sflag:s28] =	ssyncadd.s32 $0xFFFFD400  }
0xa5: {  	[tilespmem:s17], [sflag:$0x8] =	stream.linear.gather [hbm4b:s30+s3], $0x80, $0x38;
	[tilespmem:$0x1FAC0] =	vst v63  }
.LBB2_4:
0xa6: {  	_ =	swait.ge [sflag:s20], $0x80;
	s22 =	sadd.s32 $0xFFFFFF00, s13  }
0xa7: {  	[sflag:s20] =	ssyncset.done $0x0;
	s23 =	sand.u32 $0xFC00, s22  }
0xa8: {  	s22 =	sand.u32 $0x380, s22;
	[sflag:s20] =	ssyncadd.s32 $0xFFFFFF80;
	s23 =	sadd.s32 s4, s23  }
0xa9: {  	[spmem:s2] =	stream.indirect.scatter.add.f32 [tilespmem:s15], [sflag:$0x4], $0x80, s16, s21, $0xb8;
	[tilespmem:$0x1FAC0] =	vst v63  }
0xaa: {  	s22 =	sor.u32 s22, s23;
	_ =	swait.ge [sflag:s29], $0x2C00  }
0xab: {  	s22 =	sshrl.u32 s22, $0x3;
	[sflag:s29] =	ssyncset.done $0x0  }
0xac: {  	s22 =	sadd.s32 s6, s22;
	[sflag:s29] =	ssyncadd.s32 $0xFFFFD400  }
0xad: {  	[tilespmem:s24], [sflag:$0x9] =	stream.linear.gather [hbm4b:s22+s3], $0x80, $0x38;
	[tilespmem:$0x1FAC0] =	vst v63  }
0xae: {  	_ =	swait.ge [sflag:s1], $0x80  }
0xaf: {  	p3 =	seq.s32 s13, $0x3980;
	[sflag:s1] =	ssyncset.done $0x0  }
.Ltmp3:
0xb0: {  	[sflag:s1] =	ssyncadd.s32 $0xFFFFFF80;
	(pc) =	sbr.rel @p3 .LBB2_6-.Ltmp3, $4  }
0xb1: {  	[spmem:s2] =	stream.indirect.scatter.add.f32 [tilespmem:s15], [sflag:$0x5], $0x80, s17, s21, $0xb8;
	[tilespmem:$0x1FAC0] =	vst v63  }
0xb2: {  	_ =	swait.ge [sflag:s25], $0x2C00  }
0xb3: {  	[sflag:s25] =	ssyncset.done $0x0  }
0xb4: {  	[sflag:s25] =	ssyncadd.s32 $0xFFFFD400  }
0xb5: {  	s22 =	sadd.s32 $0xFFFFFF80, s13  }
0xb6: {  	s23 =	sand.u32 $0xFC00, s22  }
0xb7: {  	s22 =	sand.u32 $0x380, s22;
	s23 =	sadd.s32 s4, s23  }
0xb8: {  	s22 =	sor.u32 s22, s23  }
0xb9: {  	s22 =	sshrl.u32 s22, $0x3  }
0xba: {  	s22 =	sadd.s32 s6, s22  }
0xbb: {  	[tilespmem:s16], [sflag:$0x7] =	stream.linear.gather [hbm4b:s22+s3], $0x80, $0x38;
	[tilespmem:$0x1FAC0] =	vst v63  }
0xbc: {  	_ =	swait.ge [sflag:s26], $0x80  }
0xbd: {  	[sflag:s26] =	ssyncset.done $0x0  }
0xbe: {  	s23 =	sand.u32 $0xFC00, s13;
	[sflag:s26] =	ssyncadd.s32 $0xFFFFFF80  }
0xbf: {  	[spmem:s2] =	stream.indirect.scatter.add.f32 [tilespmem:s15], [sflag:$0x6], $0x80, s24, s21, $0xb8;
	[tilespmem:$0x1FAC0] =	vst v63  }
.Ltmp4:
0xc0: {  	s30 =	sand.u32 $0x380, s13;
	s22 =	sadd.s32 s4, s23;
	(pc) =	sbr.rel .LBB2_4-.Ltmp4, $4  }
0xc1: {  	s22 =	sor.u32 s30, s22;
	_ =	swait.ge [sflag:s28], $0x2C00  }
0xc2: {  	s22 =	sshrl.u32 s22, $0x3;
	[sflag:s28] =	ssyncset.done $0x0  }
0xc3: {  	s13 =	sadd.s32 $0x180, s13;
	s22 =	sadd.s32 s6, s22;
	[sflag:s28] =	ssyncadd.s32 $0xFFFFD400  }
0xc4: {  	[tilespmem:s17], [sflag:$0x8] =	stream.linear.gather [hbm4b:s22+s3], $0x80, $0x38;
	[tilespmem:$0x1FAC0] =	vst v63  }
.LBB2_6:
0xc5: {  	_ =	swait.ge [sflag:s26], $0x80  }
0xc6: {  	[sflag:s26] =	ssyncset.done $0x0  }
0xc7: {  	[sflag:s26] =	ssyncadd.s32 $0xFFFFFF80  }
0xc8: {  	[spmem:s2] =	stream.indirect.scatter.add.f32 [tilespmem:s15], [sflag:$0x6], $0x80, s24, s21, $0xb8;
	[tilespmem:$0x1FAC0] =	vst v63  }
0xc9: {  	_ =	swait.ge [sflag:s28], $0x2C00  }
0xca: {  	[sflag:s28] =	ssyncset.done $0x0  }
0xcb: {  	[sflag:s28] =	ssyncadd.s32 $0xFFFFD400  }
0xcc: {  	_ =	swait.ge [sflag:s29], $0x2C00  }
0xcd: {  	[sflag:s29] =	ssyncset.done $0x0  }
0xce: {  	[sflag:s29] =	ssyncadd.s32 $0xFFFFD400  }
0xcf: {  	[bflag:$0x0] =	sbarrier.arrive $0xFFFF  }
0xd0: {  	s11 =	rddreg [dreg:$0xd]  }
0xd1: {  	s22 =	simm.s32 @!p1 $0x1FCA;
	s13 =	sshrl.u32 @!p1 s11, $0x3;
	s11 =	rddreg [dreg:$0x10]  }
0xd2: {  	[hbm:s11], [sflag:s22] =	dma.local @!p1 [spmem:s13], $0x2080  }
0xd3: {  	s13 =	simm.s32 @!p1 $0xA  }
0xd4: {  	_ =	swait.ge @!p1 [sflag:s13], $0x2080  }
0xd5: {  	[sflag:s13] =	ssyncset.done @!p1 $0x0  }
0xd6: {  	s22 =	sshll.u32 @!p2 s9, $0x6;
	s9 =	rddreg [dreg:$0x6];
	[sflag:s13] =	ssyncadd.s32 @!p1 $0xFFFFDF80  }
0xd7: {  	s13 =	sor.u32 @!p2 $0x1C0A, s22;
	s22 =	sshrl.u32 @!p2 s9, $0x3;
	s9 =	rddreg [dreg:$0xf]  }
0xd8: {  	[hbm:s9], [sflag:s13] =	dma.local @!p2 [spmem:s22], $0x2780  }
0xd9: {  	s13 =	simm.s32 @!p2 $0xA  }
.Ltmp5:
0xda: {  	_ =	swait.ge @!p2 [sflag:s13], $0x2780;
	(pc) =	sbr.rel .LBB2_7-.Ltmp5, $4  }
0xdb: {  	[sflag:s13] =	ssyncset.done @!p2 $0x0  }
0xdc: {  	[sflag:s13] =	ssyncadd.s32 @!p2 $0xFFFFD880  }
0xdd: {  	[bflag:$0x0] =	sbarrier.arrive $0xFFFF  }
0xde: {  	s13 =	simm.s32 $0x0  }
.LBB2_12:
0xdf: {  	_ =	swait.ge [sflag:s18], $0x2C00  }
0xe0: {  	[sflag:s18] =	ssyncset.done $0x0  }
0xe1: {  	[sflag:s18] =	ssyncadd.s32 $0xFFFFD400  }
0xe2: {  	_ =	swait.ge [sflag:s26], $0x80  }
0xe3: {  	[sflag:s26] =	ssyncset.done $0x0  }
0xe4: {  	[sflag:s26] =	ssyncadd.s32 $0xFFFFFF80  }
0xe5: {  	[spmem:s2] =	stream.indirect.scatter.add.f32 [tilespmem:s10], [sflag:$0x6], $0x80, s24, s21, $0xb8;
	[tilespmem:$0x1FAC0] =	vst v63  }
0xe6: {  	_ =	swait.ge [sflag:s28], $0x2C00  }
0xe7: {  	[sflag:s28] =	ssyncset.done $0x0  }
0xe8: {  	[sflag:s28] =	ssyncadd.s32 $0xFFFFD400  }
0xe9: {  	_ =	swait.ge [sflag:s29], $0x2C00  }
0xea: {  	s9 =	smul.u32 $0x138800, s13;
	[sflag:s29] =	ssyncset.done $0x0  }
0xeb: {  	s11 =	rddreg [dreg:$0x12];
	[sflag:s29] =	ssyncadd.s32 $0xFFFFD400  }
0xec: {  	s11 =	sadd.s32 @p0 s9, s11;
	[bflag:$0x0] =	sbarrier.arrive $0xFFFF  }
0xed: {  	s11 =	sshrl.u32 @p0 s11, $0x3;
	s23 =	rddreg [dreg:$0x4]  }
0xee: {  	s22 =	simm.s32 @p0 $0x1FCA;
	s11 =	sadd.s32 @p0 s23, s11  }
0xef: {  	[hbm:s11], [sflag:s22] =	dma.local @p0 [spmem:s14], $0x2080  }
0xf0: {  	s11 =	simm.s32 @p0 $0xA  }
0xf1: {  	_ =	swait.ge @p0 [sflag:s11], $0x2080  }
0xf2: {  	s22 =	rddreg [dreg:$0x11]  }
0xf3: {  	s9 =	sadd.s32 @!p0 s9, s22  }
0xf4: {  	[sflag:s11] =	ssyncset.done @p0 $0x0;
	s9 =	sshrl.u32 @!p0 s9, $0x3  }
0xf5: {  	s13 =	sadd.s32 $0x1, s13;
	[sflag:s11] =	ssyncadd.s32 @p0 $0xFFFFDF80;
	s9 =	sadd.s32 @!p0 s23, s9  }
0xf6: {  	[hbm:s9], [sflag:s19] =	dma.local @!p0 [spmem:s0], $0x2780  }
0xf7: {  	p3 =	sne.s32 s13, $0xC;
	s9 =	simm.s32 @!p0 $0xA  }
.Ltmp6:
0xf8: {  	_ =	swait.ge @!p0 [sflag:s9], $0x2780;
	(pc) =	sbr.rel @!p3 .LBB2_13-.Ltmp6, $3  }
0xf9: {  	[sflag:s9] =	ssyncset.done @!p0 $0x0  }
0xfa: {  	[sflag:s9] =	ssyncadd.s32 @!p0 $0xFFFFD880  }
0xfb: {  	[bflag:$0x0] =	sbarrier.arrive $0xFFFF;
	_ =	sdelay $0x1  }
.LBB2_7:
0xfc: {  	s22 =	simm.s32 $0x0  }
0xfd: {  	v4 =	vld [tilespmem:s22+$0x138C0]  }
0xfe: {  	v3 =	vld [tilespmem:s22+$0x138D0]  }
0xff: {  	v2 =	vld [tilespmem:s22+$0x138E0]  }
0x100: {  	s23 =	simm.s32 $0x200;
	v1 =	vld [tilespmem:s22+$0x138F0]  }
.LBB2_8:
0x101: {  	p3 =	sne.s32 s23, $0xE200;
	v5 =	vld [tilespmem:s22+$0x13900]  }
0x102: {  	v4 =	vadd.s32 $0x2710, v4  }
.Ltmp7:
0x103: {  	s11 =	sshra.s32 s23, $0x2;
	[tilespmem:s22+$0x138C0] =	vst v4;
	v3 =	vadd.s32 $0x2710, v3;
	(pc) =	sbr.rel @p3 .LBB2_8-.Ltmp7, $4  }
0x104: {  	v4 =	vld [tilespmem:s11+$0x138C0];
	[tilespmem:s22+$0x138D0] =	vst v3;
	v2 =	vadd.s32 $0x2710, v2  }
0x105: {  	v3 =	vld [tilespmem:s11+$0x138D0];
	[tilespmem:s22+$0x138E0] =	vst v2;
	v1 =	vadd.s32 $0x2710, v1  }
0x106: {  	v2 =	vld [tilespmem:s11+$0x138E0];
	[tilespmem:s22+$0x138F0] =	vst v1;
	v5 =	vadd.s32 $0x2710, v5  }
0x107: {  	s23 =	sadd.s32 $0x200, s23;
	v1 =	vld [tilespmem:s11+$0x138F0];
	[tilespmem:s22+$0x13900] =	vst v5;
	s22 =	smov.u32 s11  }
0x108: {  	v5 =	vld [tilespmem:s22+$0x13900]  }
0x109: {  	v4 =	vadd.s32 $0x2710, v4  }
0x10a: {  	[tilespmem:s22+$0x138C0] =	vst v4;
	v3 =	vadd.s32 $0x2710, v3  }
0x10b: {  	[tilespmem:s22+$0x138D0] =	vst v3;
	v2 =	vadd.s32 $0x2710, v2  }
0x10c: {  	[tilespmem:s22+$0x138E0] =	vst v2;
	v1 =	vadd.s32 $0x2710, v1  }
0x10d: {  	[tilespmem:s22+$0x138F0] =	vst v1;
	v1 =	vadd.s32 $0x2710, v5  }
0x10e: {  	s9 =	rddreg [dreg:$0xe];
	[tilespmem:s22+$0x13900] =	vst v1  }
0x10f: {  	[tilespmem:s16], [sflag:$0x7] =	stream.linear.gather [hbm4b:s9+s3], $0x80, $0x38;
	[tilespmem:$0x1FAC0] =	vst v63  }
0x110: {  	s22 =	simm.s32 $0x138C0  }
0x111: {  	[tilespmem:s15], [sflag:$0x1] =	stream.indirect.gather [hbm4b:s5+s21], $0x80, s22, s21, $0xb8;
	[tilespmem:$0x1FAC0] =	vst v63  }
0x112: {  	s23 =	rddreg [dreg:$0x1a]  }
0x113: {  	[tilespmem:s17], [sflag:$0x8] =	stream.linear.gather [hbm4b:s23+s3], $0x80, $0x38;
	[tilespmem:$0x1FAC0] =	vst v63  }
0x114: {  	s30 =	simm.s32 $0x13940;
	s11 =	simm.s32 @p0 $0x1FCA;
	s22 =	simm.s32 @p0 $0xA  }
0x115: {  	[tilespmem:s31], [sflag:$0x2] =	stream.indirect.gather [hbm4b:s5+s21], $0x80, s30, s21, $0xb8;
	[tilespmem:$0x1FAC0] =	vst v63  }
0x116: {  	[spmem:s14], [sflag:s11] =	dma.local @p0 [hbm:s8], $0x580  }
0x117: {  	_ =	swait.ge @p0 [sflag:s22], $0x580  }
0x118: {  	[sflag:s22] =	ssyncset.done @p0 $0x0  }
0x119: {  	s9 =	rddreg [dreg:$0x1f];
	[sflag:s22] =	ssyncadd.s32 @p0 $0xFFFFFA80  }
0x11a: {  	[spmem:s9], [sflag:s11] =	dma.local @p0 [hbm:s8], $0x580  }
0x11b: {  	_ =	swait.ge @p0 [sflag:s22], $0x580  }
0x11c: {  	s9 =	sld [smem:$0x7F3]  }
0x11d: {  	[sflag:s22] =	ssyncset.done @p0 $0x0  }
0x11e: {  	[sflag:s22] =	ssyncadd.s32 @p0 $0xFFFFFA80  }
0x11f: {  	[spmem:s9], [sflag:s11] =	dma.local @p0 [hbm:s8], $0x580  }
0x120: {  	_ =	swait.ge @p0 [sflag:s22], $0x580  }
0x121: {  	s9 =	sld [smem:$0x7F4]  }
0x122: {  	[sflag:s22] =	ssyncset.done @p0 $0x0  }
0x123: {  	[sflag:s22] =	ssyncadd.s32 @p0 $0xFFFFFA80  }
0x124: {  	[spmem:s9], [sflag:s11] =	dma.local @p0 [hbm:s8], $0x580  }
0x125: {  	_ =	swait.ge @p0 [sflag:s22], $0x580  }
0x126: {  	s9 =	sld [smem:$0x7F5]  }
0x127: {  	[sflag:s22] =	ssyncset.done @p0 $0x0  }
0x128: {  	[sflag:s22] =	ssyncadd.s32 @p0 $0xFFFFFA80  }
0x129: {  	[spmem:s9], [sflag:s11] =	dma.local @p0 [hbm:s8], $0x580  }
0x12a: {  	_ =	swait.ge @p0 [sflag:s22], $0x580  }
0x12b: {  	s9 =	sld [smem:$0x7F6]  }
0x12c: {  	[sflag:s22] =	ssyncset.done @p0 $0x0  }
0x12d: {  	[sflag:s22] =	ssyncadd.s32 @p0 $0xFFFFFA80  }
0x12e: {  	[spmem:s9], [sflag:s11] =	dma.local @p0 [hbm:s8], $0x580  }
0x12f: {  	_ =	swait.ge @p0 [sflag:s22], $0x580  }
0x130: {  	[sflag:s22] =	ssyncset.done @p0 $0x0  }
0x131: {  	s11 =	simm.s32 @!p0 $0xA;
	[sflag:s22] =	ssyncadd.s32 @p0 $0xFFFFFA80  }
0x132: {  	[spmem:s0], [sflag:s19] =	dma.local @!p0 [hbm:s8], $0x580  }
0x133: {  	_ =	swait.ge @!p0 [sflag:s11], $0x580  }
0x134: {  	s9 =	sld [smem:$0x7F7]  }
0x135: {  	[sflag:s11] =	ssyncset.done @!p0 $0x0  }
0x136: {  	[sflag:s11] =	ssyncadd.s32 @!p0 $0xFFFFFA80  }
0x137: {  	[spmem:s9], [sflag:s19] =	dma.local @!p0 [hbm:s8], $0x580  }
0x138: {  	_ =	swait.ge @!p0 [sflag:s11], $0x580  }
0x139: {  	s9 =	sld [smem:$0x7F8]  }
0x13a: {  	[sflag:s11] =	ssyncset.done @!p0 $0x0  }
0x13b: {  	[sflag:s11] =	ssyncadd.s32 @!p0 $0xFFFFFA80  }
0x13c: {  	[spmem:s9], [sflag:s19] =	dma.local @!p0 [hbm:s8], $0x580  }
0x13d: {  	_ =	swait.ge @!p0 [sflag:s11], $0x580  }
0x13e: {  	s9 =	sld [smem:$0x7F9]  }
0x13f: {  	[sflag:s11] =	ssyncset.done @!p0 $0x0  }
0x140: {  	[sflag:s11] =	ssyncadd.s32 @!p0 $0xFFFFFA80  }
0x141: {  	[spmem:s9], [sflag:s19] =	dma.local @!p0 [hbm:s8], $0x580  }
0x142: {  	_ =	swait.ge @!p0 [sflag:s11], $0x580  }
0x143: {  	s9 =	sld [smem:$0x7FA]  }
0x144: {  	[sflag:s11] =	ssyncset.done @!p0 $0x0  }
0x145: {  	[sflag:s11] =	ssyncadd.s32 @!p0 $0xFFFFFA80  }
0x146: {  	[spmem:s9], [sflag:s19] =	dma.local @!p0 [hbm:s8], $0x580  }
0x147: {  	_ =	swait.ge @!p0 [sflag:s11], $0x580  }
0x148: {  	s9 =	sld [smem:$0x7FB]  }
0x149: {  	[sflag:s11] =	ssyncset.done @!p0 $0x0  }
0x14a: {  	[sflag:s11] =	ssyncadd.s32 @!p0 $0xFFFFFA80  }
0x14b: {  	[spmem:s9], [sflag:s19] =	dma.local @!p0 [hbm:s8], $0x580  }
0x14c: {  	_ =	swait.ge @!p0 [sflag:s11], $0x580  }
0x14d: {  	s9 =	sld [smem:$0x7FC]  }
0x14e: {  	[sflag:s11] =	ssyncset.done @!p0 $0x0  }
0x14f: {  	[sflag:s11] =	ssyncadd.s32 @!p0 $0xFFFFFA80  }
0x150: {  	[spmem:s9], [sflag:s19] =	dma.local @!p0 [hbm:s8], $0x580  }
0x151: {  	_ =	swait.ge @!p0 [sflag:s11], $0x580  }
0x152: {  	s9 =	sld [smem:$0x7FD]  }
0x153: {  	[sflag:s11] =	ssyncset.done @!p0 $0x0  }
0x154: {  	[sflag:s11] =	ssyncadd.s32 @!p0 $0xFFFFFA80  }
0x155: {  	[spmem:s9], [sflag:s19] =	dma.local @!p0 [hbm:s8], $0x100  }
0x156: {  	_ =	swait.ge @!p0 [sflag:s11], $0x100  }
0x157: {  	[sflag:s11] =	ssyncset.done @!p0 $0x0  }
0x158: {  	[sflag:s11] =	ssyncadd.s32 @!p0 $0xFFFFFF00  }
0x159: {  	s23 =	simm.s32 $0x13AC0;
	s22 =	simm.s32 $0x200;
	[bflag:$0x0] =	sbarrier.arrive $0xFFFF  }
.LBB2_10:
0x15a: {  	_ =	swait.ge [sflag:s7], $0x2C00  }
0x15b: {  	[sflag:s7] =	ssyncset.done $0x0  }
0x15c: {  	[sflag:s7] =	ssyncadd.s32 $0xFFFFD400  }
0x15d: {  	s11 =	sadd.s32 $0xFFFFFF00, s22;
	p3 =	seq.s32 s22, $0x200;
	_ =	swait.ge [sflag:s20], $0x80  }
0x15e: {  	s30 =	sand.u32 $0xFC00, s11;
	s9 =	simm.s32 @!p3 $0x6;
	[sflag:s20] =	ssyncset.done $0x0  }
0x15f: {  	s11 =	sand.u32 $0x380, s11;
	s30 =	sadd.s32 s4, s30;
	[sflag:s20] =	ssyncadd.s32 $0xFFFFFF80  }
0x160: {  	[spmem:s2] =	stream.indirect.scatter.add.f32 [tilespmem:s15], [sflag:$0x4], $0x80, s16, s21, $0xb8;
	[tilespmem:$0x1FAC0] =	vst v63  }
0x161: {  	s11 =	sor.u32 s11, s30;
	_ =	swait.ge @!p3 [sflag:s9], $0x2C00  }
0x162: {  	s11 =	sshrl.u32 s11, $0x3;
	[sflag:s9] =	ssyncset.done @!p3 $0x0  }
0x163: {  	s11 =	sadd.s32 s6, s11;
	[sflag:s9] =	ssyncadd.s32 @!p3 $0xFFFFD400  }
0x164: {  	[tilespmem:s24], [sflag:$0x9] =	stream.linear.gather [hbm4b:s11+s3], $0x80, $0x38;
	[tilespmem:$0x1FAC0] =	vst v63  }
0x165: {  	s30 =	sadd.s32 $0xFFFFFF00, s23  }
0x166: {  	[tilespmem:s10], [sflag:$0x3] =	stream.indirect.gather [hbm4b:s5+s21], $0x80, s30, s21, $0xb8;
	[tilespmem:$0x1FAC0] =	vst v63  }
0x167: {  	_ =	swait.ge [sflag:s12], $0x2C00  }
0x168: {  	[sflag:s12] =	ssyncset.done $0x0  }
0x169: {  	[sflag:s12] =	ssyncadd.s32 $0xFFFFD400  }
0x16a: {  	_ =	swait.ge [sflag:s1], $0x80  }
0x16b: {  	p3 =	seq.s32 s22, $0x3980;
	[sflag:s1] =	ssyncset.done $0x0  }
.Ltmp8:
0x16c: {  	[sflag:s1] =	ssyncadd.s32 $0xFFFFFF80;
	(pc) =	sbr.rel @p3 .LBB2_12-.Ltmp8, $4  }
0x16d: {  	[spmem:s2] =	stream.indirect.scatter.add.f32 [tilespmem:s31], [sflag:$0x5], $0x80, s17, s21, $0xb8;
	[tilespmem:$0x1FAC0] =	vst v63  }
0x16e: {  	_ =	swait.ge [sflag:s25], $0x2C00  }
0x16f: {  	[sflag:s25] =	ssyncset.done $0x0  }
0x170: {  	[sflag:s25] =	ssyncadd.s32 $0xFFFFD400  }
0x171: {  	s9 =	sadd.s32 $0xFFFFFF80, s22  }
0x172: {  	s11 =	sand.u32 $0xFC00, s9  }
0x173: {  	s9 =	sand.u32 $0x380, s9;
	s11 =	sadd.s32 s4, s11  }
0x174: {  	s9 =	sor.u32 s9, s11  }
0x175: {  	s9 =	sshrl.u32 s9, $0x3  }
0x176: {  	s9 =	sadd.s32 s6, s9  }
0x177: {  	[tilespmem:s16], [sflag:$0x7] =	stream.linear.gather [hbm4b:s9+s3], $0x80, $0x38;
	[tilespmem:$0x1FAC0] =	vst v63  }
0x178: {  	s30 =	sadd.s32 $0xFFFFFF80, s23  }
0x179: {  	[tilespmem:s15], [sflag:$0x1] =	stream.indirect.gather [hbm4b:s5+s21], $0x80, s30, s21, $0xb8;
	[tilespmem:$0x1FAC0] =	vst v63  }
0x17a: {  	_ =	swait.ge [sflag:s18], $0x2C00  }
0x17b: {  	[sflag:s18] =	ssyncset.done $0x0  }
0x17c: {  	[sflag:s18] =	ssyncadd.s32 $0xFFFFD400  }
0x17d: {  	_ =	swait.ge [sflag:s26], $0x80  }
0x17e: {  	s11 =	sand.u32 $0xFC00, s22;
	[sflag:s26] =	ssyncset.done $0x0  }
0x17f: {  	s9 =	sadd.s32 s4, s11;
	s30 =	sand.u32 $0x380, s22;
	[sflag:s26] =	ssyncadd.s32 $0xFFFFFF80  }
0x180: {  	[spmem:s2] =	stream.indirect.scatter.add.f32 [tilespmem:s10], [sflag:$0x6], $0x80, s24, s21, $0xb8;
	[tilespmem:$0x1FAC0] =	vst v63  }
0x181: {  	s9 =	sor.u32 s30, s9;
	_ =	swait.ge [sflag:s28], $0x2C00  }
0x182: {  	s9 =	sshrl.u32 s9, $0x3;
	[sflag:s28] =	ssyncset.done $0x0  }
.Ltmp9:
0x183: {  	s9 =	sadd.s32 s6, s9;
	[sflag:s28] =	ssyncadd.s32 $0xFFFFD400;
	(pc) =	sbr.rel .LBB2_10-.Ltmp9, $4  }
0x184: {  	[tilespmem:s17], [sflag:$0x8] =	stream.linear.gather [hbm4b:s9+s3], $0x80, $0x38;
	[tilespmem:$0x1FAC0] =	vst v63  }
0x185: {  	_ = 	snop  }
0x186: {  	[tilespmem:s31], [sflag:$0x2] =	stream.indirect.gather [hbm4b:s5+s21], $0x80, s23, s21, $0xb8;
	[tilespmem:$0x1FAC0] =	vst v63  }
0x187: {  	s22 =	sadd.s32 $0x180, s22;
	s23 =	sadd.s32 $0x180, s23  }
.LBB2_14:
0x188: {  	_ =	sfence.sel $0x180000  }
0x189: {  	[bflag:$0x0] =	sbarrier.arrive $0xFFFF  }
0x18a: {  	_ =	strace $0x90000047  }
0x18b: {  	[bflag:$0x2] =	sbarrier.arrive $0xFFFF  }
0x18c: {  	p0 =	sne.s32 s9, $0x0;
	s0 =	rddreg [dreg:$0x2]  }
0x18d: {  	s0 =	sadd.s32 @!p0 $0x100000, s0  }
0x18e: {  	[sflag:s0] =	ssyncadd.tile.s32 @!p0 $0x1;
	_ =	shalt  }
.Lfunc_end2:
_tile_overlayer_lowered:
.L_overlay_start_2:
0x18f: {  	(tag) =	ssettag $0x2  }
0x190: {  	s0 =	rddreg [dreg:$0x0];
	s2 =	stileid.u32  }
0x191: {  	s1 =	rddreg [dreg:$0x1];
	p0 =	sne.s32 s2, $0x0  }
0x192: {  	s3 =	rddreg [dreg:$0x2];
	[bflag:$0x3] =	sbarrier.arrive $0xFFFF;
	s2 =	simm.s32 @!p0 $0x1C0A  }
0x193: {  	[timem:s3], [sflag:s2] =	dma.local @!p0 [hbm:s0], s1  }
0x194: {  	s0 =	simm.s32 @!p0 $0xA  }
0x195: {  	_ =	swait.ge @!p0 [sflag:s0], s1  }
0x196: {  	s1 =	ssub.s32 @!p0 $0x0, s1;
	[sflag:s0] =	ssyncset.done @!p0 $0x0  }
0x197: {  	[sflag:s0] =	ssyncadd.s32 @!p0 s1  }
0x198: {  	[bflag:$0x3] =	sbarrier.arrive $0xFFFF  }
0x199: {  	_ =	shalt  }

</sc_bundles>
